<compile_context>
chip_gen: v7x
topology: tpu7x:2x2x1
jax: 0.10.2.dev20260603
libtpu: 0.0.44.dev20260713+nightly
codegen_flags: <defaults>
</compile_context>

<pallas_src>
import functools

import jax
import jax.numpy as jnp
from jax import lax
from jax.experimental import pallas as pl
from jax.experimental.pallas import tpu as pltpu
from jax.experimental.pallas import tpu_sc as plsc


@functools.lru_cache(maxsize=None)
def _make_gather(bsz: int, tsz: int, d: int):
    n = bsz * tsz
    info = plsc.get_sparse_core_info()
    nw = info.num_cores * info.num_subcores
    nb_total = bsz // 128
    pairs = tsz * nb_total
    assert pairs % nw == 0
    per_w = pairs // nw
    pg = 4
    assert per_w % (2 * pg) == 0
    k_groups = per_w // pg
    chunk = pg * 128
    njb = d // 8
    mesh = plsc.VectorSubcoreMesh(core_axis_name="c", subcore_axis_name="s")

    scratch = (
        [pltpu.VMEM((per_w * 128,), jnp.int32)]
        + [pltpu.VMEM((chunk, d), jnp.float32) for _ in range(2)]
        + [pltpu.VMEM((pg * d, 129), jnp.float32) for _ in range(2)]
        + [pltpu.SemaphoreType.DMA] * 5
    )

    @functools.partial(
        pl.kernel,
        mesh=mesh,
        out_type=jax.ShapeDtypeStruct((tsz, njb, nb_total, 8, 128), jnp.float32),
        scratch_types=scratch,
        compiler_params=pltpu.CompilerParams(
            use_tc_tiling_on_sc=False, needs_layout_passes=False
        ),
    )
    def gather_kernel(idx_hbm, table_hbm, out_hbm, idx_v, r0, r1, o0, o1,
                      sem_i, sg0, sg1, ss0, ss1):
        rows_v = (r0, r1)
        out_v = (o0, o1)
        sem_g = (sg0, sg1)
        sem_s = (ss0, ss1)
        wid = lax.axis_index("s") * info.num_cores + lax.axis_index("c")
        base_pair = wid * per_w

        pltpu.sync_copy(idx_hbm.at[pl.ds(base_pair * 128, per_w * 128)], idx_v)

        iota = lax.iota(jnp.int32, 16)

        def start_gather(q, b):
            pltpu.async_copy(
                table_hbm.at[idx_v.at[pl.ds(q * chunk, chunk)]],
                rows_v[b], sem_g[b],
            )

        def wait_gather(b):
            pltpu.make_async_copy(
                table_hbm.at[idx_v.at[pl.ds(0, chunk)]], rows_v[b], sem_g[b]
            ).wait()

        def start_store(q, b):
            for p in range(pg):
                pair = base_pair + q * pg + p
                t = pair // nb_total
                nb = lax.rem(pair, nb_total)
                for jb in range(njb):
                    pltpu.async_copy(
                        out_v[b].at[pl.ds((p * njb + jb) * 8, 8), pl.ds(0, 128)],
                        out_hbm.at[t, jb, nb],
                        sem_s[b],
                    )

        def wait_store(b):
            for p in range(pg):
                for jb in range(njb):
                    pltpu.make_async_copy(
                        out_v[b].at[pl.ds((p * njb + jb) * 8, 8), pl.ds(0, 128)],
                        out_hbm.at[0, jb, 0],
                        sem_s[b],
                    ).wait()

        def transpose(b):
            for p in range(pg):
                row_lo = iota + (p * d)
                row_hi = row_lo + 16

                def body(nl, carry):
                    r = p * 128 + nl
                    nl_vec = jnp.zeros((16,), jnp.int32) + nl
                    lo = rows_v[b][r, pl.ds(0, 16)]
                    hi = rows_v[b][r, pl.ds(16, 16)]
                    plsc.store_scatter(out_v[b], [row_lo, nl_vec], lo)
                    plsc.store_scatter(out_v[b], [row_hi, nl_vec], hi)
                    return carry

                lax.fori_loop(0, 128, body, 0, unroll=4)

        start_gather(0, 0)

        def group(g, carry):
            for b in range(2):
                q = g * 2 + b

                @pl.when(q < k_groups - 1)
                def _():
                    start_gather(q + 1, 1 - b)

                wait_gather(b)

                @pl.when(g >= 1)
                def _():
                    wait_store(b)

                transpose(b)
                start_store(q, b)
            return carry

        lax.fori_loop(0, k_groups // 2, group, 0)
        wait_store(0)
        wait_store(1)

    return gather_kernel


def kernel(t_index, emb):
    b, t = t_index.shape
    v, d = emb.shape
    idx_t_flat = t_index.T.reshape(-1)
    ot5 = _make_gather(b, t, d)(idx_t_flat, emb)
    return ot5.transpose(2, 4, 0, 1, 3).reshape(b, t, d)

# --- scband reference (transcript-rebuilt; emitter-appended) ---
"""Pipeline reference for scband-time-embedding-22222160790141 (READ-ONLY COPY).

The authoritative reference and input builder live on the scoring server;
editing this copy changes nothing except your own understanding.
"""

import jax, jax.numpy as jnp
import numpy as np

STEPS = 1000000
SIZE = 32
B = 4096
T = 200

def setup_inputs(seed: int = 0) -> dict:
    key = jax.random.key(seed)
    k1, k2 = jax.random.split(key)
    t_index = jax.random.randint(k1, (B, T), 0, STEPS, dtype=jnp.int32)
    emb = jax.random.normal(k2, (STEPS, SIZE), dtype=jnp.float32)
    return {"t_index": t_index, "emb": emb}

def reference(t_index, emb):
    b, t = t_index.shape
    flat = t_index.reshape(-1)
    out = jnp.take(emb, flat, axis=0)
    out = out.reshape(b, t, emb.shape[-1])
    return out

if __name__ == "__main__":
    import jax
    _d = setup_inputs()
    print(jax.jit(kernel)(*tuple(_d.values())))

</pallas_src>

<mosaic_0001>
#map = affine_map<(d0, d1) -> (0)>
#map1 = affine_map<(d0, d1) -> (0, 0)>
#map2 = affine_map<(d0, d1) -> (0, 0, 0, 0, 0)>
module attributes {stable_mosaic.version = 14 : i64} {
  func.func @gather_kernel(%arg0: i32, %arg1: i32, %arg2: memref<819200xi32, #tpu.memory_space<hbm>>, %arg3: memref<1000000x32xf32, #tpu.memory_space<hbm>>, %arg4: memref<200x4x32x8x128xf32, #tpu.memory_space<hbm>>, %arg5: memref<25600xi32, #tpu.memory_space<vmem>>, %arg6: memref<512x32xf32, #tpu.memory_space<vmem>>, %arg7: memref<512x32xf32, #tpu.memory_space<vmem>>, %arg8: memref<128x129xf32, #tpu.memory_space<vmem>>, %arg9: memref<128x129xf32, #tpu.memory_space<vmem>>, %arg10: memref<!tpu.dma_semaphore, #tpu.memory_space<semaphore_mem>>, %arg11: memref<!tpu.dma_semaphore, #tpu.memory_space<semaphore_mem>>, %arg12: memref<!tpu.dma_semaphore, #tpu.memory_space<semaphore_mem>>, %arg13: memref<!tpu.dma_semaphore, #tpu.memory_space<semaphore_mem>>, %arg14: memref<!tpu.dma_semaphore, #tpu.memory_space<semaphore_mem>>) attributes {dimension_semantics = [#tpu.dimension_semantics<core_parallel>, #tpu.dimension_semantics<subcore_parallel>], iteration_bounds = array<i64: 2, 16>, scalar_prefetch = 0 : i64, scratch_operands = 10 : i64, tpu.core_type = #tpu.core_type<sc_vector_subcore>, window_params = [{transform_indices = #map}, {transform_indices = #map1}, {transform_indices = #map2}]} {
    %mul3A = arith.constant 2 : i32
    %mul3A_0 = arith.muli %arg1, %mul3A : i32
    %add3A = arith.addi %mul3A_0, %arg0 : i32
    %mul3A_1 = arith.constant 200 : i32
    %mul3A_2 = arith.muli %add3A, %mul3A_1 : i32
    %mul3A_3 = arith.constant 128 : i32
    %mul3A_4 = arith.muli %mul3A_2, %mul3A_3 : i32
    "tpu.region"() ({
      %run_scoped3A = tpu.sem_alloc : memref<!tpu.dma_semaphore, #tpu.memory_space<semaphore_mem>>
      %dma_start3A_557 = tpu.memref_slice %arg2[%mul3A_4] : memref<819200xi32, #tpu.memory_space<hbm>> -> memref<25600xi32, #tpu.memory_space<hbm>>
      %dma_start3A_558 = tpu.memref_slice %arg2[%mul3A_4] : memref<819200xi32, #tpu.memory_space<hbm>> -> memref<25600xi32, #tpu.memory_space<hbm>>
      tpu.enqueue_dma source(%dma_start3A_558 : memref<25600xi32, #tpu.memory_space<hbm>>) target(%arg5 : memref<25600xi32, #tpu.memory_space<vmem>>) target_semaphore(%run_scoped3A : memref<!tpu.dma_semaphore, #tpu.memory_space<semaphore_mem>>)
      %dma_wait3A_559 = tpu.memref_slice %arg2[%mul3A_4] : memref<819200xi32, #tpu.memory_space<hbm>> -> memref<25600xi32, #tpu.memory_space<hbm>>
      %dma_wait3A_560 = tpu.memref_slice %arg2[%mul3A_4] : memref<819200xi32, #tpu.memory_space<hbm>> -> memref<25600xi32, #tpu.memory_space<hbm>>
      tpu.wait_dma2 semaphore(%run_scoped3A : memref<!tpu.dma_semaphore, #tpu.memory_space<semaphore_mem>>) src(%dma_wait3A_560 : memref<25600xi32, #tpu.memory_space<hbm>>) dst(%arg5 : memref<25600xi32, #tpu.memory_space<vmem>>)
      tpu.yield
    }) : () -> ()
    %iota3A = tpu.iota {dimensions = array<i32: 0>} : vector<16xi32>
    %dma_start3A = arith.constant 0 : i32
    %dma_start3A_5 = tpu.memref_slice %arg5[%dma_start3A] : memref<25600xi32, #tpu.memory_space<vmem>> -> memref<512xi32, #tpu.memory_space<vmem>>
    %dma_start3A_6 = arith.constant 0 : i32
    %dma_start3A_7 = arith.constant 0 : i32
    %dma_start3A_8 = tpu.memref_slice %arg3[%dma_start3A_6, %dma_start3A_7] : memref<1000000x32xf32, #tpu.memory_space<hbm>> -> memref<1000000x32xf32, #tpu.memory_space<hbm>>
    tpu.enqueue_indirect_dma source(%dma_start3A_8 : memref<1000000x32xf32, #tpu.memory_space<hbm>>) target(%arg6 : memref<512x32xf32, #tpu.memory_space<vmem>>) offsets(%dma_start3A_5 : memref<512xi32, #tpu.memory_space<vmem>>) semaphore(%arg11 : memref<!tpu.dma_semaphore, #tpu.memory_space<semaphore_mem>>)
    %scan3A = arith.constant 0 : i32
    %scan3A_9 = arith.constant 0 : i32
    %scan3A_10 = arith.constant 25 : i32
    %scan3A_11 = arith.addi %scan3A_9, %scan3A_10 : i32
    %scan3A_12 = arith.constant 1 : i32
    scf.for %scan3A_557 = %scan3A_9 to %scan3A_11 step %scan3A_12  : i32 {
      %mul3A_558 = arith.constant 2 : i32
      %mul3A_559 = arith.muli %scan3A_557, %mul3A_558 : i32
      %add3A_560 = arith.constant 0 : i32
      %add3A_561 = arith.addi %mul3A_559, %add3A_560 : i32
      %lt3A = arith.constant 49 : i32
      %lt3A_562 = arith.cmpi slt, %add3A_561, %lt3A : i32
      %convert_element_type3A = arith.extui %lt3A_562 : i1 to i32
      %cond3A = arith.constant 0 : i32
      %cond3A_563 = arith.cmpi ne, %convert_element_type3A, %cond3A : i32
      scf.if %cond3A_563 {
        %add3A_1408 = arith.constant 1 : i32
        %add3A_1409 = arith.addi %add3A_561, %add3A_1408 : i32
        %mul3A_1410 = arith.constant 512 : i32
        %mul3A_1411 = arith.muli %add3A_1409, %mul3A_1410 : i32
        %dma_start3A_1412 = tpu.memref_slice %arg5[%mul3A_1411] : memref<25600xi32, #tpu.memory_space<vmem>> -> memref<512xi32, #tpu.memory_space<vmem>>
        %dma_start3A_1413 = arith.constant 0 : i32
        %dma_start3A_1414 = arith.constant 0 : i32
        %dma_start3A_1415 = tpu.memref_slice %arg3[%dma_start3A_1413, %dma_start3A_1414] : memref<1000000x32xf32, #tpu.memory_space<hbm>> -> memref<1000000x32xf32, #tpu.memory_space<hbm>>
        tpu.enqueue_indirect_dma source(%dma_start3A_1415 : memref<1000000x32xf32, #tpu.memory_space<hbm>>) target(%arg7 : memref<512x32xf32, #tpu.memory_space<vmem>>) offsets(%dma_start3A_1412 : memref<512xi32, #tpu.memory_space<vmem>>) semaphore(%arg12 : memref<!tpu.dma_semaphore, #tpu.memory_space<semaphore_mem>>)
      } else {
      }
      %dma_wait3A_564 = arith.constant 0 : i32
      %dma_wait3A_565 = tpu.memref_slice %arg5[%dma_wait3A_564] : memref<25600xi32, #tpu.memory_space<vmem>> -> memref<512xi32, #tpu.memory_space<vmem>>
      %dma_wait3A_566 = arith.constant 0 : i32
      %dma_wait3A_567 = arith.constant 0 : i32
      %dma_wait3A_568 = tpu.memref_slice %arg3[%dma_wait3A_566, %dma_wait3A_567] : memref<1000000x32xf32, #tpu.memory_space<hbm>> -> memref<1000000x32xf32, #tpu.memory_space<hbm>>
      tpu.wait_indirect_dma semaphore(%arg11 : memref<!tpu.dma_semaphore, #tpu.memory_space<semaphore_mem>>) src(%dma_wait3A_568 : memref<1000000x32xf32, #tpu.memory_space<hbm>>) dst(%arg6 : memref<512x32xf32, #tpu.memory_space<vmem>>)
      %ge3A = arith.constant 1 : i32
      %ge3A_569 = arith.cmpi sge, %scan3A_557, %ge3A : i32
      %convert_element_type3A_570 = arith.extui %ge3A_569 : i1 to i32
      %cond3A_571 = arith.constant 0 : i32
      %cond3A_572 = arith.cmpi ne, %convert_element_type3A_570, %cond3A_571 : i32
      scf.if %cond3A_572 {
        %dma_wait3A_1408 = arith.constant 0 : i32
        %dma_wait3A_1409 = arith.constant 0 : i32
        %dma_wait3A_1410 = arith.constant 0 : i32
        %dma_wait3A_1411 = arith.constant 0 : i32
        %dma_wait3A_1412 = arith.constant 0 : i32
        %dma_wait3A_1413 = tpu.memref_slice %arg8[%dma_wait3A_1411, %dma_wait3A_1412] : memref<128x129xf32, #tpu.memory_space<vmem>> -> memref<8x128xf32, #tpu.memory_space<vmem>>
        %dma_wait3A_1414 = arith.constant 0 : i32
        %dma_wait3A_1415 = arith.constant 0 : i32
        %dma_wait3A_1416 = tpu.memref_slice %arg4[%dma_wait3A_1408, %dma_wait3A_1409, %dma_wait3A_1410, %dma_wait3A_1414, %dma_wait3A_1415] : memref<200x4x32x8x128xf32, #tpu.memory_space<hbm>> -> memref<1x1x1x8x128xf32, #tpu.memory_space<hbm>>
        %dma_wait3A_1417 = tpu.memref_squeeze %dma_wait3A_1416 : memref<1x1x1x8x128xf32, #tpu.memory_space<hbm>> -> memref<8x128xf32, #tpu.memory_space<hbm>>
        %dma_wait3A_1418 = arith.constant 0 : i32
        %dma_wait3A_1419 = arith.constant 0 : i32
        %dma_wait3A_1420 = tpu.memref_slice %arg4[%dma_wait3A_1408, %dma_wait3A_1409, %dma_wait3A_1410, %dma_wait3A_1418, %dma_wait3A_1419] : memref<200x4x32x8x128xf32, #tpu.memory_space<hbm>> -> memref<1x1x1x8x128xf32, #tpu.memory_space<hbm>>
        %dma_wait3A_1421 = tpu.memref_squeeze %dma_wait3A_1420 : memref<1x1x1x8x128xf32, #tpu.memory_space<hbm>> -> memref<8x128xf32, #tpu.memory_space<hbm>>
        %dma_wait3A_1422 = arith.constant 0 : i32
        %dma_wait3A_1423 = arith.constant 0 : i32
        %dma_wait3A_1424 = tpu.memref_slice %arg8[%dma_wait3A_1422, %dma_wait3A_1423] : memref<128x129xf32, #tpu.memory_space<vmem>> -> memref<8x128xf32, #tpu.memory_space<vmem>>
        tpu.wait_dma2 semaphore(%arg13 : memref<!tpu.dma_semaphore, #tpu.memory_space<semaphore_mem>>) src(%dma_wait3A_1424 : memref<8x128xf32, #tpu.memory_space<vmem>>) dst(%dma_wait3A_1421 : memref<8x128xf32, #tpu.memory_space<hbm>>)
        %dma_wait3A_1425 = arith.constant 0 : i32
        %dma_wait3A_1426 = arith.constant 1 : i32
        %dma_wait3A_1427 = arith.constant 0 : i32
        %dma_wait3A_1428 = arith.constant 8 : i32
        %dma_wait3A_1429 = arith.constant 0 : i32
        %dma_wait3A_1430 = tpu.memref_slice %arg8[%dma_wait3A_1428, %dma_wait3A_1429] : memref<128x129xf32, #tpu.memory_space<vmem>> -> memref<8x128xf32, #tpu.memory_space<vmem>>
        %dma_wait3A_1431 = arith.constant 0 : i32
        %dma_wait3A_1432 = arith.constant 0 : i32
        %dma_wait3A_1433 = tpu.memref_slice %arg4[%dma_wait3A_1425, %dma_wait3A_1426, %dma_wait3A_1427, %dma_wait3A_1431, %dma_wait3A_1432] : memref<200x4x32x8x128xf32, #tpu.memory_space<hbm>> -> memref<1x1x1x8x128xf32, #tpu.memory_space<hbm>>
        %dma_wait3A_1434 = tpu.memref_squeeze %dma_wait3A_1433 : memref<1x1x1x8x128xf32, #tpu.memory_space<hbm>> -> memref<8x128xf32, #tpu.memory_space<hbm>>
        %dma_wait3A_1435 = arith.constant 0 : i32
        %dma_wait3A_1436 = arith.constant 0 : i32
        %dma_wait3A_1437 = tpu.memref_slice %arg4[%dma_wait3A_1425, %dma_wait3A_1426, %dma_wait3A_1427, %dma_wait3A_1435, %dma_wait3A_1436] : memref<200x4x32x8x128xf32, #tpu.memory_space<hbm>> -> memref<1x1x1x8x128xf32, #tpu.memory_space<hbm>>
        %dma_wait3A_1438 = tpu.memref_squeeze %dma_wait3A_1437 : memref<1x1x1x8x128xf32, #tpu.memory_space<hbm>> -> memref<8x128xf32, #tpu.memory_space<hbm>>
        %dma_wait3A_1439 = arith.constant 8 : i32
        %dma_wait3A_1440 = arith.constant 0 : i32
        %dma_wait3A_1441 = tpu.memref_slice %arg8[%dma_wait3A_1439, %dma_wait3A_1440] : memref<128x129xf32, #tpu.memory_space<vmem>> -> memref<8x128xf32, #tpu.memory_space<vmem>>
        tpu.wait_dma2 semaphore(%arg13 : memref<!tpu.dma_semaphore, #tpu.memory_space<semaphore_mem>>) src(%dma_wait3A_1441 : memref<8x128xf32, #tpu.memory_space<vmem>>) dst(%dma_wait3A_1438 : memref<8x128xf32, #tpu.memory_space<hbm>>)
        %dma_wait3A_1442 = arith.constant 0 : i32
        %dma_wait3A_1443 = arith.constant 2 : i32
        %dma_wait3A_1444 = arith.constant 0 : i32
        %dma_wait3A_1445 = arith.constant 16 : i32
        %dma_wait3A_1446 = arith.constant 0 : i32
        %dma_wait3A_1447 = tpu.memref_slice %arg8[%dma_wait3A_1445, %dma_wait3A_1446] : memref<128x129xf32, #tpu.memory_space<vmem>> -> memref<8x128xf32, #tpu.memory_space<vmem>>
        %dma_wait3A_1448 = arith.constant 0 : i32
        %dma_wait3A_1449 = arith.constant 0 : i32
        %dma_wait3A_1450 = tpu.memref_slice %arg4[%dma_wait3A_1442, %dma_wait3A_1443, %dma_wait3A_1444, %dma_wait3A_1448, %dma_wait3A_1449] : memref<200x4x32x8x128xf32, #tpu.memory_space<hbm>> -> memref<1x1x1x8x128xf32, #tpu.memory_space<hbm>>
        %dma_wait3A_1451 = tpu.memref_squeeze %dma_wait3A_1450 : memref<1x1x1x8x128xf32, #tpu.memory_space<hbm>> -> memref<8x128xf32, #tpu.memory_space<hbm>>
        %dma_wait3A_1452 = arith.constant 0 : i32
        %dma_wait3A_1453 = arith.constant 0 : i32
        %dma_wait3A_1454 = tpu.memref_slice %arg4[%dma_wait3A_1442, %dma_wait3A_1443, %dma_wait3A_1444, %dma_wait3A_1452, %dma_wait3A_1453] : memref<200x4x32x8x128xf32, #tpu.memory_space<hbm>> -> memref<1x1x1x8x128xf32, #tpu.memory_space<hbm>>
        %dma_wait3A_1455 = tpu.memref_squeeze %dma_wait3A_1454 : memref<1x1x1x8x128xf32, #tpu.memory_space<hbm>> -> memref<8x128xf32, #tpu.memory_space<hbm>>
        %dma_wait3A_1456 = arith.constant 16 : i32
        %dma_wait3A_1457 = arith.constant 0 : i32
        %dma_wait3A_1458 = tpu.memref_slice %arg8[%dma_wait3A_1456, %dma_wait3A_1457] : memref<128x129xf32, #tpu.memory_space<vmem>> -> memref<8x128xf32, #tpu.memory_space<vmem>>
        tpu.wait_dma2 semaphore(%arg13 : memref<!tpu.dma_semaphore, #tpu.memory_space<semaphore_mem>>) src(%dma_wait3A_1458 : memref<8x128xf32, #tpu.memory_space<vmem>>) dst(%dma_wait3A_1455 : memref<8x128xf32, #tpu.memory_space<hbm>>)
        %dma_wait3A_1459 = arith.constant 0 : i32
        %dma_wait3A_1460 = arith.constant 3 : i32
        %dma_wait3A_1461 = arith.constant 0 : i32
        %dma_wait3A_1462 = arith.constant 24 : i32
        %dma_wait3A_1463 = arith.constant 0 : i32
        %dma_wait3A_1464 = tpu.memref_slice %arg8[%dma_wait3A_1462, %dma_wait3A_1463] : memref<128x129xf32, #tpu.memory_space<vmem>> -> memref<8x128xf32, #tpu.memory_space<vmem>>
        %dma_wait3A_1465 = arith.constant 0 : i32
        %dma_wait3A_1466 = arith.constant 0 : i32
        %dma_wait3A_1467 = tpu.memref_slice %arg4[%dma_wait3A_1459, %dma_wait3A_1460, %dma_wait3A_1461, %dma_wait3A_1465, %dma_wait3A_1466] : memref<200x4x32x8x128xf32, #tpu.memory_space<hbm>> -> memref<1x1x1x8x128xf32, #tpu.memory_space<hbm>>
        %dma_wait3A_1468 = tpu.memref_squeeze %dma_wait3A_1467 : memref<1x1x1x8x128xf32, #tpu.memory_space<hbm>> -> memref<8x128xf32, #tpu.memory_space<hbm>>
        %dma_wait3A_1469 = arith.constant 0 : i32
        %dma_wait3A_1470 = arith.constant 0 : i32
        %dma_wait3A_1471 = tpu.memref_slice %arg4[%dma_wait3A_1459, %dma_wait3A_1460, %dma_wait3A_1461, %dma_wait3A_1469, %dma_wait3A_1470] : memref<200x4x32x8x128xf32, #tpu.memory_space<hbm>> -> memref<1x1x1x8x128xf32, #tpu.memory_space<hbm>>
        %dma_wait3A_1472 = tpu.memref_squeeze %dma_wait3A_1471 : memref<1x1x1x8x128xf32, #tpu.memory_space<hbm>> -> memref<8x128xf32, #tpu.memory_space<hbm>>
        %dma_wait3A_1473 = arith.constant 24 : i32
        %dma_wait3A_1474 = arith.constant 0 : i32
        %dma_wait3A_1475 = tpu.memref_slice %arg8[%dma_wait3A_1473, %dma_wait3A_1474] : memref<128x129xf32, #tpu.memory_space<vmem>> -> memref<8x128xf32, #tpu.memory_space<vmem>>
        tpu.wait_dma2 semaphore(%arg13 : memref<!tpu.dma_semaphore, #tpu.memory_space<semaphore_mem>>) src(%dma_wait3A_1475 : memref<8x128xf32, #tpu.memory_space<vmem>>) dst(%dma_wait3A_1472 : memref<8x128xf32, #tpu.memory_space<hbm>>)
        %dma_wait3A_1476 = arith.constant 0 : i32
        %dma_wait3A_1477 = arith.constant 0 : i32
        %dma_wait3A_1478 = arith.constant 0 : i32
        %dma_wait3A_1479 = arith.constant 32 : i32
        %dma_wait3A_1480 = arith.constant 0 : i32
        %dma_wait3A_1481 = tpu.memref_slice %arg8[%dma_wait3A_1479, %dma_wait3A_1480] : memref<128x129xf32, #tpu.memory_space<vmem>> -> memref<8x128xf32, #tpu.memory_space<vmem>>
        %dma_wait3A_1482 = arith.constant 0 : i32
        %dma_wait3A_1483 = arith.constant 0 : i32
        %dma_wait3A_1484 = tpu.memref_slice %arg4[%dma_wait3A_1476, %dma_wait3A_1477, %dma_wait3A_1478, %dma_wait3A_1482, %dma_wait3A_1483] : memref<200x4x32x8x128xf32, #tpu.memory_space<hbm>> -> memref<1x1x1x8x128xf32, #tpu.memory_space<hbm>>
        %dma_wait3A_1485 = tpu.memref_squeeze %dma_wait3A_1484 : memref<1x1x1x8x128xf32, #tpu.memory_space<hbm>> -> memref<8x128xf32, #tpu.memory_space<hbm>>
        %dma_wait3A_1486 = arith.constant 0 : i32
        %dma_wait3A_1487 = arith.constant 0 : i32
        %dma_wait3A_1488 = tpu.memref_slice %arg4[%dma_wait3A_1476, %dma_wait3A_1477, %dma_wait3A_1478, %dma_wait3A_1486, %dma_wait3A_1487] : memref<200x4x32x8x128xf32, #tpu.memory_space<hbm>> -> memref<1x1x1x8x128xf32, #tpu.memory_space<hbm>>
        %dma_wait3A_1489 = tpu.memref_squeeze %dma_wait3A_1488 : memref<1x1x1x8x128xf32, #tpu.memory_space<hbm>> -> memref<8x128xf32, #tpu.memory_space<hbm>>
        %dma_wait3A_1490 = arith.constant 32 : i32
        %dma_wait3A_1491 = arith.constant 0 : i32
        %dma_wait3A_1492 = tpu.memref_slice %arg8[%dma_wait3A_1490, %dma_wait3A_1491] : memref<128x129xf32, #tpu.memory_space<vmem>> -> memref<8x128xf32, #tpu.memory_space<vmem>>
        tpu.wait_dma2 semaphore(%arg13 : memref<!tpu.dma_semaphore, #tpu.memory_space<semaphore_mem>>) src(%dma_wait3A_1492 : memref<8x128xf32, #tpu.memory_space<vmem>>) dst(%dma_wait3A_1489 : memref<8x128xf32, #tpu.memory_space<hbm>>)
        %dma_wait3A_1493 = arith.constant 0 : i32
        %dma_wait3A_1494 = arith.constant 1 : i32
        %dma_wait3A_1495 = arith.constant 0 : i32
        %dma_wait3A_1496 = arith.constant 40 : i32
        %dma_wait3A_1497 = arith.constant 0 : i32
        %dma_wait3A_1498 = tpu.memref_slice %arg8[%dma_wait3A_1496, %dma_wait3A_1497] : memref<128x129xf32, #tpu.memory_space<vmem>> -> memref<8x128xf32, #tpu.memory_space<vmem>>
        %dma_wait3A_1499 = arith.constant 0 : i32
        %dma_wait3A_1500 = arith.constant 0 : i32
        %dma_wait3A_1501 = tpu.memref_slice %arg4[%dma_wait3A_1493, %dma_wait3A_1494, %dma_wait3A_1495, %dma_wait3A_1499, %dma_wait3A_1500] : memref<200x4x32x8x128xf32, #tpu.memory_space<hbm>> -> memref<1x1x1x8x128xf32, #tpu.memory_space<hbm>>
        %dma_wait3A_1502 = tpu.memref_squeeze %dma_wait3A_1501 : memref<1x1x1x8x128xf32, #tpu.memory_space<hbm>> -> memref<8x128xf32, #tpu.memory_space<hbm>>
        %dma_wait3A_1503 = arith.constant 0 : i32
        %dma_wait3A_1504 = arith.constant 0 : i32
        %dma_wait3A_1505 = tpu.memref_slice %arg4[%dma_wait3A_1493, %dma_wait3A_1494, %dma_wait3A_1495, %dma_wait3A_1503, %dma_wait3A_1504] : memref<200x4x32x8x128xf32, #tpu.memory_space<hbm>> -> memref<1x1x1x8x128xf32, #tpu.memory_space<hbm>>
        %dma_wait3A_1506 = tpu.memref_squeeze %dma_wait3A_1505 : memref<1x1x1x8x128xf32, #tpu.memory_space<hbm>> -> memref<8x128xf32, #tpu.memory_space<hbm>>
        %dma_wait3A_1507 = arith.constant 40 : i32
        %dma_wait3A_1508 = arith.constant 0 : i32
        %dma_wait3A_1509 = tpu.memref_slice %arg8[%dma_wait3A_1507, %dma_wait3A_1508] : memref<128x129xf32, #tpu.memory_space<vmem>> -> memref<8x128xf32, #tpu.memory_space<vmem>>
        tpu.wait_dma2 semaphore(%arg13 : memref<!tpu.dma_semaphore, #tpu.memory_space<semaphore_mem>>) src(%dma_wait3A_1509 : memref<8x128xf32, #tpu.memory_space<vmem>>) dst(%dma_wait3A_1506 : memref<8x128xf32, #tpu.memory_space<hbm>>)
        %dma_wait3A_1510 = arith.constant 0 : i32
        %dma_wait3A_1511 = arith.constant 2 : i32
        %dma_wait3A_1512 = arith.constant 0 : i32
        %dma_wait3A_1513 = arith.constant 48 : i32
        %dma_wait3A_1514 = arith.constant 0 : i32
        %dma_wait3A_1515 = tpu.memref_slice %arg8[%dma_wait3A_1513, %dma_wait3A_1514] : memref<128x129xf32, #tpu.memory_space<vmem>> -> memref<8x128xf32, #tpu.memory_space<vmem>>
        %dma_wait3A_1516 = arith.constant 0 : i32
        %dma_wait3A_1517 = arith.constant 0 : i32
        %dma_wait3A_1518 = tpu.memref_slice %arg4[%dma_wait3A_1510, %dma_wait3A_1511, %dma_wait3A_1512, %dma_wait3A_1516, %dma_wait3A_1517] : memref<200x4x32x8x128xf32, #tpu.memory_space<hbm>> -> memref<1x1x1x8x128xf32, #tpu.memory_space<hbm>>
        %dma_wait3A_1519 = tpu.memref_squeeze %dma_wait3A_1518 : memref<1x1x1x8x128xf32, #tpu.memory_space<hbm>> -> memref<8x128xf32, #tpu.memory_space<hbm>>
        %dma_wait3A_1520 = arith.constant 0 : i32
        %dma_wait3A_1521 = arith.constant 0 : i32
        %dma_wait3A_1522 = tpu.memref_slice %arg4[%dma_wait3A_1510, %dma_wait3A_1511, %dma_wait3A_1512, %dma_wait3A_1520, %dma_wait3A_1521] : memref<200x4x32x8x128xf32, #tpu.memory_space<hbm>> -> memref<1x1x1x8x128xf32, #tpu.memory_space<hbm>>
        %dma_wait3A_1523 = tpu.memref_squeeze %dma_wait3A_1522 : memref<1x1x1x8x128xf32, #tpu.memory_space<hbm>> -> memref<8x128xf32, #tpu.memory_space<hbm>>
        %dma_wait3A_1524 = arith.constant 48 : i32
        %dma_wait3A_1525 = arith.constant 0 : i32
        %dma_wait3A_1526 = tpu.memref_slice %arg8[%dma_wait3A_1524, %dma_wait3A_1525] : memref<128x129xf32, #tpu.memory_space<vmem>> -> memref<8x128xf32, #tpu.memory_space<vmem>>
        tpu.wait_dma2 semaphore(%arg13 : memref<!tpu.dma_semaphore, #tpu.memory_space<semaphore_mem>>) src(%dma_wait3A_1526 : memref<8x128xf32, #tpu.memory_space<vmem>>) dst(%dma_wait3A_1523 : memref<8x128xf32, #tpu.memory_space<hbm>>)
        %dma_wait3A_1527 = arith.constant 0 : i32
        %dma_wait3A_1528 = arith.constant 3 : i32
        %dma_wait3A_1529 = arith.constant 0 : i32
        %dma_wait3A_1530 = arith.constant 56 : i32
        %dma_wait3A_1531 = arith.constant 0 : i32
        %dma_wait3A_1532 = tpu.memref_slice %arg8[%dma_wait3A_1530, %dma_wait3A_1531] : memref<128x129xf32, #tpu.memory_space<vmem>> -> memref<8x128xf32, #tpu.memory_space<vmem>>
        %dma_wait3A_1533 = arith.constant 0 : i32
        %dma_wait3A_1534 = arith.constant 0 : i32
        %dma_wait3A_1535 = tpu.memref_slice %arg4[%dma_wait3A_1527, %dma_wait3A_1528, %dma_wait3A_1529, %dma_wait3A_1533, %dma_wait3A_1534] : memref<200x4x32x8x128xf32, #tpu.memory_space<hbm>> -> memref<1x1x1x8x128xf32, #tpu.memory_space<hbm>>
        %dma_wait3A_1536 = tpu.memref_squeeze %dma_wait3A_1535 : memref<1x1x1x8x128xf32, #tpu.memory_space<hbm>> -> memref<8x128xf32, #tpu.memory_space<hbm>>
        %dma_wait3A_1537 = arith.constant 0 : i32
        %dma_wait3A_1538 = arith.constant 0 : i32
        %dma_wait3A_1539 = tpu.memref_slice %arg4[%dma_wait3A_1527, %dma_wait3A_1528, %dma_wait3A_1529, %dma_wait3A_1537, %dma_wait3A_1538] : memref<200x4x32x8x128xf32, #tpu.memory_space<hbm>> -> memref<1x1x1x8x128xf32, #tpu.memory_space<hbm>>
        %dma_wait3A_1540 = tpu.memref_squeeze %dma_wait3A_1539 : memref<1x1x1x8x128xf32, #tpu.memory_space<hbm>> -> memref<8x128xf32, #tpu.memory_space<hbm>>
        %dma_wait3A_1541 = arith.constant 56 : i32
        %dma_wait3A_1542 = arith.constant 0 : i32
        %dma_wait3A_1543 = tpu.memref_slice %arg8[%dma_wait3A_1541, %dma_wait3A_1542] : memref<128x129xf32, #tpu.memory_space<vmem>> -> memref<8x128xf32, #tpu.memory_space<vmem>>
        tpu.wait_dma2 semaphore(%arg13 : memref<!tpu.dma_semaphore, #tpu.memory_space<semaphore_mem>>) src(%dma_wait3A_1543 : memref<8x128xf32, #tpu.memory_space<vmem>>) dst(%dma_wait3A_1540 : memref<8x128xf32, #tpu.memory_space<hbm>>)
        %dma_wait3A_1544 = arith.constant 0 : i32
        %dma_wait3A_1545 = arith.constant 0 : i32
        %dma_wait3A_1546 = arith.constant 0 : i32
        %dma_wait3A_1547 = arith.constant 64 : i32
        %dma_wait3A_1548 = arith.constant 0 : i32
        %dma_wait3A_1549 = tpu.memref_slice %arg8[%dma_wait3A_1547, %dma_wait3A_1548] : memref<128x129xf32, #tpu.memory_space<vmem>> -> memref<8x128xf32, #tpu.memory_space<vmem>>
        %dma_wait3A_1550 = arith.constant 0 : i32
        %dma_wait3A_1551 = arith.constant 0 : i32
        %dma_wait3A_1552 = tpu.memref_slice %arg4[%dma_wait3A_1544, %dma_wait3A_1545, %dma_wait3A_1546, %dma_wait3A_1550, %dma_wait3A_1551] : memref<200x4x32x8x128xf32, #tpu.memory_space<hbm>> -> memref<1x1x1x8x128xf32, #tpu.memory_space<hbm>>
        %dma_wait3A_1553 = tpu.memref_squeeze %dma_wait3A_1552 : memref<1x1x1x8x128xf32, #tpu.memory_space<hbm>> -> memref<8x128xf32, #tpu.memory_space<hbm>>
        %dma_wait3A_1554 = arith.constant 0 : i32
        %dma_wait3A_1555 = arith.constant 0 : i32
        %dma_wait3A_1556 = tpu.memref_slice %arg4[%dma_wait3A_1544, %dma_wait3A_1545, %dma_wait3A_1546, %dma_wait3A_1554, %dma_wait3A_1555] : memref<200x4x32x8x128xf32, #tpu.memory_space<hbm>> -> memref<1x1x1x8x128xf32, #tpu.memory_space<hbm>>
        %dma_wait3A_1557 = tpu.memref_squeeze %dma_wait3A_1556 : memref<1x1x1x8x128xf32, #tpu.memory_space<hbm>> -> memref<8x128xf32, #tpu.memory_space<hbm>>
        %dma_wait3A_1558 = arith.constant 64 : i32
        %dma_wait3A_1559 = arith.constant 0 : i32
        %dma_wait3A_1560 = tpu.memref_slice %arg8[%dma_wait3A_1558, %dma_wait3A_1559] : memref<128x129xf32, #tpu.memory_space<vmem>> -> memref<8x128xf32, #tpu.memory_space<vmem>>
        tpu.wait_dma2 semaphore(%arg13 : memref<!tpu.dma_semaphore, #tpu.memory_space<semaphore_mem>>) src(%dma_wait3A_1560 : memref<8x128xf32, #tpu.memory_space<vmem>>) dst(%dma_wait3A_1557 : memref<8x128xf32, #tpu.memory_space<hbm>>)
        %dma_wait3A_1561 = arith.constant 0 : i32
        %dma_wait3A_1562 = arith.constant 1 : i32
        %dma_wait3A_1563 = arith.constant 0 : i32
        %dma_wait3A_1564 = arith.constant 72 : i32
        %dma_wait3A_1565 = arith.constant 0 : i32
        %dma_wait3A_1566 = tpu.memref_slice %arg8[%dma_wait3A_1564, %dma_wait3A_1565] : memref<128x129xf32, #tpu.memory_space<vmem>> -> memref<8x128xf32, #tpu.memory_space<vmem>>
        %dma_wait3A_1567 = arith.constant 0 : i32
        %dma_wait3A_1568 = arith.constant 0 : i32
        %dma_wait3A_1569 = tpu.memref_slice %arg4[%dma_wait3A_1561, %dma_wait3A_1562, %dma_wait3A_1563, %dma_wait3A_1567, %dma_wait3A_1568] : memref<200x4x32x8x128xf32, #tpu.memory_space<hbm>> -> memref<1x1x1x8x128xf32, #tpu.memory_space<hbm>>
        %dma_wait3A_1570 = tpu.memref_squeeze %dma_wait3A_1569 : memref<1x1x1x8x128xf32, #tpu.memory_space<hbm>> -> memref<8x128xf32, #tpu.memory_space<hbm>>
        %dma_wait3A_1571 = arith.constant 0 : i32
        %dma_wait3A_1572 = arith.constant 0 : i32
        %dma_wait3A_1573 = tpu.memref_slice %arg4[%dma_wait3A_1561, %dma_wait3A_1562, %dma_wait3A_1563, %dma_wait3A_1571, %dma_wait3A_1572] : memref<200x4x32x8x128xf32, #tpu.memory_space<hbm>> -> memref<1x1x1x8x128xf32, #tpu.memory_space<hbm>>
        %dma_wait3A_1574 = tpu.memref_squeeze %dma_wait3A_1573 : memref<1x1x1x8x128xf32, #tpu.memory_space<hbm>> -> memref<8x128xf32, #tpu.memory_space<hbm>>
        %dma_wait3A_1575 = arith.constant 72 : i32
        %dma_wait3A_1576 = arith.constant 0 : i32
        %dma_wait3A_1577 = tpu.memref_slice %arg8[%dma_wait3A_1575, %dma_wait3A_1576] : memref<128x129xf32, #tpu.memory_space<vmem>> -> memref<8x128xf32, #tpu.memory_space<vmem>>
        tpu.wait_dma2 semaphore(%arg13 : memref<!tpu.dma_semaphore, #tpu.memory_space<semaphore_mem>>) src(%dma_wait3A_1577 : memref<8x128xf32, #tpu.memory_space<vmem>>) dst(%dma_wait3A_1574 : memref<8x128xf32, #tpu.memory_space<hbm>>)
        %dma_wait3A_1578 = arith.constant 0 : i32
        %dma_wait3A_1579 = arith.constant 2 : i32
        %dma_wait3A_1580 = arith.constant 0 : i32
        %dma_wait3A_1581 = arith.constant 80 : i32
        %dma_wait3A_1582 = arith.constant 0 : i32
        %dma_wait3A_1583 = tpu.memref_slice %arg8[%dma_wait3A_1581, %dma_wait3A_1582] : memref<128x129xf32, #tpu.memory_space<vmem>> -> memref<8x128xf32, #tpu.memory_space<vmem>>
        %dma_wait3A_1584 = arith.constant 0 : i32
        %dma_wait3A_1585 = arith.constant 0 : i32
        %dma_wait3A_1586 = tpu.memref_slice %arg4[%dma_wait3A_1578, %dma_wait3A_1579, %dma_wait3A_1580, %dma_wait3A_1584, %dma_wait3A_1585] : memref<200x4x32x8x128xf32, #tpu.memory_space<hbm>> -> memref<1x1x1x8x128xf32, #tpu.memory_space<hbm>>
        %dma_wait3A_1587 = tpu.memref_squeeze %dma_wait3A_1586 : memref<1x1x1x8x128xf32, #tpu.memory_space<hbm>> -> memref<8x128xf32, #tpu.memory_space<hbm>>
        %dma_wait3A_1588 = arith.constant 0 : i32
        %dma_wait3A_1589 = arith.constant 0 : i32
        %dma_wait3A_1590 = tpu.memref_slice %arg4[%dma_wait3A_1578, %dma_wait3A_1579, %dma_wait3A_1580, %dma_wait3A_1588, %dma_wait3A_1589] : memref<200x4x32x8x128xf32, #tpu.memory_space<hbm>> -> memref<1x1x1x8x128xf32, #tpu.memory_space<hbm>>
        %dma_wait3A_1591 = tpu.memref_squeeze %dma_wait3A_1590 : memref<1x1x1x8x128xf32, #tpu.memory_space<hbm>> -> memref<8x128xf32, #tpu.memory_space<hbm>>
        %dma_wait3A_1592 = arith.constant 80 : i32
        %dma_wait3A_1593 = arith.constant 0 : i32
        %dma_wait3A_1594 = tpu.memref_slice %arg8[%dma_wait3A_1592, %dma_wait3A_1593] : memref<128x129xf32, #tpu.memory_space<vmem>> -> memref<8x128xf32, #tpu.memory_space<vmem>>
        tpu.wait_dma2 semaphore(%arg13 : memref<!tpu.dma_semaphore, #tpu.memory_space<semaphore_mem>>) src(%dma_wait3A_1594 : memref<8x128xf32, #tpu.memory_space<vmem>>) dst(%dma_wait3A_1591 : memref<8x128xf32, #tpu.memory_space<hbm>>)
        %dma_wait3A_1595 = arith.constant 0 : i32
        %dma_wait3A_1596 = arith.constant 3 : i32
        %dma_wait3A_1597 = arith.constant 0 : i32
        %dma_wait3A_1598 = arith.constant 88 : i32
        %dma_wait3A_1599 = arith.constant 0 : i32
        %dma_wait3A_1600 = tpu.memref_slice %arg8[%dma_wait3A_1598, %dma_wait3A_1599] : memref<128x129xf32, #tpu.memory_space<vmem>> -> memref<8x128xf32, #tpu.memory_space<vmem>>
        %dma_wait3A_1601 = arith.constant 0 : i32
        %dma_wait3A_1602 = arith.constant 0 : i32
        %dma_wait3A_1603 = tpu.memref_slice %arg4[%dma_wait3A_1595, %dma_wait3A_1596, %dma_wait3A_1597, %dma_wait3A_1601, %dma_wait3A_1602] : memref<200x4x32x8x128xf32, #tpu.memory_space<hbm>> -> memref<1x1x1x8x128xf32, #tpu.memory_space<hbm>>
        %dma_wait3A_1604 = tpu.memref_squeeze %dma_wait3A_1603 : memref<1x1x1x8x128xf32, #tpu.memory_space<hbm>> -> memref<8x128xf32, #tpu.memory_space<hbm>>
        %dma_wait3A_1605 = arith.constant 0 : i32
        %dma_wait3A_1606 = arith.constant 0 : i32
        %dma_wait3A_1607 = tpu.memref_slice %arg4[%dma_wait3A_1595, %dma_wait3A_1596, %dma_wait3A_1597, %dma_wait3A_1605, %dma_wait3A_1606] : memref<200x4x32x8x128xf32, #tpu.memory_space<hbm>> -> memref<1x1x1x8x128xf32, #tpu.memory_space<hbm>>
        %dma_wait3A_1608 = tpu.memref_squeeze %dma_wait3A_1607 : memref<1x1x1x8x128xf32, #tpu.memory_space<hbm>> -> memref<8x128xf32, #tpu.memory_space<hbm>>
        %dma_wait3A_1609 = arith.constant 88 : i32
        %dma_wait3A_1610 = arith.constant 0 : i32
        %dma_wait3A_1611 = tpu.memref_slice %arg8[%dma_wait3A_1609, %dma_wait3A_1610] : memref<128x129xf32, #tpu.memory_space<vmem>> -> memref<8x128xf32, #tpu.memory_space<vmem>>
        tpu.wait_dma2 semaphore(%arg13 : memref<!tpu.dma_semaphore, #tpu.memory_space<semaphore_mem>>) src(%dma_wait3A_1611 : memref<8x128xf32, #tpu.memory_space<vmem>>) dst(%dma_wait3A_1608 : memref<8x128xf32, #tpu.memory_space<hbm>>)
        %dma_wait3A_1612 = arith.constant 0 : i32
        %dma_wait3A_1613 = arith.constant 0 : i32
        %dma_wait3A_1614 = arith.constant 0 : i32
        %dma_wait3A_1615 = arith.constant 96 : i32
        %dma_wait3A_1616 = arith.constant 0 : i32
        %dma_wait3A_1617 = tpu.memref_slice %arg8[%dma_wait3A_1615, %dma_wait3A_1616] : memref<128x129xf32, #tpu.memory_space<vmem>> -> memref<8x128xf32, #tpu.memory_space<vmem>>
        %dma_wait3A_1618 = arith.constant 0 : i32
        %dma_wait3A_1619 = arith.constant 0 : i32
        %dma_wait3A_1620 = tpu.memref_slice %arg4[%dma_wait3A_1612, %dma_wait3A_1613, %dma_wait3A_1614, %dma_wait3A_1618, %dma_wait3A_1619] : memref<200x4x32x8x128xf32, #tpu.memory_space<hbm>> -> memref<1x1x1x8x128xf32, #tpu.memory_space<hbm>>
        %dma_wait3A_1621 = tpu.memref_squeeze %dma_wait3A_1620 : memref<1x1x1x8x128xf32, #tpu.memory_space<hbm>> -> memref<8x128xf32, #tpu.memory_space<hbm>>
        %dma_wait3A_1622 = arith.constant 0 : i32
        %dma_wait3A_1623 = arith.constant 0 : i32
        %dma_wait3A_1624 = tpu.memref_slice %arg4[%dma_wait3A_1612, %dma_wait3A_1613, %dma_wait3A_1614, %dma_wait3A_1622, %dma_wait3A_1623] : memref<200x4x32x8x128xf32, #tpu.memory_space<hbm>> -> memref<1x1x1x8x128xf32, #tpu.memory_space<hbm>>
        %dma_wait3A_1625 = tpu.memref_squeeze %dma_wait3A_1624 : memref<1x1x1x8x128xf32, #tpu.memory_space<hbm>> -> memref<8x128xf32, #tpu.memory_space<hbm>>
        %dma_wait3A_1626 = arith.constant 96 : i32
        %dma_wait3A_1627 = arith.constant 0 : i32
        %dma_wait3A_1628 = tpu.memref_slice %arg8[%dma_wait3A_1626, %dma_wait3A_1627] : memref<128x129xf32, #tpu.memory_space<vmem>> -> memref<8x128xf32, #tpu.memory_space<vmem>>
        tpu.wait_dma2 semaphore(%arg13 : memref<!tpu.dma_semaphore, #tpu.memory_space<semaphore_mem>>) src(%dma_wait3A_1628 : memref<8x128xf32, #tpu.memory_space<vmem>>) dst(%dma_wait3A_1625 : memref<8x128xf32, #tpu.memory_space<hbm>>)
        %dma_wait3A_1629 = arith.constant 0 : i32
        %dma_wait3A_1630 = arith.constant 1 : i32
        %dma_wait3A_1631 = arith.constant 0 : i32
        %dma_wait3A_1632 = arith.constant 104 : i32
        %dma_wait3A_1633 = arith.constant 0 : i32
        %dma_wait3A_1634 = tpu.memref_slice %arg8[%dma_wait3A_1632, %dma_wait3A_1633] : memref<128x129xf32, #tpu.memory_space<vmem>> -> memref<8x128xf32, #tpu.memory_space<vmem>>
        %dma_wait3A_1635 = arith.constant 0 : i32
        %dma_wait3A_1636 = arith.constant 0 : i32
        %dma_wait3A_1637 = tpu.memref_slice %arg4[%dma_wait3A_1629, %dma_wait3A_1630, %dma_wait3A_1631, %dma_wait3A_1635, %dma_wait3A_1636] : memref<200x4x32x8x128xf32, #tpu.memory_space<hbm>> -> memref<1x1x1x8x128xf32, #tpu.memory_space<hbm>>
        %dma_wait3A_1638 = tpu.memref_squeeze %dma_wait3A_1637 : memref<1x1x1x8x128xf32, #tpu.memory_space<hbm>> -> memref<8x128xf32, #tpu.memory_space<hbm>>
        %dma_wait3A_1639 = arith.constant 0 : i32
        %dma_wait3A_1640 = arith.constant 0 : i32
        %dma_wait3A_1641 = tpu.memref_slice %arg4[%dma_wait3A_1629, %dma_wait3A_1630, %dma_wait3A_1631, %dma_wait3A_1639, %dma_wait3A_1640] : memref<200x4x32x8x128xf32, #tpu.memory_space<hbm>> -> memref<1x1x1x8x128xf32, #tpu.memory_space<hbm>>
        %dma_wait3A_1642 = tpu.memref_squeeze %dma_wait3A_1641 : memref<1x1x1x8x128xf32, #tpu.memory_space<hbm>> -> memref<8x128xf32, #tpu.memory_space<hbm>>
        %dma_wait3A_1643 = arith.constant 104 : i32
        %dma_wait3A_1644 = arith.constant 0 : i32
        %dma_wait3A_1645 = tpu.memref_slice %arg8[%dma_wait3A_1643, %dma_wait3A_1644] : memref<128x129xf32, #tpu.memory_space<vmem>> -> memref<8x128xf32, #tpu.memory_space<vmem>>
        tpu.wait_dma2 semaphore(%arg13 : memref<!tpu.dma_semaphore, #tpu.memory_space<semaphore_mem>>) src(%dma_wait3A_1645 : memref<8x128xf32, #tpu.memory_space<vmem>>) dst(%dma_wait3A_1642 : memref<8x128xf32, #tpu.memory_space<hbm>>)
        %dma_wait3A_1646 = arith.constant 0 : i32
        %dma_wait3A_1647 = arith.constant 2 : i32
        %dma_wait3A_1648 = arith.constant 0 : i32
        %dma_wait3A_1649 = arith.constant 112 : i32
        %dma_wait3A_1650 = arith.constant 0 : i32
        %dma_wait3A_1651 = tpu.memref_slice %arg8[%dma_wait3A_1649, %dma_wait3A_1650] : memref<128x129xf32, #tpu.memory_space<vmem>> -> memref<8x128xf32, #tpu.memory_space<vmem>>
        %dma_wait3A_1652 = arith.constant 0 : i32
        %dma_wait3A_1653 = arith.constant 0 : i32
        %dma_wait3A_1654 = tpu.memref_slice %arg4[%dma_wait3A_1646, %dma_wait3A_1647, %dma_wait3A_1648, %dma_wait3A_1652, %dma_wait3A_1653] : memref<200x4x32x8x128xf32, #tpu.memory_space<hbm>> -> memref<1x1x1x8x128xf32, #tpu.memory_space<hbm>>
        %dma_wait3A_1655 = tpu.memref_squeeze %dma_wait3A_1654 : memref<1x1x1x8x128xf32, #tpu.memory_space<hbm>> -> memref<8x128xf32, #tpu.memory_space<hbm>>
        %dma_wait3A_1656 = arith.constant 0 : i32
        %dma_wait3A_1657 = arith.constant 0 : i32
        %dma_wait3A_1658 = tpu.memref_slice %arg4[%dma_wait3A_1646, %dma_wait3A_1647, %dma_wait3A_1648, %dma_wait3A_1656, %dma_wait3A_1657] : memref<200x4x32x8x128xf32, #tpu.memory_space<hbm>> -> memref<1x1x1x8x128xf32, #tpu.memory_space<hbm>>
        %dma_wait3A_1659 = tpu.memref_squeeze %dma_wait3A_1658 : memref<1x1x1x8x128xf32, #tpu.memory_space<hbm>> -> memref<8x128xf32, #tpu.memory_space<hbm>>
        %dma_wait3A_1660 = arith.constant 112 : i32
        %dma_wait3A_1661 = arith.constant 0 : i32
        %dma_wait3A_1662 = tpu.memref_slice %arg8[%dma_wait3A_1660, %dma_wait3A_1661] : memref<128x129xf32, #tpu.memory_space<vmem>> -> memref<8x128xf32, #tpu.memory_space<vmem>>
        tpu.wait_dma2 semaphore(%arg13 : memref<!tpu.dma_semaphore, #tpu.memory_space<semaphore_mem>>) src(%dma_wait3A_1662 : memref<8x128xf32, #tpu.memory_space<vmem>>) dst(%dma_wait3A_1659 : memref<8x128xf32, #tpu.memory_space<hbm>>)
        %dma_wait3A_1663 = arith.constant 0 : i32
        %dma_wait3A_1664 = arith.constant 3 : i32
        %dma_wait3A_1665 = arith.constant 0 : i32
        %dma_wait3A_1666 = arith.constant 120 : i32
        %dma_wait3A_1667 = arith.constant 0 : i32
        %dma_wait3A_1668 = tpu.memref_slice %arg8[%dma_wait3A_1666, %dma_wait3A_1667] : memref<128x129xf32, #tpu.memory_space<vmem>> -> memref<8x128xf32, #tpu.memory_space<vmem>>
        %dma_wait3A_1669 = arith.constant 0 : i32
        %dma_wait3A_1670 = arith.constant 0 : i32
        %dma_wait3A_1671 = tpu.memref_slice %arg4[%dma_wait3A_1663, %dma_wait3A_1664, %dma_wait3A_1665, %dma_wait3A_1669, %dma_wait3A_1670] : memref<200x4x32x8x128xf32, #tpu.memory_space<hbm>> -> memref<1x1x1x8x128xf32, #tpu.memory_space<hbm>>
        %dma_wait3A_1672 = tpu.memref_squeeze %dma_wait3A_1671 : memref<1x1x1x8x128xf32, #tpu.memory_space<hbm>> -> memref<8x128xf32, #tpu.memory_space<hbm>>
        %dma_wait3A_1673 = arith.constant 0 : i32
        %dma_wait3A_1674 = arith.constant 0 : i32
        %dma_wait3A_1675 = tpu.memref_slice %arg4[%dma_wait3A_1663, %dma_wait3A_1664, %dma_wait3A_1665, %dma_wait3A_1673, %dma_wait3A_1674] : memref<200x4x32x8x128xf32, #tpu.memory_space<hbm>> -> memref<1x1x1x8x128xf32, #tpu.memory_space<hbm>>
        %dma_wait3A_1676 = tpu.memref_squeeze %dma_wait3A_1675 : memref<1x1x1x8x128xf32, #tpu.memory_space<hbm>> -> memref<8x128xf32, #tpu.memory_space<hbm>>
        %dma_wait3A_1677 = arith.constant 120 : i32
        %dma_wait3A_1678 = arith.constant 0 : i32
        %dma_wait3A_1679 = tpu.memref_slice %arg8[%dma_wait3A_1677, %dma_wait3A_1678] : memref<128x129xf32, #tpu.memory_space<vmem>> -> memref<8x128xf32, #tpu.memory_space<vmem>>
        tpu.wait_dma2 semaphore(%arg13 : memref<!tpu.dma_semaphore, #tpu.memory_space<semaphore_mem>>) src(%dma_wait3A_1679 : memref<8x128xf32, #tpu.memory_space<vmem>>) dst(%dma_wait3A_1676 : memref<8x128xf32, #tpu.memory_space<hbm>>)
      } else {
      }
      %add3A_573 = arith.constant 0 : i32
      %add3A_574 = vector.broadcast %add3A_573 : i32 to vector<16xi32>
      %add3A_575 = arith.addi %iota3A, %add3A_574 : vector<16xi32>
      %add3A_576 = arith.constant 16 : i32
      %add3A_577 = vector.broadcast %add3A_576 : i32 to vector<16xi32>
      %add3A_578 = arith.addi %add3A_575, %add3A_577 : vector<16xi32>
      %scan3A_579 = arith.constant 0 : i32
      %scan3A_580 = arith.constant 0 : i32
      %scan3A_581 = arith.constant 128 : i32
      %scan3A_582 = arith.addi %scan3A_580, %scan3A_581 : i32
      %scan3A_583 = arith.constant 4 : i32
      scf.for %scan3A_1408 = %scan3A_580 to %scan3A_582 step %scan3A_583  : i32 {
        %add3A_1409 = arith.constant 0 : i32
        %add3A_1410 = arith.addi %add3A_1409, %scan3A_1408 : i32
        %broadcast_in_dim3A = arith.constant 0 : i32
        %broadcast_in_dim3A_1411 = vector.broadcast %broadcast_in_dim3A : i32 to vector<16xi32>
        %add3A_1412 = vector.broadcast %scan3A_1408 : i32 to vector<16xi32>
        %add3A_1413 = arith.addi %broadcast_in_dim3A_1411, %add3A_1412 : vector<16xi32>
        %get3A = arith.index_cast %add3A_1410 : i32 to index
        %get3A_1414 = arith.constant 0 : index
        %get3A_1415 = tpu.vector_load %arg6[%get3A, %get3A_1414] {strides = array<i32>} : memref<512x32xf32, #tpu.memory_space<vmem>>, vector<16xf32>,
        %get3A_1416 = arith.index_cast %add3A_1410 : i32 to index
        %get3A_1417 = arith.constant 16 : index
        %get3A_1418 = tpu.vector_load %arg6[%get3A_1416, %get3A_1417] {strides = array<i32>} : memref<512x32xf32, #tpu.memory_space<vmem>>, vector<16xf32>,
        tpu.vector_store_idx %arg8[%add3A_575, %add3A_1413], %get3A_1415 : memref<128x129xf32, #tpu.memory_space<vmem>>[vector<16xi32>, vector<16xi32>], vector<16xf32>,
        tpu.vector_store_idx %arg8[%add3A_578, %add3A_1413], %get3A_1418 : memref<128x129xf32, #tpu.memory_space<vmem>>[vector<16xi32>, vector<16xi32>], vector<16xf32>,
        %scan3A_1419 = arith.constant 1 : i32
        %scan3A_1420 = arith.addi %scan3A_1408, %scan3A_1419 : i32
        %add3A_1421 = arith.constant 0 : i32
        %add3A_1422 = arith.addi %add3A_1421, %scan3A_1420 : i32
        %broadcast_in_dim3A_1423 = arith.constant 0 : i32
        %broadcast_in_dim3A_1424 = vector.broadcast %broadcast_in_dim3A_1423 : i32 to vector<16xi32>
        %add3A_1425 = vector.broadcast %scan3A_1420 : i32 to vector<16xi32>
        %add3A_1426 = arith.addi %broadcast_in_dim3A_1424, %add3A_1425 : vector<16xi32>
        %get3A_1427 = arith.index_cast %add3A_1422 : i32 to index
        %get3A_1428 = arith.constant 0 : index
        %get3A_1429 = tpu.vector_load %arg6[%get3A_1427, %get3A_1428] {strides = array<i32>} : memref<512x32xf32, #tpu.memory_space<vmem>>, vector<16xf32>,
        %get3A_1430 = arith.index_cast %add3A_1422 : i32 to index
        %get3A_1431 = arith.constant 16 : index
        %get3A_1432 = tpu.vector_load %arg6[%get3A_1430, %get3A_1431] {strides = array<i32>} : memref<512x32xf32, #tpu.memory_space<vmem>>, vector<16xf32>,
        tpu.vector_store_idx %arg8[%add3A_575, %add3A_1426], %get3A_1429 : memref<128x129xf32, #tpu.memory_space<vmem>>[vector<16xi32>, vector<16xi32>], vector<16xf32>,
        tpu.vector_store_idx %arg8[%add3A_578, %add3A_1426], %get3A_1432 : memref<128x129xf32, #tpu.memory_space<vmem>>[vector<16xi32>, vector<16xi32>], vector<16xf32>,
        %scan3A_1433 = arith.constant 2 : i32
        %scan3A_1434 = arith.addi %scan3A_1408, %scan3A_1433 : i32
        %add3A_1435 = arith.constant 0 : i32
        %add3A_1436 = arith.addi %add3A_1435, %scan3A_1434 : i32
        %broadcast_in_dim3A_1437 = arith.constant 0 : i32
        %broadcast_in_dim3A_1438 = vector.broadcast %broadcast_in_dim3A_1437 : i32 to vector<16xi32>
        %add3A_1439 = vector.broadcast %scan3A_1434 : i32 to vector<16xi32>
        %add3A_1440 = arith.addi %broadcast_in_dim3A_1438, %add3A_1439 : vector<16xi32>
        %get3A_1441 = arith.index_cast %add3A_1436 : i32 to index
        %get3A_1442 = arith.constant 0 : index
        %get3A_1443 = tpu.vector_load %arg6[%get3A_1441, %get3A_1442] {strides = array<i32>} : memref<512x32xf32, #tpu.memory_space<vmem>>, vector<16xf32>,
        %get3A_1444 = arith.index_cast %add3A_1436 : i32 to index
        %get3A_1445 = arith.constant 16 : index
        %get3A_1446 = tpu.vector_load %arg6[%get3A_1444, %get3A_1445] {strides = array<i32>} : memref<512x32xf32, #tpu.memory_space<vmem>>, vector<16xf32>,
        tpu.vector_store_idx %arg8[%add3A_575, %add3A_1440], %get3A_1443 : memref<128x129xf32, #tpu.memory_space<vmem>>[vector<16xi32>, vector<16xi32>], vector<16xf32>,
        tpu.vector_store_idx %arg8[%add3A_578, %add3A_1440], %get3A_1446 : memref<128x129xf32, #tpu.memory_space<vmem>>[vector<16xi32>, vector<16xi32>], vector<16xf32>,
        %scan3A_1447 = arith.constant 3 : i32
        %scan3A_1448 = arith.addi %scan3A_1408, %scan3A_1447 : i32
        %add3A_1449 = arith.constant 0 : i32
        %add3A_1450 = arith.addi %add3A_1449, %scan3A_1448 : i32
        %broadcast_in_dim3A_1451 = arith.constant 0 : i32
        %broadcast_in_dim3A_1452 = vector.broadcast %broadcast_in_dim3A_1451 : i32 to vector<16xi32>
        %add3A_1453 = vector.broadcast %scan3A_1448 : i32 to vector<16xi32>
        %add3A_1454 = arith.addi %broadcast_in_dim3A_1452, %add3A_1453 : vector<16xi32>
        %get3A_1455 = arith.index_cast %add3A_1450 : i32 to index
        %get3A_1456 = arith.constant 0 : index
        %get3A_1457 = tpu.vector_load %arg6[%get3A_1455, %get3A_1456] {strides = array<i32>} : memref<512x32xf32, #tpu.memory_space<vmem>>, vector<16xf32>,
        %get3A_1458 = arith.index_cast %add3A_1450 : i32 to index
        %get3A_1459 = arith.constant 16 : index
        %get3A_1460 = tpu.vector_load %arg6[%get3A_1458, %get3A_1459] {strides = array<i32>} : memref<512x32xf32, #tpu.memory_space<vmem>>, vector<16xf32>,
        tpu.vector_store_idx %arg8[%add3A_575, %add3A_1454], %get3A_1457 : memref<128x129xf32, #tpu.memory_space<vmem>>[vector<16xi32>, vector<16xi32>], vector<16xf32>,
        tpu.vector_store_idx %arg8[%add3A_578, %add3A_1454], %get3A_1460 : memref<128x129xf32, #tpu.memory_space<vmem>>[vector<16xi32>, vector<16xi32>], vector<16xf32>,
      }
      %scan3A_584 = arith.constant 128 : i32
      %add3A_585 = arith.constant 32 : i32
      %add3A_586 = vector.broadcast %add3A_585 : i32 to vector<16xi32>
      %add3A_587 = arith.addi %iota3A, %add3A_586 : vector<16xi32>
      %add3A_588 = arith.constant 16 : i32
      %add3A_589 = vector.broadcast %add3A_588 : i32 to vector<16xi32>
      %add3A_590 = arith.addi %add3A_587, %add3A_589 : vector<16xi32>
      %scan3A_591 = arith.constant 0 : i32
      %scan3A_592 = arith.constant 0 : i32
      %scan3A_593 = arith.constant 128 : i32
      %scan3A_594 = arith.addi %scan3A_592, %scan3A_593 : i32
      %scan3A_595 = arith.constant 4 : i32
      scf.for %scan3A_1408 = %scan3A_592 to %scan3A_594 step %scan3A_595  : i32 {
        %add3A_1409 = arith.constant 128 : i32
        %add3A_1410 = arith.addi %add3A_1409, %scan3A_1408 : i32
        %broadcast_in_dim3A = arith.constant 0 : i32
        %broadcast_in_dim3A_1411 = vector.broadcast %broadcast_in_dim3A : i32 to vector<16xi32>
        %add3A_1412 = vector.broadcast %scan3A_1408 : i32 to vector<16xi32>
        %add3A_1413 = arith.addi %broadcast_in_dim3A_1411, %add3A_1412 : vector<16xi32>
        %get3A = arith.index_cast %add3A_1410 : i32 to index
        %get3A_1414 = arith.constant 0 : index
        %get3A_1415 = tpu.vector_load %arg6[%get3A, %get3A_1414] {strides = array<i32>} : memref<512x32xf32, #tpu.memory_space<vmem>>, vector<16xf32>,
        %get3A_1416 = arith.index_cast %add3A_1410 : i32 to index
        %get3A_1417 = arith.constant 16 : index
        %get3A_1418 = tpu.vector_load %arg6[%get3A_1416, %get3A_1417] {strides = array<i32>} : memref<512x32xf32, #tpu.memory_space<vmem>>, vector<16xf32>,
        tpu.vector_store_idx %arg8[%add3A_587, %add3A_1413], %get3A_1415 : memref<128x129xf32, #tpu.memory_space<vmem>>[vector<16xi32>, vector<16xi32>], vector<16xf32>,
        tpu.vector_store_idx %arg8[%add3A_590, %add3A_1413], %get3A_1418 : memref<128x129xf32, #tpu.memory_space<vmem>>[vector<16xi32>, vector<16xi32>], vector<16xf32>,
        %scan3A_1419 = arith.constant 1 : i32
        %scan3A_1420 = arith.addi %scan3A_1408, %scan3A_1419 : i32
        %add3A_1421 = arith.constant 128 : i32
        %add3A_1422 = arith.addi %add3A_1421, %scan3A_1420 : i32
        %broadcast_in_dim3A_1423 = arith.constant 0 : i32
        %broadcast_in_dim3A_1424 = vector.broadcast %broadcast_in_dim3A_1423 : i32 to vector<16xi32>
        %add3A_1425 = vector.broadcast %scan3A_1420 : i32 to vector<16xi32>
        %add3A_1426 = arith.addi %broadcast_in_dim3A_1424, %add3A_1425 : vector<16xi32>
        %get3A_1427 = arith.index_cast %add3A_1422 : i32 to index
        %get3A_1428 = arith.constant 0 : index
        %get3A_1429 = tpu.vector_load %arg6[%get3A_1427, %get3A_1428] {strides = array<i32>} : memref<512x32xf32, #tpu.memory_space<vmem>>, vector<16xf32>,
        %get3A_1430 = arith.index_cast %add3A_1422 : i32 to index
        %get3A_1431 = arith.constant 16 : index
        %get3A_1432 = tpu.vector_load %arg6[%get3A_1430, %get3A_1431] {strides = array<i32>} : memref<512x32xf32, #tpu.memory_space<vmem>>, vector<16xf32>,
        tpu.vector_store_idx %arg8[%add3A_587, %add3A_1426], %get3A_1429 : memref<128x129xf32, #tpu.memory_space<vmem>>[vector<16xi32>, vector<16xi32>], vector<16xf32>,
        tpu.vector_store_idx %arg8[%add3A_590, %add3A_1426], %get3A_1432 : memref<128x129xf32, #tpu.memory_space<vmem>>[vector<16xi32>, vector<16xi32>], vector<16xf32>,
        %scan3A_1433 = arith.constant 2 : i32
        %scan3A_1434 = arith.addi %scan3A_1408, %scan3A_1433 : i32
        %add3A_1435 = arith.constant 128 : i32
        %add3A_1436 = arith.addi %add3A_1435, %scan3A_1434 : i32
        %broadcast_in_dim3A_1437 = arith.constant 0 : i32
        %broadcast_in_dim3A_1438 = vector.broadcast %broadcast_in_dim3A_1437 : i32 to vector<16xi32>
        %add3A_1439 = vector.broadcast %scan3A_1434 : i32 to vector<16xi32>
        %add3A_1440 = arith.addi %broadcast_in_dim3A_1438, %add3A_1439 : vector<16xi32>
        %get3A_1441 = arith.index_cast %add3A_1436 : i32 to index
        %get3A_1442 = arith.constant 0 : index
        %get3A_1443 = tpu.vector_load %arg6[%get3A_1441, %get3A_1442] {strides = array<i32>} : memref<512x32xf32, #tpu.memory_space<vmem>>, vector<16xf32>,
        %get3A_1444 = arith.index_cast %add3A_1436 : i32 to index
        %get3A_1445 = arith.constant 16 : index
        %get3A_1446 = tpu.vector_load %arg6[%get3A_1444, %get3A_1445] {strides = array<i32>} : memref<512x32xf32, #tpu.memory_space<vmem>>, vector<16xf32>,
        tpu.vector_store_idx %arg8[%add3A_587, %add3A_1440], %get3A_1443 : memref<128x129xf32, #tpu.memory_space<vmem>>[vector<16xi32>, vector<16xi32>], vector<16xf32>,
        tpu.vector_store_idx %arg8[%add3A_590, %add3A_1440], %get3A_1446 : memref<128x129xf32, #tpu.memory_space<vmem>>[vector<16xi32>, vector<16xi32>], vector<16xf32>,
        %scan3A_1447 = arith.constant 3 : i32
        %scan3A_1448 = arith.addi %scan3A_1408, %scan3A_1447 : i32
        %add3A_1449 = arith.constant 128 : i32
        %add3A_1450 = arith.addi %add3A_1449, %scan3A_1448 : i32
        %broadcast_in_dim3A_1451 = arith.constant 0 : i32
        %broadcast_in_dim3A_1452 = vector.broadcast %broadcast_in_dim3A_1451 : i32 to vector<16xi32>
        %add3A_1453 = vector.broadcast %scan3A_1448 : i32 to vector<16xi32>
        %add3A_1454 = arith.addi %broadcast_in_dim3A_1452, %add3A_1453 : vector<16xi32>
        %get3A_1455 = arith.index_cast %add3A_1450 : i32 to index
        %get3A_1456 = arith.constant 0 : index
        %get3A_1457 = tpu.vector_load %arg6[%get3A_1455, %get3A_1456] {strides = array<i32>} : memref<512x32xf32, #tpu.memory_space<vmem>>, vector<16xf32>,
        %get3A_1458 = arith.index_cast %add3A_1450 : i32 to index
        %get3A_1459 = arith.constant 16 : index
        %get3A_1460 = tpu.vector_load %arg6[%get3A_1458, %get3A_1459] {strides = array<i32>} : memref<512x32xf32, #tpu.memory_space<vmem>>, vector<16xf32>,
        tpu.vector_store_idx %arg8[%add3A_587, %add3A_1454], %get3A_1457 : memref<128x129xf32, #tpu.memory_space<vmem>>[vector<16xi32>, vector<16xi32>], vector<16xf32>,
        tpu.vector_store_idx %arg8[%add3A_590, %add3A_1454], %get3A_1460 : memref<128x129xf32, #tpu.memory_space<vmem>>[vector<16xi32>, vector<16xi32>], vector<16xf32>,
      }
      %scan3A_596 = arith.constant 128 : i32
      %add3A_597 = arith.constant 64 : i32
      %add3A_598 = vector.broadcast %add3A_597 : i32 to vector<16xi32>
      %add3A_599 = arith.addi %iota3A, %add3A_598 : vector<16xi32>
      %add3A_600 = arith.constant 16 : i32
      %add3A_601 = vector.broadcast %add3A_600 : i32 to vector<16xi32>
      %add3A_602 = arith.addi %add3A_599, %add3A_601 : vector<16xi32>
      %scan3A_603 = arith.constant 0 : i32
      %scan3A_604 = arith.constant 0 : i32
      %scan3A_605 = arith.constant 128 : i32
      %scan3A_606 = arith.addi %scan3A_604, %scan3A_605 : i32
      %scan3A_607 = arith.constant 4 : i32
      scf.for %scan3A_1408 = %scan3A_604 to %scan3A_606 step %scan3A_607  : i32 {
        %add3A_1409 = arith.constant 256 : i32
        %add3A_1410 = arith.addi %add3A_1409, %scan3A_1408 : i32
        %broadcast_in_dim3A = arith.constant 0 : i32
        %broadcast_in_dim3A_1411 = vector.broadcast %broadcast_in_dim3A : i32 to vector<16xi32>
        %add3A_1412 = vector.broadcast %scan3A_1408 : i32 to vector<16xi32>
        %add3A_1413 = arith.addi %broadcast_in_dim3A_1411, %add3A_1412 : vector<16xi32>
        %get3A = arith.index_cast %add3A_1410 : i32 to index
        %get3A_1414 = arith.constant 0 : index
        %get3A_1415 = tpu.vector_load %arg6[%get3A, %get3A_1414] {strides = array<i32>} : memref<512x32xf32, #tpu.memory_space<vmem>>, vector<16xf32>,
        %get3A_1416 = arith.index_cast %add3A_1410 : i32 to index
        %get3A_1417 = arith.constant 16 : index
        %get3A_1418 = tpu.vector_load %arg6[%get3A_1416, %get3A_1417] {strides = array<i32>} : memref<512x32xf32, #tpu.memory_space<vmem>>, vector<16xf32>,
        tpu.vector_store_idx %arg8[%add3A_599, %add3A_1413], %get3A_1415 : memref<128x129xf32, #tpu.memory_space<vmem>>[vector<16xi32>, vector<16xi32>], vector<16xf32>,
        tpu.vector_store_idx %arg8[%add3A_602, %add3A_1413], %get3A_1418 : memref<128x129xf32, #tpu.memory_space<vmem>>[vector<16xi32>, vector<16xi32>], vector<16xf32>,
        %scan3A_1419 = arith.constant 1 : i32
        %scan3A_1420 = arith.addi %scan3A_1408, %scan3A_1419 : i32
        %add3A_1421 = arith.constant 256 : i32
        %add3A_1422 = arith.addi %add3A_1421, %scan3A_1420 : i32
        %broadcast_in_dim3A_1423 = arith.constant 0 : i32
        %broadcast_in_dim3A_1424 = vector.broadcast %broadcast_in_dim3A_1423 : i32 to vector<16xi32>
        %add3A_1425 = vector.broadcast %scan3A_1420 : i32 to vector<16xi32>
        %add3A_1426 = arith.addi %broadcast_in_dim3A_1424, %add3A_1425 : vector<16xi32>
        %get3A_1427 = arith.index_cast %add3A_1422 : i32 to index
        %get3A_1428 = arith.constant 0 : index
        %get3A_1429 = tpu.vector_load %arg6[%get3A_1427, %get3A_1428] {strides = array<i32>} : memref<512x32xf32, #tpu.memory_space<vmem>>, vector<16xf32>,
        %get3A_1430 = arith.index_cast %add3A_1422 : i32 to index
        %get3A_1431 = arith.constant 16 : index
        %get3A_1432 = tpu.vector_load %arg6[%get3A_1430, %get3A_1431] {strides = array<i32>} : memref<512x32xf32, #tpu.memory_space<vmem>>, vector<16xf32>,
        tpu.vector_store_idx %arg8[%add3A_599, %add3A_1426], %get3A_1429 : memref<128x129xf32, #tpu.memory_space<vmem>>[vector<16xi32>, vector<16xi32>], vector<16xf32>,
        tpu.vector_store_idx %arg8[%add3A_602, %add3A_1426], %get3A_1432 : memref<128x129xf32, #tpu.memory_space<vmem>>[vector<16xi32>, vector<16xi32>], vector<16xf32>,
        %scan3A_1433 = arith.constant 2 : i32
        %scan3A_1434 = arith.addi %scan3A_1408, %scan3A_1433 : i32
        %add3A_1435 = arith.constant 256 : i32
        %add3A_1436 = arith.addi %add3A_1435, %scan3A_1434 : i32
        %broadcast_in_dim3A_1437 = arith.constant 0 : i32
        %broadcast_in_dim3A_1438 = vector.broadcast %broadcast_in_dim3A_1437 : i32 to vector<16xi32>
        %add3A_1439 = vector.broadcast %scan3A_1434 : i32 to vector<16xi32>
        %add3A_1440 = arith.addi %broadcast_in_dim3A_1438, %add3A_1439 : vector<16xi32>
        %get3A_1441 = arith.index_cast %add3A_1436 : i32 to index
        %get3A_1442 = arith.constant 0 : index
        %get3A_1443 = tpu.vector_load %arg6[%get3A_1441, %get3A_1442] {strides = array<i32>} : memref<512x32xf32, #tpu.memory_space<vmem>>, vector<16xf32>,
        %get3A_1444 = arith.index_cast %add3A_1436 : i32 to index
        %get3A_1445 = arith.constant 16 : index
        %get3A_1446 = tpu.vector_load %arg6[%get3A_1444, %get3A_1445] {strides = array<i32>} : memref<512x32xf32, #tpu.memory_space<vmem>>, vector<16xf32>,
        tpu.vector_store_idx %arg8[%add3A_599, %add3A_1440], %get3A_1443 : memref<128x129xf32, #tpu.memory_space<vmem>>[vector<16xi32>, vector<16xi32>], vector<16xf32>,
        tpu.vector_store_idx %arg8[%add3A_602, %add3A_1440], %get3A_1446 : memref<128x129xf32, #tpu.memory_space<vmem>>[vector<16xi32>, vector<16xi32>], vector<16xf32>,
        %scan3A_1447 = arith.constant 3 : i32
        %scan3A_1448 = arith.addi %scan3A_1408, %scan3A_1447 : i32
        %add3A_1449 = arith.constant 256 : i32
        %add3A_1450 = arith.addi %add3A_1449, %scan3A_1448 : i32
        %broadcast_in_dim3A_1451 = arith.constant 0 : i32
        %broadcast_in_dim3A_1452 = vector.broadcast %broadcast_in_dim3A_1451 : i32 to vector<16xi32>
        %add3A_1453 = vector.broadcast %scan3A_1448 : i32 to vector<16xi32>
        %add3A_1454 = arith.addi %broadcast_in_dim3A_1452, %add3A_1453 : vector<16xi32>
        %get3A_1455 = arith.index_cast %add3A_1450 : i32 to index
        %get3A_1456 = arith.constant 0 : index
        %get3A_1457 = tpu.vector_load %arg6[%get3A_1455, %get3A_1456] {strides = array<i32>} : memref<512x32xf32, #tpu.memory_space<vmem>>, vector<16xf32>,
        %get3A_1458 = arith.index_cast %add3A_1450 : i32 to index
        %get3A_1459 = arith.constant 16 : index
        %get3A_1460 = tpu.vector_load %arg6[%get3A_1458, %get3A_1459] {strides = array<i32>} : memref<512x32xf32, #tpu.memory_space<vmem>>, vector<16xf32>,
        tpu.vector_store_idx %arg8[%add3A_599, %add3A_1454], %get3A_1457 : memref<128x129xf32, #tpu.memory_space<vmem>>[vector<16xi32>, vector<16xi32>], vector<16xf32>,
        tpu.vector_store_idx %arg8[%add3A_602, %add3A_1454], %get3A_1460 : memref<128x129xf32, #tpu.memory_space<vmem>>[vector<16xi32>, vector<16xi32>], vector<16xf32>,
      }
      %scan3A_608 = arith.constant 128 : i32
      %add3A_609 = arith.constant 96 : i32
      %add3A_610 = vector.broadcast %add3A_609 : i32 to vector<16xi32>
      %add3A_611 = arith.addi %iota3A, %add3A_610 : vector<16xi32>
      %add3A_612 = arith.constant 16 : i32
      %add3A_613 = vector.broadcast %add3A_612 : i32 to vector<16xi32>
      %add3A_614 = arith.addi %add3A_611, %add3A_613 : vector<16xi32>
      %scan3A_615 = arith.constant 0 : i32
      %scan3A_616 = arith.constant 0 : i32
      %scan3A_617 = arith.constant 128 : i32
      %scan3A_618 = arith.addi %scan3A_616, %scan3A_617 : i32
      %scan3A_619 = arith.constant 4 : i32
      scf.for %scan3A_1408 = %scan3A_616 to %scan3A_618 step %scan3A_619  : i32 {
        %add3A_1409 = arith.constant 384 : i32
        %add3A_1410 = arith.addi %add3A_1409, %scan3A_1408 : i32
        %broadcast_in_dim3A = arith.constant 0 : i32
        %broadcast_in_dim3A_1411 = vector.broadcast %broadcast_in_dim3A : i32 to vector<16xi32>
        %add3A_1412 = vector.broadcast %scan3A_1408 : i32 to vector<16xi32>
        %add3A_1413 = arith.addi %broadcast_in_dim3A_1411, %add3A_1412 : vector<16xi32>
        %get3A = arith.index_cast %add3A_1410 : i32 to index
        %get3A_1414 = arith.constant 0 : index
        %get3A_1415 = tpu.vector_load %arg6[%get3A, %get3A_1414] {strides = array<i32>} : memref<512x32xf32, #tpu.memory_space<vmem>>, vector<16xf32>,
        %get3A_1416 = arith.index_cast %add3A_1410 : i32 to index
        %get3A_1417 = arith.constant 16 : index
        %get3A_1418 = tpu.vector_load %arg6[%get3A_1416, %get3A_1417] {strides = array<i32>} : memref<512x32xf32, #tpu.memory_space<vmem>>, vector<16xf32>,
        tpu.vector_store_idx %arg8[%add3A_611, %add3A_1413], %get3A_1415 : memref<128x129xf32, #tpu.memory_space<vmem>>[vector<16xi32>, vector<16xi32>], vector<16xf32>,
        tpu.vector_store_idx %arg8[%add3A_614, %add3A_1413], %get3A_1418 : memref<128x129xf32, #tpu.memory_space<vmem>>[vector<16xi32>, vector<16xi32>], vector<16xf32>,
        %scan3A_1419 = arith.constant 1 : i32
        %scan3A_1420 = arith.addi %scan3A_1408, %scan3A_1419 : i32
        %add3A_1421 = arith.constant 384 : i32
        %add3A_1422 = arith.addi %add3A_1421, %scan3A_1420 : i32
        %broadcast_in_dim3A_1423 = arith.constant 0 : i32
        %broadcast_in_dim3A_1424 = vector.broadcast %broadcast_in_dim3A_1423 : i32 to vector<16xi32>
        %add3A_1425 = vector.broadcast %scan3A_1420 : i32 to vector<16xi32>
        %add3A_1426 = arith.addi %broadcast_in_dim3A_1424, %add3A_1425 : vector<16xi32>
        %get3A_1427 = arith.index_cast %add3A_1422 : i32 to index
        %get3A_1428 = arith.constant 0 : index
        %get3A_1429 = tpu.vector_load %arg6[%get3A_1427, %get3A_1428] {strides = array<i32>} : memref<512x32xf32, #tpu.memory_space<vmem>>, vector<16xf32>,
        %get3A_1430 = arith.index_cast %add3A_1422 : i32 to index
        %get3A_1431 = arith.constant 16 : index
        %get3A_1432 = tpu.vector_load %arg6[%get3A_1430, %get3A_1431] {strides = array<i32>} : memref<512x32xf32, #tpu.memory_space<vmem>>, vector<16xf32>,
        tpu.vector_store_idx %arg8[%add3A_611, %add3A_1426], %get3A_1429 : memref<128x129xf32, #tpu.memory_space<vmem>>[vector<16xi32>, vector<16xi32>], vector<16xf32>,
        tpu.vector_store_idx %arg8[%add3A_614, %add3A_1426], %get3A_1432 : memref<128x129xf32, #tpu.memory_space<vmem>>[vector<16xi32>, vector<16xi32>], vector<16xf32>,
        %scan3A_1433 = arith.constant 2 : i32
        %scan3A_1434 = arith.addi %scan3A_1408, %scan3A_1433 : i32
        %add3A_1435 = arith.constant 384 : i32
        %add3A_1436 = arith.addi %add3A_1435, %scan3A_1434 : i32
        %broadcast_in_dim3A_1437 = arith.constant 0 : i32
        %broadcast_in_dim3A_1438 = vector.broadcast %broadcast_in_dim3A_1437 : i32 to vector<16xi32>
        %add3A_1439 = vector.broadcast %scan3A_1434 : i32 to vector<16xi32>
        %add3A_1440 = arith.addi %broadcast_in_dim3A_1438, %add3A_1439 : vector<16xi32>
        %get3A_1441 = arith.index_cast %add3A_1436 : i32 to index
        %get3A_1442 = arith.constant 0 : index
        %get3A_1443 = tpu.vector_load %arg6[%get3A_1441, %get3A_1442] {strides = array<i32>} : memref<512x32xf32, #tpu.memory_space<vmem>>, vector<16xf32>,
        %get3A_1444 = arith.index_cast %add3A_1436 : i32 to index
        %get3A_1445 = arith.constant 16 : index
        %get3A_1446 = tpu.vector_load %arg6[%get3A_1444, %get3A_1445] {strides = array<i32>} : memref<512x32xf32, #tpu.memory_space<vmem>>, vector<16xf32>,
        tpu.vector_store_idx %arg8[%add3A_611, %add3A_1440], %get3A_1443 : memref<128x129xf32, #tpu.memory_space<vmem>>[vector<16xi32>, vector<16xi32>], vector<16xf32>,
        tpu.vector_store_idx %arg8[%add3A_614, %add3A_1440], %get3A_1446 : memref<128x129xf32, #tpu.memory_space<vmem>>[vector<16xi32>, vector<16xi32>], vector<16xf32>,
        %scan3A_1447 = arith.constant 3 : i32
        %scan3A_1448 = arith.addi %scan3A_1408, %scan3A_1447 : i32
        %add3A_1449 = arith.constant 384 : i32
        %add3A_1450 = arith.addi %add3A_1449, %scan3A_1448 : i32
        %broadcast_in_dim3A_1451 = arith.constant 0 : i32
        %broadcast_in_dim3A_1452 = vector.broadcast %broadcast_in_dim3A_1451 : i32 to vector<16xi32>
        %add3A_1453 = vector.broadcast %scan3A_1448 : i32 to vector<16xi32>
        %add3A_1454 = arith.addi %broadcast_in_dim3A_1452, %add3A_1453 : vector<16xi32>
        %get3A_1455 = arith.index_cast %add3A_1450 : i32 to index
        %get3A_1456 = arith.constant 0 : index
        %get3A_1457 = tpu.vector_load %arg6[%get3A_1455, %get3A_1456] {strides = array<i32>} : memref<512x32xf32, #tpu.memory_space<vmem>>, vector<16xf32>,
        %get3A_1458 = arith.index_cast %add3A_1450 : i32 to index
        %get3A_1459 = arith.constant 16 : index
        %get3A_1460 = tpu.vector_load %arg6[%get3A_1458, %get3A_1459] {strides = array<i32>} : memref<512x32xf32, #tpu.memory_space<vmem>>, vector<16xf32>,
        tpu.vector_store_idx %arg8[%add3A_611, %add3A_1454], %get3A_1457 : memref<128x129xf32, #tpu.memory_space<vmem>>[vector<16xi32>, vector<16xi32>], vector<16xf32>,
        tpu.vector_store_idx %arg8[%add3A_614, %add3A_1454], %get3A_1460 : memref<128x129xf32, #tpu.memory_space<vmem>>[vector<16xi32>, vector<16xi32>], vector<16xf32>,
      }
      %scan3A_620 = arith.constant 128 : i32
      %mul3A_621 = arith.constant 4 : i32
      %mul3A_622 = arith.muli %add3A_561, %mul3A_621 : i32
      %add3A_623 = arith.addi %mul3A_2, %mul3A_622 : i32
      %add3A_624 = arith.constant 0 : i32
      %add3A_625 = arith.addi %add3A_623, %add3A_624 : i32
      %jit3A = arith.constant 32 : i32
      %div3A = arith.divsi %add3A_625, %jit3A : i32
      %sign3A = arith.constant 0 : i32
      %sign3A_626 = arith.cmpi sgt, %add3A_625, %sign3A : i32
      %sign3A_627 = arith.extui %sign3A_626 : i1 to i32
      %sign3A_628 = arith.constant 0 : i32
      %sign3A_629 = arith.cmpi slt, %add3A_625, %sign3A_628 : i32
      %sign3A_630 = arith.extui %sign3A_629 : i1 to i32
      %sign3A_631 = arith.subi %sign3A_627, %sign3A_630 : i32
      %sign3A_632 = arith.constant 0 : i32
      %sign3A_633 = arith.cmpi sgt, %jit3A, %sign3A_632 : i32
      %sign3A_634 = arith.extui %sign3A_633 : i1 to i32
      %sign3A_635 = arith.constant 0 : i32
      %sign3A_636 = arith.cmpi slt, %jit3A, %sign3A_635 : i32
      %sign3A_637 = arith.extui %sign3A_636 : i1 to i32
      %sign3A_638 = arith.subi %sign3A_634, %sign3A_637 : i32
      %ne3A = arith.cmpi ne, %sign3A_631, %sign3A_638 : i32
      %rem3A = arith.remsi %add3A_625, %jit3A : i32
      %ne3A_639 = arith.constant 0 : i32
      %ne3A_640 = arith.cmpi ne, %rem3A, %ne3A_639 : i32
      %and3A = arith.andi %ne3A, %ne3A_640 : i1
      %sub3A = arith.constant 1 : i32
      %sub3A_641 = arith.subi %div3A, %sub3A : i32
      %select_n3A = arith.select %and3A, %sub3A_641, %div3A : i32
      %rem3A_642 = arith.constant 32 : i32
      %rem3A_643 = arith.remsi %add3A_625, %rem3A_642 : i32
      %dma_start3A_644 = arith.constant 0 : i32
      %dma_start3A_645 = arith.constant 0 : i32
      %dma_start3A_646 = arith.constant 0 : i32
      %dma_start3A_647 = tpu.memref_slice %arg8[%dma_start3A_645, %dma_start3A_646] : memref<128x129xf32, #tpu.memory_space<vmem>> -> memref<8x128xf32, #tpu.memory_space<vmem>>
      %dma_start3A_648 = arith.constant 0 : i32
      %dma_start3A_649 = arith.constant 0 : i32
      %dma_start3A_650 = tpu.memref_slice %arg4[%select_n3A, %dma_start3A_644, %rem3A_643, %dma_start3A_648, %dma_start3A_649] : memref<200x4x32x8x128xf32, #tpu.memory_space<hbm>> -> memref<1x1x1x8x128xf32, #tpu.memory_space<hbm>>
      %dma_start3A_651 = tpu.memref_squeeze %dma_start3A_650 : memref<1x1x1x8x128xf32, #tpu.memory_space<hbm>> -> memref<8x128xf32, #tpu.memory_space<hbm>>
      %dma_start3A_652 = arith.constant 0 : i32
      %dma_start3A_653 = arith.constant 0 : i32
      %dma_start3A_654 = tpu.memref_slice %arg4[%select_n3A, %dma_start3A_644, %rem3A_643, %dma_start3A_652, %dma_start3A_653] : memref<200x4x32x8x128xf32, #tpu.memory_space<hbm>> -> memref<1x1x1x8x128xf32, #tpu.memory_space<hbm>>
      %dma_start3A_655 = tpu.memref_squeeze %dma_start3A_654 : memref<1x1x1x8x128xf32, #tpu.memory_space<hbm>> -> memref<8x128xf32, #tpu.memory_space<hbm>>
      %dma_start3A_656 = arith.constant 0 : i32
      %dma_start3A_657 = arith.constant 0 : i32
      %dma_start3A_658 = tpu.memref_slice %arg8[%dma_start3A_656, %dma_start3A_657] : memref<128x129xf32, #tpu.memory_space<vmem>> -> memref<8x128xf32, #tpu.memory_space<vmem>>
      tpu.enqueue_dma source(%dma_start3A_658 : memref<8x128xf32, #tpu.memory_space<vmem>>) target(%dma_start3A_655 : memref<8x128xf32, #tpu.memory_space<hbm>>) target_semaphore(%arg13 : memref<!tpu.dma_semaphore, #tpu.memory_space<semaphore_mem>>)
      %dma_start3A_659 = arith.constant 1 : i32
      %dma_start3A_660 = arith.constant 8 : i32
      %dma_start3A_661 = arith.constant 0 : i32
      %dma_start3A_662 = tpu.memref_slice %arg8[%dma_start3A_660, %dma_start3A_661] : memref<128x129xf32, #tpu.memory_space<vmem>> -> memref<8x128xf32, #tpu.memory_space<vmem>>
      %dma_start3A_663 = arith.constant 0 : i32
      %dma_start3A_664 = arith.constant 0 : i32
      %dma_start3A_665 = tpu.memref_slice %arg4[%select_n3A, %dma_start3A_659, %rem3A_643, %dma_start3A_663, %dma_start3A_664] : memref<200x4x32x8x128xf32, #tpu.memory_space<hbm>> -> memref<1x1x1x8x128xf32, #tpu.memory_space<hbm>>
      %dma_start3A_666 = tpu.memref_squeeze %dma_start3A_665 : memref<1x1x1x8x128xf32, #tpu.memory_space<hbm>> -> memref<8x128xf32, #tpu.memory_space<hbm>>
      %dma_start3A_667 = arith.constant 0 : i32
      %dma_start3A_668 = arith.constant 0 : i32
      %dma_start3A_669 = tpu.memref_slice %arg4[%select_n3A, %dma_start3A_659, %rem3A_643, %dma_start3A_667, %dma_start3A_668] : memref<200x4x32x8x128xf32, #tpu.memory_space<hbm>> -> memref<1x1x1x8x128xf32, #tpu.memory_space<hbm>>
      %dma_start3A_670 = tpu.memref_squeeze %dma_start3A_669 : memref<1x1x1x8x128xf32, #tpu.memory_space<hbm>> -> memref<8x128xf32, #tpu.memory_space<hbm>>
      %dma_start3A_671 = arith.constant 8 : i32
      %dma_start3A_672 = arith.constant 0 : i32
      %dma_start3A_673 = tpu.memref_slice %arg8[%dma_start3A_671, %dma_start3A_672] : memref<128x129xf32, #tpu.memory_space<vmem>> -> memref<8x128xf32, #tpu.memory_space<vmem>>
      tpu.enqueue_dma source(%dma_start3A_673 : memref<8x128xf32, #tpu.memory_space<vmem>>) target(%dma_start3A_670 : memref<8x128xf32, #tpu.memory_space<hbm>>) target_semaphore(%arg13 : memref<!tpu.dma_semaphore, #tpu.memory_space<semaphore_mem>>)
      %dma_start3A_674 = arith.constant 2 : i32
      %dma_start3A_675 = arith.constant 16 : i32
      %dma_start3A_676 = arith.constant 0 : i32
      %dma_start3A_677 = tpu.memref_slice %arg8[%dma_start3A_675, %dma_start3A_676] : memref<128x129xf32, #tpu.memory_space<vmem>> -> memref<8x128xf32, #tpu.memory_space<vmem>>
      %dma_start3A_678 = arith.constant 0 : i32
      %dma_start3A_679 = arith.constant 0 : i32
      %dma_start3A_680 = tpu.memref_slice %arg4[%select_n3A, %dma_start3A_674, %rem3A_643, %dma_start3A_678, %dma_start3A_679] : memref<200x4x32x8x128xf32, #tpu.memory_space<hbm>> -> memref<1x1x1x8x128xf32, #tpu.memory_space<hbm>>
      %dma_start3A_681 = tpu.memref_squeeze %dma_start3A_680 : memref<1x1x1x8x128xf32, #tpu.memory_space<hbm>> -> memref<8x128xf32, #tpu.memory_space<hbm>>
      %dma_start3A_682 = arith.constant 0 : i32
      %dma_start3A_683 = arith.constant 0 : i32
      %dma_start3A_684 = tpu.memref_slice %arg4[%select_n3A, %dma_start3A_674, %rem3A_643, %dma_start3A_682, %dma_start3A_683] : memref<200x4x32x8x128xf32, #tpu.memory_space<hbm>> -> memref<1x1x1x8x128xf32, #tpu.memory_space<hbm>>
      %dma_start3A_685 = tpu.memref_squeeze %dma_start3A_684 : memref<1x1x1x8x128xf32, #tpu.memory_space<hbm>> -> memref<8x128xf32, #tpu.memory_space<hbm>>
      %dma_start3A_686 = arith.constant 16 : i32
      %dma_start3A_687 = arith.constant 0 : i32
      %dma_start3A_688 = tpu.memref_slice %arg8[%dma_start3A_686, %dma_start3A_687] : memref<128x129xf32, #tpu.memory_space<vmem>> -> memref<8x128xf32, #tpu.memory_space<vmem>>
      tpu.enqueue_dma source(%dma_start3A_688 : memref<8x128xf32, #tpu.memory_space<vmem>>) target(%dma_start3A_685 : memref<8x128xf32, #tpu.memory_space<hbm>>) target_semaphore(%arg13 : memref<!tpu.dma_semaphore, #tpu.memory_space<semaphore_mem>>)
      %dma_start3A_689 = arith.constant 3 : i32
      %dma_start3A_690 = arith.constant 24 : i32
      %dma_start3A_691 = arith.constant 0 : i32
      %dma_start3A_692 = tpu.memref_slice %arg8[%dma_start3A_690, %dma_start3A_691] : memref<128x129xf32, #tpu.memory_space<vmem>> -> memref<8x128xf32, #tpu.memory_space<vmem>>
      %dma_start3A_693 = arith.constant 0 : i32
      %dma_start3A_694 = arith.constant 0 : i32
      %dma_start3A_695 = tpu.memref_slice %arg4[%select_n3A, %dma_start3A_689, %rem3A_643, %dma_start3A_693, %dma_start3A_694] : memref<200x4x32x8x128xf32, #tpu.memory_space<hbm>> -> memref<1x1x1x8x128xf32, #tpu.memory_space<hbm>>
      %dma_start3A_696 = tpu.memref_squeeze %dma_start3A_695 : memref<1x1x1x8x128xf32, #tpu.memory_space<hbm>> -> memref<8x128xf32, #tpu.memory_space<hbm>>
      %dma_start3A_697 = arith.constant 0 : i32
      %dma_start3A_698 = arith.constant 0 : i32
      %dma_start3A_699 = tpu.memref_slice %arg4[%select_n3A, %dma_start3A_689, %rem3A_643, %dma_start3A_697, %dma_start3A_698] : memref<200x4x32x8x128xf32, #tpu.memory_space<hbm>> -> memref<1x1x1x8x128xf32, #tpu.memory_space<hbm>>
      %dma_start3A_700 = tpu.memref_squeeze %dma_start3A_699 : memref<1x1x1x8x128xf32, #tpu.memory_space<hbm>> -> memref<8x128xf32, #tpu.memory_space<hbm>>
      %dma_start3A_701 = arith.constant 24 : i32
      %dma_start3A_702 = arith.constant 0 : i32
      %dma_start3A_703 = tpu.memref_slice %arg8[%dma_start3A_701, %dma_start3A_702] : memref<128x129xf32, #tpu.memory_space<vmem>> -> memref<8x128xf32, #tpu.memory_space<vmem>>
      tpu.enqueue_dma source(%dma_start3A_703 : memref<8x128xf32, #tpu.memory_space<vmem>>) target(%dma_start3A_700 : memref<8x128xf32, #tpu.memory_space<hbm>>) target_semaphore(%arg13 : memref<!tpu.dma_semaphore, #tpu.memory_space<semaphore_mem>>)
      %mul3A_704 = arith.constant 4 : i32
      %mul3A_705 = arith.muli %add3A_561, %mul3A_704 : i32
      %add3A_706 = arith.addi %mul3A_2, %mul3A_705 : i32
      %add3A_707 = arith.constant 1 : i32
      %add3A_708 = arith.addi %add3A_706, %add3A_707 : i32
      %jit3A_709 = arith.constant 32 : i32
      %div3A_710 = arith.divsi %add3A_708, %jit3A_709 : i32
      %sign3A_711 = arith.constant 0 : i32
      %sign3A_712 = arith.cmpi sgt, %add3A_708, %sign3A_711 : i32
      %sign3A_713 = arith.extui %sign3A_712 : i1 to i32
      %sign3A_714 = arith.constant 0 : i32
      %sign3A_715 = arith.cmpi slt, %add3A_708, %sign3A_714 : i32
      %sign3A_716 = arith.extui %sign3A_715 : i1 to i32
      %sign3A_717 = arith.subi %sign3A_713, %sign3A_716 : i32
      %sign3A_718 = arith.constant 0 : i32
      %sign3A_719 = arith.cmpi sgt, %jit3A_709, %sign3A_718 : i32
      %sign3A_720 = arith.extui %sign3A_719 : i1 to i32
      %sign3A_721 = arith.constant 0 : i32
      %sign3A_722 = arith.cmpi slt, %jit3A_709, %sign3A_721 : i32
      %sign3A_723 = arith.extui %sign3A_722 : i1 to i32
      %sign3A_724 = arith.subi %sign3A_720, %sign3A_723 : i32
      %ne3A_725 = arith.cmpi ne, %sign3A_717, %sign3A_724 : i32
      %rem3A_726 = arith.remsi %add3A_708, %jit3A_709 : i32
      %ne3A_727 = arith.constant 0 : i32
      %ne3A_728 = arith.cmpi ne, %rem3A_726, %ne3A_727 : i32
      %and3A_729 = arith.andi %ne3A_725, %ne3A_728 : i1
      %sub3A_730 = arith.constant 1 : i32
      %sub3A_731 = arith.subi %div3A_710, %sub3A_730 : i32
      %select_n3A_732 = arith.select %and3A_729, %sub3A_731, %div3A_710 : i32
      %rem3A_733 = arith.constant 32 : i32
      %rem3A_734 = arith.remsi %add3A_708, %rem3A_733 : i32
      %dma_start3A_735 = arith.constant 0 : i32
      %dma_start3A_736 = arith.constant 32 : i32
      %dma_start3A_737 = arith.constant 0 : i32
      %dma_start3A_738 = tpu.memref_slice %arg8[%dma_start3A_736, %dma_start3A_737] : memref<128x129xf32, #tpu.memory_space<vmem>> -> memref<8x128xf32, #tpu.memory_space<vmem>>
      %dma_start3A_739 = arith.constant 0 : i32
      %dma_start3A_740 = arith.constant 0 : i32
      %dma_start3A_741 = tpu.memref_slice %arg4[%select_n3A_732, %dma_start3A_735, %rem3A_734, %dma_start3A_739, %dma_start3A_740] : memref<200x4x32x8x128xf32, #tpu.memory_space<hbm>> -> memref<1x1x1x8x128xf32, #tpu.memory_space<hbm>>
      %dma_start3A_742 = tpu.memref_squeeze %dma_start3A_741 : memref<1x1x1x8x128xf32, #tpu.memory_space<hbm>> -> memref<8x128xf32, #tpu.memory_space<hbm>>
      %dma_start3A_743 = arith.constant 0 : i32
      %dma_start3A_744 = arith.constant 0 : i32
      %dma_start3A_745 = tpu.memref_slice %arg4[%select_n3A_732, %dma_start3A_735, %rem3A_734, %dma_start3A_743, %dma_start3A_744] : memref<200x4x32x8x128xf32, #tpu.memory_space<hbm>> -> memref<1x1x1x8x128xf32, #tpu.memory_space<hbm>>
      %dma_start3A_746 = tpu.memref_squeeze %dma_start3A_745 : memref<1x1x1x8x128xf32, #tpu.memory_space<hbm>> -> memref<8x128xf32, #tpu.memory_space<hbm>>
      %dma_start3A_747 = arith.constant 32 : i32
      %dma_start3A_748 = arith.constant 0 : i32
      %dma_start3A_749 = tpu.memref_slice %arg8[%dma_start3A_747, %dma_start3A_748] : memref<128x129xf32, #tpu.memory_space<vmem>> -> memref<8x128xf32, #tpu.memory_space<vmem>>
      tpu.enqueue_dma source(%dma_start3A_749 : memref<8x128xf32, #tpu.memory_space<vmem>>) target(%dma_start3A_746 : memref<8x128xf32, #tpu.memory_space<hbm>>) target_semaphore(%arg13 : memref<!tpu.dma_semaphore, #tpu.memory_space<semaphore_mem>>)
      %dma_start3A_750 = arith.constant 1 : i32
      %dma_start3A_751 = arith.constant 40 : i32
      %dma_start3A_752 = arith.constant 0 : i32
      %dma_start3A_753 = tpu.memref_slice %arg8[%dma_start3A_751, %dma_start3A_752] : memref<128x129xf32, #tpu.memory_space<vmem>> -> memref<8x128xf32, #tpu.memory_space<vmem>>
      %dma_start3A_754 = arith.constant 0 : i32
      %dma_start3A_755 = arith.constant 0 : i32
      %dma_start3A_756 = tpu.memref_slice %arg4[%select_n3A_732, %dma_start3A_750, %rem3A_734, %dma_start3A_754, %dma_start3A_755] : memref<200x4x32x8x128xf32, #tpu.memory_space<hbm>> -> memref<1x1x1x8x128xf32, #tpu.memory_space<hbm>>
      %dma_start3A_757 = tpu.memref_squeeze %dma_start3A_756 : memref<1x1x1x8x128xf32, #tpu.memory_space<hbm>> -> memref<8x128xf32, #tpu.memory_space<hbm>>
      %dma_start3A_758 = arith.constant 0 : i32
      %dma_start3A_759 = arith.constant 0 : i32
      %dma_start3A_760 = tpu.memref_slice %arg4[%select_n3A_732, %dma_start3A_750, %rem3A_734, %dma_start3A_758, %dma_start3A_759] : memref<200x4x32x8x128xf32, #tpu.memory_space<hbm>> -> memref<1x1x1x8x128xf32, #tpu.memory_space<hbm>>
      %dma_start3A_761 = tpu.memref_squeeze %dma_start3A_760 : memref<1x1x1x8x128xf32, #tpu.memory_space<hbm>> -> memref<8x128xf32, #tpu.memory_space<hbm>>
      %dma_start3A_762 = arith.constant 40 : i32
      %dma_start3A_763 = arith.constant 0 : i32
      %dma_start3A_764 = tpu.memref_slice %arg8[%dma_start3A_762, %dma_start3A_763] : memref<128x129xf32, #tpu.memory_space<vmem>> -> memref<8x128xf32, #tpu.memory_space<vmem>>
      tpu.enqueue_dma source(%dma_start3A_764 : memref<8x128xf32, #tpu.memory_space<vmem>>) target(%dma_start3A_761 : memref<8x128xf32, #tpu.memory_space<hbm>>) target_semaphore(%arg13 : memref<!tpu.dma_semaphore, #tpu.memory_space<semaphore_mem>>)
      %dma_start3A_765 = arith.constant 2 : i32
      %dma_start3A_766 = arith.constant 48 : i32
      %dma_start3A_767 = arith.constant 0 : i32
      %dma_start3A_768 = tpu.memref_slice %arg8[%dma_start3A_766, %dma_start3A_767] : memref<128x129xf32, #tpu.memory_space<vmem>> -> memref<8x128xf32, #tpu.memory_space<vmem>>
      %dma_start3A_769 = arith.constant 0 : i32
      %dma_start3A_770 = arith.constant 0 : i32
      %dma_start3A_771 = tpu.memref_slice %arg4[%select_n3A_732, %dma_start3A_765, %rem3A_734, %dma_start3A_769, %dma_start3A_770] : memref<200x4x32x8x128xf32, #tpu.memory_space<hbm>> -> memref<1x1x1x8x128xf32, #tpu.memory_space<hbm>>
      %dma_start3A_772 = tpu.memref_squeeze %dma_start3A_771 : memref<1x1x1x8x128xf32, #tpu.memory_space<hbm>> -> memref<8x128xf32, #tpu.memory_space<hbm>>
      %dma_start3A_773 = arith.constant 0 : i32
      %dma_start3A_774 = arith.constant 0 : i32
      %dma_start3A_775 = tpu.memref_slice %arg4[%select_n3A_732, %dma_start3A_765, %rem3A_734, %dma_start3A_773, %dma_start3A_774] : memref<200x4x32x8x128xf32, #tpu.memory_space<hbm>> -> memref<1x1x1x8x128xf32, #tpu.memory_space<hbm>>
      %dma_start3A_776 = tpu.memref_squeeze %dma_start3A_775 : memref<1x1x1x8x128xf32, #tpu.memory_space<hbm>> -> memref<8x128xf32, #tpu.memory_space<hbm>>
      %dma_start3A_777 = arith.constant 48 : i32
      %dma_start3A_778 = arith.constant 0 : i32
      %dma_start3A_779 = tpu.memref_slice %arg8[%dma_start3A_777, %dma_start3A_778] : memref<128x129xf32, #tpu.memory_space<vmem>> -> memref<8x128xf32, #tpu.memory_space<vmem>>
      tpu.enqueue_dma source(%dma_start3A_779 : memref<8x128xf32, #tpu.memory_space<vmem>>) target(%dma_start3A_776 : memref<8x128xf32, #tpu.memory_space<hbm>>) target_semaphore(%arg13 : memref<!tpu.dma_semaphore, #tpu.memory_space<semaphore_mem>>)
      %dma_start3A_780 = arith.constant 3 : i32
      %dma_start3A_781 = arith.constant 56 : i32
      %dma_start3A_782 = arith.constant 0 : i32
      %dma_start3A_783 = tpu.memref_slice %arg8[%dma_start3A_781, %dma_start3A_782] : memref<128x129xf32, #tpu.memory_space<vmem>> -> memref<8x128xf32, #tpu.memory_space<vmem>>
      %dma_start3A_784 = arith.constant 0 : i32
      %dma_start3A_785 = arith.constant 0 : i32
      %dma_start3A_786 = tpu.memref_slice %arg4[%select_n3A_732, %dma_start3A_780, %rem3A_734, %dma_start3A_784, %dma_start3A_785] : memref<200x4x32x8x128xf32, #tpu.memory_space<hbm>> -> memref<1x1x1x8x128xf32, #tpu.memory_space<hbm>>
      %dma_start3A_787 = tpu.memref_squeeze %dma_start3A_786 : memref<1x1x1x8x128xf32, #tpu.memory_space<hbm>> -> memref<8x128xf32, #tpu.memory_space<hbm>>
      %dma_start3A_788 = arith.constant 0 : i32
      %dma_start3A_789 = arith.constant 0 : i32
      %dma_start3A_790 = tpu.memref_slice %arg4[%select_n3A_732, %dma_start3A_780, %rem3A_734, %dma_start3A_788, %dma_start3A_789] : memref<200x4x32x8x128xf32, #tpu.memory_space<hbm>> -> memref<1x1x1x8x128xf32, #tpu.memory_space<hbm>>
      %dma_start3A_791 = tpu.memref_squeeze %dma_start3A_790 : memref<1x1x1x8x128xf32, #tpu.memory_space<hbm>> -> memref<8x128xf32, #tpu.memory_space<hbm>>
      %dma_start3A_792 = arith.constant 56 : i32
      %dma_start3A_793 = arith.constant 0 : i32
      %dma_start3A_794 = tpu.memref_slice %arg8[%dma_start3A_792, %dma_start3A_793] : memref<128x129xf32, #tpu.memory_space<vmem>> -> memref<8x128xf32, #tpu.memory_space<vmem>>
      tpu.enqueue_dma source(%dma_start3A_794 : memref<8x128xf32, #tpu.memory_space<vmem>>) target(%dma_start3A_791 : memref<8x128xf32, #tpu.memory_space<hbm>>) target_semaphore(%arg13 : memref<!tpu.dma_semaphore, #tpu.memory_space<semaphore_mem>>)
      %mul3A_795 = arith.constant 4 : i32
      %mul3A_796 = arith.muli %add3A_561, %mul3A_795 : i32
      %add3A_797 = arith.addi %mul3A_2, %mul3A_796 : i32
      %add3A_798 = arith.constant 2 : i32
      %add3A_799 = arith.addi %add3A_797, %add3A_798 : i32
      %jit3A_800 = arith.constant 32 : i32
      %div3A_801 = arith.divsi %add3A_799, %jit3A_800 : i32
      %sign3A_802 = arith.constant 0 : i32
      %sign3A_803 = arith.cmpi sgt, %add3A_799, %sign3A_802 : i32
      %sign3A_804 = arith.extui %sign3A_803 : i1 to i32
      %sign3A_805 = arith.constant 0 : i32
      %sign3A_806 = arith.cmpi slt, %add3A_799, %sign3A_805 : i32
      %sign3A_807 = arith.extui %sign3A_806 : i1 to i32
      %sign3A_808 = arith.subi %sign3A_804, %sign3A_807 : i32
      %sign3A_809 = arith.constant 0 : i32
      %sign3A_810 = arith.cmpi sgt, %jit3A_800, %sign3A_809 : i32
      %sign3A_811 = arith.extui %sign3A_810 : i1 to i32
      %sign3A_812 = arith.constant 0 : i32
      %sign3A_813 = arith.cmpi slt, %jit3A_800, %sign3A_812 : i32
      %sign3A_814 = arith.extui %sign3A_813 : i1 to i32
      %sign3A_815 = arith.subi %sign3A_811, %sign3A_814 : i32
      %ne3A_816 = arith.cmpi ne, %sign3A_808, %sign3A_815 : i32
      %rem3A_817 = arith.remsi %add3A_799, %jit3A_800 : i32
      %ne3A_818 = arith.constant 0 : i32
      %ne3A_819 = arith.cmpi ne, %rem3A_817, %ne3A_818 : i32
      %and3A_820 = arith.andi %ne3A_816, %ne3A_819 : i1
      %sub3A_821 = arith.constant 1 : i32
      %sub3A_822 = arith.subi %div3A_801, %sub3A_821 : i32
      %select_n3A_823 = arith.select %and3A_820, %sub3A_822, %div3A_801 : i32
      %rem3A_824 = arith.constant 32 : i32
      %rem3A_825 = arith.remsi %add3A_799, %rem3A_824 : i32
      %dma_start3A_826 = arith.constant 0 : i32
      %dma_start3A_827 = arith.constant 64 : i32
      %dma_start3A_828 = arith.constant 0 : i32
      %dma_start3A_829 = tpu.memref_slice %arg8[%dma_start3A_827, %dma_start3A_828] : memref<128x129xf32, #tpu.memory_space<vmem>> -> memref<8x128xf32, #tpu.memory_space<vmem>>
      %dma_start3A_830 = arith.constant 0 : i32
      %dma_start3A_831 = arith.constant 0 : i32
      %dma_start3A_832 = tpu.memref_slice %arg4[%select_n3A_823, %dma_start3A_826, %rem3A_825, %dma_start3A_830, %dma_start3A_831] : memref<200x4x32x8x128xf32, #tpu.memory_space<hbm>> -> memref<1x1x1x8x128xf32, #tpu.memory_space<hbm>>
      %dma_start3A_833 = tpu.memref_squeeze %dma_start3A_832 : memref<1x1x1x8x128xf32, #tpu.memory_space<hbm>> -> memref<8x128xf32, #tpu.memory_space<hbm>>
      %dma_start3A_834 = arith.constant 0 : i32
      %dma_start3A_835 = arith.constant 0 : i32
      %dma_start3A_836 = tpu.memref_slice %arg4[%select_n3A_823, %dma_start3A_826, %rem3A_825, %dma_start3A_834, %dma_start3A_835] : memref<200x4x32x8x128xf32, #tpu.memory_space<hbm>> -> memref<1x1x1x8x128xf32, #tpu.memory_space<hbm>>
      %dma_start3A_837 = tpu.memref_squeeze %dma_start3A_836 : memref<1x1x1x8x128xf32, #tpu.memory_space<hbm>> -> memref<8x128xf32, #tpu.memory_space<hbm>>
      %dma_start3A_838 = arith.constant 64 : i32
      %dma_start3A_839 = arith.constant 0 : i32
      %dma_start3A_840 = tpu.memref_slice %arg8[%dma_start3A_838, %dma_start3A_839] : memref<128x129xf32, #tpu.memory_space<vmem>> -> memref<8x128xf32, #tpu.memory_space<vmem>>
      tpu.enqueue_dma source(%dma_start3A_840 : memref<8x128xf32, #tpu.memory_space<vmem>>) target(%dma_start3A_837 : memref<8x128xf32, #tpu.memory_space<hbm>>) target_semaphore(%arg13 : memref<!tpu.dma_semaphore, #tpu.memory_space<semaphore_mem>>)
      %dma_start3A_841 = arith.constant 1 : i32
      %dma_start3A_842 = arith.constant 72 : i32
      %dma_start3A_843 = arith.constant 0 : i32
      %dma_start3A_844 = tpu.memref_slice %arg8[%dma_start3A_842, %dma_start3A_843] : memref<128x129xf32, #tpu.memory_space<vmem>> -> memref<8x128xf32, #tpu.memory_space<vmem>>
      %dma_start3A_845 = arith.constant 0 : i32
      %dma_start3A_846 = arith.constant 0 : i32
      %dma_start3A_847 = tpu.memref_slice %arg4[%select_n3A_823, %dma_start3A_841, %rem3A_825, %dma_start3A_845, %dma_start3A_846] : memref<200x4x32x8x128xf32, #tpu.memory_space<hbm>> -> memref<1x1x1x8x128xf32, #tpu.memory_space<hbm>>
      %dma_start3A_848 = tpu.memref_squeeze %dma_start3A_847 : memref<1x1x1x8x128xf32, #tpu.memory_space<hbm>> -> memref<8x128xf32, #tpu.memory_space<hbm>>
      %dma_start3A_849 = arith.constant 0 : i32
      %dma_start3A_850 = arith.constant 0 : i32
      %dma_start3A_851 = tpu.memref_slice %arg4[%select_n3A_823, %dma_start3A_841, %rem3A_825, %dma_start3A_849, %dma_start3A_850] : memref<200x4x32x8x128xf32, #tpu.memory_space<hbm>> -> memref<1x1x1x8x128xf32, #tpu.memory_space<hbm>>
      %dma_start3A_852 = tpu.memref_squeeze %dma_start3A_851 : memref<1x1x1x8x128xf32, #tpu.memory_space<hbm>> -> memref<8x128xf32, #tpu.memory_space<hbm>>
      %dma_start3A_853 = arith.constant 72 : i32
      %dma_start3A_854 = arith.constant 0 : i32
      %dma_start3A_855 = tpu.memref_slice %arg8[%dma_start3A_853, %dma_start3A_854] : memref<128x129xf32, #tpu.memory_space<vmem>> -> memref<8x128xf32, #tpu.memory_space<vmem>>
      tpu.enqueue_dma source(%dma_start3A_855 : memref<8x128xf32, #tpu.memory_space<vmem>>) target(%dma_start3A_852 : memref<8x128xf32, #tpu.memory_space<hbm>>) target_semaphore(%arg13 : memref<!tpu.dma_semaphore, #tpu.memory_space<semaphore_mem>>)
      %dma_start3A_856 = arith.constant 2 : i32
      %dma_start3A_857 = arith.constant 80 : i32
      %dma_start3A_858 = arith.constant 0 : i32
      %dma_start3A_859 = tpu.memref_slice %arg8[%dma_start3A_857, %dma_start3A_858] : memref<128x129xf32, #tpu.memory_space<vmem>> -> memref<8x128xf32, #tpu.memory_space<vmem>>
      %dma_start3A_860 = arith.constant 0 : i32
      %dma_start3A_861 = arith.constant 0 : i32
      %dma_start3A_862 = tpu.memref_slice %arg4[%select_n3A_823, %dma_start3A_856, %rem3A_825, %dma_start3A_860, %dma_start3A_861] : memref<200x4x32x8x128xf32, #tpu.memory_space<hbm>> -> memref<1x1x1x8x128xf32, #tpu.memory_space<hbm>>
      %dma_start3A_863 = tpu.memref_squeeze %dma_start3A_862 : memref<1x1x1x8x128xf32, #tpu.memory_space<hbm>> -> memref<8x128xf32, #tpu.memory_space<hbm>>
      %dma_start3A_864 = arith.constant 0 : i32
      %dma_start3A_865 = arith.constant 0 : i32
      %dma_start3A_866 = tpu.memref_slice %arg4[%select_n3A_823, %dma_start3A_856, %rem3A_825, %dma_start3A_864, %dma_start3A_865] : memref<200x4x32x8x128xf32, #tpu.memory_space<hbm>> -> memref<1x1x1x8x128xf32, #tpu.memory_space<hbm>>
      %dma_start3A_867 = tpu.memref_squeeze %dma_start3A_866 : memref<1x1x1x8x128xf32, #tpu.memory_space<hbm>> -> memref<8x128xf32, #tpu.memory_space<hbm>>
      %dma_start3A_868 = arith.constant 80 : i32
      %dma_start3A_869 = arith.constant 0 : i32
      %dma_start3A_870 = tpu.memref_slice %arg8[%dma_start3A_868, %dma_start3A_869] : memref<128x129xf32, #tpu.memory_space<vmem>> -> memref<8x128xf32, #tpu.memory_space<vmem>>
      tpu.enqueue_dma source(%dma_start3A_870 : memref<8x128xf32, #tpu.memory_space<vmem>>) target(%dma_start3A_867 : memref<8x128xf32, #tpu.memory_space<hbm>>) target_semaphore(%arg13 : memref<!tpu.dma_semaphore, #tpu.memory_space<semaphore_mem>>)
      %dma_start3A_871 = arith.constant 3 : i32
      %dma_start3A_872 = arith.constant 88 : i32
      %dma_start3A_873 = arith.constant 0 : i32
      %dma_start3A_874 = tpu.memref_slice %arg8[%dma_start3A_872, %dma_start3A_873] : memref<128x129xf32, #tpu.memory_space<vmem>> -> memref<8x128xf32, #tpu.memory_space<vmem>>
      %dma_start3A_875 = arith.constant 0 : i32
      %dma_start3A_876 = arith.constant 0 : i32
      %dma_start3A_877 = tpu.memref_slice %arg4[%select_n3A_823, %dma_start3A_871, %rem3A_825, %dma_start3A_875, %dma_start3A_876] : memref<200x4x32x8x128xf32, #tpu.memory_space<hbm>> -> memref<1x1x1x8x128xf32, #tpu.memory_space<hbm>>
      %dma_start3A_878 = tpu.memref_squeeze %dma_start3A_877 : memref<1x1x1x8x128xf32, #tpu.memory_space<hbm>> -> memref<8x128xf32, #tpu.memory_space<hbm>>
      %dma_start3A_879 = arith.constant 0 : i32
      %dma_start3A_880 = arith.constant 0 : i32
      %dma_start3A_881 = tpu.memref_slice %arg4[%select_n3A_823, %dma_start3A_871, %rem3A_825, %dma_start3A_879, %dma_start3A_880] : memref<200x4x32x8x128xf32, #tpu.memory_space<hbm>> -> memref<1x1x1x8x128xf32, #tpu.memory_space<hbm>>
      %dma_start3A_882 = tpu.memref_squeeze %dma_start3A_881 : memref<1x1x1x8x128xf32, #tpu.memory_space<hbm>> -> memref<8x128xf32, #tpu.memory_space<hbm>>
      %dma_start3A_883 = arith.constant 88 : i32
      %dma_start3A_884 = arith.constant 0 : i32
      %dma_start3A_885 = tpu.memref_slice %arg8[%dma_start3A_883, %dma_start3A_884] : memref<128x129xf32, #tpu.memory_space<vmem>> -> memref<8x128xf32, #tpu.memory_space<vmem>>
      tpu.enqueue_dma source(%dma_start3A_885 : memref<8x128xf32, #tpu.memory_space<vmem>>) target(%dma_start3A_882 : memref<8x128xf32, #tpu.memory_space<hbm>>) target_semaphore(%arg13 : memref<!tpu.dma_semaphore, #tpu.memory_space<semaphore_mem>>)
      %mul3A_886 = arith.constant 4 : i32
      %mul3A_887 = arith.muli %add3A_561, %mul3A_886 : i32
      %add3A_888 = arith.addi %mul3A_2, %mul3A_887 : i32
      %add3A_889 = arith.constant 3 : i32
      %add3A_890 = arith.addi %add3A_888, %add3A_889 : i32
      %jit3A_891 = arith.constant 32 : i32
      %div3A_892 = arith.divsi %add3A_890, %jit3A_891 : i32
      %sign3A_893 = arith.constant 0 : i32
      %sign3A_894 = arith.cmpi sgt, %add3A_890, %sign3A_893 : i32
      %sign3A_895 = arith.extui %sign3A_894 : i1 to i32
      %sign3A_896 = arith.constant 0 : i32
      %sign3A_897 = arith.cmpi slt, %add3A_890, %sign3A_896 : i32
      %sign3A_898 = arith.extui %sign3A_897 : i1 to i32
      %sign3A_899 = arith.subi %sign3A_895, %sign3A_898 : i32
      %sign3A_900 = arith.constant 0 : i32
      %sign3A_901 = arith.cmpi sgt, %jit3A_891, %sign3A_900 : i32
      %sign3A_902 = arith.extui %sign3A_901 : i1 to i32
      %sign3A_903 = arith.constant 0 : i32
      %sign3A_904 = arith.cmpi slt, %jit3A_891, %sign3A_903 : i32
      %sign3A_905 = arith.extui %sign3A_904 : i1 to i32
      %sign3A_906 = arith.subi %sign3A_902, %sign3A_905 : i32
      %ne3A_907 = arith.cmpi ne, %sign3A_899, %sign3A_906 : i32
      %rem3A_908 = arith.remsi %add3A_890, %jit3A_891 : i32
      %ne3A_909 = arith.constant 0 : i32
      %ne3A_910 = arith.cmpi ne, %rem3A_908, %ne3A_909 : i32
      %and3A_911 = arith.andi %ne3A_907, %ne3A_910 : i1
      %sub3A_912 = arith.constant 1 : i32
      %sub3A_913 = arith.subi %div3A_892, %sub3A_912 : i32
      %select_n3A_914 = arith.select %and3A_911, %sub3A_913, %div3A_892 : i32
      %rem3A_915 = arith.constant 32 : i32
      %rem3A_916 = arith.remsi %add3A_890, %rem3A_915 : i32
      %dma_start3A_917 = arith.constant 0 : i32
      %dma_start3A_918 = arith.constant 96 : i32
      %dma_start3A_919 = arith.constant 0 : i32
      %dma_start3A_920 = tpu.memref_slice %arg8[%dma_start3A_918, %dma_start3A_919] : memref<128x129xf32, #tpu.memory_space<vmem>> -> memref<8x128xf32, #tpu.memory_space<vmem>>
      %dma_start3A_921 = arith.constant 0 : i32
      %dma_start3A_922 = arith.constant 0 : i32
      %dma_start3A_923 = tpu.memref_slice %arg4[%select_n3A_914, %dma_start3A_917, %rem3A_916, %dma_start3A_921, %dma_start3A_922] : memref<200x4x32x8x128xf32, #tpu.memory_space<hbm>> -> memref<1x1x1x8x128xf32, #tpu.memory_space<hbm>>
      %dma_start3A_924 = tpu.memref_squeeze %dma_start3A_923 : memref<1x1x1x8x128xf32, #tpu.memory_space<hbm>> -> memref<8x128xf32, #tpu.memory_space<hbm>>
      %dma_start3A_925 = arith.constant 0 : i32
      %dma_start3A_926 = arith.constant 0 : i32
      %dma_start3A_927 = tpu.memref_slice %arg4[%select_n3A_914, %dma_start3A_917, %rem3A_916, %dma_start3A_925, %dma_start3A_926] : memref<200x4x32x8x128xf32, #tpu.memory_space<hbm>> -> memref<1x1x1x8x128xf32, #tpu.memory_space<hbm>>
      %dma_start3A_928 = tpu.memref_squeeze %dma_start3A_927 : memref<1x1x1x8x128xf32, #tpu.memory_space<hbm>> -> memref<8x128xf32, #tpu.memory_space<hbm>>
      %dma_start3A_929 = arith.constant 96 : i32
      %dma_start3A_930 = arith.constant 0 : i32
      %dma_start3A_931 = tpu.memref_slice %arg8[%dma_start3A_929, %dma_start3A_930] : memref<128x129xf32, #tpu.memory_space<vmem>> -> memref<8x128xf32, #tpu.memory_space<vmem>>
      tpu.enqueue_dma source(%dma_start3A_931 : memref<8x128xf32, #tpu.memory_space<vmem>>) target(%dma_start3A_928 : memref<8x128xf32, #tpu.memory_space<hbm>>) target_semaphore(%arg13 : memref<!tpu.dma_semaphore, #tpu.memory_space<semaphore_mem>>)
      %dma_start3A_932 = arith.constant 1 : i32
      %dma_start3A_933 = arith.constant 104 : i32
      %dma_start3A_934 = arith.constant 0 : i32
      %dma_start3A_935 = tpu.memref_slice %arg8[%dma_start3A_933, %dma_start3A_934] : memref<128x129xf32, #tpu.memory_space<vmem>> -> memref<8x128xf32, #tpu.memory_space<vmem>>
      %dma_start3A_936 = arith.constant 0 : i32
      %dma_start3A_937 = arith.constant 0 : i32
      %dma_start3A_938 = tpu.memref_slice %arg4[%select_n3A_914, %dma_start3A_932, %rem3A_916, %dma_start3A_936, %dma_start3A_937] : memref<200x4x32x8x128xf32, #tpu.memory_space<hbm>> -> memref<1x1x1x8x128xf32, #tpu.memory_space<hbm>>
      %dma_start3A_939 = tpu.memref_squeeze %dma_start3A_938 : memref<1x1x1x8x128xf32, #tpu.memory_space<hbm>> -> memref<8x128xf32, #tpu.memory_space<hbm>>
      %dma_start3A_940 = arith.constant 0 : i32
      %dma_start3A_941 = arith.constant 0 : i32
      %dma_start3A_942 = tpu.memref_slice %arg4[%select_n3A_914, %dma_start3A_932, %rem3A_916, %dma_start3A_940, %dma_start3A_941] : memref<200x4x32x8x128xf32, #tpu.memory_space<hbm>> -> memref<1x1x1x8x128xf32, #tpu.memory_space<hbm>>
      %dma_start3A_943 = tpu.memref_squeeze %dma_start3A_942 : memref<1x1x1x8x128xf32, #tpu.memory_space<hbm>> -> memref<8x128xf32, #tpu.memory_space<hbm>>
      %dma_start3A_944 = arith.constant 104 : i32
      %dma_start3A_945 = arith.constant 0 : i32
      %dma_start3A_946 = tpu.memref_slice %arg8[%dma_start3A_944, %dma_start3A_945] : memref<128x129xf32, #tpu.memory_space<vmem>> -> memref<8x128xf32, #tpu.memory_space<vmem>>
      tpu.enqueue_dma source(%dma_start3A_946 : memref<8x128xf32, #tpu.memory_space<vmem>>) target(%dma_start3A_943 : memref<8x128xf32, #tpu.memory_space<hbm>>) target_semaphore(%arg13 : memref<!tpu.dma_semaphore, #tpu.memory_space<semaphore_mem>>)
      %dma_start3A_947 = arith.constant 2 : i32
      %dma_start3A_948 = arith.constant 112 : i32
      %dma_start3A_949 = arith.constant 0 : i32
      %dma_start3A_950 = tpu.memref_slice %arg8[%dma_start3A_948, %dma_start3A_949] : memref<128x129xf32, #tpu.memory_space<vmem>> -> memref<8x128xf32, #tpu.memory_space<vmem>>
      %dma_start3A_951 = arith.constant 0 : i32
      %dma_start3A_952 = arith.constant 0 : i32
      %dma_start3A_953 = tpu.memref_slice %arg4[%select_n3A_914, %dma_start3A_947, %rem3A_916, %dma_start3A_951, %dma_start3A_952] : memref<200x4x32x8x128xf32, #tpu.memory_space<hbm>> -> memref<1x1x1x8x128xf32, #tpu.memory_space<hbm>>
      %dma_start3A_954 = tpu.memref_squeeze %dma_start3A_953 : memref<1x1x1x8x128xf32, #tpu.memory_space<hbm>> -> memref<8x128xf32, #tpu.memory_space<hbm>>
      %dma_start3A_955 = arith.constant 0 : i32
      %dma_start3A_956 = arith.constant 0 : i32
      %dma_start3A_957 = tpu.memref_slice %arg4[%select_n3A_914, %dma_start3A_947, %rem3A_916, %dma_start3A_955, %dma_start3A_956] : memref<200x4x32x8x128xf32, #tpu.memory_space<hbm>> -> memref<1x1x1x8x128xf32, #tpu.memory_space<hbm>>
      %dma_start3A_958 = tpu.memref_squeeze %dma_start3A_957 : memref<1x1x1x8x128xf32, #tpu.memory_space<hbm>> -> memref<8x128xf32, #tpu.memory_space<hbm>>
      %dma_start3A_959 = arith.constant 112 : i32
      %dma_start3A_960 = arith.constant 0 : i32
      %dma_start3A_961 = tpu.memref_slice %arg8[%dma_start3A_959, %dma_start3A_960] : memref<128x129xf32, #tpu.memory_space<vmem>> -> memref<8x128xf32, #tpu.memory_space<vmem>>
      tpu.enqueue_dma source(%dma_start3A_961 : memref<8x128xf32, #tpu.memory_space<vmem>>) target(%dma_start3A_958 : memref<8x128xf32, #tpu.memory_space<hbm>>) target_semaphore(%arg13 : memref<!tpu.dma_semaphore, #tpu.memory_space<semaphore_mem>>)
      %dma_start3A_962 = arith.constant 3 : i32
      %dma_start3A_963 = arith.constant 120 : i32
      %dma_start3A_964 = arith.constant 0 : i32
      %dma_start3A_965 = tpu.memref_slice %arg8[%dma_start3A_963, %dma_start3A_964] : memref<128x129xf32, #tpu.memory_space<vmem>> -> memref<8x128xf32, #tpu.memory_space<vmem>>
      %dma_start3A_966 = arith.constant 0 : i32
      %dma_start3A_967 = arith.constant 0 : i32
      %dma_start3A_968 = tpu.memref_slice %arg4[%select_n3A_914, %dma_start3A_962, %rem3A_916, %dma_start3A_966, %dma_start3A_967] : memref<200x4x32x8x128xf32, #tpu.memory_space<hbm>> -> memref<1x1x1x8x128xf32, #tpu.memory_space<hbm>>
      %dma_start3A_969 = tpu.memref_squeeze %dma_start3A_968 : memref<1x1x1x8x128xf32, #tpu.memory_space<hbm>> -> memref<8x128xf32, #tpu.memory_space<hbm>>
      %dma_start3A_970 = arith.constant 0 : i32
      %dma_start3A_971 = arith.constant 0 : i32
      %dma_start3A_972 = tpu.memref_slice %arg4[%select_n3A_914, %dma_start3A_962, %rem3A_916, %dma_start3A_970, %dma_start3A_971] : memref<200x4x32x8x128xf32, #tpu.memory_space<hbm>> -> memref<1x1x1x8x128xf32, #tpu.memory_space<hbm>>
      %dma_start3A_973 = tpu.memref_squeeze %dma_start3A_972 : memref<1x1x1x8x128xf32, #tpu.memory_space<hbm>> -> memref<8x128xf32, #tpu.memory_space<hbm>>
      %dma_start3A_974 = arith.constant 120 : i32
      %dma_start3A_975 = arith.constant 0 : i32
      %dma_start3A_976 = tpu.memref_slice %arg8[%dma_start3A_974, %dma_start3A_975] : memref<128x129xf32, #tpu.memory_space<vmem>> -> memref<8x128xf32, #tpu.memory_space<vmem>>
      tpu.enqueue_dma source(%dma_start3A_976 : memref<8x128xf32, #tpu.memory_space<vmem>>) target(%dma_start3A_973 : memref<8x128xf32, #tpu.memory_space<hbm>>) target_semaphore(%arg13 : memref<!tpu.dma_semaphore, #tpu.memory_space<semaphore_mem>>)
      %mul3A_977 = arith.constant 2 : i32
      %mul3A_978 = arith.muli %scan3A_557, %mul3A_977 : i32
      %add3A_979 = arith.constant 1 : i32
      %add3A_980 = arith.addi %mul3A_978, %add3A_979 : i32
      %lt3A_981 = arith.constant 49 : i32
      %lt3A_982 = arith.cmpi slt, %add3A_980, %lt3A_981 : i32
      %convert_element_type3A_983 = arith.extui %lt3A_982 : i1 to i32
      %cond3A_984 = arith.constant 0 : i32
      %cond3A_985 = arith.cmpi ne, %convert_element_type3A_983, %cond3A_984 : i32
      scf.if %cond3A_985 {
        %add3A_1408 = arith.constant 1 : i32
        %add3A_1409 = arith.addi %add3A_980, %add3A_1408 : i32
        %mul3A_1410 = arith.constant 512 : i32
        %mul3A_1411 = arith.muli %add3A_1409, %mul3A_1410 : i32
        %dma_start3A_1412 = tpu.memref_slice %arg5[%mul3A_1411] : memref<25600xi32, #tpu.memory_space<vmem>> -> memref<512xi32, #tpu.memory_space<vmem>>
        %dma_start3A_1413 = arith.constant 0 : i32
        %dma_start3A_1414 = arith.constant 0 : i32
        %dma_start3A_1415 = tpu.memref_slice %arg3[%dma_start3A_1413, %dma_start3A_1414] : memref<1000000x32xf32, #tpu.memory_space<hbm>> -> memref<1000000x32xf32, #tpu.memory_space<hbm>>
        tpu.enqueue_indirect_dma source(%dma_start3A_1415 : memref<1000000x32xf32, #tpu.memory_space<hbm>>) target(%arg6 : memref<512x32xf32, #tpu.memory_space<vmem>>) offsets(%dma_start3A_1412 : memref<512xi32, #tpu.memory_space<vmem>>) semaphore(%arg11 : memref<!tpu.dma_semaphore, #tpu.memory_space<semaphore_mem>>)
      } else {
      }
      %dma_wait3A_986 = arith.constant 0 : i32
      %dma_wait3A_987 = tpu.memref_slice %arg5[%dma_wait3A_986] : memref<25600xi32, #tpu.memory_space<vmem>> -> memref<512xi32, #tpu.memory_space<vmem>>
      %dma_wait3A_988 = arith.constant 0 : i32
      %dma_wait3A_989 = arith.constant 0 : i32
      %dma_wait3A_990 = tpu.memref_slice %arg3[%dma_wait3A_988, %dma_wait3A_989] : memref<1000000x32xf32, #tpu.memory_space<hbm>> -> memref<1000000x32xf32, #tpu.memory_space<hbm>>
      tpu.wait_indirect_dma semaphore(%arg12 : memref<!tpu.dma_semaphore, #tpu.memory_space<semaphore_mem>>) src(%dma_wait3A_990 : memref<1000000x32xf32, #tpu.memory_space<hbm>>) dst(%arg7 : memref<512x32xf32, #tpu.memory_space<vmem>>)
      %ge3A_991 = arith.constant 1 : i32
      %ge3A_992 = arith.cmpi sge, %scan3A_557, %ge3A_991 : i32
      %convert_element_type3A_993 = arith.extui %ge3A_992 : i1 to i32
      %cond3A_994 = arith.constant 0 : i32
      %cond3A_995 = arith.cmpi ne, %convert_element_type3A_993, %cond3A_994 : i32
      scf.if %cond3A_995 {
        %dma_wait3A_1408 = arith.constant 0 : i32
        %dma_wait3A_1409 = arith.constant 0 : i32
        %dma_wait3A_1410 = arith.constant 0 : i32
        %dma_wait3A_1411 = arith.constant 0 : i32
        %dma_wait3A_1412 = arith.constant 0 : i32
        %dma_wait3A_1413 = tpu.memref_slice %arg9[%dma_wait3A_1411, %dma_wait3A_1412] : memref<128x129xf32, #tpu.memory_space<vmem>> -> memref<8x128xf32, #tpu.memory_space<vmem>>
        %dma_wait3A_1414 = arith.constant 0 : i32
        %dma_wait3A_1415 = arith.constant 0 : i32
        %dma_wait3A_1416 = tpu.memref_slice %arg4[%dma_wait3A_1408, %dma_wait3A_1409, %dma_wait3A_1410, %dma_wait3A_1414, %dma_wait3A_1415] : memref<200x4x32x8x128xf32, #tpu.memory_space<hbm>> -> memref<1x1x1x8x128xf32, #tpu.memory_space<hbm>>
        %dma_wait3A_1417 = tpu.memref_squeeze %dma_wait3A_1416 : memref<1x1x1x8x128xf32, #tpu.memory_space<hbm>> -> memref<8x128xf32, #tpu.memory_space<hbm>>
        %dma_wait3A_1418 = arith.constant 0 : i32
        %dma_wait3A_1419 = arith.constant 0 : i32
        %dma_wait3A_1420 = tpu.memref_slice %arg4[%dma_wait3A_1408, %dma_wait3A_1409, %dma_wait3A_1410, %dma_wait3A_1418, %dma_wait3A_1419] : memref<200x4x32x8x128xf32, #tpu.memory_space<hbm>> -> memref<1x1x1x8x128xf32, #tpu.memory_space<hbm>>
        %dma_wait3A_1421 = tpu.memref_squeeze %dma_wait3A_1420 : memref<1x1x1x8x128xf32, #tpu.memory_space<hbm>> -> memref<8x128xf32, #tpu.memory_space<hbm>>
        %dma_wait3A_1422 = arith.constant 0 : i32
        %dma_wait3A_1423 = arith.constant 0 : i32
        %dma_wait3A_1424 = tpu.memref_slice %arg9[%dma_wait3A_1422, %dma_wait3A_1423] : memref<128x129xf32, #tpu.memory_space<vmem>> -> memref<8x128xf32, #tpu.memory_space<vmem>>
        tpu.wait_dma2 semaphore(%arg14 : memref<!tpu.dma_semaphore, #tpu.memory_space<semaphore_mem>>) src(%dma_wait3A_1424 : memref<8x128xf32, #tpu.memory_space<vmem>>) dst(%dma_wait3A_1421 : memref<8x128xf32, #tpu.memory_space<hbm>>)
        %dma_wait3A_1425 = arith.constant 0 : i32
        %dma_wait3A_1426 = arith.constant 1 : i32
        %dma_wait3A_1427 = arith.constant 0 : i32
        %dma_wait3A_1428 = arith.constant 8 : i32
        %dma_wait3A_1429 = arith.constant 0 : i32
        %dma_wait3A_1430 = tpu.memref_slice %arg9[%dma_wait3A_1428, %dma_wait3A_1429] : memref<128x129xf32, #tpu.memory_space<vmem>> -> memref<8x128xf32, #tpu.memory_space<vmem>>
        %dma_wait3A_1431 = arith.constant 0 : i32
        %dma_wait3A_1432 = arith.constant 0 : i32
        %dma_wait3A_1433 = tpu.memref_slice %arg4[%dma_wait3A_1425, %dma_wait3A_1426, %dma_wait3A_1427, %dma_wait3A_1431, %dma_wait3A_1432] : memref<200x4x32x8x128xf32, #tpu.memory_space<hbm>> -> memref<1x1x1x8x128xf32, #tpu.memory_space<hbm>>
        %dma_wait3A_1434 = tpu.memref_squeeze %dma_wait3A_1433 : memref<1x1x1x8x128xf32, #tpu.memory_space<hbm>> -> memref<8x128xf32, #tpu.memory_space<hbm>>
        %dma_wait3A_1435 = arith.constant 0 : i32
        %dma_wait3A_1436 = arith.constant 0 : i32
        %dma_wait3A_1437 = tpu.memref_slice %arg4[%dma_wait3A_1425, %dma_wait3A_1426, %dma_wait3A_1427, %dma_wait3A_1435, %dma_wait3A_1436] : memref<200x4x32x8x128xf32, #tpu.memory_space<hbm>> -> memref<1x1x1x8x128xf32, #tpu.memory_space<hbm>>
        %dma_wait3A_1438 = tpu.memref_squeeze %dma_wait3A_1437 : memref<1x1x1x8x128xf32, #tpu.memory_space<hbm>> -> memref<8x128xf32, #tpu.memory_space<hbm>>
        %dma_wait3A_1439 = arith.constant 8 : i32
        %dma_wait3A_1440 = arith.constant 0 : i32
        %dma_wait3A_1441 = tpu.memref_slice %arg9[%dma_wait3A_1439, %dma_wait3A_1440] : memref<128x129xf32, #tpu.memory_space<vmem>> -> memref<8x128xf32, #tpu.memory_space<vmem>>
        tpu.wait_dma2 semaphore(%arg14 : memref<!tpu.dma_semaphore, #tpu.memory_space<semaphore_mem>>) src(%dma_wait3A_1441 : memref<8x128xf32, #tpu.memory_space<vmem>>) dst(%dma_wait3A_1438 : memref<8x128xf32, #tpu.memory_space<hbm>>)
        %dma_wait3A_1442 = arith.constant 0 : i32
        %dma_wait3A_1443 = arith.constant 2 : i32
        %dma_wait3A_1444 = arith.constant 0 : i32
        %dma_wait3A_1445 = arith.constant 16 : i32
        %dma_wait3A_1446 = arith.constant 0 : i32
        %dma_wait3A_1447 = tpu.memref_slice %arg9[%dma_wait3A_1445, %dma_wait3A_1446] : memref<128x129xf32, #tpu.memory_space<vmem>> -> memref<8x128xf32, #tpu.memory_space<vmem>>
        %dma_wait3A_1448 = arith.constant 0 : i32
        %dma_wait3A_1449 = arith.constant 0 : i32
        %dma_wait3A_1450 = tpu.memref_slice %arg4[%dma_wait3A_1442, %dma_wait3A_1443, %dma_wait3A_1444, %dma_wait3A_1448, %dma_wait3A_1449] : memref<200x4x32x8x128xf32, #tpu.memory_space<hbm>> -> memref<1x1x1x8x128xf32, #tpu.memory_space<hbm>>
        %dma_wait3A_1451 = tpu.memref_squeeze %dma_wait3A_1450 : memref<1x1x1x8x128xf32, #tpu.memory_space<hbm>> -> memref<8x128xf32, #tpu.memory_space<hbm>>
        %dma_wait3A_1452 = arith.constant 0 : i32
        %dma_wait3A_1453 = arith.constant 0 : i32
        %dma_wait3A_1454 = tpu.memref_slice %arg4[%dma_wait3A_1442, %dma_wait3A_1443, %dma_wait3A_1444, %dma_wait3A_1452, %dma_wait3A_1453] : memref<200x4x32x8x128xf32, #tpu.memory_space<hbm>> -> memref<1x1x1x8x128xf32, #tpu.memory_space<hbm>>
        %dma_wait3A_1455 = tpu.memref_squeeze %dma_wait3A_1454 : memref<1x1x1x8x128xf32, #tpu.memory_space<hbm>> -> memref<8x128xf32, #tpu.memory_space<hbm>>
        %dma_wait3A_1456 = arith.constant 16 : i32
        %dma_wait3A_1457 = arith.constant 0 : i32
        %dma_wait3A_1458 = tpu.memref_slice %arg9[%dma_wait3A_1456, %dma_wait3A_1457] : memref<128x129xf32, #tpu.memory_space<vmem>> -> memref<8x128xf32, #tpu.memory_space<vmem>>
        tpu.wait_dma2 semaphore(%arg14 : memref<!tpu.dma_semaphore, #tpu.memory_space<semaphore_mem>>) src(%dma_wait3A_1458 : memref<8x128xf32, #tpu.memory_space<vmem>>) dst(%dma_wait3A_1455 : memref<8x128xf32, #tpu.memory_space<hbm>>)
        %dma_wait3A_1459 = arith.constant 0 : i32
        %dma_wait3A_1460 = arith.constant 3 : i32
        %dma_wait3A_1461 = arith.constant 0 : i32
        %dma_wait3A_1462 = arith.constant 24 : i32
        %dma_wait3A_1463 = arith.constant 0 : i32
        %dma_wait3A_1464 = tpu.memref_slice %arg9[%dma_wait3A_1462, %dma_wait3A_1463] : memref<128x129xf32, #tpu.memory_space<vmem>> -> memref<8x128xf32, #tpu.memory_space<vmem>>
        %dma_wait3A_1465 = arith.constant 0 : i32
        %dma_wait3A_1466 = arith.constant 0 : i32
        %dma_wait3A_1467 = tpu.memref_slice %arg4[%dma_wait3A_1459, %dma_wait3A_1460, %dma_wait3A_1461, %dma_wait3A_1465, %dma_wait3A_1466] : memref<200x4x32x8x128xf32, #tpu.memory_space<hbm>> -> memref<1x1x1x8x128xf32, #tpu.memory_space<hbm>>
        %dma_wait3A_1468 = tpu.memref_squeeze %dma_wait3A_1467 : memref<1x1x1x8x128xf32, #tpu.memory_space<hbm>> -> memref<8x128xf32, #tpu.memory_space<hbm>>
        %dma_wait3A_1469 = arith.constant 0 : i32
        %dma_wait3A_1470 = arith.constant 0 : i32
        %dma_wait3A_1471 = tpu.memref_slice %arg4[%dma_wait3A_1459, %dma_wait3A_1460, %dma_wait3A_1461, %dma_wait3A_1469, %dma_wait3A_1470] : memref<200x4x32x8x128xf32, #tpu.memory_space<hbm>> -> memref<1x1x1x8x128xf32, #tpu.memory_space<hbm>>
        %dma_wait3A_1472 = tpu.memref_squeeze %dma_wait3A_1471 : memref<1x1x1x8x128xf32, #tpu.memory_space<hbm>> -> memref<8x128xf32, #tpu.memory_space<hbm>>
        %dma_wait3A_1473 = arith.constant 24 : i32
        %dma_wait3A_1474 = arith.constant 0 : i32
        %dma_wait3A_1475 = tpu.memref_slice %arg9[%dma_wait3A_1473, %dma_wait3A_1474] : memref<128x129xf32, #tpu.memory_space<vmem>> -> memref<8x128xf32, #tpu.memory_space<vmem>>
        tpu.wait_dma2 semaphore(%arg14 : memref<!tpu.dma_semaphore, #tpu.memory_space<semaphore_mem>>) src(%dma_wait3A_1475 : memref<8x128xf32, #tpu.memory_space<vmem>>) dst(%dma_wait3A_1472 : memref<8x128xf32, #tpu.memory_space<hbm>>)
        %dma_wait3A_1476 = arith.constant 0 : i32
        %dma_wait3A_1477 = arith.constant 0 : i32
        %dma_wait3A_1478 = arith.constant 0 : i32
        %dma_wait3A_1479 = arith.constant 32 : i32
        %dma_wait3A_1480 = arith.constant 0 : i32
        %dma_wait3A_1481 = tpu.memref_slice %arg9[%dma_wait3A_1479, %dma_wait3A_1480] : memref<128x129xf32, #tpu.memory_space<vmem>> -> memref<8x128xf32, #tpu.memory_space<vmem>>
        %dma_wait3A_1482 = arith.constant 0 : i32
        %dma_wait3A_1483 = arith.constant 0 : i32
        %dma_wait3A_1484 = tpu.memref_slice %arg4[%dma_wait3A_1476, %dma_wait3A_1477, %dma_wait3A_1478, %dma_wait3A_1482, %dma_wait3A_1483] : memref<200x4x32x8x128xf32, #tpu.memory_space<hbm>> -> memref<1x1x1x8x128xf32, #tpu.memory_space<hbm>>
        %dma_wait3A_1485 = tpu.memref_squeeze %dma_wait3A_1484 : memref<1x1x1x8x128xf32, #tpu.memory_space<hbm>> -> memref<8x128xf32, #tpu.memory_space<hbm>>
        %dma_wait3A_1486 = arith.constant 0 : i32
        %dma_wait3A_1487 = arith.constant 0 : i32
        %dma_wait3A_1488 = tpu.memref_slice %arg4[%dma_wait3A_1476, %dma_wait3A_1477, %dma_wait3A_1478, %dma_wait3A_1486, %dma_wait3A_1487] : memref<200x4x32x8x128xf32, #tpu.memory_space<hbm>> -> memref<1x1x1x8x128xf32, #tpu.memory_space<hbm>>
        %dma_wait3A_1489 = tpu.memref_squeeze %dma_wait3A_1488 : memref<1x1x1x8x128xf32, #tpu.memory_space<hbm>> -> memref<8x128xf32, #tpu.memory_space<hbm>>
        %dma_wait3A_1490 = arith.constant 32 : i32
        %dma_wait3A_1491 = arith.constant 0 : i32
        %dma_wait3A_1492 = tpu.memref_slice %arg9[%dma_wait3A_1490, %dma_wait3A_1491] : memref<128x129xf32, #tpu.memory_space<vmem>> -> memref<8x128xf32, #tpu.memory_space<vmem>>
        tpu.wait_dma2 semaphore(%arg14 : memref<!tpu.dma_semaphore, #tpu.memory_space<semaphore_mem>>) src(%dma_wait3A_1492 : memref<8x128xf32, #tpu.memory_space<vmem>>) dst(%dma_wait3A_1489 : memref<8x128xf32, #tpu.memory_space<hbm>>)
        %dma_wait3A_1493 = arith.constant 0 : i32
        %dma_wait3A_1494 = arith.constant 1 : i32
        %dma_wait3A_1495 = arith.constant 0 : i32
        %dma_wait3A_1496 = arith.constant 40 : i32
        %dma_wait3A_1497 = arith.constant 0 : i32
        %dma_wait3A_1498 = tpu.memref_slice %arg9[%dma_wait3A_1496, %dma_wait3A_1497] : memref<128x129xf32, #tpu.memory_space<vmem>> -> memref<8x128xf32, #tpu.memory_space<vmem>>
        %dma_wait3A_1499 = arith.constant 0 : i32
        %dma_wait3A_1500 = arith.constant 0 : i32
        %dma_wait3A_1501 = tpu.memref_slice %arg4[%dma_wait3A_1493, %dma_wait3A_1494, %dma_wait3A_1495, %dma_wait3A_1499, %dma_wait3A_1500] : memref<200x4x32x8x128xf32, #tpu.memory_space<hbm>> -> memref<1x1x1x8x128xf32, #tpu.memory_space<hbm>>
        %dma_wait3A_1502 = tpu.memref_squeeze %dma_wait3A_1501 : memref<1x1x1x8x128xf32, #tpu.memory_space<hbm>> -> memref<8x128xf32, #tpu.memory_space<hbm>>
        %dma_wait3A_1503 = arith.constant 0 : i32
        %dma_wait3A_1504 = arith.constant 0 : i32
        %dma_wait3A_1505 = tpu.memref_slice %arg4[%dma_wait3A_1493, %dma_wait3A_1494, %dma_wait3A_1495, %dma_wait3A_1503, %dma_wait3A_1504] : memref<200x4x32x8x128xf32, #tpu.memory_space<hbm>> -> memref<1x1x1x8x128xf32, #tpu.memory_space<hbm>>
        %dma_wait3A_1506 = tpu.memref_squeeze %dma_wait3A_1505 : memref<1x1x1x8x128xf32, #tpu.memory_space<hbm>> -> memref<8x128xf32, #tpu.memory_space<hbm>>
        %dma_wait3A_1507 = arith.constant 40 : i32
        %dma_wait3A_1508 = arith.constant 0 : i32
        %dma_wait3A_1509 = tpu.memref_slice %arg9[%dma_wait3A_1507, %dma_wait3A_1508] : memref<128x129xf32, #tpu.memory_space<vmem>> -> memref<8x128xf32, #tpu.memory_space<vmem>>
        tpu.wait_dma2 semaphore(%arg14 : memref<!tpu.dma_semaphore, #tpu.memory_space<semaphore_mem>>) src(%dma_wait3A_1509 : memref<8x128xf32, #tpu.memory_space<vmem>>) dst(%dma_wait3A_1506 : memref<8x128xf32, #tpu.memory_space<hbm>>)
        %dma_wait3A_1510 = arith.constant 0 : i32
        %dma_wait3A_1511 = arith.constant 2 : i32
        %dma_wait3A_1512 = arith.constant 0 : i32
        %dma_wait3A_1513 = arith.constant 48 : i32
        %dma_wait3A_1514 = arith.constant 0 : i32
        %dma_wait3A_1515 = tpu.memref_slice %arg9[%dma_wait3A_1513, %dma_wait3A_1514] : memref<128x129xf32, #tpu.memory_space<vmem>> -> memref<8x128xf32, #tpu.memory_space<vmem>>
        %dma_wait3A_1516 = arith.constant 0 : i32
        %dma_wait3A_1517 = arith.constant 0 : i32
        %dma_wait3A_1518 = tpu.memref_slice %arg4[%dma_wait3A_1510, %dma_wait3A_1511, %dma_wait3A_1512, %dma_wait3A_1516, %dma_wait3A_1517] : memref<200x4x32x8x128xf32, #tpu.memory_space<hbm>> -> memref<1x1x1x8x128xf32, #tpu.memory_space<hbm>>
        %dma_wait3A_1519 = tpu.memref_squeeze %dma_wait3A_1518 : memref<1x1x1x8x128xf32, #tpu.memory_space<hbm>> -> memref<8x128xf32, #tpu.memory_space<hbm>>
        %dma_wait3A_1520 = arith.constant 0 : i32
        %dma_wait3A_1521 = arith.constant 0 : i32
        %dma_wait3A_1522 = tpu.memref_slice %arg4[%dma_wait3A_1510, %dma_wait3A_1511, %dma_wait3A_1512, %dma_wait3A_1520, %dma_wait3A_1521] : memref<200x4x32x8x128xf32, #tpu.memory_space<hbm>> -> memref<1x1x1x8x128xf32, #tpu.memory_space<hbm>>
        %dma_wait3A_1523 = tpu.memref_squeeze %dma_wait3A_1522 : memref<1x1x1x8x128xf32, #tpu.memory_space<hbm>> -> memref<8x128xf32, #tpu.memory_space<hbm>>
        %dma_wait3A_1524 = arith.constant 48 : i32
        %dma_wait3A_1525 = arith.constant 0 : i32
        %dma_wait3A_1526 = tpu.memref_slice %arg9[%dma_wait3A_1524, %dma_wait3A_1525] : memref<128x129xf32, #tpu.memory_space<vmem>> -> memref<8x128xf32, #tpu.memory_space<vmem>>
        tpu.wait_dma2 semaphore(%arg14 : memref<!tpu.dma_semaphore, #tpu.memory_space<semaphore_mem>>) src(%dma_wait3A_1526 : memref<8x128xf32, #tpu.memory_space<vmem>>) dst(%dma_wait3A_1523 : memref<8x128xf32, #tpu.memory_space<hbm>>)
        %dma_wait3A_1527 = arith.constant 0 : i32
        %dma_wait3A_1528 = arith.constant 3 : i32
        %dma_wait3A_1529 = arith.constant 0 : i32
        %dma_wait3A_1530 = arith.constant 56 : i32
        %dma_wait3A_1531 = arith.constant 0 : i32
        %dma_wait3A_1532 = tpu.memref_slice %arg9[%dma_wait3A_1530, %dma_wait3A_1531] : memref<128x129xf32, #tpu.memory_space<vmem>> -> memref<8x128xf32, #tpu.memory_space<vmem>>
        %dma_wait3A_1533 = arith.constant 0 : i32
        %dma_wait3A_1534 = arith.constant 0 : i32
        %dma_wait3A_1535 = tpu.memref_slice %arg4[%dma_wait3A_1527, %dma_wait3A_1528, %dma_wait3A_1529, %dma_wait3A_1533, %dma_wait3A_1534] : memref<200x4x32x8x128xf32, #tpu.memory_space<hbm>> -> memref<1x1x1x8x128xf32, #tpu.memory_space<hbm>>
        %dma_wait3A_1536 = tpu.memref_squeeze %dma_wait3A_1535 : memref<1x1x1x8x128xf32, #tpu.memory_space<hbm>> -> memref<8x128xf32, #tpu.memory_space<hbm>>
        %dma_wait3A_1537 = arith.constant 0 : i32
        %dma_wait3A_1538 = arith.constant 0 : i32
        %dma_wait3A_1539 = tpu.memref_slice %arg4[%dma_wait3A_1527, %dma_wait3A_1528, %dma_wait3A_1529, %dma_wait3A_1537, %dma_wait3A_1538] : memref<200x4x32x8x128xf32, #tpu.memory_space<hbm>> -> memref<1x1x1x8x128xf32, #tpu.memory_space<hbm>>
        %dma_wait3A_1540 = tpu.memref_squeeze %dma_wait3A_1539 : memref<1x1x1x8x128xf32, #tpu.memory_space<hbm>> -> memref<8x128xf32, #tpu.memory_space<hbm>>
        %dma_wait3A_1541 = arith.constant 56 : i32
        %dma_wait3A_1542 = arith.constant 0 : i32
        %dma_wait3A_1543 = tpu.memref_slice %arg9[%dma_wait3A_1541, %dma_wait3A_1542] : memref<128x129xf32, #tpu.memory_space<vmem>> -> memref<8x128xf32, #tpu.memory_space<vmem>>
        tpu.wait_dma2 semaphore(%arg14 : memref<!tpu.dma_semaphore, #tpu.memory_space<semaphore_mem>>) src(%dma_wait3A_1543 : memref<8x128xf32, #tpu.memory_space<vmem>>) dst(%dma_wait3A_1540 : memref<8x128xf32, #tpu.memory_space<hbm>>)
        %dma_wait3A_1544 = arith.constant 0 : i32
        %dma_wait3A_1545 = arith.constant 0 : i32
        %dma_wait3A_1546 = arith.constant 0 : i32
        %dma_wait3A_1547 = arith.constant 64 : i32
        %dma_wait3A_1548 = arith.constant 0 : i32
        %dma_wait3A_1549 = tpu.memref_slice %arg9[%dma_wait3A_1547, %dma_wait3A_1548] : memref<128x129xf32, #tpu.memory_space<vmem>> -> memref<8x128xf32, #tpu.memory_space<vmem>>
        %dma_wait3A_1550 = arith.constant 0 : i32
        %dma_wait3A_1551 = arith.constant 0 : i32
        %dma_wait3A_1552 = tpu.memref_slice %arg4[%dma_wait3A_1544, %dma_wait3A_1545, %dma_wait3A_1546, %dma_wait3A_1550, %dma_wait3A_1551] : memref<200x4x32x8x128xf32, #tpu.memory_space<hbm>> -> memref<1x1x1x8x128xf32, #tpu.memory_space<hbm>>
        %dma_wait3A_1553 = tpu.memref_squeeze %dma_wait3A_1552 : memref<1x1x1x8x128xf32, #tpu.memory_space<hbm>> -> memref<8x128xf32, #tpu.memory_space<hbm>>
        %dma_wait3A_1554 = arith.constant 0 : i32
        %dma_wait3A_1555 = arith.constant 0 : i32
        %dma_wait3A_1556 = tpu.memref_slice %arg4[%dma_wait3A_1544, %dma_wait3A_1545, %dma_wait3A_1546, %dma_wait3A_1554, %dma_wait3A_1555] : memref<200x4x32x8x128xf32, #tpu.memory_space<hbm>> -> memref<1x1x1x8x128xf32, #tpu.memory_space<hbm>>
        %dma_wait3A_1557 = tpu.memref_squeeze %dma_wait3A_1556 : memref<1x1x1x8x128xf32, #tpu.memory_space<hbm>> -> memref<8x128xf32, #tpu.memory_space<hbm>>
        %dma_wait3A_1558 = arith.constant 64 : i32
        %dma_wait3A_1559 = arith.constant 0 : i32
        %dma_wait3A_1560 = tpu.memref_slice %arg9[%dma_wait3A_1558, %dma_wait3A_1559] : memref<128x129xf32, #tpu.memory_space<vmem>> -> memref<8x128xf32, #tpu.memory_space<vmem>>
        tpu.wait_dma2 semaphore(%arg14 : memref<!tpu.dma_semaphore, #tpu.memory_space<semaphore_mem>>) src(%dma_wait3A_1560 : memref<8x128xf32, #tpu.memory_space<vmem>>) dst(%dma_wait3A_1557 : memref<8x128xf32, #tpu.memory_space<hbm>>)
        %dma_wait3A_1561 = arith.constant 0 : i32
        %dma_wait3A_1562 = arith.constant 1 : i32
        %dma_wait3A_1563 = arith.constant 0 : i32
        %dma_wait3A_1564 = arith.constant 72 : i32
        %dma_wait3A_1565 = arith.constant 0 : i32
        %dma_wait3A_1566 = tpu.memref_slice %arg9[%dma_wait3A_1564, %dma_wait3A_1565] : memref<128x129xf32, #tpu.memory_space<vmem>> -> memref<8x128xf32, #tpu.memory_space<vmem>>
        %dma_wait3A_1567 = arith.constant 0 : i32
        %dma_wait3A_1568 = arith.constant 0 : i32
        %dma_wait3A_1569 = tpu.memref_slice %arg4[%dma_wait3A_1561, %dma_wait3A_1562, %dma_wait3A_1563, %dma_wait3A_1567, %dma_wait3A_1568] : memref<200x4x32x8x128xf32, #tpu.memory_space<hbm>> -> memref<1x1x1x8x128xf32, #tpu.memory_space<hbm>>
        %dma_wait3A_1570 = tpu.memref_squeeze %dma_wait3A_1569 : memref<1x1x1x8x128xf32, #tpu.memory_space<hbm>> -> memref<8x128xf32, #tpu.memory_space<hbm>>
        %dma_wait3A_1571 = arith.constant 0 : i32
        %dma_wait3A_1572 = arith.constant 0 : i32
        %dma_wait3A_1573 = tpu.memref_slice %arg4[%dma_wait3A_1561, %dma_wait3A_1562, %dma_wait3A_1563, %dma_wait3A_1571, %dma_wait3A_1572] : memref<200x4x32x8x128xf32, #tpu.memory_space<hbm>> -> memref<1x1x1x8x128xf32, #tpu.memory_space<hbm>>
        %dma_wait3A_1574 = tpu.memref_squeeze %dma_wait3A_1573 : memref<1x1x1x8x128xf32, #tpu.memory_space<hbm>> -> memref<8x128xf32, #tpu.memory_space<hbm>>
        %dma_wait3A_1575 = arith.constant 72 : i32
        %dma_wait3A_1576 = arith.constant 0 : i32
        %dma_wait3A_1577 = tpu.memref_slice %arg9[%dma_wait3A_1575, %dma_wait3A_1576] : memref<128x129xf32, #tpu.memory_space<vmem>> -> memref<8x128xf32, #tpu.memory_space<vmem>>
        tpu.wait_dma2 semaphore(%arg14 : memref<!tpu.dma_semaphore, #tpu.memory_space<semaphore_mem>>) src(%dma_wait3A_1577 : memref<8x128xf32, #tpu.memory_space<vmem>>) dst(%dma_wait3A_1574 : memref<8x128xf32, #tpu.memory_space<hbm>>)
        %dma_wait3A_1578 = arith.constant 0 : i32
        %dma_wait3A_1579 = arith.constant 2 : i32
        %dma_wait3A_1580 = arith.constant 0 : i32
        %dma_wait3A_1581 = arith.constant 80 : i32
        %dma_wait3A_1582 = arith.constant 0 : i32
        %dma_wait3A_1583 = tpu.memref_slice %arg9[%dma_wait3A_1581, %dma_wait3A_1582] : memref<128x129xf32, #tpu.memory_space<vmem>> -> memref<8x128xf32, #tpu.memory_space<vmem>>
        %dma_wait3A_1584 = arith.constant 0 : i32
        %dma_wait3A_1585 = arith.constant 0 : i32
        %dma_wait3A_1586 = tpu.memref_slice %arg4[%dma_wait3A_1578, %dma_wait3A_1579, %dma_wait3A_1580, %dma_wait3A_1584, %dma_wait3A_1585] : memref<200x4x32x8x128xf32, #tpu.memory_space<hbm>> -> memref<1x1x1x8x128xf32, #tpu.memory_space<hbm>>
        %dma_wait3A_1587 = tpu.memref_squeeze %dma_wait3A_1586 : memref<1x1x1x8x128xf32, #tpu.memory_space<hbm>> -> memref<8x128xf32, #tpu.memory_space<hbm>>
        %dma_wait3A_1588 = arith.constant 0 : i32
        %dma_wait3A_1589 = arith.constant 0 : i32
        %dma_wait3A_1590 = tpu.memref_slice %arg4[%dma_wait3A_1578, %dma_wait3A_1579, %dma_wait3A_1580, %dma_wait3A_1588, %dma_wait3A_1589] : memref<200x4x32x8x128xf32, #tpu.memory_space<hbm>> -> memref<1x1x1x8x128xf32, #tpu.memory_space<hbm>>
        %dma_wait3A_1591 = tpu.memref_squeeze %dma_wait3A_1590 : memref<1x1x1x8x128xf32, #tpu.memory_space<hbm>> -> memref<8x128xf32, #tpu.memory_space<hbm>>
        %dma_wait3A_1592 = arith.constant 80 : i32
        %dma_wait3A_1593 = arith.constant 0 : i32
        %dma_wait3A_1594 = tpu.memref_slice %arg9[%dma_wait3A_1592, %dma_wait3A_1593] : memref<128x129xf32, #tpu.memory_space<vmem>> -> memref<8x128xf32, #tpu.memory_space<vmem>>
        tpu.wait_dma2 semaphore(%arg14 : memref<!tpu.dma_semaphore, #tpu.memory_space<semaphore_mem>>) src(%dma_wait3A_1594 : memref<8x128xf32, #tpu.memory_space<vmem>>) dst(%dma_wait3A_1591 : memref<8x128xf32, #tpu.memory_space<hbm>>)
        %dma_wait3A_1595 = arith.constant 0 : i32
        %dma_wait3A_1596 = arith.constant 3 : i32
        %dma_wait3A_1597 = arith.constant 0 : i32
        %dma_wait3A_1598 = arith.constant 88 : i32
        %dma_wait3A_1599 = arith.constant 0 : i32
        %dma_wait3A_1600 = tpu.memref_slice %arg9[%dma_wait3A_1598, %dma_wait3A_1599] : memref<128x129xf32, #tpu.memory_space<vmem>> -> memref<8x128xf32, #tpu.memory_space<vmem>>
        %dma_wait3A_1601 = arith.constant 0 : i32
        %dma_wait3A_1602 = arith.constant 0 : i32
        %dma_wait3A_1603 = tpu.memref_slice %arg4[%dma_wait3A_1595, %dma_wait3A_1596, %dma_wait3A_1597, %dma_wait3A_1601, %dma_wait3A_1602] : memref<200x4x32x8x128xf32, #tpu.memory_space<hbm>> -> memref<1x1x1x8x128xf32, #tpu.memory_space<hbm>>
        %dma_wait3A_1604 = tpu.memref_squeeze %dma_wait3A_1603 : memref<1x1x1x8x128xf32, #tpu.memory_space<hbm>> -> memref<8x128xf32, #tpu.memory_space<hbm>>
        %dma_wait3A_1605 = arith.constant 0 : i32
        %dma_wait3A_1606 = arith.constant 0 : i32
        %dma_wait3A_1607 = tpu.memref_slice %arg4[%dma_wait3A_1595, %dma_wait3A_1596, %dma_wait3A_1597, %dma_wait3A_1605, %dma_wait3A_1606] : memref<200x4x32x8x128xf32, #tpu.memory_space<hbm>> -> memref<1x1x1x8x128xf32, #tpu.memory_space<hbm>>
        %dma_wait3A_1608 = tpu.memref_squeeze %dma_wait3A_1607 : memref<1x1x1x8x128xf32, #tpu.memory_space<hbm>> -> memref<8x128xf32, #tpu.memory_space<hbm>>
        %dma_wait3A_1609 = arith.constant 88 : i32
        %dma_wait3A_1610 = arith.constant 0 : i32
        %dma_wait3A_1611 = tpu.memref_slice %arg9[%dma_wait3A_1609, %dma_wait3A_1610] : memref<128x129xf32, #tpu.memory_space<vmem>> -> memref<8x128xf32, #tpu.memory_space<vmem>>
        tpu.wait_dma2 semaphore(%arg14 : memref<!tpu.dma_semaphore, #tpu.memory_space<semaphore_mem>>) src(%dma_wait3A_1611 : memref<8x128xf32, #tpu.memory_space<vmem>>) dst(%dma_wait3A_1608 : memref<8x128xf32, #tpu.memory_space<hbm>>)
        %dma_wait3A_1612 = arith.constant 0 : i32
        %dma_wait3A_1613 = arith.constant 0 : i32
        %dma_wait3A_1614 = arith.constant 0 : i32
        %dma_wait3A_1615 = arith.constant 96 : i32
        %dma_wait3A_1616 = arith.constant 0 : i32
        %dma_wait3A_1617 = tpu.memref_slice %arg9[%dma_wait3A_1615, %dma_wait3A_1616] : memref<128x129xf32, #tpu.memory_space<vmem>> -> memref<8x128xf32, #tpu.memory_space<vmem>>
        %dma_wait3A_1618 = arith.constant 0 : i32
        %dma_wait3A_1619 = arith.constant 0 : i32
        %dma_wait3A_1620 = tpu.memref_slice %arg4[%dma_wait3A_1612, %dma_wait3A_1613, %dma_wait3A_1614, %dma_wait3A_1618, %dma_wait3A_1619] : memref<200x4x32x8x128xf32, #tpu.memory_space<hbm>> -> memref<1x1x1x8x128xf32, #tpu.memory_space<hbm>>
        %dma_wait3A_1621 = tpu.memref_squeeze %dma_wait3A_1620 : memref<1x1x1x8x128xf32, #tpu.memory_space<hbm>> -> memref<8x128xf32, #tpu.memory_space<hbm>>
        %dma_wait3A_1622 = arith.constant 0 : i32
        %dma_wait3A_1623 = arith.constant 0 : i32
        %dma_wait3A_1624 = tpu.memref_slice %arg4[%dma_wait3A_1612, %dma_wait3A_1613, %dma_wait3A_1614, %dma_wait3A_1622, %dma_wait3A_1623] : memref<200x4x32x8x128xf32, #tpu.memory_space<hbm>> -> memref<1x1x1x8x128xf32, #tpu.memory_space<hbm>>
        %dma_wait3A_1625 = tpu.memref_squeeze %dma_wait3A_1624 : memref<1x1x1x8x128xf32, #tpu.memory_space<hbm>> -> memref<8x128xf32, #tpu.memory_space<hbm>>
        %dma_wait3A_1626 = arith.constant 96 : i32
        %dma_wait3A_1627 = arith.constant 0 : i32
        %dma_wait3A_1628 = tpu.memref_slice %arg9[%dma_wait3A_1626, %dma_wait3A_1627] : memref<128x129xf32, #tpu.memory_space<vmem>> -> memref<8x128xf32, #tpu.memory_space<vmem>>
        tpu.wait_dma2 semaphore(%arg14 : memref<!tpu.dma_semaphore, #tpu.memory_space<semaphore_mem>>) src(%dma_wait3A_1628 : memref<8x128xf32, #tpu.memory_space<vmem>>) dst(%dma_wait3A_1625 : memref<8x128xf32, #tpu.memory_space<hbm>>)
        %dma_wait3A_1629 = arith.constant 0 : i32
        %dma_wait3A_1630 = arith.constant 1 : i32
        %dma_wait3A_1631 = arith.constant 0 : i32
        %dma_wait3A_1632 = arith.constant 104 : i32
        %dma_wait3A_1633 = arith.constant 0 : i32
        %dma_wait3A_1634 = tpu.memref_slice %arg9[%dma_wait3A_1632, %dma_wait3A_1633] : memref<128x129xf32, #tpu.memory_space<vmem>> -> memref<8x128xf32, #tpu.memory_space<vmem>>
        %dma_wait3A_1635 = arith.constant 0 : i32
        %dma_wait3A_1636 = arith.constant 0 : i32
        %dma_wait3A_1637 = tpu.memref_slice %arg4[%dma_wait3A_1629, %dma_wait3A_1630, %dma_wait3A_1631, %dma_wait3A_1635, %dma_wait3A_1636] : memref<200x4x32x8x128xf32, #tpu.memory_space<hbm>> -> memref<1x1x1x8x128xf32, #tpu.memory_space<hbm>>
        %dma_wait3A_1638 = tpu.memref_squeeze %dma_wait3A_1637 : memref<1x1x1x8x128xf32, #tpu.memory_space<hbm>> -> memref<8x128xf32, #tpu.memory_space<hbm>>
        %dma_wait3A_1639 = arith.constant 0 : i32
        %dma_wait3A_1640 = arith.constant 0 : i32
        %dma_wait3A_1641 = tpu.memref_slice %arg4[%dma_wait3A_1629, %dma_wait3A_1630, %dma_wait3A_1631, %dma_wait3A_1639, %dma_wait3A_1640] : memref<200x4x32x8x128xf32, #tpu.memory_space<hbm>> -> memref<1x1x1x8x128xf32, #tpu.memory_space<hbm>>
        %dma_wait3A_1642 = tpu.memref_squeeze %dma_wait3A_1641 : memref<1x1x1x8x128xf32, #tpu.memory_space<hbm>> -> memref<8x128xf32, #tpu.memory_space<hbm>>
        %dma_wait3A_1643 = arith.constant 104 : i32
        %dma_wait3A_1644 = arith.constant 0 : i32
        %dma_wait3A_1645 = tpu.memref_slice %arg9[%dma_wait3A_1643, %dma_wait3A_1644] : memref<128x129xf32, #tpu.memory_space<vmem>> -> memref<8x128xf32, #tpu.memory_space<vmem>>
        tpu.wait_dma2 semaphore(%arg14 : memref<!tpu.dma_semaphore, #tpu.memory_space<semaphore_mem>>) src(%dma_wait3A_1645 : memref<8x128xf32, #tpu.memory_space<vmem>>) dst(%dma_wait3A_1642 : memref<8x128xf32, #tpu.memory_space<hbm>>)
        %dma_wait3A_1646 = arith.constant 0 : i32
        %dma_wait3A_1647 = arith.constant 2 : i32
        %dma_wait3A_1648 = arith.constant 0 : i32
        %dma_wait3A_1649 = arith.constant 112 : i32
        %dma_wait3A_1650 = arith.constant 0 : i32
        %dma_wait3A_1651 = tpu.memref_slice %arg9[%dma_wait3A_1649, %dma_wait3A_1650] : memref<128x129xf32, #tpu.memory_space<vmem>> -> memref<8x128xf32, #tpu.memory_space<vmem>>
        %dma_wait3A_1652 = arith.constant 0 : i32
        %dma_wait3A_1653 = arith.constant 0 : i32
        %dma_wait3A_1654 = tpu.memref_slice %arg4[%dma_wait3A_1646, %dma_wait3A_1647, %dma_wait3A_1648, %dma_wait3A_1652, %dma_wait3A_1653] : memref<200x4x32x8x128xf32, #tpu.memory_space<hbm>> -> memref<1x1x1x8x128xf32, #tpu.memory_space<hbm>>
        %dma_wait3A_1655 = tpu.memref_squeeze %dma_wait3A_1654 : memref<1x1x1x8x128xf32, #tpu.memory_space<hbm>> -> memref<8x128xf32, #tpu.memory_space<hbm>>
        %dma_wait3A_1656 = arith.constant 0 : i32
        %dma_wait3A_1657 = arith.constant 0 : i32
        %dma_wait3A_1658 = tpu.memref_slice %arg4[%dma_wait3A_1646, %dma_wait3A_1647, %dma_wait3A_1648, %dma_wait3A_1656, %dma_wait3A_1657] : memref<200x4x32x8x128xf32, #tpu.memory_space<hbm>> -> memref<1x1x1x8x128xf32, #tpu.memory_space<hbm>>
        %dma_wait3A_1659 = tpu.memref_squeeze %dma_wait3A_1658 : memref<1x1x1x8x128xf32, #tpu.memory_space<hbm>> -> memref<8x128xf32, #tpu.memory_space<hbm>>
        %dma_wait3A_1660 = arith.constant 112 : i32
        %dma_wait3A_1661 = arith.constant 0 : i32
        %dma_wait3A_1662 = tpu.memref_slice %arg9[%dma_wait3A_1660, %dma_wait3A_1661] : memref<128x129xf32, #tpu.memory_space<vmem>> -> memref<8x128xf32, #tpu.memory_space<vmem>>
        tpu.wait_dma2 semaphore(%arg14 : memref<!tpu.dma_semaphore, #tpu.memory_space<semaphore_mem>>) src(%dma_wait3A_1662 : memref<8x128xf32, #tpu.memory_space<vmem>>) dst(%dma_wait3A_1659 : memref<8x128xf32, #tpu.memory_space<hbm>>)
        %dma_wait3A_1663 = arith.constant 0 : i32
        %dma_wait3A_1664 = arith.constant 3 : i32
        %dma_wait3A_1665 = arith.constant 0 : i32
        %dma_wait3A_1666 = arith.constant 120 : i32
        %dma_wait3A_1667 = arith.constant 0 : i32
        %dma_wait3A_1668 = tpu.memref_slice %arg9[%dma_wait3A_1666, %dma_wait3A_1667] : memref<128x129xf32, #tpu.memory_space<vmem>> -> memref<8x128xf32, #tpu.memory_space<vmem>>
        %dma_wait3A_1669 = arith.constant 0 : i32
        %dma_wait3A_1670 = arith.constant 0 : i32
        %dma_wait3A_1671 = tpu.memref_slice %arg4[%dma_wait3A_1663, %dma_wait3A_1664, %dma_wait3A_1665, %dma_wait3A_1669, %dma_wait3A_1670] : memref<200x4x32x8x128xf32, #tpu.memory_space<hbm>> -> memref<1x1x1x8x128xf32, #tpu.memory_space<hbm>>
        %dma_wait3A_1672 = tpu.memref_squeeze %dma_wait3A_1671 : memref<1x1x1x8x128xf32, #tpu.memory_space<hbm>> -> memref<8x128xf32, #tpu.memory_space<hbm>>
        %dma_wait3A_1673 = arith.constant 0 : i32
        %dma_wait3A_1674 = arith.constant 0 : i32
        %dma_wait3A_1675 = tpu.memref_slice %arg4[%dma_wait3A_1663, %dma_wait3A_1664, %dma_wait3A_1665, %dma_wait3A_1673, %dma_wait3A_1674] : memref<200x4x32x8x128xf32, #tpu.memory_space<hbm>> -> memref<1x1x1x8x128xf32, #tpu.memory_space<hbm>>
        %dma_wait3A_1676 = tpu.memref_squeeze %dma_wait3A_1675 : memref<1x1x1x8x128xf32, #tpu.memory_space<hbm>> -> memref<8x128xf32, #tpu.memory_space<hbm>>
        %dma_wait3A_1677 = arith.constant 120 : i32
        %dma_wait3A_1678 = arith.constant 0 : i32
        %dma_wait3A_1679 = tpu.memref_slice %arg9[%dma_wait3A_1677, %dma_wait3A_1678] : memref<128x129xf32, #tpu.memory_space<vmem>> -> memref<8x128xf32, #tpu.memory_space<vmem>>
        tpu.wait_dma2 semaphore(%arg14 : memref<!tpu.dma_semaphore, #tpu.memory_space<semaphore_mem>>) src(%dma_wait3A_1679 : memref<8x128xf32, #tpu.memory_space<vmem>>) dst(%dma_wait3A_1676 : memref<8x128xf32, #tpu.memory_space<hbm>>)
      } else {
      }
      %add3A_996 = arith.constant 0 : i32
      %add3A_997 = vector.broadcast %add3A_996 : i32 to vector<16xi32>
      %add3A_998 = arith.addi %iota3A, %add3A_997 : vector<16xi32>
      %add3A_999 = arith.constant 16 : i32
      %add3A_1000 = vector.broadcast %add3A_999 : i32 to vector<16xi32>
      %add3A_1001 = arith.addi %add3A_998, %add3A_1000 : vector<16xi32>
      %scan3A_1002 = arith.constant 0 : i32
      %scan3A_1003 = arith.constant 0 : i32
      %scan3A_1004 = arith.constant 128 : i32
      %scan3A_1005 = arith.addi %scan3A_1003, %scan3A_1004 : i32
      %scan3A_1006 = arith.constant 4 : i32
      scf.for %scan3A_1408 = %scan3A_1003 to %scan3A_1005 step %scan3A_1006  : i32 {
        %add3A_1409 = arith.constant 0 : i32
        %add3A_1410 = arith.addi %add3A_1409, %scan3A_1408 : i32
        %broadcast_in_dim3A = arith.constant 0 : i32
        %broadcast_in_dim3A_1411 = vector.broadcast %broadcast_in_dim3A : i32 to vector<16xi32>
        %add3A_1412 = vector.broadcast %scan3A_1408 : i32 to vector<16xi32>
        %add3A_1413 = arith.addi %broadcast_in_dim3A_1411, %add3A_1412 : vector<16xi32>
        %get3A = arith.index_cast %add3A_1410 : i32 to index
        %get3A_1414 = arith.constant 0 : index
        %get3A_1415 = tpu.vector_load %arg7[%get3A, %get3A_1414] {strides = array<i32>} : memref<512x32xf32, #tpu.memory_space<vmem>>, vector<16xf32>,
        %get3A_1416 = arith.index_cast %add3A_1410 : i32 to index
        %get3A_1417 = arith.constant 16 : index
        %get3A_1418 = tpu.vector_load %arg7[%get3A_1416, %get3A_1417] {strides = array<i32>} : memref<512x32xf32, #tpu.memory_space<vmem>>, vector<16xf32>,
        tpu.vector_store_idx %arg9[%add3A_998, %add3A_1413], %get3A_1415 : memref<128x129xf32, #tpu.memory_space<vmem>>[vector<16xi32>, vector<16xi32>], vector<16xf32>,
        tpu.vector_store_idx %arg9[%add3A_1001, %add3A_1413], %get3A_1418 : memref<128x129xf32, #tpu.memory_space<vmem>>[vector<16xi32>, vector<16xi32>], vector<16xf32>,
        %scan3A_1419 = arith.constant 1 : i32
        %scan3A_1420 = arith.addi %scan3A_1408, %scan3A_1419 : i32
        %add3A_1421 = arith.constant 0 : i32
        %add3A_1422 = arith.addi %add3A_1421, %scan3A_1420 : i32
        %broadcast_in_dim3A_1423 = arith.constant 0 : i32
        %broadcast_in_dim3A_1424 = vector.broadcast %broadcast_in_dim3A_1423 : i32 to vector<16xi32>
        %add3A_1425 = vector.broadcast %scan3A_1420 : i32 to vector<16xi32>
        %add3A_1426 = arith.addi %broadcast_in_dim3A_1424, %add3A_1425 : vector<16xi32>
        %get3A_1427 = arith.index_cast %add3A_1422 : i32 to index
        %get3A_1428 = arith.constant 0 : index
        %get3A_1429 = tpu.vector_load %arg7[%get3A_1427, %get3A_1428] {strides = array<i32>} : memref<512x32xf32, #tpu.memory_space<vmem>>, vector<16xf32>,
        %get3A_1430 = arith.index_cast %add3A_1422 : i32 to index
        %get3A_1431 = arith.constant 16 : index
        %get3A_1432 = tpu.vector_load %arg7[%get3A_1430, %get3A_1431] {strides = array<i32>} : memref<512x32xf32, #tpu.memory_space<vmem>>, vector<16xf32>,
        tpu.vector_store_idx %arg9[%add3A_998, %add3A_1426], %get3A_1429 : memref<128x129xf32, #tpu.memory_space<vmem>>[vector<16xi32>, vector<16xi32>], vector<16xf32>,
        tpu.vector_store_idx %arg9[%add3A_1001, %add3A_1426], %get3A_1432 : memref<128x129xf32, #tpu.memory_space<vmem>>[vector<16xi32>, vector<16xi32>], vector<16xf32>,
        %scan3A_1433 = arith.constant 2 : i32
        %scan3A_1434 = arith.addi %scan3A_1408, %scan3A_1433 : i32
        %add3A_1435 = arith.constant 0 : i32
        %add3A_1436 = arith.addi %add3A_1435, %scan3A_1434 : i32
        %broadcast_in_dim3A_1437 = arith.constant 0 : i32
        %broadcast_in_dim3A_1438 = vector.broadcast %broadcast_in_dim3A_1437 : i32 to vector<16xi32>
        %add3A_1439 = vector.broadcast %scan3A_1434 : i32 to vector<16xi32>
        %add3A_1440 = arith.addi %broadcast_in_dim3A_1438, %add3A_1439 : vector<16xi32>
        %get3A_1441 = arith.index_cast %add3A_1436 : i32 to index
        %get3A_1442 = arith.constant 0 : index
        %get3A_1443 = tpu.vector_load %arg7[%get3A_1441, %get3A_1442] {strides = array<i32>} : memref<512x32xf32, #tpu.memory_space<vmem>>, vector<16xf32>,
        %get3A_1444 = arith.index_cast %add3A_1436 : i32 to index
        %get3A_1445 = arith.constant 16 : index
        %get3A_1446 = tpu.vector_load %arg7[%get3A_1444, %get3A_1445] {strides = array<i32>} : memref<512x32xf32, #tpu.memory_space<vmem>>, vector<16xf32>,
        tpu.vector_store_idx %arg9[%add3A_998, %add3A_1440], %get3A_1443 : memref<128x129xf32, #tpu.memory_space<vmem>>[vector<16xi32>, vector<16xi32>], vector<16xf32>,
        tpu.vector_store_idx %arg9[%add3A_1001, %add3A_1440], %get3A_1446 : memref<128x129xf32, #tpu.memory_space<vmem>>[vector<16xi32>, vector<16xi32>], vector<16xf32>,
        %scan3A_1447 = arith.constant 3 : i32
        %scan3A_1448 = arith.addi %scan3A_1408, %scan3A_1447 : i32
        %add3A_1449 = arith.constant 0 : i32
        %add3A_1450 = arith.addi %add3A_1449, %scan3A_1448 : i32
        %broadcast_in_dim3A_1451 = arith.constant 0 : i32
        %broadcast_in_dim3A_1452 = vector.broadcast %broadcast_in_dim3A_1451 : i32 to vector<16xi32>
        %add3A_1453 = vector.broadcast %scan3A_1448 : i32 to vector<16xi32>
        %add3A_1454 = arith.addi %broadcast_in_dim3A_1452, %add3A_1453 : vector<16xi32>
        %get3A_1455 = arith.index_cast %add3A_1450 : i32 to index
        %get3A_1456 = arith.constant 0 : index
        %get3A_1457 = tpu.vector_load %arg7[%get3A_1455, %get3A_1456] {strides = array<i32>} : memref<512x32xf32, #tpu.memory_space<vmem>>, vector<16xf32>,
        %get3A_1458 = arith.index_cast %add3A_1450 : i32 to index
        %get3A_1459 = arith.constant 16 : index
        %get3A_1460 = tpu.vector_load %arg7[%get3A_1458, %get3A_1459] {strides = array<i32>} : memref<512x32xf32, #tpu.memory_space<vmem>>, vector<16xf32>,
        tpu.vector_store_idx %arg9[%add3A_998, %add3A_1454], %get3A_1457 : memref<128x129xf32, #tpu.memory_space<vmem>>[vector<16xi32>, vector<16xi32>], vector<16xf32>,
        tpu.vector_store_idx %arg9[%add3A_1001, %add3A_1454], %get3A_1460 : memref<128x129xf32, #tpu.memory_space<vmem>>[vector<16xi32>, vector<16xi32>], vector<16xf32>,
      }
      %scan3A_1007 = arith.constant 128 : i32
      %add3A_1008 = arith.constant 32 : i32
      %add3A_1009 = vector.broadcast %add3A_1008 : i32 to vector<16xi32>
      %add3A_1010 = arith.addi %iota3A, %add3A_1009 : vector<16xi32>
      %add3A_1011 = arith.constant 16 : i32
      %add3A_1012 = vector.broadcast %add3A_1011 : i32 to vector<16xi32>
      %add3A_1013 = arith.addi %add3A_1010, %add3A_1012 : vector<16xi32>
      %scan3A_1014 = arith.constant 0 : i32
      %scan3A_1015 = arith.constant 0 : i32
      %scan3A_1016 = arith.constant 128 : i32
      %scan3A_1017 = arith.addi %scan3A_1015, %scan3A_1016 : i32
      %scan3A_1018 = arith.constant 4 : i32
      scf.for %scan3A_1408 = %scan3A_1015 to %scan3A_1017 step %scan3A_1018  : i32 {
        %add3A_1409 = arith.constant 128 : i32
        %add3A_1410 = arith.addi %add3A_1409, %scan3A_1408 : i32
        %broadcast_in_dim3A = arith.constant 0 : i32
        %broadcast_in_dim3A_1411 = vector.broadcast %broadcast_in_dim3A : i32 to vector<16xi32>
        %add3A_1412 = vector.broadcast %scan3A_1408 : i32 to vector<16xi32>
        %add3A_1413 = arith.addi %broadcast_in_dim3A_1411, %add3A_1412 : vector<16xi32>
        %get3A = arith.index_cast %add3A_1410 : i32 to index
        %get3A_1414 = arith.constant 0 : index
        %get3A_1415 = tpu.vector_load %arg7[%get3A, %get3A_1414] {strides = array<i32>} : memref<512x32xf32, #tpu.memory_space<vmem>>, vector<16xf32>,
        %get3A_1416 = arith.index_cast %add3A_1410 : i32 to index
        %get3A_1417 = arith.constant 16 : index
        %get3A_1418 = tpu.vector_load %arg7[%get3A_1416, %get3A_1417] {strides = array<i32>} : memref<512x32xf32, #tpu.memory_space<vmem>>, vector<16xf32>,
        tpu.vector_store_idx %arg9[%add3A_1010, %add3A_1413], %get3A_1415 : memref<128x129xf32, #tpu.memory_space<vmem>>[vector<16xi32>, vector<16xi32>], vector<16xf32>,
        tpu.vector_store_idx %arg9[%add3A_1013, %add3A_1413], %get3A_1418 : memref<128x129xf32, #tpu.memory_space<vmem>>[vector<16xi32>, vector<16xi32>], vector<16xf32>,
        %scan3A_1419 = arith.constant 1 : i32
        %scan3A_1420 = arith.addi %scan3A_1408, %scan3A_1419 : i32
        %add3A_1421 = arith.constant 128 : i32
        %add3A_1422 = arith.addi %add3A_1421, %scan3A_1420 : i32
        %broadcast_in_dim3A_1423 = arith.constant 0 : i32
        %broadcast_in_dim3A_1424 = vector.broadcast %broadcast_in_dim3A_1423 : i32 to vector<16xi32>
        %add3A_1425 = vector.broadcast %scan3A_1420 : i32 to vector<16xi32>
        %add3A_1426 = arith.addi %broadcast_in_dim3A_1424, %add3A_1425 : vector<16xi32>
        %get3A_1427 = arith.index_cast %add3A_1422 : i32 to index
        %get3A_1428 = arith.constant 0 : index
        %get3A_1429 = tpu.vector_load %arg7[%get3A_1427, %get3A_1428] {strides = array<i32>} : memref<512x32xf32, #tpu.memory_space<vmem>>, vector<16xf32>,
        %get3A_1430 = arith.index_cast %add3A_1422 : i32 to index
        %get3A_1431 = arith.constant 16 : index
        %get3A_1432 = tpu.vector_load %arg7[%get3A_1430, %get3A_1431] {strides = array<i32>} : memref<512x32xf32, #tpu.memory_space<vmem>>, vector<16xf32>,
        tpu.vector_store_idx %arg9[%add3A_1010, %add3A_1426], %get3A_1429 : memref<128x129xf32, #tpu.memory_space<vmem>>[vector<16xi32>, vector<16xi32>], vector<16xf32>,
        tpu.vector_store_idx %arg9[%add3A_1013, %add3A_1426], %get3A_1432 : memref<128x129xf32, #tpu.memory_space<vmem>>[vector<16xi32>, vector<16xi32>], vector<16xf32>,
        %scan3A_1433 = arith.constant 2 : i32
        %scan3A_1434 = arith.addi %scan3A_1408, %scan3A_1433 : i32
        %add3A_1435 = arith.constant 128 : i32
        %add3A_1436 = arith.addi %add3A_1435, %scan3A_1434 : i32
        %broadcast_in_dim3A_1437 = arith.constant 0 : i32
        %broadcast_in_dim3A_1438 = vector.broadcast %broadcast_in_dim3A_1437 : i32 to vector<16xi32>
        %add3A_1439 = vector.broadcast %scan3A_1434 : i32 to vector<16xi32>
        %add3A_1440 = arith.addi %broadcast_in_dim3A_1438, %add3A_1439 : vector<16xi32>
        %get3A_1441 = arith.index_cast %add3A_1436 : i32 to index
        %get3A_1442 = arith.constant 0 : index
        %get3A_1443 = tpu.vector_load %arg7[%get3A_1441, %get3A_1442] {strides = array<i32>} : memref<512x32xf32, #tpu.memory_space<vmem>>, vector<16xf32>,
        %get3A_1444 = arith.index_cast %add3A_1436 : i32 to index
        %get3A_1445 = arith.constant 16 : index
        %get3A_1446 = tpu.vector_load %arg7[%get3A_1444, %get3A_1445] {strides = array<i32>} : memref<512x32xf32, #tpu.memory_space<vmem>>, vector<16xf32>,
        tpu.vector_store_idx %arg9[%add3A_1010, %add3A_1440], %get3A_1443 : memref<128x129xf32, #tpu.memory_space<vmem>>[vector<16xi32>, vector<16xi32>], vector<16xf32>,
        tpu.vector_store_idx %arg9[%add3A_1013, %add3A_1440], %get3A_1446 : memref<128x129xf32, #tpu.memory_space<vmem>>[vector<16xi32>, vector<16xi32>], vector<16xf32>,
        %scan3A_1447 = arith.constant 3 : i32
        %scan3A_1448 = arith.addi %scan3A_1408, %scan3A_1447 : i32
        %add3A_1449 = arith.constant 128 : i32
        %add3A_1450 = arith.addi %add3A_1449, %scan3A_1448 : i32
        %broadcast_in_dim3A_1451 = arith.constant 0 : i32
        %broadcast_in_dim3A_1452 = vector.broadcast %broadcast_in_dim3A_1451 : i32 to vector<16xi32>
        %add3A_1453 = vector.broadcast %scan3A_1448 : i32 to vector<16xi32>
        %add3A_1454 = arith.addi %broadcast_in_dim3A_1452, %add3A_1453 : vector<16xi32>
        %get3A_1455 = arith.index_cast %add3A_1450 : i32 to index
        %get3A_1456 = arith.constant 0 : index
        %get3A_1457 = tpu.vector_load %arg7[%get3A_1455, %get3A_1456] {strides = array<i32>} : memref<512x32xf32, #tpu.memory_space<vmem>>, vector<16xf32>,
        %get3A_1458 = arith.index_cast %add3A_1450 : i32 to index
        %get3A_1459 = arith.constant 16 : index
        %get3A_1460 = tpu.vector_load %arg7[%get3A_1458, %get3A_1459] {strides = array<i32>} : memref<512x32xf32, #tpu.memory_space<vmem>>, vector<16xf32>,
        tpu.vector_store_idx %arg9[%add3A_1010, %add3A_1454], %get3A_1457 : memref<128x129xf32, #tpu.memory_space<vmem>>[vector<16xi32>, vector<16xi32>], vector<16xf32>,
        tpu.vector_store_idx %arg9[%add3A_1013, %add3A_1454], %get3A_1460 : memref<128x129xf32, #tpu.memory_space<vmem>>[vector<16xi32>, vector<16xi32>], vector<16xf32>,
      }
      %scan3A_1019 = arith.constant 128 : i32
      %add3A_1020 = arith.constant 64 : i32
      %add3A_1021 = vector.broadcast %add3A_1020 : i32 to vector<16xi32>
      %add3A_1022 = arith.addi %iota3A, %add3A_1021 : vector<16xi32>
      %add3A_1023 = arith.constant 16 : i32
      %add3A_1024 = vector.broadcast %add3A_1023 : i32 to vector<16xi32>
      %add3A_1025 = arith.addi %add3A_1022, %add3A_1024 : vector<16xi32>
      %scan3A_1026 = arith.constant 0 : i32
      %scan3A_1027 = arith.constant 0 : i32
      %scan3A_1028 = arith.constant 128 : i32
      %scan3A_1029 = arith.addi %scan3A_1027, %scan3A_1028 : i32
      %scan3A_1030 = arith.constant 4 : i32
      scf.for %scan3A_1408 = %scan3A_1027 to %scan3A_1029 step %scan3A_1030  : i32 {
        %add3A_1409 = arith.constant 256 : i32
        %add3A_1410 = arith.addi %add3A_1409, %scan3A_1408 : i32
        %broadcast_in_dim3A = arith.constant 0 : i32
        %broadcast_in_dim3A_1411 = vector.broadcast %broadcast_in_dim3A : i32 to vector<16xi32>
        %add3A_1412 = vector.broadcast %scan3A_1408 : i32 to vector<16xi32>
        %add3A_1413 = arith.addi %broadcast_in_dim3A_1411, %add3A_1412 : vector<16xi32>
        %get3A = arith.index_cast %add3A_1410 : i32 to index
        %get3A_1414 = arith.constant 0 : index
        %get3A_1415 = tpu.vector_load %arg7[%get3A, %get3A_1414] {strides = array<i32>} : memref<512x32xf32, #tpu.memory_space<vmem>>, vector<16xf32>,
        %get3A_1416 = arith.index_cast %add3A_1410 : i32 to index
        %get3A_1417 = arith.constant 16 : index
        %get3A_1418 = tpu.vector_load %arg7[%get3A_1416, %get3A_1417] {strides = array<i32>} : memref<512x32xf32, #tpu.memory_space<vmem>>, vector<16xf32>,
        tpu.vector_store_idx %arg9[%add3A_1022, %add3A_1413], %get3A_1415 : memref<128x129xf32, #tpu.memory_space<vmem>>[vector<16xi32>, vector<16xi32>], vector<16xf32>,
        tpu.vector_store_idx %arg9[%add3A_1025, %add3A_1413], %get3A_1418 : memref<128x129xf32, #tpu.memory_space<vmem>>[vector<16xi32>, vector<16xi32>], vector<16xf32>,
        %scan3A_1419 = arith.constant 1 : i32
        %scan3A_1420 = arith.addi %scan3A_1408, %scan3A_1419 : i32
        %add3A_1421 = arith.constant 256 : i32
        %add3A_1422 = arith.addi %add3A_1421, %scan3A_1420 : i32
        %broadcast_in_dim3A_1423 = arith.constant 0 : i32
        %broadcast_in_dim3A_1424 = vector.broadcast %broadcast_in_dim3A_1423 : i32 to vector<16xi32>
        %add3A_1425 = vector.broadcast %scan3A_1420 : i32 to vector<16xi32>
        %add3A_1426 = arith.addi %broadcast_in_dim3A_1424, %add3A_1425 : vector<16xi32>
        %get3A_1427 = arith.index_cast %add3A_1422 : i32 to index
        %get3A_1428 = arith.constant 0 : index
        %get3A_1429 = tpu.vector_load %arg7[%get3A_1427, %get3A_1428] {strides = array<i32>} : memref<512x32xf32, #tpu.memory_space<vmem>>, vector<16xf32>,
        %get3A_1430 = arith.index_cast %add3A_1422 : i32 to index
        %get3A_1431 = arith.constant 16 : index
        %get3A_1432 = tpu.vector_load %arg7[%get3A_1430, %get3A_1431] {strides = array<i32>} : memref<512x32xf32, #tpu.memory_space<vmem>>, vector<16xf32>,
        tpu.vector_store_idx %arg9[%add3A_1022, %add3A_1426], %get3A_1429 : memref<128x129xf32, #tpu.memory_space<vmem>>[vector<16xi32>, vector<16xi32>], vector<16xf32>,
        tpu.vector_store_idx %arg9[%add3A_1025, %add3A_1426], %get3A_1432 : memref<128x129xf32, #tpu.memory_space<vmem>>[vector<16xi32>, vector<16xi32>], vector<16xf32>,
        %scan3A_1433 = arith.constant 2 : i32
        %scan3A_1434 = arith.addi %scan3A_1408, %scan3A_1433 : i32
        %add3A_1435 = arith.constant 256 : i32
        %add3A_1436 = arith.addi %add3A_1435, %scan3A_1434 : i32
        %broadcast_in_dim3A_1437 = arith.constant 0 : i32
        %broadcast_in_dim3A_1438 = vector.broadcast %broadcast_in_dim3A_1437 : i32 to vector<16xi32>
        %add3A_1439 = vector.broadcast %scan3A_1434 : i32 to vector<16xi32>
        %add3A_1440 = arith.addi %broadcast_in_dim3A_1438, %add3A_1439 : vector<16xi32>
        %get3A_1441 = arith.index_cast %add3A_1436 : i32 to index
        %get3A_1442 = arith.constant 0 : index
        %get3A_1443 = tpu.vector_load %arg7[%get3A_1441, %get3A_1442] {strides = array<i32>} : memref<512x32xf32, #tpu.memory_space<vmem>>, vector<16xf32>,
        %get3A_1444 = arith.index_cast %add3A_1436 : i32 to index
        %get3A_1445 = arith.constant 16 : index
        %get3A_1446 = tpu.vector_load %arg7[%get3A_1444, %get3A_1445] {strides = array<i32>} : memref<512x32xf32, #tpu.memory_space<vmem>>, vector<16xf32>,
        tpu.vector_store_idx %arg9[%add3A_1022, %add3A_1440], %get3A_1443 : memref<128x129xf32, #tpu.memory_space<vmem>>[vector<16xi32>, vector<16xi32>], vector<16xf32>,
        tpu.vector_store_idx %arg9[%add3A_1025, %add3A_1440], %get3A_1446 : memref<128x129xf32, #tpu.memory_space<vmem>>[vector<16xi32>, vector<16xi32>], vector<16xf32>,
        %scan3A_1447 = arith.constant 3 : i32
        %scan3A_1448 = arith.addi %scan3A_1408, %scan3A_1447 : i32
        %add3A_1449 = arith.constant 256 : i32
        %add3A_1450 = arith.addi %add3A_1449, %scan3A_1448 : i32
        %broadcast_in_dim3A_1451 = arith.constant 0 : i32
        %broadcast_in_dim3A_1452 = vector.broadcast %broadcast_in_dim3A_1451 : i32 to vector<16xi32>
        %add3A_1453 = vector.broadcast %scan3A_1448 : i32 to vector<16xi32>
        %add3A_1454 = arith.addi %broadcast_in_dim3A_1452, %add3A_1453 : vector<16xi32>
        %get3A_1455 = arith.index_cast %add3A_1450 : i32 to index
        %get3A_1456 = arith.constant 0 : index
        %get3A_1457 = tpu.vector_load %arg7[%get3A_1455, %get3A_1456] {strides = array<i32>} : memref<512x32xf32, #tpu.memory_space<vmem>>, vector<16xf32>,
        %get3A_1458 = arith.index_cast %add3A_1450 : i32 to index
        %get3A_1459 = arith.constant 16 : index
        %get3A_1460 = tpu.vector_load %arg7[%get3A_1458, %get3A_1459] {strides = array<i32>} : memref<512x32xf32, #tpu.memory_space<vmem>>, vector<16xf32>,
        tpu.vector_store_idx %arg9[%add3A_1022, %add3A_1454], %get3A_1457 : memref<128x129xf32, #tpu.memory_space<vmem>>[vector<16xi32>, vector<16xi32>], vector<16xf32>,
        tpu.vector_store_idx %arg9[%add3A_1025, %add3A_1454], %get3A_1460 : memref<128x129xf32, #tpu.memory_space<vmem>>[vector<16xi32>, vector<16xi32>], vector<16xf32>,
      }
      %scan3A_1031 = arith.constant 128 : i32
      %add3A_1032 = arith.constant 96 : i32
      %add3A_1033 = vector.broadcast %add3A_1032 : i32 to vector<16xi32>
      %add3A_1034 = arith.addi %iota3A, %add3A_1033 : vector<16xi32>
      %add3A_1035 = arith.constant 16 : i32
      %add3A_1036 = vector.broadcast %add3A_1035 : i32 to vector<16xi32>
      %add3A_1037 = arith.addi %add3A_1034, %add3A_1036 : vector<16xi32>
      %scan3A_1038 = arith.constant 0 : i32
      %scan3A_1039 = arith.constant 0 : i32
      %scan3A_1040 = arith.constant 128 : i32
      %scan3A_1041 = arith.addi %scan3A_1039, %scan3A_1040 : i32
      %scan3A_1042 = arith.constant 4 : i32
      scf.for %scan3A_1408 = %scan3A_1039 to %scan3A_1041 step %scan3A_1042  : i32 {
        %add3A_1409 = arith.constant 384 : i32
        %add3A_1410 = arith.addi %add3A_1409, %scan3A_1408 : i32
        %broadcast_in_dim3A = arith.constant 0 : i32
        %broadcast_in_dim3A_1411 = vector.broadcast %broadcast_in_dim3A : i32 to vector<16xi32>
        %add3A_1412 = vector.broadcast %scan3A_1408 : i32 to vector<16xi32>
        %add3A_1413 = arith.addi %broadcast_in_dim3A_1411, %add3A_1412 : vector<16xi32>
        %get3A = arith.index_cast %add3A_1410 : i32 to index
        %get3A_1414 = arith.constant 0 : index
        %get3A_1415 = tpu.vector_load %arg7[%get3A, %get3A_1414] {strides = array<i32>} : memref<512x32xf32, #tpu.memory_space<vmem>>, vector<16xf32>,
        %get3A_1416 = arith.index_cast %add3A_1410 : i32 to index
        %get3A_1417 = arith.constant 16 : index
        %get3A_1418 = tpu.vector_load %arg7[%get3A_1416, %get3A_1417] {strides = array<i32>} : memref<512x32xf32, #tpu.memory_space<vmem>>, vector<16xf32>,
        tpu.vector_store_idx %arg9[%add3A_1034, %add3A_1413], %get3A_1415 : memref<128x129xf32, #tpu.memory_space<vmem>>[vector<16xi32>, vector<16xi32>], vector<16xf32>,
        tpu.vector_store_idx %arg9[%add3A_1037, %add3A_1413], %get3A_1418 : memref<128x129xf32, #tpu.memory_space<vmem>>[vector<16xi32>, vector<16xi32>], vector<16xf32>,
        %scan3A_1419 = arith.constant 1 : i32
        %scan3A_1420 = arith.addi %scan3A_1408, %scan3A_1419 : i32
        %add3A_1421 = arith.constant 384 : i32
        %add3A_1422 = arith.addi %add3A_1421, %scan3A_1420 : i32
        %broadcast_in_dim3A_1423 = arith.constant 0 : i32
        %broadcast_in_dim3A_1424 = vector.broadcast %broadcast_in_dim3A_1423 : i32 to vector<16xi32>
        %add3A_1425 = vector.broadcast %scan3A_1420 : i32 to vector<16xi32>
        %add3A_1426 = arith.addi %broadcast_in_dim3A_1424, %add3A_1425 : vector<16xi32>
        %get3A_1427 = arith.index_cast %add3A_1422 : i32 to index
        %get3A_1428 = arith.constant 0 : index
        %get3A_1429 = tpu.vector_load %arg7[%get3A_1427, %get3A_1428] {strides = array<i32>} : memref<512x32xf32, #tpu.memory_space<vmem>>, vector<16xf32>,
        %get3A_1430 = arith.index_cast %add3A_1422 : i32 to index
        %get3A_1431 = arith.constant 16 : index
        %get3A_1432 = tpu.vector_load %arg7[%get3A_1430, %get3A_1431] {strides = array<i32>} : memref<512x32xf32, #tpu.memory_space<vmem>>, vector<16xf32>,
        tpu.vector_store_idx %arg9[%add3A_1034, %add3A_1426], %get3A_1429 : memref<128x129xf32, #tpu.memory_space<vmem>>[vector<16xi32>, vector<16xi32>], vector<16xf32>,
        tpu.vector_store_idx %arg9[%add3A_1037, %add3A_1426], %get3A_1432 : memref<128x129xf32, #tpu.memory_space<vmem>>[vector<16xi32>, vector<16xi32>], vector<16xf32>,
        %scan3A_1433 = arith.constant 2 : i32
        %scan3A_1434 = arith.addi %scan3A_1408, %scan3A_1433 : i32
        %add3A_1435 = arith.constant 384 : i32
        %add3A_1436 = arith.addi %add3A_1435, %scan3A_1434 : i32
        %broadcast_in_dim3A_1437 = arith.constant 0 : i32
        %broadcast_in_dim3A_1438 = vector.broadcast %broadcast_in_dim3A_1437 : i32 to vector<16xi32>
        %add3A_1439 = vector.broadcast %scan3A_1434 : i32 to vector<16xi32>
        %add3A_1440 = arith.addi %broadcast_in_dim3A_1438, %add3A_1439 : vector<16xi32>
        %get3A_1441 = arith.index_cast %add3A_1436 : i32 to index
        %get3A_1442 = arith.constant 0 : index
        %get3A_1443 = tpu.vector_load %arg7[%get3A_1441, %get3A_1442] {strides = array<i32>} : memref<512x32xf32, #tpu.memory_space<vmem>>, vector<16xf32>,
        %get3A_1444 = arith.index_cast %add3A_1436 : i32 to index
        %get3A_1445 = arith.constant 16 : index
        %get3A_1446 = tpu.vector_load %arg7[%get3A_1444, %get3A_1445] {strides = array<i32>} : memref<512x32xf32, #tpu.memory_space<vmem>>, vector<16xf32>,
        tpu.vector_store_idx %arg9[%add3A_1034, %add3A_1440], %get3A_1443 : memref<128x129xf32, #tpu.memory_space<vmem>>[vector<16xi32>, vector<16xi32>], vector<16xf32>,
        tpu.vector_store_idx %arg9[%add3A_1037, %add3A_1440], %get3A_1446 : memref<128x129xf32, #tpu.memory_space<vmem>>[vector<16xi32>, vector<16xi32>], vector<16xf32>,
        %scan3A_1447 = arith.constant 3 : i32
        %scan3A_1448 = arith.addi %scan3A_1408, %scan3A_1447 : i32
        %add3A_1449 = arith.constant 384 : i32
        %add3A_1450 = arith.addi %add3A_1449, %scan3A_1448 : i32
        %broadcast_in_dim3A_1451 = arith.constant 0 : i32
        %broadcast_in_dim3A_1452 = vector.broadcast %broadcast_in_dim3A_1451 : i32 to vector<16xi32>
        %add3A_1453 = vector.broadcast %scan3A_1448 : i32 to vector<16xi32>
        %add3A_1454 = arith.addi %broadcast_in_dim3A_1452, %add3A_1453 : vector<16xi32>
        %get3A_1455 = arith.index_cast %add3A_1450 : i32 to index
        %get3A_1456 = arith.constant 0 : index
        %get3A_1457 = tpu.vector_load %arg7[%get3A_1455, %get3A_1456] {strides = array<i32>} : memref<512x32xf32, #tpu.memory_space<vmem>>, vector<16xf32>,
        %get3A_1458 = arith.index_cast %add3A_1450 : i32 to index
        %get3A_1459 = arith.constant 16 : index
        %get3A_1460 = tpu.vector_load %arg7[%get3A_1458, %get3A_1459] {strides = array<i32>} : memref<512x32xf32, #tpu.memory_space<vmem>>, vector<16xf32>,
        tpu.vector_store_idx %arg9[%add3A_1034, %add3A_1454], %get3A_1457 : memref<128x129xf32, #tpu.memory_space<vmem>>[vector<16xi32>, vector<16xi32>], vector<16xf32>,
        tpu.vector_store_idx %arg9[%add3A_1037, %add3A_1454], %get3A_1460 : memref<128x129xf32, #tpu.memory_space<vmem>>[vector<16xi32>, vector<16xi32>], vector<16xf32>,
      }
      %scan3A_1043 = arith.constant 128 : i32
      %mul3A_1044 = arith.constant 4 : i32
      %mul3A_1045 = arith.muli %add3A_980, %mul3A_1044 : i32
      %add3A_1046 = arith.addi %mul3A_2, %mul3A_1045 : i32
      %add3A_1047 = arith.constant 0 : i32
      %add3A_1048 = arith.addi %add3A_1046, %add3A_1047 : i32
      %jit3A_1049 = arith.constant 32 : i32
      %div3A_1050 = arith.divsi %add3A_1048, %jit3A_1049 : i32
      %sign3A_1051 = arith.constant 0 : i32
      %sign3A_1052 = arith.cmpi sgt, %add3A_1048, %sign3A_1051 : i32
      %sign3A_1053 = arith.extui %sign3A_1052 : i1 to i32
      %sign3A_1054 = arith.constant 0 : i32
      %sign3A_1055 = arith.cmpi slt, %add3A_1048, %sign3A_1054 : i32
      %sign3A_1056 = arith.extui %sign3A_1055 : i1 to i32
      %sign3A_1057 = arith.subi %sign3A_1053, %sign3A_1056 : i32
      %sign3A_1058 = arith.constant 0 : i32
      %sign3A_1059 = arith.cmpi sgt, %jit3A_1049, %sign3A_1058 : i32
      %sign3A_1060 = arith.extui %sign3A_1059 : i1 to i32
      %sign3A_1061 = arith.constant 0 : i32
      %sign3A_1062 = arith.cmpi slt, %jit3A_1049, %sign3A_1061 : i32
      %sign3A_1063 = arith.extui %sign3A_1062 : i1 to i32
      %sign3A_1064 = arith.subi %sign3A_1060, %sign3A_1063 : i32
      %ne3A_1065 = arith.cmpi ne, %sign3A_1057, %sign3A_1064 : i32
      %rem3A_1066 = arith.remsi %add3A_1048, %jit3A_1049 : i32
      %ne3A_1067 = arith.constant 0 : i32
      %ne3A_1068 = arith.cmpi ne, %rem3A_1066, %ne3A_1067 : i32
      %and3A_1069 = arith.andi %ne3A_1065, %ne3A_1068 : i1
      %sub3A_1070 = arith.constant 1 : i32
      %sub3A_1071 = arith.subi %div3A_1050, %sub3A_1070 : i32
      %select_n3A_1072 = arith.select %and3A_1069, %sub3A_1071, %div3A_1050 : i32
      %rem3A_1073 = arith.constant 32 : i32
      %rem3A_1074 = arith.remsi %add3A_1048, %rem3A_1073 : i32
      %dma_start3A_1075 = arith.constant 0 : i32
      %dma_start3A_1076 = arith.constant 0 : i32
      %dma_start3A_1077 = arith.constant 0 : i32
      %dma_start3A_1078 = tpu.memref_slice %arg9[%dma_start3A_1076, %dma_start3A_1077] : memref<128x129xf32, #tpu.memory_space<vmem>> -> memref<8x128xf32, #tpu.memory_space<vmem>>
      %dma_start3A_1079 = arith.constant 0 : i32
      %dma_start3A_1080 = arith.constant 0 : i32
      %dma_start3A_1081 = tpu.memref_slice %arg4[%select_n3A_1072, %dma_start3A_1075, %rem3A_1074, %dma_start3A_1079, %dma_start3A_1080] : memref<200x4x32x8x128xf32, #tpu.memory_space<hbm>> -> memref<1x1x1x8x128xf32, #tpu.memory_space<hbm>>
      %dma_start3A_1082 = tpu.memref_squeeze %dma_start3A_1081 : memref<1x1x1x8x128xf32, #tpu.memory_space<hbm>> -> memref<8x128xf32, #tpu.memory_space<hbm>>
      %dma_start3A_1083 = arith.constant 0 : i32
      %dma_start3A_1084 = arith.constant 0 : i32
      %dma_start3A_1085 = tpu.memref_slice %arg4[%select_n3A_1072, %dma_start3A_1075, %rem3A_1074, %dma_start3A_1083, %dma_start3A_1084] : memref<200x4x32x8x128xf32, #tpu.memory_space<hbm>> -> memref<1x1x1x8x128xf32, #tpu.memory_space<hbm>>
      %dma_start3A_1086 = tpu.memref_squeeze %dma_start3A_1085 : memref<1x1x1x8x128xf32, #tpu.memory_space<hbm>> -> memref<8x128xf32, #tpu.memory_space<hbm>>
      %dma_start3A_1087 = arith.constant 0 : i32
      %dma_start3A_1088 = arith.constant 0 : i32
      %dma_start3A_1089 = tpu.memref_slice %arg9[%dma_start3A_1087, %dma_start3A_1088] : memref<128x129xf32, #tpu.memory_space<vmem>> -> memref<8x128xf32, #tpu.memory_space<vmem>>
      tpu.enqueue_dma source(%dma_start3A_1089 : memref<8x128xf32, #tpu.memory_space<vmem>>) target(%dma_start3A_1086 : memref<8x128xf32, #tpu.memory_space<hbm>>) target_semaphore(%arg14 : memref<!tpu.dma_semaphore, #tpu.memory_space<semaphore_mem>>)
      %dma_start3A_1090 = arith.constant 1 : i32
      %dma_start3A_1091 = arith.constant 8 : i32
      %dma_start3A_1092 = arith.constant 0 : i32
      %dma_start3A_1093 = tpu.memref_slice %arg9[%dma_start3A_1091, %dma_start3A_1092] : memref<128x129xf32, #tpu.memory_space<vmem>> -> memref<8x128xf32, #tpu.memory_space<vmem>>
      %dma_start3A_1094 = arith.constant 0 : i32
      %dma_start3A_1095 = arith.constant 0 : i32
      %dma_start3A_1096 = tpu.memref_slice %arg4[%select_n3A_1072, %dma_start3A_1090, %rem3A_1074, %dma_start3A_1094, %dma_start3A_1095] : memref<200x4x32x8x128xf32, #tpu.memory_space<hbm>> -> memref<1x1x1x8x128xf32, #tpu.memory_space<hbm>>
      %dma_start3A_1097 = tpu.memref_squeeze %dma_start3A_1096 : memref<1x1x1x8x128xf32, #tpu.memory_space<hbm>> -> memref<8x128xf32, #tpu.memory_space<hbm>>
      %dma_start3A_1098 = arith.constant 0 : i32
      %dma_start3A_1099 = arith.constant 0 : i32
      %dma_start3A_1100 = tpu.memref_slice %arg4[%select_n3A_1072, %dma_start3A_1090, %rem3A_1074, %dma_start3A_1098, %dma_start3A_1099] : memref<200x4x32x8x128xf32, #tpu.memory_space<hbm>> -> memref<1x1x1x8x128xf32, #tpu.memory_space<hbm>>
      %dma_start3A_1101 = tpu.memref_squeeze %dma_start3A_1100 : memref<1x1x1x8x128xf32, #tpu.memory_space<hbm>> -> memref<8x128xf32, #tpu.memory_space<hbm>>
      %dma_start3A_1102 = arith.constant 8 : i32
      %dma_start3A_1103 = arith.constant 0 : i32
      %dma_start3A_1104 = tpu.memref_slice %arg9[%dma_start3A_1102, %dma_start3A_1103] : memref<128x129xf32, #tpu.memory_space<vmem>> -> memref<8x128xf32, #tpu.memory_space<vmem>>
      tpu.enqueue_dma source(%dma_start3A_1104 : memref<8x128xf32, #tpu.memory_space<vmem>>) target(%dma_start3A_1101 : memref<8x128xf32, #tpu.memory_space<hbm>>) target_semaphore(%arg14 : memref<!tpu.dma_semaphore, #tpu.memory_space<semaphore_mem>>)
      %dma_start3A_1105 = arith.constant 2 : i32
      %dma_start3A_1106 = arith.constant 16 : i32
      %dma_start3A_1107 = arith.constant 0 : i32
      %dma_start3A_1108 = tpu.memref_slice %arg9[%dma_start3A_1106, %dma_start3A_1107] : memref<128x129xf32, #tpu.memory_space<vmem>> -> memref<8x128xf32, #tpu.memory_space<vmem>>
      %dma_start3A_1109 = arith.constant 0 : i32
      %dma_start3A_1110 = arith.constant 0 : i32
      %dma_start3A_1111 = tpu.memref_slice %arg4[%select_n3A_1072, %dma_start3A_1105, %rem3A_1074, %dma_start3A_1109, %dma_start3A_1110] : memref<200x4x32x8x128xf32, #tpu.memory_space<hbm>> -> memref<1x1x1x8x128xf32, #tpu.memory_space<hbm>>
      %dma_start3A_1112 = tpu.memref_squeeze %dma_start3A_1111 : memref<1x1x1x8x128xf32, #tpu.memory_space<hbm>> -> memref<8x128xf32, #tpu.memory_space<hbm>>
      %dma_start3A_1113 = arith.constant 0 : i32
      %dma_start3A_1114 = arith.constant 0 : i32
      %dma_start3A_1115 = tpu.memref_slice %arg4[%select_n3A_1072, %dma_start3A_1105, %rem3A_1074, %dma_start3A_1113, %dma_start3A_1114] : memref<200x4x32x8x128xf32, #tpu.memory_space<hbm>> -> memref<1x1x1x8x128xf32, #tpu.memory_space<hbm>>
      %dma_start3A_1116 = tpu.memref_squeeze %dma_start3A_1115 : memref<1x1x1x8x128xf32, #tpu.memory_space<hbm>> -> memref<8x128xf32, #tpu.memory_space<hbm>>
      %dma_start3A_1117 = arith.constant 16 : i32
      %dma_start3A_1118 = arith.constant 0 : i32
      %dma_start3A_1119 = tpu.memref_slice %arg9[%dma_start3A_1117, %dma_start3A_1118] : memref<128x129xf32, #tpu.memory_space<vmem>> -> memref<8x128xf32, #tpu.memory_space<vmem>>
      tpu.enqueue_dma source(%dma_start3A_1119 : memref<8x128xf32, #tpu.memory_space<vmem>>) target(%dma_start3A_1116 : memref<8x128xf32, #tpu.memory_space<hbm>>) target_semaphore(%arg14 : memref<!tpu.dma_semaphore, #tpu.memory_space<semaphore_mem>>)
      %dma_start3A_1120 = arith.constant 3 : i32
      %dma_start3A_1121 = arith.constant 24 : i32
      %dma_start3A_1122 = arith.constant 0 : i32
      %dma_start3A_1123 = tpu.memref_slice %arg9[%dma_start3A_1121, %dma_start3A_1122] : memref<128x129xf32, #tpu.memory_space<vmem>> -> memref<8x128xf32, #tpu.memory_space<vmem>>
      %dma_start3A_1124 = arith.constant 0 : i32
      %dma_start3A_1125 = arith.constant 0 : i32
      %dma_start3A_1126 = tpu.memref_slice %arg4[%select_n3A_1072, %dma_start3A_1120, %rem3A_1074, %dma_start3A_1124, %dma_start3A_1125] : memref<200x4x32x8x128xf32, #tpu.memory_space<hbm>> -> memref<1x1x1x8x128xf32, #tpu.memory_space<hbm>>
      %dma_start3A_1127 = tpu.memref_squeeze %dma_start3A_1126 : memref<1x1x1x8x128xf32, #tpu.memory_space<hbm>> -> memref<8x128xf32, #tpu.memory_space<hbm>>
      %dma_start3A_1128 = arith.constant 0 : i32
      %dma_start3A_1129 = arith.constant 0 : i32
      %dma_start3A_1130 = tpu.memref_slice %arg4[%select_n3A_1072, %dma_start3A_1120, %rem3A_1074, %dma_start3A_1128, %dma_start3A_1129] : memref<200x4x32x8x128xf32, #tpu.memory_space<hbm>> -> memref<1x1x1x8x128xf32, #tpu.memory_space<hbm>>
      %dma_start3A_1131 = tpu.memref_squeeze %dma_start3A_1130 : memref<1x1x1x8x128xf32, #tpu.memory_space<hbm>> -> memref<8x128xf32, #tpu.memory_space<hbm>>
      %dma_start3A_1132 = arith.constant 24 : i32
      %dma_start3A_1133 = arith.constant 0 : i32
      %dma_start3A_1134 = tpu.memref_slice %arg9[%dma_start3A_1132, %dma_start3A_1133] : memref<128x129xf32, #tpu.memory_space<vmem>> -> memref<8x128xf32, #tpu.memory_space<vmem>>
      tpu.enqueue_dma source(%dma_start3A_1134 : memref<8x128xf32, #tpu.memory_space<vmem>>) target(%dma_start3A_1131 : memref<8x128xf32, #tpu.memory_space<hbm>>) target_semaphore(%arg14 : memref<!tpu.dma_semaphore, #tpu.memory_space<semaphore_mem>>)
      %mul3A_1135 = arith.constant 4 : i32
      %mul3A_1136 = arith.muli %add3A_980, %mul3A_1135 : i32
      %add3A_1137 = arith.addi %mul3A_2, %mul3A_1136 : i32
      %add3A_1138 = arith.constant 1 : i32
      %add3A_1139 = arith.addi %add3A_1137, %add3A_1138 : i32
      %jit3A_1140 = arith.constant 32 : i32
      %div3A_1141 = arith.divsi %add3A_1139, %jit3A_1140 : i32
      %sign3A_1142 = arith.constant 0 : i32
      %sign3A_1143 = arith.cmpi sgt, %add3A_1139, %sign3A_1142 : i32
      %sign3A_1144 = arith.extui %sign3A_1143 : i1 to i32
      %sign3A_1145 = arith.constant 0 : i32
      %sign3A_1146 = arith.cmpi slt, %add3A_1139, %sign3A_1145 : i32
      %sign3A_1147 = arith.extui %sign3A_1146 : i1 to i32
      %sign3A_1148 = arith.subi %sign3A_1144, %sign3A_1147 : i32
      %sign3A_1149 = arith.constant 0 : i32
      %sign3A_1150 = arith.cmpi sgt, %jit3A_1140, %sign3A_1149 : i32
      %sign3A_1151 = arith.extui %sign3A_1150 : i1 to i32
      %sign3A_1152 = arith.constant 0 : i32
      %sign3A_1153 = arith.cmpi slt, %jit3A_1140, %sign3A_1152 : i32
      %sign3A_1154 = arith.extui %sign3A_1153 : i1 to i32
      %sign3A_1155 = arith.subi %sign3A_1151, %sign3A_1154 : i32
      %ne3A_1156 = arith.cmpi ne, %sign3A_1148, %sign3A_1155 : i32
      %rem3A_1157 = arith.remsi %add3A_1139, %jit3A_1140 : i32
      %ne3A_1158 = arith.constant 0 : i32
      %ne3A_1159 = arith.cmpi ne, %rem3A_1157, %ne3A_1158 : i32
      %and3A_1160 = arith.andi %ne3A_1156, %ne3A_1159 : i1
      %sub3A_1161 = arith.constant 1 : i32
      %sub3A_1162 = arith.subi %div3A_1141, %sub3A_1161 : i32
      %select_n3A_1163 = arith.select %and3A_1160, %sub3A_1162, %div3A_1141 : i32
      %rem3A_1164 = arith.constant 32 : i32
      %rem3A_1165 = arith.remsi %add3A_1139, %rem3A_1164 : i32
      %dma_start3A_1166 = arith.constant 0 : i32
      %dma_start3A_1167 = arith.constant 32 : i32
      %dma_start3A_1168 = arith.constant 0 : i32
      %dma_start3A_1169 = tpu.memref_slice %arg9[%dma_start3A_1167, %dma_start3A_1168] : memref<128x129xf32, #tpu.memory_space<vmem>> -> memref<8x128xf32, #tpu.memory_space<vmem>>
      %dma_start3A_1170 = arith.constant 0 : i32
      %dma_start3A_1171 = arith.constant 0 : i32
      %dma_start3A_1172 = tpu.memref_slice %arg4[%select_n3A_1163, %dma_start3A_1166, %rem3A_1165, %dma_start3A_1170, %dma_start3A_1171] : memref<200x4x32x8x128xf32, #tpu.memory_space<hbm>> -> memref<1x1x1x8x128xf32, #tpu.memory_space<hbm>>
      %dma_start3A_1173 = tpu.memref_squeeze %dma_start3A_1172 : memref<1x1x1x8x128xf32, #tpu.memory_space<hbm>> -> memref<8x128xf32, #tpu.memory_space<hbm>>
      %dma_start3A_1174 = arith.constant 0 : i32
      %dma_start3A_1175 = arith.constant 0 : i32
      %dma_start3A_1176 = tpu.memref_slice %arg4[%select_n3A_1163, %dma_start3A_1166, %rem3A_1165, %dma_start3A_1174, %dma_start3A_1175] : memref<200x4x32x8x128xf32, #tpu.memory_space<hbm>> -> memref<1x1x1x8x128xf32, #tpu.memory_space<hbm>>
      %dma_start3A_1177 = tpu.memref_squeeze %dma_start3A_1176 : memref<1x1x1x8x128xf32, #tpu.memory_space<hbm>> -> memref<8x128xf32, #tpu.memory_space<hbm>>
      %dma_start3A_1178 = arith.constant 32 : i32
      %dma_start3A_1179 = arith.constant 0 : i32
      %dma_start3A_1180 = tpu.memref_slice %arg9[%dma_start3A_1178, %dma_start3A_1179] : memref<128x129xf32, #tpu.memory_space<vmem>> -> memref<8x128xf32, #tpu.memory_space<vmem>>
      tpu.enqueue_dma source(%dma_start3A_1180 : memref<8x128xf32, #tpu.memory_space<vmem>>) target(%dma_start3A_1177 : memref<8x128xf32, #tpu.memory_space<hbm>>) target_semaphore(%arg14 : memref<!tpu.dma_semaphore, #tpu.memory_space<semaphore_mem>>)
      %dma_start3A_1181 = arith.constant 1 : i32
      %dma_start3A_1182 = arith.constant 40 : i32
      %dma_start3A_1183 = arith.constant 0 : i32
      %dma_start3A_1184 = tpu.memref_slice %arg9[%dma_start3A_1182, %dma_start3A_1183] : memref<128x129xf32, #tpu.memory_space<vmem>> -> memref<8x128xf32, #tpu.memory_space<vmem>>
      %dma_start3A_1185 = arith.constant 0 : i32
      %dma_start3A_1186 = arith.constant 0 : i32
      %dma_start3A_1187 = tpu.memref_slice %arg4[%select_n3A_1163, %dma_start3A_1181, %rem3A_1165, %dma_start3A_1185, %dma_start3A_1186] : memref<200x4x32x8x128xf32, #tpu.memory_space<hbm>> -> memref<1x1x1x8x128xf32, #tpu.memory_space<hbm>>
      %dma_start3A_1188 = tpu.memref_squeeze %dma_start3A_1187 : memref<1x1x1x8x128xf32, #tpu.memory_space<hbm>> -> memref<8x128xf32, #tpu.memory_space<hbm>>
      %dma_start3A_1189 = arith.constant 0 : i32
      %dma_start3A_1190 = arith.constant 0 : i32
      %dma_start3A_1191 = tpu.memref_slice %arg4[%select_n3A_1163, %dma_start3A_1181, %rem3A_1165, %dma_start3A_1189, %dma_start3A_1190] : memref<200x4x32x8x128xf32, #tpu.memory_space<hbm>> -> memref<1x1x1x8x128xf32, #tpu.memory_space<hbm>>
      %dma_start3A_1192 = tpu.memref_squeeze %dma_start3A_1191 : memref<1x1x1x8x128xf32, #tpu.memory_space<hbm>> -> memref<8x128xf32, #tpu.memory_space<hbm>>
      %dma_start3A_1193 = arith.constant 40 : i32
      %dma_start3A_1194 = arith.constant 0 : i32
      %dma_start3A_1195 = tpu.memref_slice %arg9[%dma_start3A_1193, %dma_start3A_1194] : memref<128x129xf32, #tpu.memory_space<vmem>> -> memref<8x128xf32, #tpu.memory_space<vmem>>
      tpu.enqueue_dma source(%dma_start3A_1195 : memref<8x128xf32, #tpu.memory_space<vmem>>) target(%dma_start3A_1192 : memref<8x128xf32, #tpu.memory_space<hbm>>) target_semaphore(%arg14 : memref<!tpu.dma_semaphore, #tpu.memory_space<semaphore_mem>>)
      %dma_start3A_1196 = arith.constant 2 : i32
      %dma_start3A_1197 = arith.constant 48 : i32
      %dma_start3A_1198 = arith.constant 0 : i32
      %dma_start3A_1199 = tpu.memref_slice %arg9[%dma_start3A_1197, %dma_start3A_1198] : memref<128x129xf32, #tpu.memory_space<vmem>> -> memref<8x128xf32, #tpu.memory_space<vmem>>
      %dma_start3A_1200 = arith.constant 0 : i32
      %dma_start3A_1201 = arith.constant 0 : i32
      %dma_start3A_1202 = tpu.memref_slice %arg4[%select_n3A_1163, %dma_start3A_1196, %rem3A_1165, %dma_start3A_1200, %dma_start3A_1201] : memref<200x4x32x8x128xf32, #tpu.memory_space<hbm>> -> memref<1x1x1x8x128xf32, #tpu.memory_space<hbm>>
      %dma_start3A_1203 = tpu.memref_squeeze %dma_start3A_1202 : memref<1x1x1x8x128xf32, #tpu.memory_space<hbm>> -> memref<8x128xf32, #tpu.memory_space<hbm>>
      %dma_start3A_1204 = arith.constant 0 : i32
      %dma_start3A_1205 = arith.constant 0 : i32
      %dma_start3A_1206 = tpu.memref_slice %arg4[%select_n3A_1163, %dma_start3A_1196, %rem3A_1165, %dma_start3A_1204, %dma_start3A_1205] : memref<200x4x32x8x128xf32, #tpu.memory_space<hbm>> -> memref<1x1x1x8x128xf32, #tpu.memory_space<hbm>>
      %dma_start3A_1207 = tpu.memref_squeeze %dma_start3A_1206 : memref<1x1x1x8x128xf32, #tpu.memory_space<hbm>> -> memref<8x128xf32, #tpu.memory_space<hbm>>
      %dma_start3A_1208 = arith.constant 48 : i32
      %dma_start3A_1209 = arith.constant 0 : i32
      %dma_start3A_1210 = tpu.memref_slice %arg9[%dma_start3A_1208, %dma_start3A_1209] : memref<128x129xf32, #tpu.memory_space<vmem>> -> memref<8x128xf32, #tpu.memory_space<vmem>>
      tpu.enqueue_dma source(%dma_start3A_1210 : memref<8x128xf32, #tpu.memory_space<vmem>>) target(%dma_start3A_1207 : memref<8x128xf32, #tpu.memory_space<hbm>>) target_semaphore(%arg14 : memref<!tpu.dma_semaphore, #tpu.memory_space<semaphore_mem>>)
      %dma_start3A_1211 = arith.constant 3 : i32
      %dma_start3A_1212 = arith.constant 56 : i32
      %dma_start3A_1213 = arith.constant 0 : i32
      %dma_start3A_1214 = tpu.memref_slice %arg9[%dma_start3A_1212, %dma_start3A_1213] : memref<128x129xf32, #tpu.memory_space<vmem>> -> memref<8x128xf32, #tpu.memory_space<vmem>>
      %dma_start3A_1215 = arith.constant 0 : i32
      %dma_start3A_1216 = arith.constant 0 : i32
      %dma_start3A_1217 = tpu.memref_slice %arg4[%select_n3A_1163, %dma_start3A_1211, %rem3A_1165, %dma_start3A_1215, %dma_start3A_1216] : memref<200x4x32x8x128xf32, #tpu.memory_space<hbm>> -> memref<1x1x1x8x128xf32, #tpu.memory_space<hbm>>
      %dma_start3A_1218 = tpu.memref_squeeze %dma_start3A_1217 : memref<1x1x1x8x128xf32, #tpu.memory_space<hbm>> -> memref<8x128xf32, #tpu.memory_space<hbm>>
      %dma_start3A_1219 = arith.constant 0 : i32
      %dma_start3A_1220 = arith.constant 0 : i32
      %dma_start3A_1221 = tpu.memref_slice %arg4[%select_n3A_1163, %dma_start3A_1211, %rem3A_1165, %dma_start3A_1219, %dma_start3A_1220] : memref<200x4x32x8x128xf32, #tpu.memory_space<hbm>> -> memref<1x1x1x8x128xf32, #tpu.memory_space<hbm>>
      %dma_start3A_1222 = tpu.memref_squeeze %dma_start3A_1221 : memref<1x1x1x8x128xf32, #tpu.memory_space<hbm>> -> memref<8x128xf32, #tpu.memory_space<hbm>>
      %dma_start3A_1223 = arith.constant 56 : i32
      %dma_start3A_1224 = arith.constant 0 : i32
      %dma_start3A_1225 = tpu.memref_slice %arg9[%dma_start3A_1223, %dma_start3A_1224] : memref<128x129xf32, #tpu.memory_space<vmem>> -> memref<8x128xf32, #tpu.memory_space<vmem>>
      tpu.enqueue_dma source(%dma_start3A_1225 : memref<8x128xf32, #tpu.memory_space<vmem>>) target(%dma_start3A_1222 : memref<8x128xf32, #tpu.memory_space<hbm>>) target_semaphore(%arg14 : memref<!tpu.dma_semaphore, #tpu.memory_space<semaphore_mem>>)
      %mul3A_1226 = arith.constant 4 : i32
      %mul3A_1227 = arith.muli %add3A_980, %mul3A_1226 : i32
      %add3A_1228 = arith.addi %mul3A_2, %mul3A_1227 : i32
      %add3A_1229 = arith.constant 2 : i32
      %add3A_1230 = arith.addi %add3A_1228, %add3A_1229 : i32
      %jit3A_1231 = arith.constant 32 : i32
      %div3A_1232 = arith.divsi %add3A_1230, %jit3A_1231 : i32
      %sign3A_1233 = arith.constant 0 : i32
      %sign3A_1234 = arith.cmpi sgt, %add3A_1230, %sign3A_1233 : i32
      %sign3A_1235 = arith.extui %sign3A_1234 : i1 to i32
      %sign3A_1236 = arith.constant 0 : i32
      %sign3A_1237 = arith.cmpi slt, %add3A_1230, %sign3A_1236 : i32
      %sign3A_1238 = arith.extui %sign3A_1237 : i1 to i32
      %sign3A_1239 = arith.subi %sign3A_1235, %sign3A_1238 : i32
      %sign3A_1240 = arith.constant 0 : i32
      %sign3A_1241 = arith.cmpi sgt, %jit3A_1231, %sign3A_1240 : i32
      %sign3A_1242 = arith.extui %sign3A_1241 : i1 to i32
      %sign3A_1243 = arith.constant 0 : i32
      %sign3A_1244 = arith.cmpi slt, %jit3A_1231, %sign3A_1243 : i32
      %sign3A_1245 = arith.extui %sign3A_1244 : i1 to i32
      %sign3A_1246 = arith.subi %sign3A_1242, %sign3A_1245 : i32
      %ne3A_1247 = arith.cmpi ne, %sign3A_1239, %sign3A_1246 : i32
      %rem3A_1248 = arith.remsi %add3A_1230, %jit3A_1231 : i32
      %ne3A_1249 = arith.constant 0 : i32
      %ne3A_1250 = arith.cmpi ne, %rem3A_1248, %ne3A_1249 : i32
      %and3A_1251 = arith.andi %ne3A_1247, %ne3A_1250 : i1
      %sub3A_1252 = arith.constant 1 : i32
      %sub3A_1253 = arith.subi %div3A_1232, %sub3A_1252 : i32
      %select_n3A_1254 = arith.select %and3A_1251, %sub3A_1253, %div3A_1232 : i32
      %rem3A_1255 = arith.constant 32 : i32
      %rem3A_1256 = arith.remsi %add3A_1230, %rem3A_1255 : i32
      %dma_start3A_1257 = arith.constant 0 : i32
      %dma_start3A_1258 = arith.constant 64 : i32
      %dma_start3A_1259 = arith.constant 0 : i32
      %dma_start3A_1260 = tpu.memref_slice %arg9[%dma_start3A_1258, %dma_start3A_1259] : memref<128x129xf32, #tpu.memory_space<vmem>> -> memref<8x128xf32, #tpu.memory_space<vmem>>
      %dma_start3A_1261 = arith.constant 0 : i32
      %dma_start3A_1262 = arith.constant 0 : i32
      %dma_start3A_1263 = tpu.memref_slice %arg4[%select_n3A_1254, %dma_start3A_1257, %rem3A_1256, %dma_start3A_1261, %dma_start3A_1262] : memref<200x4x32x8x128xf32, #tpu.memory_space<hbm>> -> memref<1x1x1x8x128xf32, #tpu.memory_space<hbm>>
      %dma_start3A_1264 = tpu.memref_squeeze %dma_start3A_1263 : memref<1x1x1x8x128xf32, #tpu.memory_space<hbm>> -> memref<8x128xf32, #tpu.memory_space<hbm>>
      %dma_start3A_1265 = arith.constant 0 : i32
      %dma_start3A_1266 = arith.constant 0 : i32
      %dma_start3A_1267 = tpu.memref_slice %arg4[%select_n3A_1254, %dma_start3A_1257, %rem3A_1256, %dma_start3A_1265, %dma_start3A_1266] : memref<200x4x32x8x128xf32, #tpu.memory_space<hbm>> -> memref<1x1x1x8x128xf32, #tpu.memory_space<hbm>>
      %dma_start3A_1268 = tpu.memref_squeeze %dma_start3A_1267 : memref<1x1x1x8x128xf32, #tpu.memory_space<hbm>> -> memref<8x128xf32, #tpu.memory_space<hbm>>
      %dma_start3A_1269 = arith.constant 64 : i32
      %dma_start3A_1270 = arith.constant 0 : i32
      %dma_start3A_1271 = tpu.memref_slice %arg9[%dma_start3A_1269, %dma_start3A_1270] : memref<128x129xf32, #tpu.memory_space<vmem>> -> memref<8x128xf32, #tpu.memory_space<vmem>>
      tpu.enqueue_dma source(%dma_start3A_1271 : memref<8x128xf32, #tpu.memory_space<vmem>>) target(%dma_start3A_1268 : memref<8x128xf32, #tpu.memory_space<hbm>>) target_semaphore(%arg14 : memref<!tpu.dma_semaphore, #tpu.memory_space<semaphore_mem>>)
      %dma_start3A_1272 = arith.constant 1 : i32
      %dma_start3A_1273 = arith.constant 72 : i32
      %dma_start3A_1274 = arith.constant 0 : i32
      %dma_start3A_1275 = tpu.memref_slice %arg9[%dma_start3A_1273, %dma_start3A_1274] : memref<128x129xf32, #tpu.memory_space<vmem>> -> memref<8x128xf32, #tpu.memory_space<vmem>>
      %dma_start3A_1276 = arith.constant 0 : i32
      %dma_start3A_1277 = arith.constant 0 : i32
      %dma_start3A_1278 = tpu.memref_slice %arg4[%select_n3A_1254, %dma_start3A_1272, %rem3A_1256, %dma_start3A_1276, %dma_start3A_1277] : memref<200x4x32x8x128xf32, #tpu.memory_space<hbm>> -> memref<1x1x1x8x128xf32, #tpu.memory_space<hbm>>
      %dma_start3A_1279 = tpu.memref_squeeze %dma_start3A_1278 : memref<1x1x1x8x128xf32, #tpu.memory_space<hbm>> -> memref<8x128xf32, #tpu.memory_space<hbm>>
      %dma_start3A_1280 = arith.constant 0 : i32
      %dma_start3A_1281 = arith.constant 0 : i32
      %dma_start3A_1282 = tpu.memref_slice %arg4[%select_n3A_1254, %dma_start3A_1272, %rem3A_1256, %dma_start3A_1280, %dma_start3A_1281] : memref<200x4x32x8x128xf32, #tpu.memory_space<hbm>> -> memref<1x1x1x8x128xf32, #tpu.memory_space<hbm>>
      %dma_start3A_1283 = tpu.memref_squeeze %dma_start3A_1282 : memref<1x1x1x8x128xf32, #tpu.memory_space<hbm>> -> memref<8x128xf32, #tpu.memory_space<hbm>>
      %dma_start3A_1284 = arith.constant 72 : i32
      %dma_start3A_1285 = arith.constant 0 : i32
      %dma_start3A_1286 = tpu.memref_slice %arg9[%dma_start3A_1284, %dma_start3A_1285] : memref<128x129xf32, #tpu.memory_space<vmem>> -> memref<8x128xf32, #tpu.memory_space<vmem>>
      tpu.enqueue_dma source(%dma_start3A_1286 : memref<8x128xf32, #tpu.memory_space<vmem>>) target(%dma_start3A_1283 : memref<8x128xf32, #tpu.memory_space<hbm>>) target_semaphore(%arg14 : memref<!tpu.dma_semaphore, #tpu.memory_space<semaphore_mem>>)
      %dma_start3A_1287 = arith.constant 2 : i32
      %dma_start3A_1288 = arith.constant 80 : i32
      %dma_start3A_1289 = arith.constant 0 : i32
      %dma_start3A_1290 = tpu.memref_slice %arg9[%dma_start3A_1288, %dma_start3A_1289] : memref<128x129xf32, #tpu.memory_space<vmem>> -> memref<8x128xf32, #tpu.memory_space<vmem>>
      %dma_start3A_1291 = arith.constant 0 : i32
      %dma_start3A_1292 = arith.constant 0 : i32
      %dma_start3A_1293 = tpu.memref_slice %arg4[%select_n3A_1254, %dma_start3A_1287, %rem3A_1256, %dma_start3A_1291, %dma_start3A_1292] : memref<200x4x32x8x128xf32, #tpu.memory_space<hbm>> -> memref<1x1x1x8x128xf32, #tpu.memory_space<hbm>>
      %dma_start3A_1294 = tpu.memref_squeeze %dma_start3A_1293 : memref<1x1x1x8x128xf32, #tpu.memory_space<hbm>> -> memref<8x128xf32, #tpu.memory_space<hbm>>
      %dma_start3A_1295 = arith.constant 0 : i32
      %dma_start3A_1296 = arith.constant 0 : i32
      %dma_start3A_1297 = tpu.memref_slice %arg4[%select_n3A_1254, %dma_start3A_1287, %rem3A_1256, %dma_start3A_1295, %dma_start3A_1296] : memref<200x4x32x8x128xf32, #tpu.memory_space<hbm>> -> memref<1x1x1x8x128xf32, #tpu.memory_space<hbm>>
      %dma_start3A_1298 = tpu.memref_squeeze %dma_start3A_1297 : memref<1x1x1x8x128xf32, #tpu.memory_space<hbm>> -> memref<8x128xf32, #tpu.memory_space<hbm>>
      %dma_start3A_1299 = arith.constant 80 : i32
      %dma_start3A_1300 = arith.constant 0 : i32
      %dma_start3A_1301 = tpu.memref_slice %arg9[%dma_start3A_1299, %dma_start3A_1300] : memref<128x129xf32, #tpu.memory_space<vmem>> -> memref<8x128xf32, #tpu.memory_space<vmem>>
      tpu.enqueue_dma source(%dma_start3A_1301 : memref<8x128xf32, #tpu.memory_space<vmem>>) target(%dma_start3A_1298 : memref<8x128xf32, #tpu.memory_space<hbm>>) target_semaphore(%arg14 : memref<!tpu.dma_semaphore, #tpu.memory_space<semaphore_mem>>)
      %dma_start3A_1302 = arith.constant 3 : i32
      %dma_start3A_1303 = arith.constant 88 : i32
      %dma_start3A_1304 = arith.constant 0 : i32
      %dma_start3A_1305 = tpu.memref_slice %arg9[%dma_start3A_1303, %dma_start3A_1304] : memref<128x129xf32, #tpu.memory_space<vmem>> -> memref<8x128xf32, #tpu.memory_space<vmem>>
      %dma_start3A_1306 = arith.constant 0 : i32
      %dma_start3A_1307 = arith.constant 0 : i32
      %dma_start3A_1308 = tpu.memref_slice %arg4[%select_n3A_1254, %dma_start3A_1302, %rem3A_1256, %dma_start3A_1306, %dma_start3A_1307] : memref<200x4x32x8x128xf32, #tpu.memory_space<hbm>> -> memref<1x1x1x8x128xf32, #tpu.memory_space<hbm>>
      %dma_start3A_1309 = tpu.memref_squeeze %dma_start3A_1308 : memref<1x1x1x8x128xf32, #tpu.memory_space<hbm>> -> memref<8x128xf32, #tpu.memory_space<hbm>>
      %dma_start3A_1310 = arith.constant 0 : i32
      %dma_start3A_1311 = arith.constant 0 : i32
      %dma_start3A_1312 = tpu.memref_slice %arg4[%select_n3A_1254, %dma_start3A_1302, %rem3A_1256, %dma_start3A_1310, %dma_start3A_1311] : memref<200x4x32x8x128xf32, #tpu.memory_space<hbm>> -> memref<1x1x1x8x128xf32, #tpu.memory_space<hbm>>
      %dma_start3A_1313 = tpu.memref_squeeze %dma_start3A_1312 : memref<1x1x1x8x128xf32, #tpu.memory_space<hbm>> -> memref<8x128xf32, #tpu.memory_space<hbm>>
      %dma_start3A_1314 = arith.constant 88 : i32
      %dma_start3A_1315 = arith.constant 0 : i32
      %dma_start3A_1316 = tpu.memref_slice %arg9[%dma_start3A_1314, %dma_start3A_1315] : memref<128x129xf32, #tpu.memory_space<vmem>> -> memref<8x128xf32, #tpu.memory_space<vmem>>
      tpu.enqueue_dma source(%dma_start3A_1316 : memref<8x128xf32, #tpu.memory_space<vmem>>) target(%dma_start3A_1313 : memref<8x128xf32, #tpu.memory_space<hbm>>) target_semaphore(%arg14 : memref<!tpu.dma_semaphore, #tpu.memory_space<semaphore_mem>>)
      %mul3A_1317 = arith.constant 4 : i32
      %mul3A_1318 = arith.muli %add3A_980, %mul3A_1317 : i32
      %add3A_1319 = arith.addi %mul3A_2, %mul3A_1318 : i32
      %add3A_1320 = arith.constant 3 : i32
      %add3A_1321 = arith.addi %add3A_1319, %add3A_1320 : i32
      %jit3A_1322 = arith.constant 32 : i32
      %div3A_1323 = arith.divsi %add3A_1321, %jit3A_1322 : i32
      %sign3A_1324 = arith.constant 0 : i32
      %sign3A_1325 = arith.cmpi sgt, %add3A_1321, %sign3A_1324 : i32
      %sign3A_1326 = arith.extui %sign3A_1325 : i1 to i32
      %sign3A_1327 = arith.constant 0 : i32
      %sign3A_1328 = arith.cmpi slt, %add3A_1321, %sign3A_1327 : i32
      %sign3A_1329 = arith.extui %sign3A_1328 : i1 to i32
      %sign3A_1330 = arith.subi %sign3A_1326, %sign3A_1329 : i32
      %sign3A_1331 = arith.constant 0 : i32
      %sign3A_1332 = arith.cmpi sgt, %jit3A_1322, %sign3A_1331 : i32
      %sign3A_1333 = arith.extui %sign3A_1332 : i1 to i32
      %sign3A_1334 = arith.constant 0 : i32
      %sign3A_1335 = arith.cmpi slt, %jit3A_1322, %sign3A_1334 : i32
      %sign3A_1336 = arith.extui %sign3A_1335 : i1 to i32
      %sign3A_1337 = arith.subi %sign3A_1333, %sign3A_1336 : i32
      %ne3A_1338 = arith.cmpi ne, %sign3A_1330, %sign3A_1337 : i32
      %rem3A_1339 = arith.remsi %add3A_1321, %jit3A_1322 : i32
      %ne3A_1340 = arith.constant 0 : i32
      %ne3A_1341 = arith.cmpi ne, %rem3A_1339, %ne3A_1340 : i32
      %and3A_1342 = arith.andi %ne3A_1338, %ne3A_1341 : i1
      %sub3A_1343 = arith.constant 1 : i32
      %sub3A_1344 = arith.subi %div3A_1323, %sub3A_1343 : i32
      %select_n3A_1345 = arith.select %and3A_1342, %sub3A_1344, %div3A_1323 : i32
      %rem3A_1346 = arith.constant 32 : i32
      %rem3A_1347 = arith.remsi %add3A_1321, %rem3A_1346 : i32
      %dma_start3A_1348 = arith.constant 0 : i32
      %dma_start3A_1349 = arith.constant 96 : i32
      %dma_start3A_1350 = arith.constant 0 : i32
      %dma_start3A_1351 = tpu.memref_slice %arg9[%dma_start3A_1349, %dma_start3A_1350] : memref<128x129xf32, #tpu.memory_space<vmem>> -> memref<8x128xf32, #tpu.memory_space<vmem>>
      %dma_start3A_1352 = arith.constant 0 : i32
      %dma_start3A_1353 = arith.constant 0 : i32
      %dma_start3A_1354 = tpu.memref_slice %arg4[%select_n3A_1345, %dma_start3A_1348, %rem3A_1347, %dma_start3A_1352, %dma_start3A_1353] : memref<200x4x32x8x128xf32, #tpu.memory_space<hbm>> -> memref<1x1x1x8x128xf32, #tpu.memory_space<hbm>>
      %dma_start3A_1355 = tpu.memref_squeeze %dma_start3A_1354 : memref<1x1x1x8x128xf32, #tpu.memory_space<hbm>> -> memref<8x128xf32, #tpu.memory_space<hbm>>
      %dma_start3A_1356 = arith.constant 0 : i32
      %dma_start3A_1357 = arith.constant 0 : i32
      %dma_start3A_1358 = tpu.memref_slice %arg4[%select_n3A_1345, %dma_start3A_1348, %rem3A_1347, %dma_start3A_1356, %dma_start3A_1357] : memref<200x4x32x8x128xf32, #tpu.memory_space<hbm>> -> memref<1x1x1x8x128xf32, #tpu.memory_space<hbm>>
      %dma_start3A_1359 = tpu.memref_squeeze %dma_start3A_1358 : memref<1x1x1x8x128xf32, #tpu.memory_space<hbm>> -> memref<8x128xf32, #tpu.memory_space<hbm>>
      %dma_start3A_1360 = arith.constant 96 : i32
      %dma_start3A_1361 = arith.constant 0 : i32
      %dma_start3A_1362 = tpu.memref_slice %arg9[%dma_start3A_1360, %dma_start3A_1361] : memref<128x129xf32, #tpu.memory_space<vmem>> -> memref<8x128xf32, #tpu.memory_space<vmem>>
      tpu.enqueue_dma source(%dma_start3A_1362 : memref<8x128xf32, #tpu.memory_space<vmem>>) target(%dma_start3A_1359 : memref<8x128xf32, #tpu.memory_space<hbm>>) target_semaphore(%arg14 : memref<!tpu.dma_semaphore, #tpu.memory_space<semaphore_mem>>)
      %dma_start3A_1363 = arith.constant 1 : i32
      %dma_start3A_1364 = arith.constant 104 : i32
      %dma_start3A_1365 = arith.constant 0 : i32
      %dma_start3A_1366 = tpu.memref_slice %arg9[%dma_start3A_1364, %dma_start3A_1365] : memref<128x129xf32, #tpu.memory_space<vmem>> -> memref<8x128xf32, #tpu.memory_space<vmem>>
      %dma_start3A_1367 = arith.constant 0 : i32
      %dma_start3A_1368 = arith.constant 0 : i32
      %dma_start3A_1369 = tpu.memref_slice %arg4[%select_n3A_1345, %dma_start3A_1363, %rem3A_1347, %dma_start3A_1367, %dma_start3A_1368] : memref<200x4x32x8x128xf32, #tpu.memory_space<hbm>> -> memref<1x1x1x8x128xf32, #tpu.memory_space<hbm>>
      %dma_start3A_1370 = tpu.memref_squeeze %dma_start3A_1369 : memref<1x1x1x8x128xf32, #tpu.memory_space<hbm>> -> memref<8x128xf32, #tpu.memory_space<hbm>>
      %dma_start3A_1371 = arith.constant 0 : i32
      %dma_start3A_1372 = arith.constant 0 : i32
      %dma_start3A_1373 = tpu.memref_slice %arg4[%select_n3A_1345, %dma_start3A_1363, %rem3A_1347, %dma_start3A_1371, %dma_start3A_1372] : memref<200x4x32x8x128xf32, #tpu.memory_space<hbm>> -> memref<1x1x1x8x128xf32, #tpu.memory_space<hbm>>
      %dma_start3A_1374 = tpu.memref_squeeze %dma_start3A_1373 : memref<1x1x1x8x128xf32, #tpu.memory_space<hbm>> -> memref<8x128xf32, #tpu.memory_space<hbm>>
      %dma_start3A_1375 = arith.constant 104 : i32
      %dma_start3A_1376 = arith.constant 0 : i32
      %dma_start3A_1377 = tpu.memref_slice %arg9[%dma_start3A_1375, %dma_start3A_1376] : memref<128x129xf32, #tpu.memory_space<vmem>> -> memref<8x128xf32, #tpu.memory_space<vmem>>
      tpu.enqueue_dma source(%dma_start3A_1377 : memref<8x128xf32, #tpu.memory_space<vmem>>) target(%dma_start3A_1374 : memref<8x128xf32, #tpu.memory_space<hbm>>) target_semaphore(%arg14 : memref<!tpu.dma_semaphore, #tpu.memory_space<semaphore_mem>>)
      %dma_start3A_1378 = arith.constant 2 : i32
      %dma_start3A_1379 = arith.constant 112 : i32
      %dma_start3A_1380 = arith.constant 0 : i32
      %dma_start3A_1381 = tpu.memref_slice %arg9[%dma_start3A_1379, %dma_start3A_1380] : memref<128x129xf32, #tpu.memory_space<vmem>> -> memref<8x128xf32, #tpu.memory_space<vmem>>
      %dma_start3A_1382 = arith.constant 0 : i32
      %dma_start3A_1383 = arith.constant 0 : i32
      %dma_start3A_1384 = tpu.memref_slice %arg4[%select_n3A_1345, %dma_start3A_1378, %rem3A_1347, %dma_start3A_1382, %dma_start3A_1383] : memref<200x4x32x8x128xf32, #tpu.memory_space<hbm>> -> memref<1x1x1x8x128xf32, #tpu.memory_space<hbm>>
      %dma_start3A_1385 = tpu.memref_squeeze %dma_start3A_1384 : memref<1x1x1x8x128xf32, #tpu.memory_space<hbm>> -> memref<8x128xf32, #tpu.memory_space<hbm>>
      %dma_start3A_1386 = arith.constant 0 : i32
      %dma_start3A_1387 = arith.constant 0 : i32
      %dma_start3A_1388 = tpu.memref_slice %arg4[%select_n3A_1345, %dma_start3A_1378, %rem3A_1347, %dma_start3A_1386, %dma_start3A_1387] : memref<200x4x32x8x128xf32, #tpu.memory_space<hbm>> -> memref<1x1x1x8x128xf32, #tpu.memory_space<hbm>>
      %dma_start3A_1389 = tpu.memref_squeeze %dma_start3A_1388 : memref<1x1x1x8x128xf32, #tpu.memory_space<hbm>> -> memref<8x128xf32, #tpu.memory_space<hbm>>
      %dma_start3A_1390 = arith.constant 112 : i32
      %dma_start3A_1391 = arith.constant 0 : i32
      %dma_start3A_1392 = tpu.memref_slice %arg9[%dma_start3A_1390, %dma_start3A_1391] : memref<128x129xf32, #tpu.memory_space<vmem>> -> memref<8x128xf32, #tpu.memory_space<vmem>>
      tpu.enqueue_dma source(%dma_start3A_1392 : memref<8x128xf32, #tpu.memory_space<vmem>>) target(%dma_start3A_1389 : memref<8x128xf32, #tpu.memory_space<hbm>>) target_semaphore(%arg14 : memref<!tpu.dma_semaphore, #tpu.memory_space<semaphore_mem>>)
      %dma_start3A_1393 = arith.constant 3 : i32
      %dma_start3A_1394 = arith.constant 120 : i32
      %dma_start3A_1395 = arith.constant 0 : i32
      %dma_start3A_1396 = tpu.memref_slice %arg9[%dma_start3A_1394, %dma_start3A_1395] : memref<128x129xf32, #tpu.memory_space<vmem>> -> memref<8x128xf32, #tpu.memory_space<vmem>>
      %dma_start3A_1397 = arith.constant 0 : i32
      %dma_start3A_1398 = arith.constant 0 : i32
      %dma_start3A_1399 = tpu.memref_slice %arg4[%select_n3A_1345, %dma_start3A_1393, %rem3A_1347, %dma_start3A_1397, %dma_start3A_1398] : memref<200x4x32x8x128xf32, #tpu.memory_space<hbm>> -> memref<1x1x1x8x128xf32, #tpu.memory_space<hbm>>
      %dma_start3A_1400 = tpu.memref_squeeze %dma_start3A_1399 : memref<1x1x1x8x128xf32, #tpu.memory_space<hbm>> -> memref<8x128xf32, #tpu.memory_space<hbm>>
      %dma_start3A_1401 = arith.constant 0 : i32
      %dma_start3A_1402 = arith.constant 0 : i32
      %dma_start3A_1403 = tpu.memref_slice %arg4[%select_n3A_1345, %dma_start3A_1393, %rem3A_1347, %dma_start3A_1401, %dma_start3A_1402] : memref<200x4x32x8x128xf32, #tpu.memory_space<hbm>> -> memref<1x1x1x8x128xf32, #tpu.memory_space<hbm>>
      %dma_start3A_1404 = tpu.memref_squeeze %dma_start3A_1403 : memref<1x1x1x8x128xf32, #tpu.memory_space<hbm>> -> memref<8x128xf32, #tpu.memory_space<hbm>>
      %dma_start3A_1405 = arith.constant 120 : i32
      %dma_start3A_1406 = arith.constant 0 : i32
      %dma_start3A_1407 = tpu.memref_slice %arg9[%dma_start3A_1405, %dma_start3A_1406] : memref<128x129xf32, #tpu.memory_space<vmem>> -> memref<8x128xf32, #tpu.memory_space<vmem>>
      tpu.enqueue_dma source(%dma_start3A_1407 : memref<8x128xf32, #tpu.memory_space<vmem>>) target(%dma_start3A_1404 : memref<8x128xf32, #tpu.memory_space<hbm>>) target_semaphore(%arg14 : memref<!tpu.dma_semaphore, #tpu.memory_space<semaphore_mem>>)
    }
    %scan3A_13 = arith.constant 25 : i32
    %dma_wait3A = arith.constant 0 : i32
    %dma_wait3A_14 = arith.constant 0 : i32
    %dma_wait3A_15 = arith.constant 0 : i32
    %dma_wait3A_16 = arith.constant 0 : i32
    %dma_wait3A_17 = arith.constant 0 : i32
    %dma_wait3A_18 = tpu.memref_slice %arg8[%dma_wait3A_16, %dma_wait3A_17] : memref<128x129xf32, #tpu.memory_space<vmem>> -> memref<8x128xf32, #tpu.memory_space<vmem>>
    %dma_wait3A_19 = arith.constant 0 : i32
    %dma_wait3A_20 = arith.constant 0 : i32
    %dma_wait3A_21 = tpu.memref_slice %arg4[%dma_wait3A, %dma_wait3A_14, %dma_wait3A_15, %dma_wait3A_19, %dma_wait3A_20] : memref<200x4x32x8x128xf32, #tpu.memory_space<hbm>> -> memref<1x1x1x8x128xf32, #tpu.memory_space<hbm>>
    %dma_wait3A_22 = tpu.memref_squeeze %dma_wait3A_21 : memref<1x1x1x8x128xf32, #tpu.memory_space<hbm>> -> memref<8x128xf32, #tpu.memory_space<hbm>>
    %dma_wait3A_23 = arith.constant 0 : i32
    %dma_wait3A_24 = arith.constant 0 : i32
    %dma_wait3A_25 = tpu.memref_slice %arg4[%dma_wait3A, %dma_wait3A_14, %dma_wait3A_15, %dma_wait3A_23, %dma_wait3A_24] : memref<200x4x32x8x128xf32, #tpu.memory_space<hbm>> -> memref<1x1x1x8x128xf32, #tpu.memory_space<hbm>>
    %dma_wait3A_26 = tpu.memref_squeeze %dma_wait3A_25 : memref<1x1x1x8x128xf32, #tpu.memory_space<hbm>> -> memref<8x128xf32, #tpu.memory_space<hbm>>
    %dma_wait3A_27 = arith.constant 0 : i32
    %dma_wait3A_28 = arith.constant 0 : i32
    %dma_wait3A_29 = tpu.memref_slice %arg8[%dma_wait3A_27, %dma_wait3A_28] : memref<128x129xf32, #tpu.memory_space<vmem>> -> memref<8x128xf32, #tpu.memory_space<vmem>>
    tpu.wait_dma2 semaphore(%arg13 : memref<!tpu.dma_semaphore, #tpu.memory_space<semaphore_mem>>) src(%dma_wait3A_29 : memref<8x128xf32, #tpu.memory_space<vmem>>) dst(%dma_wait3A_26 : memref<8x128xf32, #tpu.memory_space<hbm>>)
    %dma_wait3A_30 = arith.constant 0 : i32
    %dma_wait3A_31 = arith.constant 1 : i32
    %dma_wait3A_32 = arith.constant 0 : i32
    %dma_wait3A_33 = arith.constant 8 : i32
    %dma_wait3A_34 = arith.constant 0 : i32
    %dma_wait3A_35 = tpu.memref_slice %arg8[%dma_wait3A_33, %dma_wait3A_34] : memref<128x129xf32, #tpu.memory_space<vmem>> -> memref<8x128xf32, #tpu.memory_space<vmem>>
    %dma_wait3A_36 = arith.constant 0 : i32
    %dma_wait3A_37 = arith.constant 0 : i32
    %dma_wait3A_38 = tpu.memref_slice %arg4[%dma_wait3A_30, %dma_wait3A_31, %dma_wait3A_32, %dma_wait3A_36, %dma_wait3A_37] : memref<200x4x32x8x128xf32, #tpu.memory_space<hbm>> -> memref<1x1x1x8x128xf32, #tpu.memory_space<hbm>>
    %dma_wait3A_39 = tpu.memref_squeeze %dma_wait3A_38 : memref<1x1x1x8x128xf32, #tpu.memory_space<hbm>> -> memref<8x128xf32, #tpu.memory_space<hbm>>
    %dma_wait3A_40 = arith.constant 0 : i32
    %dma_wait3A_41 = arith.constant 0 : i32
    %dma_wait3A_42 = tpu.memref_slice %arg4[%dma_wait3A_30, %dma_wait3A_31, %dma_wait3A_32, %dma_wait3A_40, %dma_wait3A_41] : memref<200x4x32x8x128xf32, #tpu.memory_space<hbm>> -> memref<1x1x1x8x128xf32, #tpu.memory_space<hbm>>
    %dma_wait3A_43 = tpu.memref_squeeze %dma_wait3A_42 : memref<1x1x1x8x128xf32, #tpu.memory_space<hbm>> -> memref<8x128xf32, #tpu.memory_space<hbm>>
    %dma_wait3A_44 = arith.constant 8 : i32
    %dma_wait3A_45 = arith.constant 0 : i32
    %dma_wait3A_46 = tpu.memref_slice %arg8[%dma_wait3A_44, %dma_wait3A_45] : memref<128x129xf32, #tpu.memory_space<vmem>> -> memref<8x128xf32, #tpu.memory_space<vmem>>
    tpu.wait_dma2 semaphore(%arg13 : memref<!tpu.dma_semaphore, #tpu.memory_space<semaphore_mem>>) src(%dma_wait3A_46 : memref<8x128xf32, #tpu.memory_space<vmem>>) dst(%dma_wait3A_43 : memref<8x128xf32, #tpu.memory_space<hbm>>)
    %dma_wait3A_47 = arith.constant 0 : i32
    %dma_wait3A_48 = arith.constant 2 : i32
    %dma_wait3A_49 = arith.constant 0 : i32
    %dma_wait3A_50 = arith.constant 16 : i32
    %dma_wait3A_51 = arith.constant 0 : i32
    %dma_wait3A_52 = tpu.memref_slice %arg8[%dma_wait3A_50, %dma_wait3A_51] : memref<128x129xf32, #tpu.memory_space<vmem>> -> memref<8x128xf32, #tpu.memory_space<vmem>>
    %dma_wait3A_53 = arith.constant 0 : i32
    %dma_wait3A_54 = arith.constant 0 : i32
    %dma_wait3A_55 = tpu.memref_slice %arg4[%dma_wait3A_47, %dma_wait3A_48, %dma_wait3A_49, %dma_wait3A_53, %dma_wait3A_54] : memref<200x4x32x8x128xf32, #tpu.memory_space<hbm>> -> memref<1x1x1x8x128xf32, #tpu.memory_space<hbm>>
    %dma_wait3A_56 = tpu.memref_squeeze %dma_wait3A_55 : memref<1x1x1x8x128xf32, #tpu.memory_space<hbm>> -> memref<8x128xf32, #tpu.memory_space<hbm>>
    %dma_wait3A_57 = arith.constant 0 : i32
    %dma_wait3A_58 = arith.constant 0 : i32
    %dma_wait3A_59 = tpu.memref_slice %arg4[%dma_wait3A_47, %dma_wait3A_48, %dma_wait3A_49, %dma_wait3A_57, %dma_wait3A_58] : memref<200x4x32x8x128xf32, #tpu.memory_space<hbm>> -> memref<1x1x1x8x128xf32, #tpu.memory_space<hbm>>
    %dma_wait3A_60 = tpu.memref_squeeze %dma_wait3A_59 : memref<1x1x1x8x128xf32, #tpu.memory_space<hbm>> -> memref<8x128xf32, #tpu.memory_space<hbm>>
    %dma_wait3A_61 = arith.constant 16 : i32
    %dma_wait3A_62 = arith.constant 0 : i32
    %dma_wait3A_63 = tpu.memref_slice %arg8[%dma_wait3A_61, %dma_wait3A_62] : memref<128x129xf32, #tpu.memory_space<vmem>> -> memref<8x128xf32, #tpu.memory_space<vmem>>
    tpu.wait_dma2 semaphore(%arg13 : memref<!tpu.dma_semaphore, #tpu.memory_space<semaphore_mem>>) src(%dma_wait3A_63 : memref<8x128xf32, #tpu.memory_space<vmem>>) dst(%dma_wait3A_60 : memref<8x128xf32, #tpu.memory_space<hbm>>)
    %dma_wait3A_64 = arith.constant 0 : i32
    %dma_wait3A_65 = arith.constant 3 : i32
    %dma_wait3A_66 = arith.constant 0 : i32
    %dma_wait3A_67 = arith.constant 24 : i32
    %dma_wait3A_68 = arith.constant 0 : i32
    %dma_wait3A_69 = tpu.memref_slice %arg8[%dma_wait3A_67, %dma_wait3A_68] : memref<128x129xf32, #tpu.memory_space<vmem>> -> memref<8x128xf32, #tpu.memory_space<vmem>>
    %dma_wait3A_70 = arith.constant 0 : i32
    %dma_wait3A_71 = arith.constant 0 : i32
    %dma_wait3A_72 = tpu.memref_slice %arg4[%dma_wait3A_64, %dma_wait3A_65, %dma_wait3A_66, %dma_wait3A_70, %dma_wait3A_71] : memref<200x4x32x8x128xf32, #tpu.memory_space<hbm>> -> memref<1x1x1x8x128xf32, #tpu.memory_space<hbm>>
    %dma_wait3A_73 = tpu.memref_squeeze %dma_wait3A_72 : memref<1x1x1x8x128xf32, #tpu.memory_space<hbm>> -> memref<8x128xf32, #tpu.memory_space<hbm>>
    %dma_wait3A_74 = arith.constant 0 : i32
    %dma_wait3A_75 = arith.constant 0 : i32
    %dma_wait3A_76 = tpu.memref_slice %arg4[%dma_wait3A_64, %dma_wait3A_65, %dma_wait3A_66, %dma_wait3A_74, %dma_wait3A_75] : memref<200x4x32x8x128xf32, #tpu.memory_space<hbm>> -> memref<1x1x1x8x128xf32, #tpu.memory_space<hbm>>
    %dma_wait3A_77 = tpu.memref_squeeze %dma_wait3A_76 : memref<1x1x1x8x128xf32, #tpu.memory_space<hbm>> -> memref<8x128xf32, #tpu.memory_space<hbm>>
    %dma_wait3A_78 = arith.constant 24 : i32
    %dma_wait3A_79 = arith.constant 0 : i32
    %dma_wait3A_80 = tpu.memref_slice %arg8[%dma_wait3A_78, %dma_wait3A_79] : memref<128x129xf32, #tpu.memory_space<vmem>> -> memref<8x128xf32, #tpu.memory_space<vmem>>
    tpu.wait_dma2 semaphore(%arg13 : memref<!tpu.dma_semaphore, #tpu.memory_space<semaphore_mem>>) src(%dma_wait3A_80 : memref<8x128xf32, #tpu.memory_space<vmem>>) dst(%dma_wait3A_77 : memref<8x128xf32, #tpu.memory_space<hbm>>)
    %dma_wait3A_81 = arith.constant 0 : i32
    %dma_wait3A_82 = arith.constant 0 : i32
    %dma_wait3A_83 = arith.constant 0 : i32
    %dma_wait3A_84 = arith.constant 32 : i32
    %dma_wait3A_85 = arith.constant 0 : i32
    %dma_wait3A_86 = tpu.memref_slice %arg8[%dma_wait3A_84, %dma_wait3A_85] : memref<128x129xf32, #tpu.memory_space<vmem>> -> memref<8x128xf32, #tpu.memory_space<vmem>>
    %dma_wait3A_87 = arith.constant 0 : i32
    %dma_wait3A_88 = arith.constant 0 : i32
    %dma_wait3A_89 = tpu.memref_slice %arg4[%dma_wait3A_81, %dma_wait3A_82, %dma_wait3A_83, %dma_wait3A_87, %dma_wait3A_88] : memref<200x4x32x8x128xf32, #tpu.memory_space<hbm>> -> memref<1x1x1x8x128xf32, #tpu.memory_space<hbm>>
    %dma_wait3A_90 = tpu.memref_squeeze %dma_wait3A_89 : memref<1x1x1x8x128xf32, #tpu.memory_space<hbm>> -> memref<8x128xf32, #tpu.memory_space<hbm>>
    %dma_wait3A_91 = arith.constant 0 : i32
    %dma_wait3A_92 = arith.constant 0 : i32
    %dma_wait3A_93 = tpu.memref_slice %arg4[%dma_wait3A_81, %dma_wait3A_82, %dma_wait3A_83, %dma_wait3A_91, %dma_wait3A_92] : memref<200x4x32x8x128xf32, #tpu.memory_space<hbm>> -> memref<1x1x1x8x128xf32, #tpu.memory_space<hbm>>
    %dma_wait3A_94 = tpu.memref_squeeze %dma_wait3A_93 : memref<1x1x1x8x128xf32, #tpu.memory_space<hbm>> -> memref<8x128xf32, #tpu.memory_space<hbm>>
    %dma_wait3A_95 = arith.constant 32 : i32
    %dma_wait3A_96 = arith.constant 0 : i32
    %dma_wait3A_97 = tpu.memref_slice %arg8[%dma_wait3A_95, %dma_wait3A_96] : memref<128x129xf32, #tpu.memory_space<vmem>> -> memref<8x128xf32, #tpu.memory_space<vmem>>
    tpu.wait_dma2 semaphore(%arg13 : memref<!tpu.dma_semaphore, #tpu.memory_space<semaphore_mem>>) src(%dma_wait3A_97 : memref<8x128xf32, #tpu.memory_space<vmem>>) dst(%dma_wait3A_94 : memref<8x128xf32, #tpu.memory_space<hbm>>)
    %dma_wait3A_98 = arith.constant 0 : i32
    %dma_wait3A_99 = arith.constant 1 : i32
    %dma_wait3A_100 = arith.constant 0 : i32
    %dma_wait3A_101 = arith.constant 40 : i32
    %dma_wait3A_102 = arith.constant 0 : i32
    %dma_wait3A_103 = tpu.memref_slice %arg8[%dma_wait3A_101, %dma_wait3A_102] : memref<128x129xf32, #tpu.memory_space<vmem>> -> memref<8x128xf32, #tpu.memory_space<vmem>>
    %dma_wait3A_104 = arith.constant 0 : i32
    %dma_wait3A_105 = arith.constant 0 : i32
    %dma_wait3A_106 = tpu.memref_slice %arg4[%dma_wait3A_98, %dma_wait3A_99, %dma_wait3A_100, %dma_wait3A_104, %dma_wait3A_105] : memref<200x4x32x8x128xf32, #tpu.memory_space<hbm>> -> memref<1x1x1x8x128xf32, #tpu.memory_space<hbm>>
    %dma_wait3A_107 = tpu.memref_squeeze %dma_wait3A_106 : memref<1x1x1x8x128xf32, #tpu.memory_space<hbm>> -> memref<8x128xf32, #tpu.memory_space<hbm>>
    %dma_wait3A_108 = arith.constant 0 : i32
    %dma_wait3A_109 = arith.constant 0 : i32
    %dma_wait3A_110 = tpu.memref_slice %arg4[%dma_wait3A_98, %dma_wait3A_99, %dma_wait3A_100, %dma_wait3A_108, %dma_wait3A_109] : memref<200x4x32x8x128xf32, #tpu.memory_space<hbm>> -> memref<1x1x1x8x128xf32, #tpu.memory_space<hbm>>
    %dma_wait3A_111 = tpu.memref_squeeze %dma_wait3A_110 : memref<1x1x1x8x128xf32, #tpu.memory_space<hbm>> -> memref<8x128xf32, #tpu.memory_space<hbm>>
    %dma_wait3A_112 = arith.constant 40 : i32
    %dma_wait3A_113 = arith.constant 0 : i32
    %dma_wait3A_114 = tpu.memref_slice %arg8[%dma_wait3A_112, %dma_wait3A_113] : memref<128x129xf32, #tpu.memory_space<vmem>> -> memref<8x128xf32, #tpu.memory_space<vmem>>
    tpu.wait_dma2 semaphore(%arg13 : memref<!tpu.dma_semaphore, #tpu.memory_space<semaphore_mem>>) src(%dma_wait3A_114 : memref<8x128xf32, #tpu.memory_space<vmem>>) dst(%dma_wait3A_111 : memref<8x128xf32, #tpu.memory_space<hbm>>)
    %dma_wait3A_115 = arith.constant 0 : i32
    %dma_wait3A_116 = arith.constant 2 : i32
    %dma_wait3A_117 = arith.constant 0 : i32
    %dma_wait3A_118 = arith.constant 48 : i32
    %dma_wait3A_119 = arith.constant 0 : i32
    %dma_wait3A_120 = tpu.memref_slice %arg8[%dma_wait3A_118, %dma_wait3A_119] : memref<128x129xf32, #tpu.memory_space<vmem>> -> memref<8x128xf32, #tpu.memory_space<vmem>>
    %dma_wait3A_121 = arith.constant 0 : i32
    %dma_wait3A_122 = arith.constant 0 : i32
    %dma_wait3A_123 = tpu.memref_slice %arg4[%dma_wait3A_115, %dma_wait3A_116, %dma_wait3A_117, %dma_wait3A_121, %dma_wait3A_122] : memref<200x4x32x8x128xf32, #tpu.memory_space<hbm>> -> memref<1x1x1x8x128xf32, #tpu.memory_space<hbm>>
    %dma_wait3A_124 = tpu.memref_squeeze %dma_wait3A_123 : memref<1x1x1x8x128xf32, #tpu.memory_space<hbm>> -> memref<8x128xf32, #tpu.memory_space<hbm>>
    %dma_wait3A_125 = arith.constant 0 : i32
    %dma_wait3A_126 = arith.constant 0 : i32
    %dma_wait3A_127 = tpu.memref_slice %arg4[%dma_wait3A_115, %dma_wait3A_116, %dma_wait3A_117, %dma_wait3A_125, %dma_wait3A_126] : memref<200x4x32x8x128xf32, #tpu.memory_space<hbm>> -> memref<1x1x1x8x128xf32, #tpu.memory_space<hbm>>
    %dma_wait3A_128 = tpu.memref_squeeze %dma_wait3A_127 : memref<1x1x1x8x128xf32, #tpu.memory_space<hbm>> -> memref<8x128xf32, #tpu.memory_space<hbm>>
    %dma_wait3A_129 = arith.constant 48 : i32
    %dma_wait3A_130 = arith.constant 0 : i32
    %dma_wait3A_131 = tpu.memref_slice %arg8[%dma_wait3A_129, %dma_wait3A_130] : memref<128x129xf32, #tpu.memory_space<vmem>> -> memref<8x128xf32, #tpu.memory_space<vmem>>
    tpu.wait_dma2 semaphore(%arg13 : memref<!tpu.dma_semaphore, #tpu.memory_space<semaphore_mem>>) src(%dma_wait3A_131 : memref<8x128xf32, #tpu.memory_space<vmem>>) dst(%dma_wait3A_128 : memref<8x128xf32, #tpu.memory_space<hbm>>)
    %dma_wait3A_132 = arith.constant 0 : i32
    %dma_wait3A_133 = arith.constant 3 : i32
    %dma_wait3A_134 = arith.constant 0 : i32
    %dma_wait3A_135 = arith.constant 56 : i32
    %dma_wait3A_136 = arith.constant 0 : i32
    %dma_wait3A_137 = tpu.memref_slice %arg8[%dma_wait3A_135, %dma_wait3A_136] : memref<128x129xf32, #tpu.memory_space<vmem>> -> memref<8x128xf32, #tpu.memory_space<vmem>>
    %dma_wait3A_138 = arith.constant 0 : i32
    %dma_wait3A_139 = arith.constant 0 : i32
    %dma_wait3A_140 = tpu.memref_slice %arg4[%dma_wait3A_132, %dma_wait3A_133, %dma_wait3A_134, %dma_wait3A_138, %dma_wait3A_139] : memref<200x4x32x8x128xf32, #tpu.memory_space<hbm>> -> memref<1x1x1x8x128xf32, #tpu.memory_space<hbm>>
    %dma_wait3A_141 = tpu.memref_squeeze %dma_wait3A_140 : memref<1x1x1x8x128xf32, #tpu.memory_space<hbm>> -> memref<8x128xf32, #tpu.memory_space<hbm>>
    %dma_wait3A_142 = arith.constant 0 : i32
    %dma_wait3A_143 = arith.constant 0 : i32
    %dma_wait3A_144 = tpu.memref_slice %arg4[%dma_wait3A_132, %dma_wait3A_133, %dma_wait3A_134, %dma_wait3A_142, %dma_wait3A_143] : memref<200x4x32x8x128xf32, #tpu.memory_space<hbm>> -> memref<1x1x1x8x128xf32, #tpu.memory_space<hbm>>
    %dma_wait3A_145 = tpu.memref_squeeze %dma_wait3A_144 : memref<1x1x1x8x128xf32, #tpu.memory_space<hbm>> -> memref<8x128xf32, #tpu.memory_space<hbm>>
    %dma_wait3A_146 = arith.constant 56 : i32
    %dma_wait3A_147 = arith.constant 0 : i32
    %dma_wait3A_148 = tpu.memref_slice %arg8[%dma_wait3A_146, %dma_wait3A_147] : memref<128x129xf32, #tpu.memory_space<vmem>> -> memref<8x128xf32, #tpu.memory_space<vmem>>
    tpu.wait_dma2 semaphore(%arg13 : memref<!tpu.dma_semaphore, #tpu.memory_space<semaphore_mem>>) src(%dma_wait3A_148 : memref<8x128xf32, #tpu.memory_space<vmem>>) dst(%dma_wait3A_145 : memref<8x128xf32, #tpu.memory_space<hbm>>)
    %dma_wait3A_149 = arith.constant 0 : i32
    %dma_wait3A_150 = arith.constant 0 : i32
    %dma_wait3A_151 = arith.constant 0 : i32
    %dma_wait3A_152 = arith.constant 64 : i32
    %dma_wait3A_153 = arith.constant 0 : i32
    %dma_wait3A_154 = tpu.memref_slice %arg8[%dma_wait3A_152, %dma_wait3A_153] : memref<128x129xf32, #tpu.memory_space<vmem>> -> memref<8x128xf32, #tpu.memory_space<vmem>>
    %dma_wait3A_155 = arith.constant 0 : i32
    %dma_wait3A_156 = arith.constant 0 : i32
    %dma_wait3A_157 = tpu.memref_slice %arg4[%dma_wait3A_149, %dma_wait3A_150, %dma_wait3A_151, %dma_wait3A_155, %dma_wait3A_156] : memref<200x4x32x8x128xf32, #tpu.memory_space<hbm>> -> memref<1x1x1x8x128xf32, #tpu.memory_space<hbm>>
    %dma_wait3A_158 = tpu.memref_squeeze %dma_wait3A_157 : memref<1x1x1x8x128xf32, #tpu.memory_space<hbm>> -> memref<8x128xf32, #tpu.memory_space<hbm>>
    %dma_wait3A_159 = arith.constant 0 : i32
    %dma_wait3A_160 = arith.constant 0 : i32
    %dma_wait3A_161 = tpu.memref_slice %arg4[%dma_wait3A_149, %dma_wait3A_150, %dma_wait3A_151, %dma_wait3A_159, %dma_wait3A_160] : memref<200x4x32x8x128xf32, #tpu.memory_space<hbm>> -> memref<1x1x1x8x128xf32, #tpu.memory_space<hbm>>
    %dma_wait3A_162 = tpu.memref_squeeze %dma_wait3A_161 : memref<1x1x1x8x128xf32, #tpu.memory_space<hbm>> -> memref<8x128xf32, #tpu.memory_space<hbm>>
    %dma_wait3A_163 = arith.constant 64 : i32
    %dma_wait3A_164 = arith.constant 0 : i32
    %dma_wait3A_165 = tpu.memref_slice %arg8[%dma_wait3A_163, %dma_wait3A_164] : memref<128x129xf32, #tpu.memory_space<vmem>> -> memref<8x128xf32, #tpu.memory_space<vmem>>
    tpu.wait_dma2 semaphore(%arg13 : memref<!tpu.dma_semaphore, #tpu.memory_space<semaphore_mem>>) src(%dma_wait3A_165 : memref<8x128xf32, #tpu.memory_space<vmem>>) dst(%dma_wait3A_162 : memref<8x128xf32, #tpu.memory_space<hbm>>)
    %dma_wait3A_166 = arith.constant 0 : i32
    %dma_wait3A_167 = arith.constant 1 : i32
    %dma_wait3A_168 = arith.constant 0 : i32
    %dma_wait3A_169 = arith.constant 72 : i32
    %dma_wait3A_170 = arith.constant 0 : i32
    %dma_wait3A_171 = tpu.memref_slice %arg8[%dma_wait3A_169, %dma_wait3A_170] : memref<128x129xf32, #tpu.memory_space<vmem>> -> memref<8x128xf32, #tpu.memory_space<vmem>>
    %dma_wait3A_172 = arith.constant 0 : i32
    %dma_wait3A_173 = arith.constant 0 : i32
    %dma_wait3A_174 = tpu.memref_slice %arg4[%dma_wait3A_166, %dma_wait3A_167, %dma_wait3A_168, %dma_wait3A_172, %dma_wait3A_173] : memref<200x4x32x8x128xf32, #tpu.memory_space<hbm>> -> memref<1x1x1x8x128xf32, #tpu.memory_space<hbm>>
    %dma_wait3A_175 = tpu.memref_squeeze %dma_wait3A_174 : memref<1x1x1x8x128xf32, #tpu.memory_space<hbm>> -> memref<8x128xf32, #tpu.memory_space<hbm>>
    %dma_wait3A_176 = arith.constant 0 : i32
    %dma_wait3A_177 = arith.constant 0 : i32
    %dma_wait3A_178 = tpu.memref_slice %arg4[%dma_wait3A_166, %dma_wait3A_167, %dma_wait3A_168, %dma_wait3A_176, %dma_wait3A_177] : memref<200x4x32x8x128xf32, #tpu.memory_space<hbm>> -> memref<1x1x1x8x128xf32, #tpu.memory_space<hbm>>
    %dma_wait3A_179 = tpu.memref_squeeze %dma_wait3A_178 : memref<1x1x1x8x128xf32, #tpu.memory_space<hbm>> -> memref<8x128xf32, #tpu.memory_space<hbm>>
    %dma_wait3A_180 = arith.constant 72 : i32
    %dma_wait3A_181 = arith.constant 0 : i32
    %dma_wait3A_182 = tpu.memref_slice %arg8[%dma_wait3A_180, %dma_wait3A_181] : memref<128x129xf32, #tpu.memory_space<vmem>> -> memref<8x128xf32, #tpu.memory_space<vmem>>
    tpu.wait_dma2 semaphore(%arg13 : memref<!tpu.dma_semaphore, #tpu.memory_space<semaphore_mem>>) src(%dma_wait3A_182 : memref<8x128xf32, #tpu.memory_space<vmem>>) dst(%dma_wait3A_179 : memref<8x128xf32, #tpu.memory_space<hbm>>)
    %dma_wait3A_183 = arith.constant 0 : i32
    %dma_wait3A_184 = arith.constant 2 : i32
    %dma_wait3A_185 = arith.constant 0 : i32
    %dma_wait3A_186 = arith.constant 80 : i32
    %dma_wait3A_187 = arith.constant 0 : i32
    %dma_wait3A_188 = tpu.memref_slice %arg8[%dma_wait3A_186, %dma_wait3A_187] : memref<128x129xf32, #tpu.memory_space<vmem>> -> memref<8x128xf32, #tpu.memory_space<vmem>>
    %dma_wait3A_189 = arith.constant 0 : i32
    %dma_wait3A_190 = arith.constant 0 : i32
    %dma_wait3A_191 = tpu.memref_slice %arg4[%dma_wait3A_183, %dma_wait3A_184, %dma_wait3A_185, %dma_wait3A_189, %dma_wait3A_190] : memref<200x4x32x8x128xf32, #tpu.memory_space<hbm>> -> memref<1x1x1x8x128xf32, #tpu.memory_space<hbm>>
    %dma_wait3A_192 = tpu.memref_squeeze %dma_wait3A_191 : memref<1x1x1x8x128xf32, #tpu.memory_space<hbm>> -> memref<8x128xf32, #tpu.memory_space<hbm>>
    %dma_wait3A_193 = arith.constant 0 : i32
    %dma_wait3A_194 = arith.constant 0 : i32
    %dma_wait3A_195 = tpu.memref_slice %arg4[%dma_wait3A_183, %dma_wait3A_184, %dma_wait3A_185, %dma_wait3A_193, %dma_wait3A_194] : memref<200x4x32x8x128xf32, #tpu.memory_space<hbm>> -> memref<1x1x1x8x128xf32, #tpu.memory_space<hbm>>
    %dma_wait3A_196 = tpu.memref_squeeze %dma_wait3A_195 : memref<1x1x1x8x128xf32, #tpu.memory_space<hbm>> -> memref<8x128xf32, #tpu.memory_space<hbm>>
    %dma_wait3A_197 = arith.constant 80 : i32
    %dma_wait3A_198 = arith.constant 0 : i32
    %dma_wait3A_199 = tpu.memref_slice %arg8[%dma_wait3A_197, %dma_wait3A_198] : memref<128x129xf32, #tpu.memory_space<vmem>> -> memref<8x128xf32, #tpu.memory_space<vmem>>
    tpu.wait_dma2 semaphore(%arg13 : memref<!tpu.dma_semaphore, #tpu.memory_space<semaphore_mem>>) src(%dma_wait3A_199 : memref<8x128xf32, #tpu.memory_space<vmem>>) dst(%dma_wait3A_196 : memref<8x128xf32, #tpu.memory_space<hbm>>)
    %dma_wait3A_200 = arith.constant 0 : i32
    %dma_wait3A_201 = arith.constant 3 : i32
    %dma_wait3A_202 = arith.constant 0 : i32
    %dma_wait3A_203 = arith.constant 88 : i32
    %dma_wait3A_204 = arith.constant 0 : i32
    %dma_wait3A_205 = tpu.memref_slice %arg8[%dma_wait3A_203, %dma_wait3A_204] : memref<128x129xf32, #tpu.memory_space<vmem>> -> memref<8x128xf32, #tpu.memory_space<vmem>>
    %dma_wait3A_206 = arith.constant 0 : i32
    %dma_wait3A_207 = arith.constant 0 : i32
    %dma_wait3A_208 = tpu.memref_slice %arg4[%dma_wait3A_200, %dma_wait3A_201, %dma_wait3A_202, %dma_wait3A_206, %dma_wait3A_207] : memref<200x4x32x8x128xf32, #tpu.memory_space<hbm>> -> memref<1x1x1x8x128xf32, #tpu.memory_space<hbm>>
    %dma_wait3A_209 = tpu.memref_squeeze %dma_wait3A_208 : memref<1x1x1x8x128xf32, #tpu.memory_space<hbm>> -> memref<8x128xf32, #tpu.memory_space<hbm>>
    %dma_wait3A_210 = arith.constant 0 : i32
    %dma_wait3A_211 = arith.constant 0 : i32
    %dma_wait3A_212 = tpu.memref_slice %arg4[%dma_wait3A_200, %dma_wait3A_201, %dma_wait3A_202, %dma_wait3A_210, %dma_wait3A_211] : memref<200x4x32x8x128xf32, #tpu.memory_space<hbm>> -> memref<1x1x1x8x128xf32, #tpu.memory_space<hbm>>
    %dma_wait3A_213 = tpu.memref_squeeze %dma_wait3A_212 : memref<1x1x1x8x128xf32, #tpu.memory_space<hbm>> -> memref<8x128xf32, #tpu.memory_space<hbm>>
    %dma_wait3A_214 = arith.constant 88 : i32
    %dma_wait3A_215 = arith.constant 0 : i32
    %dma_wait3A_216 = tpu.memref_slice %arg8[%dma_wait3A_214, %dma_wait3A_215] : memref<128x129xf32, #tpu.memory_space<vmem>> -> memref<8x128xf32, #tpu.memory_space<vmem>>
    tpu.wait_dma2 semaphore(%arg13 : memref<!tpu.dma_semaphore, #tpu.memory_space<semaphore_mem>>) src(%dma_wait3A_216 : memref<8x128xf32, #tpu.memory_space<vmem>>) dst(%dma_wait3A_213 : memref<8x128xf32, #tpu.memory_space<hbm>>)
    %dma_wait3A_217 = arith.constant 0 : i32
    %dma_wait3A_218 = arith.constant 0 : i32
    %dma_wait3A_219 = arith.constant 0 : i32
    %dma_wait3A_220 = arith.constant 96 : i32
    %dma_wait3A_221 = arith.constant 0 : i32
    %dma_wait3A_222 = tpu.memref_slice %arg8[%dma_wait3A_220, %dma_wait3A_221] : memref<128x129xf32, #tpu.memory_space<vmem>> -> memref<8x128xf32, #tpu.memory_space<vmem>>
    %dma_wait3A_223 = arith.constant 0 : i32
    %dma_wait3A_224 = arith.constant 0 : i32
    %dma_wait3A_225 = tpu.memref_slice %arg4[%dma_wait3A_217, %dma_wait3A_218, %dma_wait3A_219, %dma_wait3A_223, %dma_wait3A_224] : memref<200x4x32x8x128xf32, #tpu.memory_space<hbm>> -> memref<1x1x1x8x128xf32, #tpu.memory_space<hbm>>
    %dma_wait3A_226 = tpu.memref_squeeze %dma_wait3A_225 : memref<1x1x1x8x128xf32, #tpu.memory_space<hbm>> -> memref<8x128xf32, #tpu.memory_space<hbm>>
    %dma_wait3A_227 = arith.constant 0 : i32
    %dma_wait3A_228 = arith.constant 0 : i32
    %dma_wait3A_229 = tpu.memref_slice %arg4[%dma_wait3A_217, %dma_wait3A_218, %dma_wait3A_219, %dma_wait3A_227, %dma_wait3A_228] : memref<200x4x32x8x128xf32, #tpu.memory_space<hbm>> -> memref<1x1x1x8x128xf32, #tpu.memory_space<hbm>>
    %dma_wait3A_230 = tpu.memref_squeeze %dma_wait3A_229 : memref<1x1x1x8x128xf32, #tpu.memory_space<hbm>> -> memref<8x128xf32, #tpu.memory_space<hbm>>
    %dma_wait3A_231 = arith.constant 96 : i32
    %dma_wait3A_232 = arith.constant 0 : i32
    %dma_wait3A_233 = tpu.memref_slice %arg8[%dma_wait3A_231, %dma_wait3A_232] : memref<128x129xf32, #tpu.memory_space<vmem>> -> memref<8x128xf32, #tpu.memory_space<vmem>>
    tpu.wait_dma2 semaphore(%arg13 : memref<!tpu.dma_semaphore, #tpu.memory_space<semaphore_mem>>) src(%dma_wait3A_233 : memref<8x128xf32, #tpu.memory_space<vmem>>) dst(%dma_wait3A_230 : memref<8x128xf32, #tpu.memory_space<hbm>>)
    %dma_wait3A_234 = arith.constant 0 : i32
    %dma_wait3A_235 = arith.constant 1 : i32
    %dma_wait3A_236 = arith.constant 0 : i32
    %dma_wait3A_237 = arith.constant 104 : i32
    %dma_wait3A_238 = arith.constant 0 : i32
    %dma_wait3A_239 = tpu.memref_slice %arg8[%dma_wait3A_237, %dma_wait3A_238] : memref<128x129xf32, #tpu.memory_space<vmem>> -> memref<8x128xf32, #tpu.memory_space<vmem>>
    %dma_wait3A_240 = arith.constant 0 : i32
    %dma_wait3A_241 = arith.constant 0 : i32
    %dma_wait3A_242 = tpu.memref_slice %arg4[%dma_wait3A_234, %dma_wait3A_235, %dma_wait3A_236, %dma_wait3A_240, %dma_wait3A_241] : memref<200x4x32x8x128xf32, #tpu.memory_space<hbm>> -> memref<1x1x1x8x128xf32, #tpu.memory_space<hbm>>
    %dma_wait3A_243 = tpu.memref_squeeze %dma_wait3A_242 : memref<1x1x1x8x128xf32, #tpu.memory_space<hbm>> -> memref<8x128xf32, #tpu.memory_space<hbm>>
    %dma_wait3A_244 = arith.constant 0 : i32
    %dma_wait3A_245 = arith.constant 0 : i32
    %dma_wait3A_246 = tpu.memref_slice %arg4[%dma_wait3A_234, %dma_wait3A_235, %dma_wait3A_236, %dma_wait3A_244, %dma_wait3A_245] : memref<200x4x32x8x128xf32, #tpu.memory_space<hbm>> -> memref<1x1x1x8x128xf32, #tpu.memory_space<hbm>>
    %dma_wait3A_247 = tpu.memref_squeeze %dma_wait3A_246 : memref<1x1x1x8x128xf32, #tpu.memory_space<hbm>> -> memref<8x128xf32, #tpu.memory_space<hbm>>
    %dma_wait3A_248 = arith.constant 104 : i32
    %dma_wait3A_249 = arith.constant 0 : i32
    %dma_wait3A_250 = tpu.memref_slice %arg8[%dma_wait3A_248, %dma_wait3A_249] : memref<128x129xf32, #tpu.memory_space<vmem>> -> memref<8x128xf32, #tpu.memory_space<vmem>>
    tpu.wait_dma2 semaphore(%arg13 : memref<!tpu.dma_semaphore, #tpu.memory_space<semaphore_mem>>) src(%dma_wait3A_250 : memref<8x128xf32, #tpu.memory_space<vmem>>) dst(%dma_wait3A_247 : memref<8x128xf32, #tpu.memory_space<hbm>>)
    %dma_wait3A_251 = arith.constant 0 : i32
    %dma_wait3A_252 = arith.constant 2 : i32
    %dma_wait3A_253 = arith.constant 0 : i32
    %dma_wait3A_254 = arith.constant 112 : i32
    %dma_wait3A_255 = arith.constant 0 : i32
    %dma_wait3A_256 = tpu.memref_slice %arg8[%dma_wait3A_254, %dma_wait3A_255] : memref<128x129xf32, #tpu.memory_space<vmem>> -> memref<8x128xf32, #tpu.memory_space<vmem>>
    %dma_wait3A_257 = arith.constant 0 : i32
    %dma_wait3A_258 = arith.constant 0 : i32
    %dma_wait3A_259 = tpu.memref_slice %arg4[%dma_wait3A_251, %dma_wait3A_252, %dma_wait3A_253, %dma_wait3A_257, %dma_wait3A_258] : memref<200x4x32x8x128xf32, #tpu.memory_space<hbm>> -> memref<1x1x1x8x128xf32, #tpu.memory_space<hbm>>
    %dma_wait3A_260 = tpu.memref_squeeze %dma_wait3A_259 : memref<1x1x1x8x128xf32, #tpu.memory_space<hbm>> -> memref<8x128xf32, #tpu.memory_space<hbm>>
    %dma_wait3A_261 = arith.constant 0 : i32
    %dma_wait3A_262 = arith.constant 0 : i32
    %dma_wait3A_263 = tpu.memref_slice %arg4[%dma_wait3A_251, %dma_wait3A_252, %dma_wait3A_253, %dma_wait3A_261, %dma_wait3A_262] : memref<200x4x32x8x128xf32, #tpu.memory_space<hbm>> -> memref<1x1x1x8x128xf32, #tpu.memory_space<hbm>>
    %dma_wait3A_264 = tpu.memref_squeeze %dma_wait3A_263 : memref<1x1x1x8x128xf32, #tpu.memory_space<hbm>> -> memref<8x128xf32, #tpu.memory_space<hbm>>
    %dma_wait3A_265 = arith.constant 112 : i32
    %dma_wait3A_266 = arith.constant 0 : i32
    %dma_wait3A_267 = tpu.memref_slice %arg8[%dma_wait3A_265, %dma_wait3A_266] : memref<128x129xf32, #tpu.memory_space<vmem>> -> memref<8x128xf32, #tpu.memory_space<vmem>>
    tpu.wait_dma2 semaphore(%arg13 : memref<!tpu.dma_semaphore, #tpu.memory_space<semaphore_mem>>) src(%dma_wait3A_267 : memref<8x128xf32, #tpu.memory_space<vmem>>) dst(%dma_wait3A_264 : memref<8x128xf32, #tpu.memory_space<hbm>>)
    %dma_wait3A_268 = arith.constant 0 : i32
    %dma_wait3A_269 = arith.constant 3 : i32
    %dma_wait3A_270 = arith.constant 0 : i32
    %dma_wait3A_271 = arith.constant 120 : i32
    %dma_wait3A_272 = arith.constant 0 : i32
    %dma_wait3A_273 = tpu.memref_slice %arg8[%dma_wait3A_271, %dma_wait3A_272] : memref<128x129xf32, #tpu.memory_space<vmem>> -> memref<8x128xf32, #tpu.memory_space<vmem>>
    %dma_wait3A_274 = arith.constant 0 : i32
    %dma_wait3A_275 = arith.constant 0 : i32
    %dma_wait3A_276 = tpu.memref_slice %arg4[%dma_wait3A_268, %dma_wait3A_269, %dma_wait3A_270, %dma_wait3A_274, %dma_wait3A_275] : memref<200x4x32x8x128xf32, #tpu.memory_space<hbm>> -> memref<1x1x1x8x128xf32, #tpu.memory_space<hbm>>
    %dma_wait3A_277 = tpu.memref_squeeze %dma_wait3A_276 : memref<1x1x1x8x128xf32, #tpu.memory_space<hbm>> -> memref<8x128xf32, #tpu.memory_space<hbm>>
    %dma_wait3A_278 = arith.constant 0 : i32
    %dma_wait3A_279 = arith.constant 0 : i32
    %dma_wait3A_280 = tpu.memref_slice %arg4[%dma_wait3A_268, %dma_wait3A_269, %dma_wait3A_270, %dma_wait3A_278, %dma_wait3A_279] : memref<200x4x32x8x128xf32, #tpu.memory_space<hbm>> -> memref<1x1x1x8x128xf32, #tpu.memory_space<hbm>>
    %dma_wait3A_281 = tpu.memref_squeeze %dma_wait3A_280 : memref<1x1x1x8x128xf32, #tpu.memory_space<hbm>> -> memref<8x128xf32, #tpu.memory_space<hbm>>
    %dma_wait3A_282 = arith.constant 120 : i32
    %dma_wait3A_283 = arith.constant 0 : i32
    %dma_wait3A_284 = tpu.memref_slice %arg8[%dma_wait3A_282, %dma_wait3A_283] : memref<128x129xf32, #tpu.memory_space<vmem>> -> memref<8x128xf32, #tpu.memory_space<vmem>>
    tpu.wait_dma2 semaphore(%arg13 : memref<!tpu.dma_semaphore, #tpu.memory_space<semaphore_mem>>) src(%dma_wait3A_284 : memref<8x128xf32, #tpu.memory_space<vmem>>) dst(%dma_wait3A_281 : memref<8x128xf32, #tpu.memory_space<hbm>>)
    %dma_wait3A_285 = arith.constant 0 : i32
    %dma_wait3A_286 = arith.constant 0 : i32
    %dma_wait3A_287 = arith.constant 0 : i32
    %dma_wait3A_288 = arith.constant 0 : i32
    %dma_wait3A_289 = arith.constant 0 : i32
    %dma_wait3A_290 = tpu.memref_slice %arg9[%dma_wait3A_288, %dma_wait3A_289] : memref<128x129xf32, #tpu.memory_space<vmem>> -> memref<8x128xf32, #tpu.memory_space<vmem>>
    %dma_wait3A_291 = arith.constant 0 : i32
    %dma_wait3A_292 = arith.constant 0 : i32
    %dma_wait3A_293 = tpu.memref_slice %arg4[%dma_wait3A_285, %dma_wait3A_286, %dma_wait3A_287, %dma_wait3A_291, %dma_wait3A_292] : memref<200x4x32x8x128xf32, #tpu.memory_space<hbm>> -> memref<1x1x1x8x128xf32, #tpu.memory_space<hbm>>
    %dma_wait3A_294 = tpu.memref_squeeze %dma_wait3A_293 : memref<1x1x1x8x128xf32, #tpu.memory_space<hbm>> -> memref<8x128xf32, #tpu.memory_space<hbm>>
    %dma_wait3A_295 = arith.constant 0 : i32
    %dma_wait3A_296 = arith.constant 0 : i32
    %dma_wait3A_297 = tpu.memref_slice %arg4[%dma_wait3A_285, %dma_wait3A_286, %dma_wait3A_287, %dma_wait3A_295, %dma_wait3A_296] : memref<200x4x32x8x128xf32, #tpu.memory_space<hbm>> -> memref<1x1x1x8x128xf32, #tpu.memory_space<hbm>>
    %dma_wait3A_298 = tpu.memref_squeeze %dma_wait3A_297 : memref<1x1x1x8x128xf32, #tpu.memory_space<hbm>> -> memref<8x128xf32, #tpu.memory_space<hbm>>
    %dma_wait3A_299 = arith.constant 0 : i32
    %dma_wait3A_300 = arith.constant 0 : i32
    %dma_wait3A_301 = tpu.memref_slice %arg9[%dma_wait3A_299, %dma_wait3A_300] : memref<128x129xf32, #tpu.memory_space<vmem>> -> memref<8x128xf32, #tpu.memory_space<vmem>>
    tpu.wait_dma2 semaphore(%arg14 : memref<!tpu.dma_semaphore, #tpu.memory_space<semaphore_mem>>) src(%dma_wait3A_301 : memref<8x128xf32, #tpu.memory_space<vmem>>) dst(%dma_wait3A_298 : memref<8x128xf32, #tpu.memory_space<hbm>>)
    %dma_wait3A_302 = arith.constant 0 : i32
    %dma_wait3A_303 = arith.constant 1 : i32
    %dma_wait3A_304 = arith.constant 0 : i32
    %dma_wait3A_305 = arith.constant 8 : i32
    %dma_wait3A_306 = arith.constant 0 : i32
    %dma_wait3A_307 = tpu.memref_slice %arg9[%dma_wait3A_305, %dma_wait3A_306] : memref<128x129xf32, #tpu.memory_space<vmem>> -> memref<8x128xf32, #tpu.memory_space<vmem>>
    %dma_wait3A_308 = arith.constant 0 : i32
    %dma_wait3A_309 = arith.constant 0 : i32
    %dma_wait3A_310 = tpu.memref_slice %arg4[%dma_wait3A_302, %dma_wait3A_303, %dma_wait3A_304, %dma_wait3A_308, %dma_wait3A_309] : memref<200x4x32x8x128xf32, #tpu.memory_space<hbm>> -> memref<1x1x1x8x128xf32, #tpu.memory_space<hbm>>
    %dma_wait3A_311 = tpu.memref_squeeze %dma_wait3A_310 : memref<1x1x1x8x128xf32, #tpu.memory_space<hbm>> -> memref<8x128xf32, #tpu.memory_space<hbm>>
    %dma_wait3A_312 = arith.constant 0 : i32
    %dma_wait3A_313 = arith.constant 0 : i32
    %dma_wait3A_314 = tpu.memref_slice %arg4[%dma_wait3A_302, %dma_wait3A_303, %dma_wait3A_304, %dma_wait3A_312, %dma_wait3A_313] : memref<200x4x32x8x128xf32, #tpu.memory_space<hbm>> -> memref<1x1x1x8x128xf32, #tpu.memory_space<hbm>>
    %dma_wait3A_315 = tpu.memref_squeeze %dma_wait3A_314 : memref<1x1x1x8x128xf32, #tpu.memory_space<hbm>> -> memref<8x128xf32, #tpu.memory_space<hbm>>
    %dma_wait3A_316 = arith.constant 8 : i32
    %dma_wait3A_317 = arith.constant 0 : i32
    %dma_wait3A_318 = tpu.memref_slice %arg9[%dma_wait3A_316, %dma_wait3A_317] : memref<128x129xf32, #tpu.memory_space<vmem>> -> memref<8x128xf32, #tpu.memory_space<vmem>>
    tpu.wait_dma2 semaphore(%arg14 : memref<!tpu.dma_semaphore, #tpu.memory_space<semaphore_mem>>) src(%dma_wait3A_318 : memref<8x128xf32, #tpu.memory_space<vmem>>) dst(%dma_wait3A_315 : memref<8x128xf32, #tpu.memory_space<hbm>>)
    %dma_wait3A_319 = arith.constant 0 : i32
    %dma_wait3A_320 = arith.constant 2 : i32
    %dma_wait3A_321 = arith.constant 0 : i32
    %dma_wait3A_322 = arith.constant 16 : i32
    %dma_wait3A_323 = arith.constant 0 : i32
    %dma_wait3A_324 = tpu.memref_slice %arg9[%dma_wait3A_322, %dma_wait3A_323] : memref<128x129xf32, #tpu.memory_space<vmem>> -> memref<8x128xf32, #tpu.memory_space<vmem>>
    %dma_wait3A_325 = arith.constant 0 : i32
    %dma_wait3A_326 = arith.constant 0 : i32
    %dma_wait3A_327 = tpu.memref_slice %arg4[%dma_wait3A_319, %dma_wait3A_320, %dma_wait3A_321, %dma_wait3A_325, %dma_wait3A_326] : memref<200x4x32x8x128xf32, #tpu.memory_space<hbm>> -> memref<1x1x1x8x128xf32, #tpu.memory_space<hbm>>
    %dma_wait3A_328 = tpu.memref_squeeze %dma_wait3A_327 : memref<1x1x1x8x128xf32, #tpu.memory_space<hbm>> -> memref<8x128xf32, #tpu.memory_space<hbm>>
    %dma_wait3A_329 = arith.constant 0 : i32
    %dma_wait3A_330 = arith.constant 0 : i32
    %dma_wait3A_331 = tpu.memref_slice %arg4[%dma_wait3A_319, %dma_wait3A_320, %dma_wait3A_321, %dma_wait3A_329, %dma_wait3A_330] : memref<200x4x32x8x128xf32, #tpu.memory_space<hbm>> -> memref<1x1x1x8x128xf32, #tpu.memory_space<hbm>>
    %dma_wait3A_332 = tpu.memref_squeeze %dma_wait3A_331 : memref<1x1x1x8x128xf32, #tpu.memory_space<hbm>> -> memref<8x128xf32, #tpu.memory_space<hbm>>
    %dma_wait3A_333 = arith.constant 16 : i32
    %dma_wait3A_334 = arith.constant 0 : i32
    %dma_wait3A_335 = tpu.memref_slice %arg9[%dma_wait3A_333, %dma_wait3A_334] : memref<128x129xf32, #tpu.memory_space<vmem>> -> memref<8x128xf32, #tpu.memory_space<vmem>>
    tpu.wait_dma2 semaphore(%arg14 : memref<!tpu.dma_semaphore, #tpu.memory_space<semaphore_mem>>) src(%dma_wait3A_335 : memref<8x128xf32, #tpu.memory_space<vmem>>) dst(%dma_wait3A_332 : memref<8x128xf32, #tpu.memory_space<hbm>>)
    %dma_wait3A_336 = arith.constant 0 : i32
    %dma_wait3A_337 = arith.constant 3 : i32
    %dma_wait3A_338 = arith.constant 0 : i32
    %dma_wait3A_339 = arith.constant 24 : i32
    %dma_wait3A_340 = arith.constant 0 : i32
    %dma_wait3A_341 = tpu.memref_slice %arg9[%dma_wait3A_339, %dma_wait3A_340] : memref<128x129xf32, #tpu.memory_space<vmem>> -> memref<8x128xf32, #tpu.memory_space<vmem>>
    %dma_wait3A_342 = arith.constant 0 : i32
    %dma_wait3A_343 = arith.constant 0 : i32
    %dma_wait3A_344 = tpu.memref_slice %arg4[%dma_wait3A_336, %dma_wait3A_337, %dma_wait3A_338, %dma_wait3A_342, %dma_wait3A_343] : memref<200x4x32x8x128xf32, #tpu.memory_space<hbm>> -> memref<1x1x1x8x128xf32, #tpu.memory_space<hbm>>
    %dma_wait3A_345 = tpu.memref_squeeze %dma_wait3A_344 : memref<1x1x1x8x128xf32, #tpu.memory_space<hbm>> -> memref<8x128xf32, #tpu.memory_space<hbm>>
    %dma_wait3A_346 = arith.constant 0 : i32
    %dma_wait3A_347 = arith.constant 0 : i32
    %dma_wait3A_348 = tpu.memref_slice %arg4[%dma_wait3A_336, %dma_wait3A_337, %dma_wait3A_338, %dma_wait3A_346, %dma_wait3A_347] : memref<200x4x32x8x128xf32, #tpu.memory_space<hbm>> -> memref<1x1x1x8x128xf32, #tpu.memory_space<hbm>>
    %dma_wait3A_349 = tpu.memref_squeeze %dma_wait3A_348 : memref<1x1x1x8x128xf32, #tpu.memory_space<hbm>> -> memref<8x128xf32, #tpu.memory_space<hbm>>
    %dma_wait3A_350 = arith.constant 24 : i32
    %dma_wait3A_351 = arith.constant 0 : i32
    %dma_wait3A_352 = tpu.memref_slice %arg9[%dma_wait3A_350, %dma_wait3A_351] : memref<128x129xf32, #tpu.memory_space<vmem>> -> memref<8x128xf32, #tpu.memory_space<vmem>>
    tpu.wait_dma2 semaphore(%arg14 : memref<!tpu.dma_semaphore, #tpu.memory_space<semaphore_mem>>) src(%dma_wait3A_352 : memref<8x128xf32, #tpu.memory_space<vmem>>) dst(%dma_wait3A_349 : memref<8x128xf32, #tpu.memory_space<hbm>>)
    %dma_wait3A_353 = arith.constant 0 : i32
    %dma_wait3A_354 = arith.constant 0 : i32
    %dma_wait3A_355 = arith.constant 0 : i32
    %dma_wait3A_356 = arith.constant 32 : i32
    %dma_wait3A_357 = arith.constant 0 : i32
    %dma_wait3A_358 = tpu.memref_slice %arg9[%dma_wait3A_356, %dma_wait3A_357] : memref<128x129xf32, #tpu.memory_space<vmem>> -> memref<8x128xf32, #tpu.memory_space<vmem>>
    %dma_wait3A_359 = arith.constant 0 : i32
    %dma_wait3A_360 = arith.constant 0 : i32
    %dma_wait3A_361 = tpu.memref_slice %arg4[%dma_wait3A_353, %dma_wait3A_354, %dma_wait3A_355, %dma_wait3A_359, %dma_wait3A_360] : memref<200x4x32x8x128xf32, #tpu.memory_space<hbm>> -> memref<1x1x1x8x128xf32, #tpu.memory_space<hbm>>
    %dma_wait3A_362 = tpu.memref_squeeze %dma_wait3A_361 : memref<1x1x1x8x128xf32, #tpu.memory_space<hbm>> -> memref<8x128xf32, #tpu.memory_space<hbm>>
    %dma_wait3A_363 = arith.constant 0 : i32
    %dma_wait3A_364 = arith.constant 0 : i32
    %dma_wait3A_365 = tpu.memref_slice %arg4[%dma_wait3A_353, %dma_wait3A_354, %dma_wait3A_355, %dma_wait3A_363, %dma_wait3A_364] : memref<200x4x32x8x128xf32, #tpu.memory_space<hbm>> -> memref<1x1x1x8x128xf32, #tpu.memory_space<hbm>>
    %dma_wait3A_366 = tpu.memref_squeeze %dma_wait3A_365 : memref<1x1x1x8x128xf32, #tpu.memory_space<hbm>> -> memref<8x128xf32, #tpu.memory_space<hbm>>
    %dma_wait3A_367 = arith.constant 32 : i32
    %dma_wait3A_368 = arith.constant 0 : i32
    %dma_wait3A_369 = tpu.memref_slice %arg9[%dma_wait3A_367, %dma_wait3A_368] : memref<128x129xf32, #tpu.memory_space<vmem>> -> memref<8x128xf32, #tpu.memory_space<vmem>>
    tpu.wait_dma2 semaphore(%arg14 : memref<!tpu.dma_semaphore, #tpu.memory_space<semaphore_mem>>) src(%dma_wait3A_369 : memref<8x128xf32, #tpu.memory_space<vmem>>) dst(%dma_wait3A_366 : memref<8x128xf32, #tpu.memory_space<hbm>>)
    %dma_wait3A_370 = arith.constant 0 : i32
    %dma_wait3A_371 = arith.constant 1 : i32
    %dma_wait3A_372 = arith.constant 0 : i32
    %dma_wait3A_373 = arith.constant 40 : i32
    %dma_wait3A_374 = arith.constant 0 : i32
    %dma_wait3A_375 = tpu.memref_slice %arg9[%dma_wait3A_373, %dma_wait3A_374] : memref<128x129xf32, #tpu.memory_space<vmem>> -> memref<8x128xf32, #tpu.memory_space<vmem>>
    %dma_wait3A_376 = arith.constant 0 : i32
    %dma_wait3A_377 = arith.constant 0 : i32
    %dma_wait3A_378 = tpu.memref_slice %arg4[%dma_wait3A_370, %dma_wait3A_371, %dma_wait3A_372, %dma_wait3A_376, %dma_wait3A_377] : memref<200x4x32x8x128xf32, #tpu.memory_space<hbm>> -> memref<1x1x1x8x128xf32, #tpu.memory_space<hbm>>
    %dma_wait3A_379 = tpu.memref_squeeze %dma_wait3A_378 : memref<1x1x1x8x128xf32, #tpu.memory_space<hbm>> -> memref<8x128xf32, #tpu.memory_space<hbm>>
    %dma_wait3A_380 = arith.constant 0 : i32
    %dma_wait3A_381 = arith.constant 0 : i32
    %dma_wait3A_382 = tpu.memref_slice %arg4[%dma_wait3A_370, %dma_wait3A_371, %dma_wait3A_372, %dma_wait3A_380, %dma_wait3A_381] : memref<200x4x32x8x128xf32, #tpu.memory_space<hbm>> -> memref<1x1x1x8x128xf32, #tpu.memory_space<hbm>>
    %dma_wait3A_383 = tpu.memref_squeeze %dma_wait3A_382 : memref<1x1x1x8x128xf32, #tpu.memory_space<hbm>> -> memref<8x128xf32, #tpu.memory_space<hbm>>
    %dma_wait3A_384 = arith.constant 40 : i32
    %dma_wait3A_385 = arith.constant 0 : i32
    %dma_wait3A_386 = tpu.memref_slice %arg9[%dma_wait3A_384, %dma_wait3A_385] : memref<128x129xf32, #tpu.memory_space<vmem>> -> memref<8x128xf32, #tpu.memory_space<vmem>>
    tpu.wait_dma2 semaphore(%arg14 : memref<!tpu.dma_semaphore, #tpu.memory_space<semaphore_mem>>) src(%dma_wait3A_386 : memref<8x128xf32, #tpu.memory_space<vmem>>) dst(%dma_wait3A_383 : memref<8x128xf32, #tpu.memory_space<hbm>>)
    %dma_wait3A_387 = arith.constant 0 : i32
    %dma_wait3A_388 = arith.constant 2 : i32
    %dma_wait3A_389 = arith.constant 0 : i32
    %dma_wait3A_390 = arith.constant 48 : i32
    %dma_wait3A_391 = arith.constant 0 : i32
    %dma_wait3A_392 = tpu.memref_slice %arg9[%dma_wait3A_390, %dma_wait3A_391] : memref<128x129xf32, #tpu.memory_space<vmem>> -> memref<8x128xf32, #tpu.memory_space<vmem>>
    %dma_wait3A_393 = arith.constant 0 : i32
    %dma_wait3A_394 = arith.constant 0 : i32
    %dma_wait3A_395 = tpu.memref_slice %arg4[%dma_wait3A_387, %dma_wait3A_388, %dma_wait3A_389, %dma_wait3A_393, %dma_wait3A_394] : memref<200x4x32x8x128xf32, #tpu.memory_space<hbm>> -> memref<1x1x1x8x128xf32, #tpu.memory_space<hbm>>
    %dma_wait3A_396 = tpu.memref_squeeze %dma_wait3A_395 : memref<1x1x1x8x128xf32, #tpu.memory_space<hbm>> -> memref<8x128xf32, #tpu.memory_space<hbm>>
    %dma_wait3A_397 = arith.constant 0 : i32
    %dma_wait3A_398 = arith.constant 0 : i32
    %dma_wait3A_399 = tpu.memref_slice %arg4[%dma_wait3A_387, %dma_wait3A_388, %dma_wait3A_389, %dma_wait3A_397, %dma_wait3A_398] : memref<200x4x32x8x128xf32, #tpu.memory_space<hbm>> -> memref<1x1x1x8x128xf32, #tpu.memory_space<hbm>>
    %dma_wait3A_400 = tpu.memref_squeeze %dma_wait3A_399 : memref<1x1x1x8x128xf32, #tpu.memory_space<hbm>> -> memref<8x128xf32, #tpu.memory_space<hbm>>
    %dma_wait3A_401 = arith.constant 48 : i32
    %dma_wait3A_402 = arith.constant 0 : i32
    %dma_wait3A_403 = tpu.memref_slice %arg9[%dma_wait3A_401, %dma_wait3A_402] : memref<128x129xf32, #tpu.memory_space<vmem>> -> memref<8x128xf32, #tpu.memory_space<vmem>>
    tpu.wait_dma2 semaphore(%arg14 : memref<!tpu.dma_semaphore, #tpu.memory_space<semaphore_mem>>) src(%dma_wait3A_403 : memref<8x128xf32, #tpu.memory_space<vmem>>) dst(%dma_wait3A_400 : memref<8x128xf32, #tpu.memory_space<hbm>>)
    %dma_wait3A_404 = arith.constant 0 : i32
    %dma_wait3A_405 = arith.constant 3 : i32
    %dma_wait3A_406 = arith.constant 0 : i32
    %dma_wait3A_407 = arith.constant 56 : i32
    %dma_wait3A_408 = arith.constant 0 : i32
    %dma_wait3A_409 = tpu.memref_slice %arg9[%dma_wait3A_407, %dma_wait3A_408] : memref<128x129xf32, #tpu.memory_space<vmem>> -> memref<8x128xf32, #tpu.memory_space<vmem>>
    %dma_wait3A_410 = arith.constant 0 : i32
    %dma_wait3A_411 = arith.constant 0 : i32
    %dma_wait3A_412 = tpu.memref_slice %arg4[%dma_wait3A_404, %dma_wait3A_405, %dma_wait3A_406, %dma_wait3A_410, %dma_wait3A_411] : memref<200x4x32x8x128xf32, #tpu.memory_space<hbm>> -> memref<1x1x1x8x128xf32, #tpu.memory_space<hbm>>
    %dma_wait3A_413 = tpu.memref_squeeze %dma_wait3A_412 : memref<1x1x1x8x128xf32, #tpu.memory_space<hbm>> -> memref<8x128xf32, #tpu.memory_space<hbm>>
    %dma_wait3A_414 = arith.constant 0 : i32
    %dma_wait3A_415 = arith.constant 0 : i32
    %dma_wait3A_416 = tpu.memref_slice %arg4[%dma_wait3A_404, %dma_wait3A_405, %dma_wait3A_406, %dma_wait3A_414, %dma_wait3A_415] : memref<200x4x32x8x128xf32, #tpu.memory_space<hbm>> -> memref<1x1x1x8x128xf32, #tpu.memory_space<hbm>>
    %dma_wait3A_417 = tpu.memref_squeeze %dma_wait3A_416 : memref<1x1x1x8x128xf32, #tpu.memory_space<hbm>> -> memref<8x128xf32, #tpu.memory_space<hbm>>
    %dma_wait3A_418 = arith.constant 56 : i32
    %dma_wait3A_419 = arith.constant 0 : i32
    %dma_wait3A_420 = tpu.memref_slice %arg9[%dma_wait3A_418, %dma_wait3A_419] : memref<128x129xf32, #tpu.memory_space<vmem>> -> memref<8x128xf32, #tpu.memory_space<vmem>>
    tpu.wait_dma2 semaphore(%arg14 : memref<!tpu.dma_semaphore, #tpu.memory_space<semaphore_mem>>) src(%dma_wait3A_420 : memref<8x128xf32, #tpu.memory_space<vmem>>) dst(%dma_wait3A_417 : memref<8x128xf32, #tpu.memory_space<hbm>>)
    %dma_wait3A_421 = arith.constant 0 : i32
    %dma_wait3A_422 = arith.constant 0 : i32
    %dma_wait3A_423 = arith.constant 0 : i32
    %dma_wait3A_424 = arith.constant 64 : i32
    %dma_wait3A_425 = arith.constant 0 : i32
    %dma_wait3A_426 = tpu.memref_slice %arg9[%dma_wait3A_424, %dma_wait3A_425] : memref<128x129xf32, #tpu.memory_space<vmem>> -> memref<8x128xf32, #tpu.memory_space<vmem>>
    %dma_wait3A_427 = arith.constant 0 : i32
    %dma_wait3A_428 = arith.constant 0 : i32
    %dma_wait3A_429 = tpu.memref_slice %arg4[%dma_wait3A_421, %dma_wait3A_422, %dma_wait3A_423, %dma_wait3A_427, %dma_wait3A_428] : memref<200x4x32x8x128xf32, #tpu.memory_space<hbm>> -> memref<1x1x1x8x128xf32, #tpu.memory_space<hbm>>
    %dma_wait3A_430 = tpu.memref_squeeze %dma_wait3A_429 : memref<1x1x1x8x128xf32, #tpu.memory_space<hbm>> -> memref<8x128xf32, #tpu.memory_space<hbm>>
    %dma_wait3A_431 = arith.constant 0 : i32
    %dma_wait3A_432 = arith.constant 0 : i32
    %dma_wait3A_433 = tpu.memref_slice %arg4[%dma_wait3A_421, %dma_wait3A_422, %dma_wait3A_423, %dma_wait3A_431, %dma_wait3A_432] : memref<200x4x32x8x128xf32, #tpu.memory_space<hbm>> -> memref<1x1x1x8x128xf32, #tpu.memory_space<hbm>>
    %dma_wait3A_434 = tpu.memref_squeeze %dma_wait3A_433 : memref<1x1x1x8x128xf32, #tpu.memory_space<hbm>> -> memref<8x128xf32, #tpu.memory_space<hbm>>
    %dma_wait3A_435 = arith.constant 64 : i32
    %dma_wait3A_436 = arith.constant 0 : i32
    %dma_wait3A_437 = tpu.memref_slice %arg9[%dma_wait3A_435, %dma_wait3A_436] : memref<128x129xf32, #tpu.memory_space<vmem>> -> memref<8x128xf32, #tpu.memory_space<vmem>>
    tpu.wait_dma2 semaphore(%arg14 : memref<!tpu.dma_semaphore, #tpu.memory_space<semaphore_mem>>) src(%dma_wait3A_437 : memref<8x128xf32, #tpu.memory_space<vmem>>) dst(%dma_wait3A_434 : memref<8x128xf32, #tpu.memory_space<hbm>>)
    %dma_wait3A_438 = arith.constant 0 : i32
    %dma_wait3A_439 = arith.constant 1 : i32
    %dma_wait3A_440 = arith.constant 0 : i32
    %dma_wait3A_441 = arith.constant 72 : i32
    %dma_wait3A_442 = arith.constant 0 : i32
    %dma_wait3A_443 = tpu.memref_slice %arg9[%dma_wait3A_441, %dma_wait3A_442] : memref<128x129xf32, #tpu.memory_space<vmem>> -> memref<8x128xf32, #tpu.memory_space<vmem>>
    %dma_wait3A_444 = arith.constant 0 : i32
    %dma_wait3A_445 = arith.constant 0 : i32
    %dma_wait3A_446 = tpu.memref_slice %arg4[%dma_wait3A_438, %dma_wait3A_439, %dma_wait3A_440, %dma_wait3A_444, %dma_wait3A_445] : memref<200x4x32x8x128xf32, #tpu.memory_space<hbm>> -> memref<1x1x1x8x128xf32, #tpu.memory_space<hbm>>
    %dma_wait3A_447 = tpu.memref_squeeze %dma_wait3A_446 : memref<1x1x1x8x128xf32, #tpu.memory_space<hbm>> -> memref<8x128xf32, #tpu.memory_space<hbm>>
    %dma_wait3A_448 = arith.constant 0 : i32
    %dma_wait3A_449 = arith.constant 0 : i32
    %dma_wait3A_450 = tpu.memref_slice %arg4[%dma_wait3A_438, %dma_wait3A_439, %dma_wait3A_440, %dma_wait3A_448, %dma_wait3A_449] : memref<200x4x32x8x128xf32, #tpu.memory_space<hbm>> -> memref<1x1x1x8x128xf32, #tpu.memory_space<hbm>>
    %dma_wait3A_451 = tpu.memref_squeeze %dma_wait3A_450 : memref<1x1x1x8x128xf32, #tpu.memory_space<hbm>> -> memref<8x128xf32, #tpu.memory_space<hbm>>
    %dma_wait3A_452 = arith.constant 72 : i32
    %dma_wait3A_453 = arith.constant 0 : i32
    %dma_wait3A_454 = tpu.memref_slice %arg9[%dma_wait3A_452, %dma_wait3A_453] : memref<128x129xf32, #tpu.memory_space<vmem>> -> memref<8x128xf32, #tpu.memory_space<vmem>>
    tpu.wait_dma2 semaphore(%arg14 : memref<!tpu.dma_semaphore, #tpu.memory_space<semaphore_mem>>) src(%dma_wait3A_454 : memref<8x128xf32, #tpu.memory_space<vmem>>) dst(%dma_wait3A_451 : memref<8x128xf32, #tpu.memory_space<hbm>>)
    %dma_wait3A_455 = arith.constant 0 : i32
    %dma_wait3A_456 = arith.constant 2 : i32
    %dma_wait3A_457 = arith.constant 0 : i32
    %dma_wait3A_458 = arith.constant 80 : i32
    %dma_wait3A_459 = arith.constant 0 : i32
    %dma_wait3A_460 = tpu.memref_slice %arg9[%dma_wait3A_458, %dma_wait3A_459] : memref<128x129xf32, #tpu.memory_space<vmem>> -> memref<8x128xf32, #tpu.memory_space<vmem>>
    %dma_wait3A_461 = arith.constant 0 : i32
    %dma_wait3A_462 = arith.constant 0 : i32
    %dma_wait3A_463 = tpu.memref_slice %arg4[%dma_wait3A_455, %dma_wait3A_456, %dma_wait3A_457, %dma_wait3A_461, %dma_wait3A_462] : memref<200x4x32x8x128xf32, #tpu.memory_space<hbm>> -> memref<1x1x1x8x128xf32, #tpu.memory_space<hbm>>
    %dma_wait3A_464 = tpu.memref_squeeze %dma_wait3A_463 : memref<1x1x1x8x128xf32, #tpu.memory_space<hbm>> -> memref<8x128xf32, #tpu.memory_space<hbm>>
    %dma_wait3A_465 = arith.constant 0 : i32
    %dma_wait3A_466 = arith.constant 0 : i32
    %dma_wait3A_467 = tpu.memref_slice %arg4[%dma_wait3A_455, %dma_wait3A_456, %dma_wait3A_457, %dma_wait3A_465, %dma_wait3A_466] : memref<200x4x32x8x128xf32, #tpu.memory_space<hbm>> -> memref<1x1x1x8x128xf32, #tpu.memory_space<hbm>>
    %dma_wait3A_468 = tpu.memref_squeeze %dma_wait3A_467 : memref<1x1x1x8x128xf32, #tpu.memory_space<hbm>> -> memref<8x128xf32, #tpu.memory_space<hbm>>
    %dma_wait3A_469 = arith.constant 80 : i32
    %dma_wait3A_470 = arith.constant 0 : i32
    %dma_wait3A_471 = tpu.memref_slice %arg9[%dma_wait3A_469, %dma_wait3A_470] : memref<128x129xf32, #tpu.memory_space<vmem>> -> memref<8x128xf32, #tpu.memory_space<vmem>>
    tpu.wait_dma2 semaphore(%arg14 : memref<!tpu.dma_semaphore, #tpu.memory_space<semaphore_mem>>) src(%dma_wait3A_471 : memref<8x128xf32, #tpu.memory_space<vmem>>) dst(%dma_wait3A_468 : memref<8x128xf32, #tpu.memory_space<hbm>>)
    %dma_wait3A_472 = arith.constant 0 : i32
    %dma_wait3A_473 = arith.constant 3 : i32
    %dma_wait3A_474 = arith.constant 0 : i32
    %dma_wait3A_475 = arith.constant 88 : i32
    %dma_wait3A_476 = arith.constant 0 : i32
    %dma_wait3A_477 = tpu.memref_slice %arg9[%dma_wait3A_475, %dma_wait3A_476] : memref<128x129xf32, #tpu.memory_space<vmem>> -> memref<8x128xf32, #tpu.memory_space<vmem>>
    %dma_wait3A_478 = arith.constant 0 : i32
    %dma_wait3A_479 = arith.constant 0 : i32
    %dma_wait3A_480 = tpu.memref_slice %arg4[%dma_wait3A_472, %dma_wait3A_473, %dma_wait3A_474, %dma_wait3A_478, %dma_wait3A_479] : memref<200x4x32x8x128xf32, #tpu.memory_space<hbm>> -> memref<1x1x1x8x128xf32, #tpu.memory_space<hbm>>
    %dma_wait3A_481 = tpu.memref_squeeze %dma_wait3A_480 : memref<1x1x1x8x128xf32, #tpu.memory_space<hbm>> -> memref<8x128xf32, #tpu.memory_space<hbm>>
    %dma_wait3A_482 = arith.constant 0 : i32
    %dma_wait3A_483 = arith.constant 0 : i32
    %dma_wait3A_484 = tpu.memref_slice %arg4[%dma_wait3A_472, %dma_wait3A_473, %dma_wait3A_474, %dma_wait3A_482, %dma_wait3A_483] : memref<200x4x32x8x128xf32, #tpu.memory_space<hbm>> -> memref<1x1x1x8x128xf32, #tpu.memory_space<hbm>>
    %dma_wait3A_485 = tpu.memref_squeeze %dma_wait3A_484 : memref<1x1x1x8x128xf32, #tpu.memory_space<hbm>> -> memref<8x128xf32, #tpu.memory_space<hbm>>
    %dma_wait3A_486 = arith.constant 88 : i32
    %dma_wait3A_487 = arith.constant 0 : i32
    %dma_wait3A_488 = tpu.memref_slice %arg9[%dma_wait3A_486, %dma_wait3A_487] : memref<128x129xf32, #tpu.memory_space<vmem>> -> memref<8x128xf32, #tpu.memory_space<vmem>>
    tpu.wait_dma2 semaphore(%arg14 : memref<!tpu.dma_semaphore, #tpu.memory_space<semaphore_mem>>) src(%dma_wait3A_488 : memref<8x128xf32, #tpu.memory_space<vmem>>) dst(%dma_wait3A_485 : memref<8x128xf32, #tpu.memory_space<hbm>>)
    %dma_wait3A_489 = arith.constant 0 : i32
    %dma_wait3A_490 = arith.constant 0 : i32
    %dma_wait3A_491 = arith.constant 0 : i32
    %dma_wait3A_492 = arith.constant 96 : i32
    %dma_wait3A_493 = arith.constant 0 : i32
    %dma_wait3A_494 = tpu.memref_slice %arg9[%dma_wait3A_492, %dma_wait3A_493] : memref<128x129xf32, #tpu.memory_space<vmem>> -> memref<8x128xf32, #tpu.memory_space<vmem>>
    %dma_wait3A_495 = arith.constant 0 : i32
    %dma_wait3A_496 = arith.constant 0 : i32
    %dma_wait3A_497 = tpu.memref_slice %arg4[%dma_wait3A_489, %dma_wait3A_490, %dma_wait3A_491, %dma_wait3A_495, %dma_wait3A_496] : memref<200x4x32x8x128xf32, #tpu.memory_space<hbm>> -> memref<1x1x1x8x128xf32, #tpu.memory_space<hbm>>
    %dma_wait3A_498 = tpu.memref_squeeze %dma_wait3A_497 : memref<1x1x1x8x128xf32, #tpu.memory_space<hbm>> -> memref<8x128xf32, #tpu.memory_space<hbm>>
    %dma_wait3A_499 = arith.constant 0 : i32
    %dma_wait3A_500 = arith.constant 0 : i32
    %dma_wait3A_501 = tpu.memref_slice %arg4[%dma_wait3A_489, %dma_wait3A_490, %dma_wait3A_491, %dma_wait3A_499, %dma_wait3A_500] : memref<200x4x32x8x128xf32, #tpu.memory_space<hbm>> -> memref<1x1x1x8x128xf32, #tpu.memory_space<hbm>>
    %dma_wait3A_502 = tpu.memref_squeeze %dma_wait3A_501 : memref<1x1x1x8x128xf32, #tpu.memory_space<hbm>> -> memref<8x128xf32, #tpu.memory_space<hbm>>
    %dma_wait3A_503 = arith.constant 96 : i32
    %dma_wait3A_504 = arith.constant 0 : i32
    %dma_wait3A_505 = tpu.memref_slice %arg9[%dma_wait3A_503, %dma_wait3A_504] : memref<128x129xf32, #tpu.memory_space<vmem>> -> memref<8x128xf32, #tpu.memory_space<vmem>>
    tpu.wait_dma2 semaphore(%arg14 : memref<!tpu.dma_semaphore, #tpu.memory_space<semaphore_mem>>) src(%dma_wait3A_505 : memref<8x128xf32, #tpu.memory_space<vmem>>) dst(%dma_wait3A_502 : memref<8x128xf32, #tpu.memory_space<hbm>>)
    %dma_wait3A_506 = arith.constant 0 : i32
    %dma_wait3A_507 = arith.constant 1 : i32
    %dma_wait3A_508 = arith.constant 0 : i32
    %dma_wait3A_509 = arith.constant 104 : i32
    %dma_wait3A_510 = arith.constant 0 : i32
    %dma_wait3A_511 = tpu.memref_slice %arg9[%dma_wait3A_509, %dma_wait3A_510] : memref<128x129xf32, #tpu.memory_space<vmem>> -> memref<8x128xf32, #tpu.memory_space<vmem>>
    %dma_wait3A_512 = arith.constant 0 : i32
    %dma_wait3A_513 = arith.constant 0 : i32
    %dma_wait3A_514 = tpu.memref_slice %arg4[%dma_wait3A_506, %dma_wait3A_507, %dma_wait3A_508, %dma_wait3A_512, %dma_wait3A_513] : memref<200x4x32x8x128xf32, #tpu.memory_space<hbm>> -> memref<1x1x1x8x128xf32, #tpu.memory_space<hbm>>
    %dma_wait3A_515 = tpu.memref_squeeze %dma_wait3A_514 : memref<1x1x1x8x128xf32, #tpu.memory_space<hbm>> -> memref<8x128xf32, #tpu.memory_space<hbm>>
    %dma_wait3A_516 = arith.constant 0 : i32
    %dma_wait3A_517 = arith.constant 0 : i32
    %dma_wait3A_518 = tpu.memref_slice %arg4[%dma_wait3A_506, %dma_wait3A_507, %dma_wait3A_508, %dma_wait3A_516, %dma_wait3A_517] : memref<200x4x32x8x128xf32, #tpu.memory_space<hbm>> -> memref<1x1x1x8x128xf32, #tpu.memory_space<hbm>>
    %dma_wait3A_519 = tpu.memref_squeeze %dma_wait3A_518 : memref<1x1x1x8x128xf32, #tpu.memory_space<hbm>> -> memref<8x128xf32, #tpu.memory_space<hbm>>
    %dma_wait3A_520 = arith.constant 104 : i32
    %dma_wait3A_521 = arith.constant 0 : i32
    %dma_wait3A_522 = tpu.memref_slice %arg9[%dma_wait3A_520, %dma_wait3A_521] : memref<128x129xf32, #tpu.memory_space<vmem>> -> memref<8x128xf32, #tpu.memory_space<vmem>>
    tpu.wait_dma2 semaphore(%arg14 : memref<!tpu.dma_semaphore, #tpu.memory_space<semaphore_mem>>) src(%dma_wait3A_522 : memref<8x128xf32, #tpu.memory_space<vmem>>) dst(%dma_wait3A_519 : memref<8x128xf32, #tpu.memory_space<hbm>>)
    %dma_wait3A_523 = arith.constant 0 : i32
    %dma_wait3A_524 = arith.constant 2 : i32
    %dma_wait3A_525 = arith.constant 0 : i32
    %dma_wait3A_526 = arith.constant 112 : i32
    %dma_wait3A_527 = arith.constant 0 : i32
    %dma_wait3A_528 = tpu.memref_slice %arg9[%dma_wait3A_526, %dma_wait3A_527] : memref<128x129xf32, #tpu.memory_space<vmem>> -> memref<8x128xf32, #tpu.memory_space<vmem>>
    %dma_wait3A_529 = arith.constant 0 : i32
    %dma_wait3A_530 = arith.constant 0 : i32
    %dma_wait3A_531 = tpu.memref_slice %arg4[%dma_wait3A_523, %dma_wait3A_524, %dma_wait3A_525, %dma_wait3A_529, %dma_wait3A_530] : memref<200x4x32x8x128xf32, #tpu.memory_space<hbm>> -> memref<1x1x1x8x128xf32, #tpu.memory_space<hbm>>
    %dma_wait3A_532 = tpu.memref_squeeze %dma_wait3A_531 : memref<1x1x1x8x128xf32, #tpu.memory_space<hbm>> -> memref<8x128xf32, #tpu.memory_space<hbm>>
    %dma_wait3A_533 = arith.constant 0 : i32
    %dma_wait3A_534 = arith.constant 0 : i32
    %dma_wait3A_535 = tpu.memref_slice %arg4[%dma_wait3A_523, %dma_wait3A_524, %dma_wait3A_525, %dma_wait3A_533, %dma_wait3A_534] : memref<200x4x32x8x128xf32, #tpu.memory_space<hbm>> -> memref<1x1x1x8x128xf32, #tpu.memory_space<hbm>>
    %dma_wait3A_536 = tpu.memref_squeeze %dma_wait3A_535 : memref<1x1x1x8x128xf32, #tpu.memory_space<hbm>> -> memref<8x128xf32, #tpu.memory_space<hbm>>
    %dma_wait3A_537 = arith.constant 112 : i32
    %dma_wait3A_538 = arith.constant 0 : i32
    %dma_wait3A_539 = tpu.memref_slice %arg9[%dma_wait3A_537, %dma_wait3A_538] : memref<128x129xf32, #tpu.memory_space<vmem>> -> memref<8x128xf32, #tpu.memory_space<vmem>>
    tpu.wait_dma2 semaphore(%arg14 : memref<!tpu.dma_semaphore, #tpu.memory_space<semaphore_mem>>) src(%dma_wait3A_539 : memref<8x128xf32, #tpu.memory_space<vmem>>) dst(%dma_wait3A_536 : memref<8x128xf32, #tpu.memory_space<hbm>>)
    %dma_wait3A_540 = arith.constant 0 : i32
    %dma_wait3A_541 = arith.constant 3 : i32
    %dma_wait3A_542 = arith.constant 0 : i32
    %dma_wait3A_543 = arith.constant 120 : i32
    %dma_wait3A_544 = arith.constant 0 : i32
    %dma_wait3A_545 = tpu.memref_slice %arg9[%dma_wait3A_543, %dma_wait3A_544] : memref<128x129xf32, #tpu.memory_space<vmem>> -> memref<8x128xf32, #tpu.memory_space<vmem>>
    %dma_wait3A_546 = arith.constant 0 : i32
    %dma_wait3A_547 = arith.constant 0 : i32
    %dma_wait3A_548 = tpu.memref_slice %arg4[%dma_wait3A_540, %dma_wait3A_541, %dma_wait3A_542, %dma_wait3A_546, %dma_wait3A_547] : memref<200x4x32x8x128xf32, #tpu.memory_space<hbm>> -> memref<1x1x1x8x128xf32, #tpu.memory_space<hbm>>
    %dma_wait3A_549 = tpu.memref_squeeze %dma_wait3A_548 : memref<1x1x1x8x128xf32, #tpu.memory_space<hbm>> -> memref<8x128xf32, #tpu.memory_space<hbm>>
    %dma_wait3A_550 = arith.constant 0 : i32
    %dma_wait3A_551 = arith.constant 0 : i32
    %dma_wait3A_552 = tpu.memref_slice %arg4[%dma_wait3A_540, %dma_wait3A_541, %dma_wait3A_542, %dma_wait3A_550, %dma_wait3A_551] : memref<200x4x32x8x128xf32, #tpu.memory_space<hbm>> -> memref<1x1x1x8x128xf32, #tpu.memory_space<hbm>>
    %dma_wait3A_553 = tpu.memref_squeeze %dma_wait3A_552 : memref<1x1x1x8x128xf32, #tpu.memory_space<hbm>> -> memref<8x128xf32, #tpu.memory_space<hbm>>
    %dma_wait3A_554 = arith.constant 120 : i32
    %dma_wait3A_555 = arith.constant 0 : i32
    %dma_wait3A_556 = tpu.memref_slice %arg9[%dma_wait3A_554, %dma_wait3A_555] : memref<128x129xf32, #tpu.memory_space<vmem>> -> memref<8x128xf32, #tpu.memory_space<vmem>>
    tpu.wait_dma2 semaphore(%arg14 : memref<!tpu.dma_semaphore, #tpu.memory_space<semaphore_mem>>) src(%dma_wait3A_556 : memref<8x128xf32, #tpu.memory_space<vmem>>) dst(%dma_wait3A_553 : memref<8x128xf32, #tpu.memory_space<hbm>>)
    return
  }
}

</mosaic_0001>

<sc_bundles>
// kernel: kernel.3.cloned.1.call-start
scs
__scs_entry_jumppad:
0x0: {  	(pc) =	sbr.rel $0x88, $3  }
0x1: {  	(tag) =	ssettag $0x0;
	lr =	simm.s32 $0x1  }
0x2: {  	[smem:$0x3F9F] =	sst lr;
	_ =	strace $0xD0000000  }
0x3: {  	_ = 	snop  }
0x4: {  	_ = 	snop  }
0x5: {  	_ = 	snop  }
0x6: {  	_ = 	snop  }
0x7: {  	_ = 	snop  }
__scs_overlays_trampoline_lowered:
0x8: {  	[smem:$0x3FAE] =	sst s0  }
0x9: {  	[smem:$0x3FAF] =	sst s1  }
0xa: {  	[smem:$0x3FB0] =	sst s2  }
0xb: {  	[smem:$0x3FB1] =	sst s3  }
0xc: {  	[smem:$0x3FB2] =	sst s4  }
0xd: {  	[smem:$0x3FB3] =	sst s5  }
0xe: {  	[smem:$0x3FB4] =	sst s6  }
0xf: {  	[smem:$0x3FB5] =	sst s7  }
0x10: {  	[smem:$0x3FB6] =	sst s8  }
0x11: {  	[smem:$0x3FB7] =	sst s9;
	s0 =	simm.s32 @!p0 $0x0  }
0x12: {  	s1 =	sld [smem:$0x3F9D];
	s0 =	simm.s32 @p0 $0x1  }
0x13: {  	[smem:$0x3FB8] =	sst s0;
	s0 =	simm.s32 @!p1 $0x0  }
0x14: {  	s2 =	sld [smem:$0x3F9C];
	s0 =	simm.s32 @p1 $0x1  }
0x15: {  	[smem:$0x3FB9] =	sst s0;
	s0 =	simm.s32 @!p2 $0x0  }
0x16: {  	s3 =	sld [smem:$0x3FDB];
	s0 =	simm.s32 @p2 $0x1  }
0x17: {  	s4 =	simm.s32 $0x1BF5;
	[smem:$0x3FBB] =	sst s0  }
0x18: {  	s0 =	sld [smem:$0x3F9E];
	_ =	swait.ge [sflag:s4], $0x0  }
0x19: {  	s7 =	sld [smem:$0x3F9F]  }
0x1a: {  	s8 =	sadd.s32 $0xFFFFE003, lr  }
0x1b: {  	s9 =	sadd.s32 $0xFFFFFEF7, lr;
	s5 =	simm.s32 $0xFFFFFFFF;
	p2 =	slt.u32 s8, $0xFFFFF086  }
0x1c: {  	p1 =	slt.u32 s9, $0xF7A;
	s5 =	simm.s32 @!p2 $0x0  }
0x1d: {  	s5 =	simm.s32 @p1 $0x1;
	p0 =	seq.s32 s7, s2  }
0x1e: {  	s7 =	smul.u32 @!p0 $0xF7A, s2;
	p2 =	seq.s32 @!p0 s5, $0x0  }
0x1f: {  	s9 =	smul.u32 $0xF7A, s1;
	s8 =	simm.s32 @!p0 $0x1BF5;
	p2 =	por !p2, p0  }
0x20: {  	[sflag:s8] =	ssyncset.s32 @!p0 $0xFFFFF086;
	s6 =	sadd.s32 @!p0 s3, s7;
	s7 =	simm.s32 @!p0 $0x108  }
0x21: {  	s3 =	sadd.s32 s3, s9;
	s6 =	sadd.s32 @!p0 $0x88, s6;
	s7 =	simm.s32 @p2 $0x1082  }
0x22: {  	[simem:s7], [sflag:s8] =	dma.local @!p0 [hbm:s6], $0xF7A  }
0x23: {  	s9 =	sor.u32 $0xD0000000, s2;
	s6 =	simm.s32 $0x108;
	_ =	swait.ge @!p0 [sflag:s8], $0x0  }
0x24: {  	s3 =	sadd.s32 $0x88, s3;
	s6 =	simm.s32 @!p1 $0x1082;
	[sflag:s4] =	ssyncset.s32 $0xFFFFF086  }
0x25: {  	[simem:s6], [sflag:s4] =	dma.local [hbm:s3], $0xF7A  }
0x26: {  	[smem:$0x3F9F] =	sst s1;
	(tag) =	ssettag s2;
	_ =	strace s9  }
0x27: {  	s1 =	sld [smem:$0x3FAF]  }
0x28: {  	s2 =	sld [smem:$0x3FB0]  }
0x29: {  	s4 =	sld [smem:$0x3FB2]  }
0x2a: {  	p0 =	seq.s32 s5, $0x0;
	s5 =	sld [smem:$0x3FB3]  }
0x2b: {  	s6 =	sld [smem:$0x3FB4]  }
0x2c: {  	s7 =	sld [smem:$0x3FB5]  }
0x2d: {  	s3 =	simm.s32 $0x108;
	s8 =	sld [smem:$0x3FB6]  }
0x2e: {  	s3 =	simm.s32 @!p0 $0x1082;
	s9 =	sld [smem:$0x3FB7]  }
0x2f: {  	lr =	sadd.s32 s0, s3;
	s0 =	sld [smem:$0x3FAE]  }
0x30: {  	s3 =	sld [smem:$0x3FB1]  }
0x31: {  	[smem:$0x3FBA] =	sst s10  }
0x32: {  	s10 =	sld [smem:$0x3FB8];
	_ =	sdelay $0x3  }
0x33: {  	p0 =	seq.s32 s10, $0x1;
	s10 =	sld [smem:$0x3FBA];
	_ =	sdelay $0x3  }
0x34: {  	[smem:$0x3FBA] =	sst s10  }
0x35: {  	s10 =	sld [smem:$0x3FB9];
	_ =	sdelay $0x3  }
0x36: {  	p1 =	seq.s32 s10, $0x1;
	s10 =	sld [smem:$0x3FBA];
	_ =	sdelay $0x3  }
0x37: {  	[smem:$0x3FBA] =	sst s10  }
0x38: {  	s10 =	sld [smem:$0x3FBB]  }
0x39: {  	_ = 	snop;
	(pc) =	sbr.ind lr, $3  }
0x3a: {  	_ = 	snop  }
0x3b: {  	_ = 	snop  }
0x3c: {  	p2 =	seq.s32 s10, $0x1;
	s10 =	sld [smem:$0x3FBA]  }
0x3d: {  	_ =	shalt  }
0x3e: {  	_ =	shalt  }
0x3f: {  	_ =	shalt  }
0x40: {  	_ =	shalt  }
0x41: {  	_ =	shalt  }
0x42: {  	_ =	shalt  }
0x43: {  	_ =	shalt  }
0x44: {  	_ =	shalt  }
0x45: {  	_ =	shalt  }
0x46: {  	_ =	shalt  }
0x47: {  	_ =	shalt  }
0x48: {  	_ =	shalt  }
0x49: {  	_ =	shalt  }
0x4a: {  	_ =	shalt  }
0x4b: {  	_ =	shalt  }
0x4c: {  	_ =	shalt  }
0x4d: {  	_ =	shalt  }
0x4e: {  	_ =	shalt  }
0x4f: {  	_ =	shalt  }
0x50: {  	_ =	shalt  }
0x51: {  	_ =	shalt  }
0x52: {  	_ =	shalt  }
0x53: {  	_ =	shalt  }
0x54: {  	_ =	shalt  }
0x55: {  	_ =	shalt  }
0x56: {  	_ =	shalt  }
0x57: {  	_ =	shalt  }
0x58: {  	_ =	shalt  }
0x59: {  	_ =	shalt  }
0x5a: {  	_ =	shalt  }
0x5b: {  	_ =	shalt  }
0x5c: {  	_ =	shalt  }
0x5d: {  	_ =	shalt  }
0x5e: {  	_ =	shalt  }
0x5f: {  	_ =	shalt  }
0x60: {  	_ =	shalt  }
0x61: {  	_ =	shalt  }
0x62: {  	_ =	shalt  }
0x63: {  	_ =	shalt  }
0x64: {  	_ =	shalt  }
0x65: {  	_ =	shalt  }
0x66: {  	_ =	shalt  }
0x67: {  	_ =	shalt  }
0x68: {  	_ =	shalt  }
0x69: {  	_ =	shalt  }
0x6a: {  	_ =	shalt  }
0x6b: {  	_ =	shalt  }
0x6c: {  	_ =	shalt  }
0x6d: {  	_ =	shalt  }
0x6e: {  	_ =	shalt  }
0x6f: {  	_ =	shalt  }
0x70: {  	_ =	shalt  }
0x71: {  	_ =	shalt  }
0x72: {  	_ =	shalt  }
0x73: {  	_ =	shalt  }
0x74: {  	_ =	shalt  }
0x75: {  	_ =	shalt  }
0x76: {  	_ =	shalt  }
0x77: {  	_ =	shalt  }
0x78: {  	_ =	shalt  }
0x79: {  	_ =	shalt  }
0x7a: {  	_ =	shalt  }
0x7b: {  	_ =	shalt  }
0x7c: {  	_ =	shalt  }
0x7d: {  	_ =	shalt  }
0x7e: {  	_ =	shalt  }
0x7f: {  	_ =	shalt  }
0x80: {  	_ =	shalt  }
0x81: {  	_ =	shalt  }
0x82: {  	_ =	shalt  }
0x83: {  	_ =	shalt  }
0x84: {  	_ =	shalt  }
0x85: {  	_ =	shalt  }
0x86: {  	_ =	shalt  }
0x87: {  	_ =	shalt  }
.Lfunc_end0:
.L_simem_size_0:
called_computation_lowered:
.L_overlay_start_0:
0x88: {  	s2 =	sld [smem:$0x3FD9]  }
0x89: {  	s3 =	sld [smem:$0x3FFE];
	_ =	sdelay $0x1  }
0x8a: {  	s1 =	srdreg.scid  }
0x8b: {  	s0 =	sand.u32 $0x1, s1  }
0x8c: {  	s17 =	sshll.u32 s0, $0xA;
	s2 =	sadd.s32 s3, s2  }
0x8d: {  	s2 =	sadd.s32 s2, s17  }
0x8e: {  	[smem:$0x3FC6] =	sst s2  }
0x8f: {  	_ = 	snop  }
0x90: {  	s2 =	sld [smem:$0x3FD0];
	(tm) =	ssettm $0x1  }
0x91: {  	s18 =	sld [smem:$0x3FFB];
	_ =	sdelay $0x3  }
0x92: {  	_ =	strace s18  }
0x93: {  	s3 =	sld [smem:$0x3FFC];
	_ =	sdelay $0x3  }
0x94: {  	_ =	strace s3  }
0x95: {  	s3 =	sld [smem:$0x3FFD];
	_ =	sdelay $0x3  }
0x96: {  	_ =	strace s3  }
0x97: {  	_ =	strace $0x8FFFFFFF  }
0x98: {  	s19 =	sld [smem:$0x3FDB];
	_ =	sdelay $0x1  }
0x99: {  	s4 =	simm.s32 $_scs_section_size  }
0x9a: {  	s5 =	simm.s32 $_size__tile_overlayer_lowered;
	s6 =	simm.s32 $_tile_overlayer_lowered  }
0x9b: {  	s22 =	simm.s32 $0x1BFF;
	s21 =	sshll.u32 s6, $0x1;
	s3 =	sadd.s32 s4, s19  }
0x9c: {  	s7 =	simm.s32 $0x0;
	s20 =	sshll.u32 s5, $0x1;
	s5 =	sadd.s32 s21, s3  }
0x9d: {  	[timem:s7], [sflag:s22] =	dma.local [hbm:s5], s20  }
0x9e: {  	_ =	swait.ge [sflag:s22], s20  }
0x9f: {  	s4 =	ssub.s32 $0x0, s20;
	[sflag:s22] =	ssyncset.done $0x0  }
0xa0: {  	[sflag:s22] =	ssyncadd.s32 s4;
	_ =	sdelay $0x1  }
0xa1: {  	s23 =	simm.s32 $0x1B8B  }
0xa2: {  	_ =	swait.ge [sflag:s23], $0x1  }
0xa3: {  	[sflag:s23] =	ssyncset.done $0x0  }
0xa4: {  	s25 =	simm.s32 $0x1B8E;
	s24 =	sld [smem:$0x3FFE];
	[sflag:s23] =	ssyncadd.s32 $0xFFFFFFFF  }
0xa5: {  	s26 =	simm.s32 $execute0_lowered;
	[smem:$0x3FD2] =	sst s25  }
0xa6: {  	s5 =	sshll.u32 s26, $0x1;
	_ =	strace $0x80000046;
	[dreg:$0x1] =	wrdreg $0xFFFFFFFF  }
0xa7: {  	s28 =	simm.s32 $_size_execute0_lowered;
	s3 =	sadd.s32 s3, s5;
	[dreg:$0x0] =	wrdreg $0x0  }
0xa8: {  	s5 =	sshll.u32 s28, $0x1;
	[dreg:$0x2] =	wrdreg s3  }
0xa9: {  	[dreg:$0x3] =	wrdreg s5  }
0xaa: {  	[dreg:$0x4] =	wrdreg $0xC0  }
0xab: {  	_ =	task [dreg:s7], $0x5FFFF  }
0xac: {  	[dreg:$0x1] =	wrdreg $0xFFFFFFFF  }
0xad: {  	[dreg:$0x0] =	wrdreg $0x60  }
0xae: {  	[dreg:$0x2] =	wrdreg s24  }
0xaf: {  	[dreg:$0x3] =	wrdreg s2  }
0xb0: {  	[dreg:$0x4] =	wrdreg $0x9  }
0xb1: {  	_ =	task.clear_ibuf [dreg:s7], $0x5FFFF;
	_ =	strace $0x90000046  }
0xb2: {  	s29 =	simm.s32 $0x9;
	_ =	strace $0x80000048  }
0xb3: {  	_ =	swait.ge [sflag:s29], $0x1  }
0xb4: {  	[sflag:s29] =	ssyncadd.s32 $0xFFFFFFFF  }
0xb5: {  	_ =	strace $0x90000048  }
0xb6: {  	_ =	sfence  }
0xb7: {  	s30 =	sld [smem:$0x0];
	_ =	sdelay $0x2  }
0xb8: {  	s31 =	sshll.u32 s1, $0xD;
	s1 =	sshrl.u32 s1, $0x2  }
0xb9: {  	s3 =	sand.u32 $0x4000, s31;
	s1 =	sadd.s32 s1, s30  }
0xba: {  	s0 =	sor.u32 s3, s0;
	s1 =	sshll.u32 s1, $0x11  }
0xbb: {  	s0 =	sor.u32 s1, s0  }
0xbc: {  	s0 =	sadd.s32 $0x8F2B, s0  }
0xbd: {  	[sflag:s0] =	ssyncadd.remote.s32 $0x1  }
0xbe: {  	_ =	sfence.sel $0xFFFF  }
0xbf: {  	[dreg:$0x0] =	wrdreg $0xFFFFFFFF;
	(pc) =	sbr.abs _section_cstart, $3  }
0xc0: {  	[dreg:$0x1] =	wrdreg $0xFFFFFFFF  }
0xc1: {  	_ =	task.clear_ibuf [dreg:s7], $0x2FFFF;
	_ =	strace $0x9FFFFFFF  }
0xc2: {  	(tm) =	ssettm $0x7FFFFFFF  }
0xc3: {  	_ =	shalt  }
tec
execute0_lowered:
.L_overlay_start_1:
0x0: {  	(tag) =	ssettag $0x1  }
0x1: {  	s0 =	srdreg.scid  }
0x2: {  	s2 =	stileid.u32;
	s1 =	rddreg [dreg:$0x0]  }
0x3: {  	s15 =	simm.s32 $0x1;
	s16 =	simm.s32 $0xE400;
	s14 =	simm.s32 $0x2  }
0x4: {  	s17 =	simm.s32 $0x12800;
	s18 =	simm.s32 $0x165A0;
	s12 =	simm.s32 $0x16628  }
0x5: {  	s19 =	simm.s32 $0x166B0;
	s20 =	simm.s32 $0x16738;
	s21 =	simm.s32 $0x167C0  }
0x6: {  	s22 =	simm.s32 $0x16848;
	s23 =	simm.s32 $0x168D0;
	s24 =	simm.s32 $0x3  }
0x7: {  	s25 =	simm.s32 $0x4;
	s0 =	sand.u32 $0x1, s0;
	s3 =	sshll.u32 s2, $0x1  }
0x8: {  	s2 =	rddreg [dreg:$0x1];
	s5 =	sor.u32 s0, s3;
	s3 =	simm.s32 $0x0  }
0x9: {  	v0 =	vlaneseq.u32;
	s0 =	ssub.s32 $0x2, s0;
	s8 =	sadd.s32 $0x2000, s2;
	s4 =	smul.u32 $0xC80, s5  }
.Ltmp0:
0xa: {  	v0 =	vmul.u32 $0x88, v0;
	s9 =	sadd.s32 $0x3000, s2;
	s7 =	sshrl.u32 s0, $0x1;
	(pc) =	sbr.rel .LBB2_1-.Ltmp0, $4  }
0xb: {  	[smem:$0x7FF] =	sst s3;
	s5 =	smul.u32 $0xC8, s5;
	s0 =	ssub.s32 s0, s7  }
0xc: {  	v1 =	vadd.s32 $0x880, v0;
	_ =	strace $0x80000047;
	s6 =	sadd.s32 s4, s1;
	s0 =	smax.u32 s0, $0x1  }
0xd: {  	v2 =	vadd.s32 $0x1100, v0;
	v3 =	vadd.s32 $0x1980, v0;
	v4 =	vadd.s32 $0x2200, v0;
	s7 =	sadd.s32 $0x1000, s2;
	s31 =	sadd.s32 $0x600, s6;
	[dreg:$0x4] =	wrdreg s0  }
0xe: {  	v5 =	vadd.s32 $0x2A80, v0;
	v6 =	vadd.s32 $0x3300, v0;
	v7 =	vadd.s32 $0x3B80, v0;
	s4 =	sadd.s32 $0xF42A00, s1;
	s1 =	simm.s32 $0x0;
	[dreg:$0x3] =	wrdreg s31  }
.LBB2_31:
0xf: {  	_ =	swait.ge [sflag:s24], $0x400  }
0x10: {  	[sflag:s24] =	ssyncset.done $0x0  }
0x11: {  	[sflag:s24] =	ssyncadd.s32 $0xFFFFFC00  }
0x12: {  	_ =	swait.ge [sflag:s24], $0x400  }
0x13: {  	[sflag:s24] =	ssyncset.done $0x0  }
0x14: {  	[sflag:s24] =	ssyncadd.s32 $0xFFFFFC00  }
0x15: {  	_ =	swait.ge [sflag:s24], $0x400  }
0x16: {  	[sflag:s24] =	ssyncset.done $0x0  }
0x17: {  	[sflag:s24] =	ssyncadd.s32 $0xFFFFFC00  }
0x18: {  	_ =	swait.ge [sflag:s24], $0x400  }
0x19: {  	[sflag:s24] =	ssyncset.done $0x0  }
0x1a: {  	[sflag:s24] =	ssyncadd.s32 $0xFFFFFC00  }
0x1b: {  	_ =	swait.ge [sflag:s24], $0x400  }
0x1c: {  	[sflag:s24] =	ssyncset.done $0x0  }
0x1d: {  	[sflag:s24] =	ssyncadd.s32 $0xFFFFFC00  }
0x1e: {  	_ =	swait.ge [sflag:s24], $0x400  }
0x1f: {  	[sflag:s24] =	ssyncset.done $0x0  }
0x20: {  	[sflag:s24] =	ssyncadd.s32 $0xFFFFFC00  }
0x21: {  	_ =	swait.ge [sflag:s24], $0x400  }
0x22: {  	[sflag:s24] =	ssyncset.done $0x0  }
0x23: {  	[sflag:s24] =	ssyncadd.s32 $0xFFFFFC00  }
0x24: {  	_ =	swait.ge [sflag:s24], $0x400  }
0x25: {  	[sflag:s24] =	ssyncset.done $0x0  }
0x26: {  	[sflag:s24] =	ssyncadd.s32 $0xFFFFFC00  }
0x27: {  	_ =	swait.ge [sflag:s24], $0x400  }
0x28: {  	[sflag:s24] =	ssyncset.done $0x0  }
0x29: {  	[sflag:s24] =	ssyncadd.s32 $0xFFFFFC00  }
0x2a: {  	_ =	swait.ge [sflag:s24], $0x400  }
0x2b: {  	[sflag:s24] =	ssyncset.done $0x0  }
0x2c: {  	[sflag:s24] =	ssyncadd.s32 $0xFFFFFC00  }
0x2d: {  	_ =	swait.ge [sflag:s24], $0x400  }
0x2e: {  	[sflag:s24] =	ssyncset.done $0x0  }
0x2f: {  	[sflag:s24] =	ssyncadd.s32 $0xFFFFFC00  }
0x30: {  	_ =	swait.ge [sflag:s24], $0x400  }
0x31: {  	[sflag:s24] =	ssyncset.done $0x0  }
0x32: {  	[sflag:s24] =	ssyncadd.s32 $0xFFFFFC00  }
0x33: {  	_ =	swait.ge [sflag:s24], $0x400  }
0x34: {  	[sflag:s24] =	ssyncset.done $0x0  }
0x35: {  	[sflag:s24] =	ssyncadd.s32 $0xFFFFFC00  }
0x36: {  	_ =	swait.ge [sflag:s24], $0x400  }
0x37: {  	[sflag:s24] =	ssyncset.done $0x0  }
0x38: {  	[sflag:s24] =	ssyncadd.s32 $0xFFFFFC00  }
0x39: {  	_ =	swait.ge [sflag:s24], $0x400  }
0x3a: {  	[sflag:s24] =	ssyncset.done $0x0  }
0x3b: {  	[sflag:s24] =	ssyncadd.s32 $0xFFFFFC00  }
0x3c: {  	_ =	swait.ge [sflag:s24], $0x400  }
0x3d: {  	[sflag:s24] =	ssyncset.done $0x0  }
0x3e: {  	[sflag:s24] =	ssyncadd.s32 $0xFFFFFC00  }
0x3f: {  	_ =	swait.ge [sflag:s25], $0x400  }
0x40: {  	[sflag:s25] =	ssyncset.done $0x0  }
0x41: {  	[sflag:s25] =	ssyncadd.s32 $0xFFFFFC00  }
0x42: {  	_ =	swait.ge [sflag:s25], $0x400  }
0x43: {  	[sflag:s25] =	ssyncset.done $0x0  }
0x44: {  	[sflag:s25] =	ssyncadd.s32 $0xFFFFFC00  }
0x45: {  	_ =	swait.ge [sflag:s25], $0x400  }
0x46: {  	[sflag:s25] =	ssyncset.done $0x0  }
0x47: {  	[sflag:s25] =	ssyncadd.s32 $0xFFFFFC00  }
0x48: {  	_ =	swait.ge [sflag:s25], $0x400  }
0x49: {  	[sflag:s25] =	ssyncset.done $0x0  }
0x4a: {  	[sflag:s25] =	ssyncadd.s32 $0xFFFFFC00  }
0x4b: {  	_ =	swait.ge [sflag:s25], $0x400  }
0x4c: {  	[sflag:s25] =	ssyncset.done $0x0  }
0x4d: {  	[sflag:s25] =	ssyncadd.s32 $0xFFFFFC00  }
0x4e: {  	_ =	swait.ge [sflag:s25], $0x400  }
0x4f: {  	[sflag:s25] =	ssyncset.done $0x0  }
0x50: {  	[sflag:s25] =	ssyncadd.s32 $0xFFFFFC00  }
0x51: {  	_ =	swait.ge [sflag:s25], $0x400  }
0x52: {  	[sflag:s25] =	ssyncset.done $0x0  }
0x53: {  	[sflag:s25] =	ssyncadd.s32 $0xFFFFFC00  }
0x54: {  	_ =	swait.ge [sflag:s25], $0x400  }
0x55: {  	[sflag:s25] =	ssyncset.done $0x0  }
0x56: {  	[sflag:s25] =	ssyncadd.s32 $0xFFFFFC00  }
0x57: {  	_ =	swait.ge [sflag:s25], $0x400  }
0x58: {  	[sflag:s25] =	ssyncset.done $0x0  }
0x59: {  	[sflag:s25] =	ssyncadd.s32 $0xFFFFFC00  }
0x5a: {  	_ =	swait.ge [sflag:s25], $0x400  }
0x5b: {  	[sflag:s25] =	ssyncset.done $0x0  }
0x5c: {  	[sflag:s25] =	ssyncadd.s32 $0xFFFFFC00  }
0x5d: {  	_ =	swait.ge [sflag:s25], $0x400  }
0x5e: {  	[sflag:s25] =	ssyncset.done $0x0  }
0x5f: {  	[sflag:s25] =	ssyncadd.s32 $0xFFFFFC00  }
0x60: {  	_ =	swait.ge [sflag:s25], $0x400  }
0x61: {  	[sflag:s25] =	ssyncset.done $0x0  }
0x62: {  	[sflag:s25] =	ssyncadd.s32 $0xFFFFFC00  }
0x63: {  	_ =	swait.ge [sflag:s25], $0x400  }
0x64: {  	[sflag:s25] =	ssyncset.done $0x0  }
0x65: {  	[sflag:s25] =	ssyncadd.s32 $0xFFFFFC00  }
0x66: {  	_ =	swait.ge [sflag:s25], $0x400  }
0x67: {  	[sflag:s25] =	ssyncset.done $0x0  }
0x68: {  	[sflag:s25] =	ssyncadd.s32 $0xFFFFFC00  }
0x69: {  	_ =	swait.ge [sflag:s25], $0x400  }
0x6a: {  	[sflag:s25] =	ssyncset.done $0x0  }
0x6b: {  	[sflag:s25] =	ssyncadd.s32 $0xFFFFFC00  }
0x6c: {  	_ =	swait.ge [sflag:s25], $0x400  }
0x6d: {  	s1 =	rddreg [dreg:$0x5]  }
0x6e: {  	s0 =	rddreg [dreg:$0x4];
	s1 =	sadd.s32 $0x1, s1  }
0x6f: {  	p0 =	sne.s32 s1, s0  }
.Ltmp1:
0x70: {  	_ = 	snop;
	(pc) =	sbr.rel @!p0 .LBB2_32-.Ltmp1, $3  }
0x71: {  	_ =	sdelay $0x1  }
0x72: {  	[sflag:s25] =	ssyncset.done $0x0  }
0x73: {  	[sflag:s25] =	ssyncadd.s32 $0xFFFFFC00  }
.LBB2_1:
0x74: {  	[dreg:$0x5] =	wrdreg s1  }
0x75: {  	s0 =	rddreg [dreg:$0x3];
	s29 =	simm.s32 $0x5  }
0x76: {  	[tilespmem:s3], [sflag:$0x5] =	stream.linear.gather [hbm4b:s0+s3], $0x6400, $0x38;
	[tilespmem:$0x16C00] =	vst v63  }
0x77: {  	_ =	swait.ge [sflag:s29], $0x6400  }
0x78: {  	s30 =	simm.s32 $0x200;
	[sflag:s29] =	ssyncset.done $0x0  }
0x79: {  	s31 =	simm.s32 $0x6400;
	s26 =	simm.s32 $0x0;
	[sflag:s29] =	ssyncadd.s32 $0xFFFF9C00  }
0x7a: {  	[tilespmem:s31], [sflag:$0x1] =	stream.indirect.gather [hbm4b:s4+s30], $0x20, s3, s30, $0xb8;
	[tilespmem:$0x16C00] =	vst v63  }
.LBB2_2:
0x7b: {  	s0 =	sshll.u32 s26, $0xA  }
0x7c: {  	s28 =	sand.u32 $0x3FFFFC00, s0  }
0x7d: {  	s1 =	simm.s32 $0x200;
	s6 =	simm.s32 $0xA400;
	s0 =	sor.u32 $0x200, s28  }
0x7e: {  	[tilespmem:s6], [sflag:$0x2] =	stream.indirect.gather [hbm4b:s4+s1], $0x20, s0, s1, $0xb8;
	[tilespmem:$0x16C00] =	vst v63  }
0x7f: {  	_ =	swait.ge [sflag:s15], $0x4000  }
0x80: {  	p0 =	seq.s32 s26, $0x0;
	[sflag:s15] =	ssyncset.done $0x0  }
0x81: {  	s0 =	simm.s32 @!p0 $0x3;
	[sflag:s15] =	ssyncadd.s32 $0xFFFFC000  }
0x82: {  	_ =	swait.ge @!p0 [sflag:s0], $0x400  }
0x83: {  	[sflag:s0] =	ssyncset.done @!p0 $0x0  }
0x84: {  	[sflag:s0] =	ssyncadd.s32 @!p0 $0xFFFFFC00  }
0x85: {  	_ =	swait.ge @!p0 [sflag:s0], $0x400  }
0x86: {  	[sflag:s0] =	ssyncset.done @!p0 $0x0  }
0x87: {  	[sflag:s0] =	ssyncadd.s32 @!p0 $0xFFFFFC00  }
0x88: {  	_ =	swait.ge @!p0 [sflag:s0], $0x400  }
0x89: {  	[sflag:s0] =	ssyncset.done @!p0 $0x0  }
0x8a: {  	[sflag:s0] =	ssyncadd.s32 @!p0 $0xFFFFFC00  }
0x8b: {  	_ =	swait.ge @!p0 [sflag:s0], $0x400  }
0x8c: {  	[sflag:s0] =	ssyncset.done @!p0 $0x0  }
0x8d: {  	[sflag:s0] =	ssyncadd.s32 @!p0 $0xFFFFFC00  }
0x8e: {  	_ =	swait.ge @!p0 [sflag:s0], $0x400  }
0x8f: {  	[sflag:s0] =	ssyncset.done @!p0 $0x0  }
0x90: {  	[sflag:s0] =	ssyncadd.s32 @!p0 $0xFFFFFC00  }
0x91: {  	_ =	swait.ge @!p0 [sflag:s0], $0x400  }
0x92: {  	[sflag:s0] =	ssyncset.done @!p0 $0x0  }
0x93: {  	[sflag:s0] =	ssyncadd.s32 @!p0 $0xFFFFFC00  }
0x94: {  	_ =	swait.ge @!p0 [sflag:s0], $0x400  }
0x95: {  	[sflag:s0] =	ssyncset.done @!p0 $0x0  }
0x96: {  	[sflag:s0] =	ssyncadd.s32 @!p0 $0xFFFFFC00  }
0x97: {  	_ =	swait.ge @!p0 [sflag:s0], $0x400  }
0x98: {  	[sflag:s0] =	ssyncset.done @!p0 $0x0  }
0x99: {  	[sflag:s0] =	ssyncadd.s32 @!p0 $0xFFFFFC00  }
0x9a: {  	_ =	swait.ge @!p0 [sflag:s0], $0x400  }
0x9b: {  	[sflag:s0] =	ssyncset.done @!p0 $0x0  }
0x9c: {  	[sflag:s0] =	ssyncadd.s32 @!p0 $0xFFFFFC00  }
0x9d: {  	_ =	swait.ge @!p0 [sflag:s0], $0x400  }
0x9e: {  	[sflag:s0] =	ssyncset.done @!p0 $0x0  }
0x9f: {  	[sflag:s0] =	ssyncadd.s32 @!p0 $0xFFFFFC00  }
0xa0: {  	_ =	swait.ge @!p0 [sflag:s0], $0x400  }
0xa1: {  	[sflag:s0] =	ssyncset.done @!p0 $0x0  }
0xa2: {  	[sflag:s0] =	ssyncadd.s32 @!p0 $0xFFFFFC00  }
0xa3: {  	_ =	swait.ge @!p0 [sflag:s0], $0x400  }
0xa4: {  	[sflag:s0] =	ssyncset.done @!p0 $0x0  }
0xa5: {  	[sflag:s0] =	ssyncadd.s32 @!p0 $0xFFFFFC00  }
0xa6: {  	_ =	swait.ge @!p0 [sflag:s0], $0x400  }
0xa7: {  	[sflag:s0] =	ssyncset.done @!p0 $0x0  }
0xa8: {  	[sflag:s0] =	ssyncadd.s32 @!p0 $0xFFFFFC00  }
0xa9: {  	_ =	swait.ge @!p0 [sflag:s0], $0x400  }
0xaa: {  	[sflag:s0] =	ssyncset.done @!p0 $0x0  }
0xab: {  	[sflag:s0] =	ssyncadd.s32 @!p0 $0xFFFFFC00  }
0xac: {  	_ =	swait.ge @!p0 [sflag:s0], $0x400  }
0xad: {  	[sflag:s0] =	ssyncset.done @!p0 $0x0  }
0xae: {  	[sflag:s0] =	ssyncadd.s32 @!p0 $0xFFFFFC00  }
0xaf: {  	s10 =	simm.s32 $0x0;
	_ =	swait.ge @!p0 [sflag:s0], $0x400  }
0xb0: {  	v8 =	vmov s10;
	[sflag:s0] =	ssyncset.done @!p0 $0x0  }
0xb1: {  	v8 =	vand.u32 $0x7C, v8;
	s1 =	simm.s32 $0x6440;
	[sflag:s0] =	ssyncadd.s32 @!p0 $0xFFFFFC00  }
0xb2: {  	v10 =	vadd.s32 v0, v8;
	v9 =	vld [tilespmem:s1+$0xFFFFFFC0]  }
0xb3: {  	v12 =	vadd.s32 v1, v8;
	v11 =	vld [tilespmem:s1+$0xFFFFFFD0];
	_ =	sdelay $0x2  }
0xb4: {  	s11 =	simm.s32 $0x1  }
0xb5: {  	[tilespmem:v10+s16+$0x0] =	vst.idx.msk $0xffff, v9;
	v9 =	vmov s11  }
0xb6: {  	[tilespmem:v12+s16+$0x0] =	vst.idx.msk $0xffff, v11;
	v9 =	vand.u32 $0x7D, v9  }
0xb7: {  	v10 =	vld [tilespmem:s1+$0xFFFFFFE0];
	v11 =	vadd.s32 v0, v9  }
0xb8: {  	v12 =	vld [tilespmem:s1+$0xFFFFFFF0];
	v13 =	vadd.s32 v1, v9;
	_ =	sdelay $0x2  }
0xb9: {  	s13 =	simm.s32 $0x2  }
0xba: {  	[tilespmem:v11+s16+$0x0] =	vst.idx.msk $0xffff, v10;
	v10 =	vmov s13  }
0xbb: {  	[tilespmem:v13+s16+$0x0] =	vst.idx.msk $0xffff, v12;
	v10 =	vand.u32 $0x7E, v10  }
0xbc: {  	v11 =	vld [tilespmem:s1+$0x0];
	v12 =	vadd.s32 v0, v10  }
0xbd: {  	v13 =	vld [tilespmem:s1+$0x10];
	v14 =	vadd.s32 v1, v10;
	_ =	sdelay $0x2  }
0xbe: {  	s31 =	simm.s32 $0x3  }
0xbf: {  	[tilespmem:v12+s16+$0x0] =	vst.idx.msk $0xffff, v11;
	v11 =	vmov s31  }
0xc0: {  	[tilespmem:v14+s16+$0x0] =	vst.idx.msk $0xffff, v13;
	v11 =	vand.u32 $0x7F, v11  }
0xc1: {  	v15 =	vld [tilespmem:s1+$0x20];
	v16 =	vadd.s32 v0, v11;
	_ =	sdelay $0x1  }
0xc2: {  	v12 =	vld [tilespmem:s1+$0x30];
	v13 =	vadd.s32 v1, v11;
	_ =	sdelay $0x1  }
0xc3: {  	s30 =	simm.s32 $0x4  }
0xc4: {  	s29 =	sshll.u32 s26, $0x1;
	s6 =	simm.s32 $0x8;
	s0 =	simm.s32 $0x4;
	v14 =	vmov s30;
	[tilespmem:v16+s16+$0x0] =	vst.idx.msk $0xffff, v15  }
.LBB2_3:
0xc5: {  	p1 =	slt.u32 s6, $0x7C  }
0xc6: {  	v14 =	vand.u32 $0x7C, v14;
	[tilespmem:v13+s16+$0x0] =	vst.idx.msk $0xffff, v12;
	s1 =	sadd.s32 $0x80, s1;
	s13 =	smov.u32 s6;
	s6 =	sadd.s32 $0x4, s6  }
0xc7: {  	v12 =	vld [tilespmem:s1+$0xFFFFFFC0];
	v13 =	vadd.s32 v0, v14  }
0xc8: {  	v14 =	vadd.s32 v1, v14;
	v15 =	vld [tilespmem:s1+$0xFFFFFFD0];
	_ =	sdelay $0x2  }
0xc9: {  	s31 =	sadd.s32 $0x1, s0  }
0xca: {  	[tilespmem:v13+s16+$0x0] =	vst.idx.msk $0xffff, v12;
	v12 =	vmov s31  }
0xcb: {  	[tilespmem:v14+s16+$0x0] =	vst.idx.msk $0xffff, v15;
	v12 =	vand.u32 $0x7D, v12  }
0xcc: {  	v13 =	vld [tilespmem:s1+$0xFFFFFFE0];
	v14 =	vadd.s32 v0, v12  }
0xcd: {  	v12 =	vadd.s32 v1, v12;
	v15 =	vld [tilespmem:s1+$0xFFFFFFF0];
	_ =	sdelay $0x2  }
0xce: {  	s31 =	sadd.s32 $0x2, s0  }
0xcf: {  	[tilespmem:v14+s16+$0x0] =	vst.idx.msk $0xffff, v13;
	v13 =	vmov s31  }
0xd0: {  	[tilespmem:v12+s16+$0x0] =	vst.idx.msk $0xffff, v15;
	v12 =	vand.u32 $0x7E, v13  }
0xd1: {  	v13 =	vld [tilespmem:s1+$0x0];
	v14 =	vadd.s32 v0, v12  }
0xd2: {  	v12 =	vadd.s32 v1, v12;
	v15 =	vld [tilespmem:s1+$0x10];
	_ =	sdelay $0x2  }
0xd3: {  	s31 =	sadd.s32 $0x3, s0;
	s0 =	smov.u32 s13  }
0xd4: {  	[tilespmem:v14+s16+$0x0] =	vst.idx.msk $0xffff, v13;
	v13 =	vmov s31  }
0xd5: {  	[tilespmem:v12+s16+$0x0] =	vst.idx.msk $0xffff, v15;
	v13 =	vand.u32 $0x7F, v13  }
0xd6: {  	v15 =	vld [tilespmem:s1+$0x20];
	v16 =	vadd.s32 v0, v13  }
.Ltmp2:
0xd7: {  	v13 =	vadd.s32 v1, v13;
	v12 =	vld [tilespmem:s1+$0x30];
	(pc) =	sbr.rel @p1 .LBB2_3-.Ltmp2, $2  }
0xd8: {  	_ =	sdelay $0x2  }
0xd9: {  	v14 =	vmov s0;
	[tilespmem:v16+s16+$0x0] =	vst.idx.msk $0xffff, v15  }
0xda: {  	_ =	sdelay $0x3  }
0xdb: {  	v14 =	vand.u32 $0x7C, v14;
	[tilespmem:v13+s16+$0x0] =	vst.idx.msk $0xffff, v12;
	s1 =	sadd.s32 $0x80, s1  }
0xdc: {  	v12 =	vld [tilespmem:s1+$0xFFFFFFC0];
	v50 =	vadd.s32 v0, v14  }
0xdd: {  	v15 =	vld [tilespmem:s1+$0xFFFFFFD0];
	v14 =	vadd.s32 v1, v14;
	_ =	sdelay $0x2  }
0xde: {  	s6 =	sadd.s32 $0x1, s0  }
0xdf: {  	v51 =	vmov s6;
	[tilespmem:v50+s16+$0x0] =	vst.idx.msk $0xffff, v12  }
0xe0: {  	v12 =	vand.u32 $0x7D, v51;
	[tilespmem:v14+s16+$0x0] =	vst.idx.msk $0xffff, v15  }
0xe1: {  	v52 =	vadd.s32 v0, v12;
	v13 =	vld [tilespmem:s1+$0xFFFFFFE0]  }
0xe2: {  	v12 =	vadd.s32 v1, v12;
	v15 =	vld [tilespmem:s1+$0xFFFFFFF0];
	_ =	sdelay $0x2  }
0xe3: {  	s13 =	sadd.s32 $0x2, s0  }
0xe4: {  	v53 =	vmov s13;
	[tilespmem:v52+s16+$0x0] =	vst.idx.msk $0xffff, v13  }
0xe5: {  	v54 =	vand.u32 $0x7E, v53;
	[tilespmem:v12+s16+$0x0] =	vst.idx.msk $0xffff, v15  }
0xe6: {  	v56 =	vadd.s32 v0, v54;
	v55 =	vld [tilespmem:s1+$0x0]  }
0xe7: {  	v12 =	vadd.s32 v1, v54;
	v15 =	vld [tilespmem:s1+$0x10];
	_ =	sdelay $0x2  }
0xe8: {  	s31 =	sadd.s32 $0x3, s0  }
0xe9: {  	v57 =	vmov s31;
	[tilespmem:v56+s16+$0x0] =	vst.idx.msk $0xffff, v55  }
0xea: {  	v58 =	vand.u32 $0x7F, v57;
	[tilespmem:v12+s16+$0x0] =	vst.idx.msk $0xffff, v15  }
0xeb: {  	v60 =	vadd.s32 v0, v58;
	v59 =	vld [tilespmem:s1+$0x20]  }
0xec: {  	v12 =	vadd.s32 v1, v58;
	v15 =	vld [tilespmem:s1+$0x30];
	_ =	sdelay $0x3  }
0xed: {  	[tilespmem:v60+s16+$0x0] =	vst.idx.msk $0xffff, v59  }
0xee: {  	s0 =	simm.s32 $0x7470;
	[tilespmem:v12+s16+$0x0] =	vst.idx.msk $0xffff, v15  }
0xef: {  	v61 =	vadd.s32 v2, v8;
	v12 =	vld [tilespmem:s0+$0xFFFFFF90]  }
0xf0: {  	v8 =	vadd.s32 v3, v8;
	v14 =	vld [tilespmem:s0+$0xFFFFFFA0];
	_ =	sdelay $0x3  }
0xf1: {  	[tilespmem:v61+s16+$0x0] =	vst.idx.msk $0xffff, v12  }
0xf2: {  	[tilespmem:v8+s16+$0x0] =	vst.idx.msk $0xffff, v14  }
0xf3: {  	v62 =	vadd.s32 v2, v9;
	v8 =	vld [tilespmem:s0+$0xFFFFFFB0]  }
0xf4: {  	v9 =	vadd.s32 v3, v9;
	v13 =	vld [tilespmem:s0+$0xFFFFFFC0];
	_ =	sdelay $0x3  }
0xf5: {  	[tilespmem:v62+s16+$0x0] =	vst.idx.msk $0xffff, v8  }
0xf6: {  	[tilespmem:v9+s16+$0x0] =	vst.idx.msk $0xffff, v13  }
0xf7: {  	v9 =	vadd.s32 v2, v10;
	v8 =	vld [tilespmem:s0+$0xFFFFFFD0]  }
0xf8: {  	v10 =	vadd.s32 v3, v10;
	v12 =	vld [tilespmem:s0+$0xFFFFFFE0];
	_ =	sdelay $0x3  }
0xf9: {  	[tilespmem:v9+s16+$0x0] =	vst.idx.msk $0xffff, v8  }
0xfa: {  	[tilespmem:v10+s16+$0x0] =	vst.idx.msk $0xffff, v12  }
0xfb: {  	v63 =	vadd.s32 v2, v11;
	v12 =	vld [tilespmem:s0+$0xFFFFFFF0];
	_ =	sdelay $0x1  }
0xfc: {  	v9 =	vadd.s32 v3, v11;
	v8 =	vld [tilespmem:s0+$0x0];
	_ =	sdelay $0x2  }
0xfd: {  	s1 =	simm.s32 $0x8;
	v10 =	vmov s30;
	[tilespmem:v63+s16+$0x0] =	vst.idx.msk $0xffff, v12  }
.LBB2_5:
0xfe: {  	p1 =	slt.u32 s1, $0x7C  }
0xff: {  	v10 =	vand.u32 $0x7C, v10;
	[tilespmem:v9+s16+$0x0] =	vst.idx.msk $0xffff, v8;
	s0 =	sadd.s32 $0x80, s0;
	s6 =	smov.u32 s1;
	s1 =	sadd.s32 $0x4, s1  }
0x100: {  	v8 =	vld [tilespmem:s0+$0xFFFFFF90];
	v9 =	vadd.s32 v2, v10  }
0x101: {  	v10 =	vadd.s32 v3, v10;
	v11 =	vld [tilespmem:s0+$0xFFFFFFA0];
	_ =	sdelay $0x2  }
0x102: {  	s13 =	sadd.s32 $0x1, s30  }
0x103: {  	[tilespmem:v9+s16+$0x0] =	vst.idx.msk $0xffff, v8;
	v8 =	vmov s13  }
0x104: {  	[tilespmem:v10+s16+$0x0] =	vst.idx.msk $0xffff, v11;
	v8 =	vand.u32 $0x7D, v8  }
0x105: {  	v9 =	vld [tilespmem:s0+$0xFFFFFFB0];
	v10 =	vadd.s32 v2, v8  }
0x106: {  	v8 =	vadd.s32 v3, v8;
	v11 =	vld [tilespmem:s0+$0xFFFFFFC0];
	_ =	sdelay $0x2  }
0x107: {  	s13 =	sadd.s32 $0x2, s30  }
0x108: {  	[tilespmem:v10+s16+$0x0] =	vst.idx.msk $0xffff, v9;
	v9 =	vmov s13  }
0x109: {  	[tilespmem:v8+s16+$0x0] =	vst.idx.msk $0xffff, v11;
	v8 =	vand.u32 $0x7E, v9  }
0x10a: {  	v9 =	vld [tilespmem:s0+$0xFFFFFFD0];
	v10 =	vadd.s32 v2, v8  }
0x10b: {  	v8 =	vadd.s32 v3, v8;
	v11 =	vld [tilespmem:s0+$0xFFFFFFE0];
	_ =	sdelay $0x2  }
0x10c: {  	s13 =	sadd.s32 $0x3, s30;
	s30 =	smov.u32 s6  }
0x10d: {  	[tilespmem:v10+s16+$0x0] =	vst.idx.msk $0xffff, v9;
	v9 =	vmov s13  }
0x10e: {  	[tilespmem:v8+s16+$0x0] =	vst.idx.msk $0xffff, v11;
	v9 =	vand.u32 $0x7F, v9  }
0x10f: {  	v11 =	vld [tilespmem:s0+$0xFFFFFFF0];
	v12 =	vadd.s32 v2, v9  }
.Ltmp3:
0x110: {  	v9 =	vadd.s32 v3, v9;
	v8 =	vld [tilespmem:s0+$0x0];
	(pc) =	sbr.rel @p1 .LBB2_5-.Ltmp3, $2  }
0x111: {  	_ =	sdelay $0x2  }
0x112: {  	v10 =	vmov s30;
	[tilespmem:v12+s16+$0x0] =	vst.idx.msk $0xffff, v11  }
0x113: {  	_ =	sdelay $0x3  }
0x114: {  	v10 =	vand.u32 $0x7C, v10;
	[tilespmem:v9+s16+$0x0] =	vst.idx.msk $0xffff, v8;
	s0 =	sadd.s32 $0x80, s0  }
0x115: {  	v8 =	vld [tilespmem:s0+$0xFFFFFF90];
	v9 =	vadd.s32 v2, v10  }
0x116: {  	v11 =	vld [tilespmem:s0+$0xFFFFFFA0];
	v10 =	vadd.s32 v3, v10;
	_ =	sdelay $0x2  }
0x117: {  	s1 =	sadd.s32 $0x1, s30  }
0x118: {  	[tilespmem:v9+s16+$0x0] =	vst.idx.msk $0xffff, v8;
	v8 =	vmov s1  }
0x119: {  	[tilespmem:v10+s16+$0x0] =	vst.idx.msk $0xffff, v11;
	v8 =	vand.u32 $0x7D, v8  }
0x11a: {  	v9 =	vld [tilespmem:s0+$0xFFFFFFB0];
	v10 =	vadd.s32 v2, v8  }
0x11b: {  	v11 =	vld [tilespmem:s0+$0xFFFFFFC0];
	v8 =	vadd.s32 v3, v8;
	_ =	sdelay $0x2  }
0x11c: {  	s11 =	sadd.s32 $0x2, s30  }
0x11d: {  	[tilespmem:v10+s16+$0x0] =	vst.idx.msk $0xffff, v9;
	v9 =	vmov s11  }
0x11e: {  	[tilespmem:v8+s16+$0x0] =	vst.idx.msk $0xffff, v11;
	v8 =	vand.u32 $0x7E, v9  }
0x11f: {  	v9 =	vld [tilespmem:s0+$0xFFFFFFD0];
	v10 =	vadd.s32 v2, v8  }
0x120: {  	v11 =	vld [tilespmem:s0+$0xFFFFFFE0];
	v8 =	vadd.s32 v3, v8;
	_ =	sdelay $0x2  }
0x121: {  	s13 =	sadd.s32 $0x3, s30  }
0x122: {  	[tilespmem:v10+s16+$0x0] =	vst.idx.msk $0xffff, v9;
	v9 =	vmov s13  }
0x123: {  	[tilespmem:v8+s16+$0x0] =	vst.idx.msk $0xffff, v11;
	v8 =	vand.u32 $0x7F, v9  }
0x124: {  	v9 =	vld [tilespmem:s0+$0xFFFFFFF0];
	v10 =	vadd.s32 v2, v8  }
0x125: {  	p2 =	por $0x1, $0x1;
	v11 =	vld [tilespmem:s0+$0x0];
	v12 =	vadd.s32 v3, v8  }
.Ltmp4:
0x126: {  	_ = 	snop;
	(pc) =	sbr.rel @!p2 .LBB2_10-.Ltmp4, $4  }
0x127: {  	_ = 	snop  }
0x128: {  	s31 =	simm.s32 $0x0  }
0x129: {  	s30 =	simm.s32 $0x4;
	p1 =	por $0x0, $0x0;
	p3 =	por $0x0, $0x0;
	v8 =	vmov s31;
	[tilespmem:v10+s16+$0x0] =	vst.idx.msk $0xffff, v9  }
0x12a: {  	s1 =	simm.s32 $0x8470;
	s13 =	simm.s32 $0x8470;
	s0 =	simm.s32 $0x0;
	[tilespmem:v12+s16+$0x0] =	vst.idx.msk $0xffff, v11;
	v11 =	vmov v8  }
0x12b: {  	v9 =	vand.u32 $0x7C, v8  }
0x12c: {  	v10 =	vld [tilespmem:s1+$0xFFFFFF90];
	v11 =	vadd.s32 v4, v9  }
0x12d: {  	v12 =	vld [tilespmem:s1+$0xFFFFFFA0];
	v9 =	vadd.s32 v5, v9;
	_ =	sdelay $0x2  }
0x12e: {  	s0 =	simm.s32 $0x1  }
0x12f: {  	[tilespmem:v11+s16+$0x0] =	vst.idx.msk $0xffff, v10;
	v10 =	vmov s0  }
0x130: {  	[tilespmem:v9+s16+$0x0] =	vst.idx.msk $0xffff, v12;
	v9 =	vand.u32 $0x7D, v10  }
0x131: {  	v10 =	vld [tilespmem:s1+$0xFFFFFFB0];
	v11 =	vadd.s32 v4, v9  }
0x132: {  	v12 =	vld [tilespmem:s1+$0xFFFFFFC0];
	v9 =	vadd.s32 v5, v9;
	_ =	sdelay $0x2  }
0x133: {  	s11 =	simm.s32 $0x2  }
0x134: {  	[tilespmem:v11+s16+$0x0] =	vst.idx.msk $0xffff, v10;
	v10 =	vmov s11  }
0x135: {  	[tilespmem:v9+s16+$0x0] =	vst.idx.msk $0xffff, v12;
	v9 =	vand.u32 $0x7E, v10  }
0x136: {  	v10 =	vld [tilespmem:s1+$0xFFFFFFD0];
	v11 =	vadd.s32 v4, v9  }
0x137: {  	v12 =	vld [tilespmem:s1+$0xFFFFFFE0];
	v9 =	vadd.s32 v5, v9;
	_ =	sdelay $0x2  }
0x138: {  	s13 =	simm.s32 $0x3  }
0x139: {  	[tilespmem:v11+s16+$0x0] =	vst.idx.msk $0xffff, v10;
	v10 =	vmov s13  }
0x13a: {  	[tilespmem:v9+s16+$0x0] =	vst.idx.msk $0xffff, v12;
	v10 =	vand.u32 $0x7F, v10  }
0x13b: {  	p4 =	por $0x1, $0x1;
	v12 =	vld [tilespmem:s1+$0xFFFFFFF0];
	v13 =	vadd.s32 v4, v10  }
.Ltmp5:
0x13c: {  	_ = 	snop;
	(pc) =	sbr.rel @!p4 .LBB2_8-.Ltmp5, $3  }
0x13d: {  	v9 =	vld [tilespmem:s1+$0x0];
	v10 =	vadd.s32 v5, v10;
	_ =	sdelay $0x1  }
0x13e: {  	s6 =	simm.s32 $0x8  }
0x13f: {  	p3 =	por $0x1, $0x1;
	s0 =	simm.s32 $0x4;
	v11 =	vmov s30;
	s13 =	simm.s32 $0x8470;
	[tilespmem:v13+s16+$0x0] =	vst.idx.msk $0xffff, v12  }
.LBB2_9:
0x140: {  	p4 =	slt.u32 s6, $0x7C  }
0x141: {  	v11 =	vand.u32 $0x7C, v11;
	[tilespmem:v10+s16+$0x0] =	vst.idx.msk $0xffff, v9;
	s13 =	sadd.s32 $0x80, s13;
	s10 =	smov.u32 s6;
	s6 =	sadd.s32 $0x4, s6  }
0x142: {  	v9 =	vld [tilespmem:s13+$0xFFFFFF90];
	v10 =	vadd.s32 v4, v11  }
0x143: {  	v11 =	vadd.s32 v5, v11;
	v12 =	vld [tilespmem:s13+$0xFFFFFFA0];
	_ =	sdelay $0x2  }
0x144: {  	s11 =	sadd.s32 $0x1, s0  }
0x145: {  	[tilespmem:v10+s16+$0x0] =	vst.idx.msk $0xffff, v9;
	v9 =	vmov s11  }
0x146: {  	[tilespmem:v11+s16+$0x0] =	vst.idx.msk $0xffff, v12;
	v9 =	vand.u32 $0x7D, v9  }
0x147: {  	v10 =	vld [tilespmem:s13+$0xFFFFFFB0];
	v11 =	vadd.s32 v4, v9  }
0x148: {  	v9 =	vadd.s32 v5, v9;
	v12 =	vld [tilespmem:s13+$0xFFFFFFC0];
	_ =	sdelay $0x2  }
0x149: {  	s11 =	sadd.s32 $0x2, s0  }
0x14a: {  	[tilespmem:v11+s16+$0x0] =	vst.idx.msk $0xffff, v10;
	v10 =	vmov s11  }
0x14b: {  	[tilespmem:v9+s16+$0x0] =	vst.idx.msk $0xffff, v12;
	v9 =	vand.u32 $0x7E, v10  }
0x14c: {  	v10 =	vld [tilespmem:s13+$0xFFFFFFD0];
	v11 =	vadd.s32 v4, v9  }
0x14d: {  	v9 =	vadd.s32 v5, v9;
	v12 =	vld [tilespmem:s13+$0xFFFFFFE0];
	_ =	sdelay $0x2  }
0x14e: {  	s11 =	sadd.s32 $0x3, s0;
	s0 =	smov.u32 s10  }
0x14f: {  	[tilespmem:v11+s16+$0x0] =	vst.idx.msk $0xffff, v10;
	v10 =	vmov s11  }
0x150: {  	[tilespmem:v9+s16+$0x0] =	vst.idx.msk $0xffff, v12;
	v10 =	vand.u32 $0x7F, v10  }
0x151: {  	v12 =	vld [tilespmem:s13+$0xFFFFFFF0];
	v13 =	vadd.s32 v4, v10  }
.Ltmp6:
0x152: {  	v10 =	vadd.s32 v5, v10;
	v9 =	vld [tilespmem:s13+$0x0];
	(pc) =	sbr.rel @p4 .LBB2_9-.Ltmp6, $2  }
0x153: {  	_ =	sdelay $0x2  }
0x154: {  	v11 =	vmov s0;
	[tilespmem:v13+s16+$0x0] =	vst.idx.msk $0xffff, v12  }
.LBB2_10:
0x155: {  	_ =	sdelay $0x2  }
0x156: {  	s6 =	sadd.s32 @p3 $0x80, s13  }
0x157: {  	v11 =	vand.u32 $0x7C, v11;
	[tilespmem:v10+s16+$0x0] =	vst.idx.msk @p3 $0xffff, v9;
	s1 =	smov.u32 @p3 s6  }
0x158: {  	v10 =	vadd.s32 v4, v11;
	v9 =	vld [tilespmem:s1+$0xFFFFFF90]  }
0x159: {  	v11 =	vadd.s32 v5, v11;
	v12 =	vld [tilespmem:s1+$0xFFFFFFA0];
	_ =	sdelay $0x2  }
0x15a: {  	s10 =	sadd.s32 $0x1, s0  }
0x15b: {  	[tilespmem:v10+s16+$0x0] =	vst.idx.msk $0xffff, v9;
	v9 =	vmov s10  }
0x15c: {  	[tilespmem:v11+s16+$0x0] =	vst.idx.msk $0xffff, v12;
	v9 =	vand.u32 $0x7D, v9  }
0x15d: {  	v10 =	vld [tilespmem:s1+$0xFFFFFFB0];
	v11 =	vadd.s32 v4, v9  }
0x15e: {  	v12 =	vld [tilespmem:s1+$0xFFFFFFC0];
	v9 =	vadd.s32 v5, v9;
	_ =	sdelay $0x2  }
0x15f: {  	s11 =	sadd.s32 $0x2, s0  }
0x160: {  	[tilespmem:v11+s16+$0x0] =	vst.idx.msk $0xffff, v10;
	v10 =	vmov s11  }
0x161: {  	[tilespmem:v9+s16+$0x0] =	vst.idx.msk $0xffff, v12;
	v9 =	vand.u32 $0x7E, v10  }
0x162: {  	v10 =	vld [tilespmem:s1+$0xFFFFFFD0];
	v11 =	vadd.s32 v4, v9  }
0x163: {  	v12 =	vld [tilespmem:s1+$0xFFFFFFE0];
	v9 =	vadd.s32 v5, v9;
	_ =	sdelay $0x2  }
0x164: {  	s13 =	sadd.s32 $0x3, s0  }
0x165: {  	[tilespmem:v11+s16+$0x0] =	vst.idx.msk $0xffff, v10;
	v10 =	vmov s13  }
0x166: {  	[tilespmem:v9+s16+$0x0] =	vst.idx.msk $0xffff, v12;
	v9 =	vand.u32 $0x7F, v10  }
0x167: {  	v10 =	vld [tilespmem:s1+$0xFFFFFFF0];
	v11 =	vadd.s32 v4, v9  }
0x168: {  	v12 =	vld [tilespmem:s1+$0x0];
	v9 =	vadd.s32 v5, v9  }
.Ltmp7:
0x169: {  	_ = 	snop;
	(pc) =	sbr.rel @!p2 .LBB2_11-.Ltmp7, $3  }
0x16a: {  	_ =	sdelay $0x1  }
0x16b: {  	[tilespmem:v11+s16+$0x0] =	vst.idx.msk $0xffff, v10  }
0x16c: {  	s1 =	simm.s32 $0x9470;
	[tilespmem:v9+s16+$0x0] =	vst.idx.msk $0xffff, v12  }
0x16d: {  	v8 =	vand.u32 $0x7C, v8  }
0x16e: {  	v9 =	vld [tilespmem:s1+$0xFFFFFF90];
	v10 =	vadd.s32 v6, v8  }
0x16f: {  	v11 =	vld [tilespmem:s1+$0xFFFFFFA0];
	v8 =	vadd.s32 v7, v8;
	_ =	sdelay $0x2  }
0x170: {  	s0 =	simm.s32 $0x1  }
0x171: {  	[tilespmem:v10+s16+$0x0] =	vst.idx.msk $0xffff, v9;
	v9 =	vmov s0  }
0x172: {  	[tilespmem:v8+s16+$0x0] =	vst.idx.msk $0xffff, v11;
	v8 =	vand.u32 $0x7D, v9  }
0x173: {  	v9 =	vld [tilespmem:s1+$0xFFFFFFB0];
	v10 =	vadd.s32 v6, v8  }
0x174: {  	v11 =	vld [tilespmem:s1+$0xFFFFFFC0];
	v8 =	vadd.s32 v7, v8;
	_ =	sdelay $0x2  }
0x175: {  	s13 =	simm.s32 $0x2  }
0x176: {  	[tilespmem:v10+s16+$0x0] =	vst.idx.msk $0xffff, v9;
	v9 =	vmov s13  }
0x177: {  	[tilespmem:v8+s16+$0x0] =	vst.idx.msk $0xffff, v11;
	v8 =	vand.u32 $0x7E, v9  }
0x178: {  	v9 =	vld [tilespmem:s1+$0xFFFFFFD0];
	v10 =	vadd.s32 v6, v8  }
0x179: {  	v11 =	vld [tilespmem:s1+$0xFFFFFFE0];
	v8 =	vadd.s32 v7, v8;
	_ =	sdelay $0x2  }
0x17a: {  	s31 =	simm.s32 $0x3  }
0x17b: {  	[tilespmem:v10+s16+$0x0] =	vst.idx.msk $0xffff, v9;
	v9 =	vmov s31  }
0x17c: {  	[tilespmem:v8+s16+$0x0] =	vst.idx.msk $0xffff, v11;
	v8 =	vand.u32 $0x7F, v9  }
0x17d: {  	p2 =	por $0x1, $0x1;
	v11 =	vld [tilespmem:s1+$0xFFFFFFF0];
	v12 =	vadd.s32 v6, v8  }
.Ltmp8:
0x17e: {  	_ = 	snop;
	(pc) =	sbr.rel @!p2 .LBB2_13-.Ltmp8, $2  }
0x17f: {  	v9 =	vld [tilespmem:s1+$0x0];
	v10 =	vadd.s32 v7, v8;
	_ =	sdelay $0x2  }
0x180: {  	s6 =	simm.s32 $0x8;
	p1 =	por $0x1, $0x1;
	s0 =	simm.s32 $0x9470;
	v8 =	vmov s30;
	[tilespmem:v12+s16+$0x0] =	vst.idx.msk $0xffff, v11  }
.LBB2_14:
0x181: {  	p2 =	slt.u32 s6, $0x7C  }
0x182: {  	v8 =	vand.u32 $0x7C, v8;
	[tilespmem:v10+s16+$0x0] =	vst.idx.msk $0xffff, v9;
	s0 =	sadd.s32 $0x80, s0;
	s10 =	smov.u32 s6;
	s6 =	sadd.s32 $0x4, s6  }
0x183: {  	v9 =	vld [tilespmem:s0+$0xFFFFFF90];
	v10 =	vadd.s32 v6, v8  }
0x184: {  	v8 =	vadd.s32 v7, v8;
	v11 =	vld [tilespmem:s0+$0xFFFFFFA0];
	_ =	sdelay $0x2  }
0x185: {  	s11 =	sadd.s32 $0x1, s30  }
0x186: {  	[tilespmem:v10+s16+$0x0] =	vst.idx.msk $0xffff, v9;
	v9 =	vmov s11  }
0x187: {  	[tilespmem:v8+s16+$0x0] =	vst.idx.msk $0xffff, v11;
	v8 =	vand.u32 $0x7D, v9  }
0x188: {  	v9 =	vld [tilespmem:s0+$0xFFFFFFB0];
	v10 =	vadd.s32 v6, v8  }
0x189: {  	v8 =	vadd.s32 v7, v8;
	v11 =	vld [tilespmem:s0+$0xFFFFFFC0];
	_ =	sdelay $0x2  }
0x18a: {  	s11 =	sadd.s32 $0x2, s30  }
0x18b: {  	[tilespmem:v10+s16+$0x0] =	vst.idx.msk $0xffff, v9;
	v9 =	vmov s11  }
0x18c: {  	[tilespmem:v8+s16+$0x0] =	vst.idx.msk $0xffff, v11;
	v8 =	vand.u32 $0x7E, v9  }
0x18d: {  	v9 =	vld [tilespmem:s0+$0xFFFFFFD0];
	v10 =	vadd.s32 v6, v8  }
0x18e: {  	v8 =	vadd.s32 v7, v8;
	v11 =	vld [tilespmem:s0+$0xFFFFFFE0];
	_ =	sdelay $0x2  }
0x18f: {  	s11 =	sadd.s32 $0x3, s30;
	s30 =	smov.u32 s10  }
0x190: {  	[tilespmem:v10+s16+$0x0] =	vst.idx.msk $0xffff, v9;
	v9 =	vmov s11  }
0x191: {  	[tilespmem:v8+s16+$0x0] =	vst.idx.msk $0xffff, v11;
	v8 =	vand.u32 $0x7F, v9  }
0x192: {  	v11 =	vld [tilespmem:s0+$0xFFFFFFF0];
	v12 =	vadd.s32 v6, v8  }
.Ltmp9:
0x193: {  	v10 =	vadd.s32 v7, v8;
	v9 =	vld [tilespmem:s0+$0x0];
	(pc) =	sbr.rel @p2 .LBB2_14-.Ltmp9, $2  }
0x194: {  	_ =	sdelay $0x2  }
0x195: {  	v8 =	vmov s30;
	[tilespmem:v12+s16+$0x0] =	vst.idx.msk $0xffff, v11  }
0x196: {  	s31 =	smov.u32 s30  }
.LBB2_16:
0x197: {  	_ =	sdelay $0x2  }
0x198: {  	s0 =	sadd.s32 @p1 $0x80, s0  }
0x199: {  	v8 =	vand.u32 $0x7C, v8;
	[tilespmem:v10+s16+$0x0] =	vst.idx.msk @p1 $0xffff, v9;
	s1 =	smov.u32 @p1 s0  }
0x19a: {  	v10 =	vadd.s32 v6, v8;
	v9 =	vld [tilespmem:s1+$0xFFFFFF90]  }
0x19b: {  	v8 =	vadd.s32 v7, v8;
	v11 =	vld [tilespmem:s1+$0xFFFFFFA0];
	_ =	sdelay $0x2  }
0x19c: {  	s13 =	sadd.s32 $0x1, s31  }
0x19d: {  	[tilespmem:v10+s16+$0x0] =	vst.idx.msk $0xffff, v9;
	v9 =	vmov s13  }
0x19e: {  	[tilespmem:v8+s16+$0x0] =	vst.idx.msk $0xffff, v11;
	v8 =	vand.u32 $0x7D, v9  }
0x19f: {  	v9 =	vld [tilespmem:s1+$0xFFFFFFB0];
	v10 =	vadd.s32 v6, v8  }
0x1a0: {  	v11 =	vld [tilespmem:s1+$0xFFFFFFC0];
	v8 =	vadd.s32 v7, v8;
	_ =	sdelay $0x2  }
0x1a1: {  	s30 =	sadd.s32 $0x2, s31  }
0x1a2: {  	[tilespmem:v10+s16+$0x0] =	vst.idx.msk $0xffff, v9;
	v9 =	vmov s30  }
0x1a3: {  	[tilespmem:v8+s16+$0x0] =	vst.idx.msk $0xffff, v11;
	v8 =	vand.u32 $0x7E, v9  }
0x1a4: {  	v9 =	vld [tilespmem:s1+$0xFFFFFFD0];
	v10 =	vadd.s32 v6, v8  }
0x1a5: {  	v11 =	vld [tilespmem:s1+$0xFFFFFFE0];
	v8 =	vadd.s32 v7, v8;
	_ =	sdelay $0x2  }
0x1a6: {  	s31 =	sadd.s32 $0x3, s31  }
0x1a7: {  	[tilespmem:v10+s16+$0x0] =	vst.idx.msk $0xffff, v9;
	v9 =	vmov s31  }
0x1a8: {  	[tilespmem:v8+s16+$0x0] =	vst.idx.msk $0xffff, v11;
	v8 =	vand.u32 $0x7F, v9  }
0x1a9: {  	s6 =	sshll.u32 s26, $0x3;
	v9 =	vld [tilespmem:s1+$0xFFFFFFF0];
	v10 =	vadd.s32 v6, v8  }
0x1aa: {  	s0 =	sadd.s32 s5, s6;
	v11 =	vld [tilespmem:s1+$0x0];
	v8 =	vadd.s32 v7, v8  }
0x1ab: {  	s10 =	sshll.u32 s0, $0xC;
	s0 =	sshll.u32 s0, $0xA  }
0x1ac: {  	s0 =	sand.u32 $0x6000, s0;
	s1 =	sand.u32 $0x7FFE0000, s10  }
0x1ad: {  	s0 =	sor.u32 s0, s1  }
0x1ae: {  	s30 =	sshrl.u32 s0, $0x3;
	[tilespmem:v10+s16+$0x0] =	vst.idx.msk $0xffff, v9  }
0x1af: {  	s0 =	sadd.s32 s2, s30;
	[tilespmem:v8+s16+$0x0] =	vst.idx.msk $0xffff, v11  }
0x1b0: {  	[hbm4b:s0+s3] =	stream.linear.scatter [tilespmem:s16], [sflag:$0x3], $0x80, $0x38;
	[tilespmem:$0x16C00] =	vst v63  }
0x1b1: {  	s6 =	simm.s32 $0xE488;
	s11 =	sadd.s32 $0x10, s0  }
0x1b2: {  	[hbm4b:s11+s3] =	stream.linear.scatter [tilespmem:s6], [sflag:$0x3], $0x80, $0x38;
	[tilespmem:$0x16C00] =	vst v63  }
0x1b3: {  	s31 =	simm.s32 $0xE510;
	s13 =	sadd.s32 $0x20, s0  }
0x1b4: {  	[hbm4b:s13+s3] =	stream.linear.scatter [tilespmem:s31], [sflag:$0x3], $0x80, $0x38;
	[tilespmem:$0x16C00] =	vst v63  }
0x1b5: {  	s10 =	sadd.s32 $0x30, s0;
	s11 =	simm.s32 $0xE598  }
0x1b6: {  	[hbm4b:s10+s3] =	stream.linear.scatter [tilespmem:s11], [sflag:$0x3], $0x80, $0x38;
	[tilespmem:$0x16C00] =	vst v63  }
0x1b7: {  	s13 =	sadd.s32 $0x40, s0;
	s31 =	simm.s32 $0xE620  }
0x1b8: {  	[hbm4b:s13+s3] =	stream.linear.scatter [tilespmem:s31], [sflag:$0x3], $0x80, $0x38;
	[tilespmem:$0x16C00] =	vst v63  }
0x1b9: {  	s6 =	sadd.s32 $0x50, s0;
	s10 =	simm.s32 $0xE6A8  }
0x1ba: {  	[hbm4b:s6+s3] =	stream.linear.scatter [tilespmem:s10], [sflag:$0x3], $0x80, $0x38;
	[tilespmem:$0x16C00] =	vst v63  }
0x1bb: {  	s11 =	sadd.s32 $0x60, s0;
	s13 =	simm.s32 $0xE730  }
0x1bc: {  	[hbm4b:s11+s3] =	stream.linear.scatter [tilespmem:s13], [sflag:$0x3], $0x80, $0x38;
	[tilespmem:$0x16C00] =	vst v63  }
0x1bd: {  	s0 =	sadd.s32 $0x70, s0;
	s31 =	simm.s32 $0xE7B8  }
0x1be: {  	[hbm4b:s0+s3] =	stream.linear.scatter [tilespmem:s31], [sflag:$0x3], $0x80, $0x38;
	[tilespmem:$0x16C00] =	vst v63  }
0x1bf: {  	s6 =	simm.s32 $0xE840;
	s0 =	sadd.s32 s30, s7  }
0x1c0: {  	[hbm4b:s0+s3] =	stream.linear.scatter [tilespmem:s6], [sflag:$0x3], $0x80, $0x38;
	[tilespmem:$0x16C00] =	vst v63  }
0x1c1: {  	s11 =	simm.s32 $0xE8C8;
	s10 =	sadd.s32 $0x10, s0  }
0x1c2: {  	[hbm4b:s10+s3] =	stream.linear.scatter [tilespmem:s11], [sflag:$0x3], $0x80, $0x38;
	[tilespmem:$0x16C00] =	vst v63  }
0x1c3: {  	s31 =	simm.s32 $0xE950;
	s13 =	sadd.s32 $0x20, s0  }
0x1c4: {  	[hbm4b:s13+s3] =	stream.linear.scatter [tilespmem:s31], [sflag:$0x3], $0x80, $0x38;
	[tilespmem:$0x16C00] =	vst v63  }
0x1c5: {  	s10 =	sadd.s32 $0x30, s0;
	s11 =	simm.s32 $0xE9D8  }
0x1c6: {  	[hbm4b:s10+s3] =	stream.linear.scatter [tilespmem:s11], [sflag:$0x3], $0x80, $0x38;
	[tilespmem:$0x16C00] =	vst v63  }
0x1c7: {  	s13 =	sadd.s32 $0x40, s0;
	s31 =	simm.s32 $0xEA60  }
0x1c8: {  	[hbm4b:s13+s3] =	stream.linear.scatter [tilespmem:s31], [sflag:$0x3], $0x80, $0x38;
	[tilespmem:$0x16C00] =	vst v63  }
0x1c9: {  	s6 =	sadd.s32 $0x50, s0;
	s10 =	simm.s32 $0xEAE8  }
0x1ca: {  	[hbm4b:s6+s3] =	stream.linear.scatter [tilespmem:s10], [sflag:$0x3], $0x80, $0x38;
	[tilespmem:$0x16C00] =	vst v63  }
0x1cb: {  	s11 =	sadd.s32 $0x60, s0;
	s13 =	simm.s32 $0xEB70  }
0x1cc: {  	[hbm4b:s11+s3] =	stream.linear.scatter [tilespmem:s13], [sflag:$0x3], $0x80, $0x38;
	[tilespmem:$0x16C00] =	vst v63  }
0x1cd: {  	s0 =	sadd.s32 $0x70, s0;
	s31 =	simm.s32 $0xEBF8  }
0x1ce: {  	[hbm4b:s0+s3] =	stream.linear.scatter [tilespmem:s31], [sflag:$0x3], $0x80, $0x38;
	[tilespmem:$0x16C00] =	vst v63  }
0x1cf: {  	s6 =	simm.s32 $0xEC80;
	s0 =	sadd.s32 s30, s8  }
0x1d0: {  	[hbm4b:s0+s3] =	stream.linear.scatter [tilespmem:s6], [sflag:$0x3], $0x80, $0x38;
	[tilespmem:$0x16C00] =	vst v63  }
0x1d1: {  	s11 =	simm.s32 $0xED08;
	s10 =	sadd.s32 $0x10, s0  }
0x1d2: {  	[hbm4b:s10+s3] =	stream.linear.scatter [tilespmem:s11], [sflag:$0x3], $0x80, $0x38;
	[tilespmem:$0x16C00] =	vst v63  }
0x1d3: {  	s31 =	simm.s32 $0xED90;
	s13 =	sadd.s32 $0x20, s0  }
0x1d4: {  	[hbm4b:s13+s3] =	stream.linear.scatter [tilespmem:s31], [sflag:$0x3], $0x80, $0x38;
	[tilespmem:$0x16C00] =	vst v63  }
0x1d5: {  	s10 =	sadd.s32 $0x30, s0;
	s11 =	simm.s32 $0xEE18  }
0x1d6: {  	[hbm4b:s10+s3] =	stream.linear.scatter [tilespmem:s11], [sflag:$0x3], $0x80, $0x38;
	[tilespmem:$0x16C00] =	vst v63  }
0x1d7: {  	s13 =	sadd.s32 $0x40, s0;
	s31 =	simm.s32 $0xEEA0  }
0x1d8: {  	[hbm4b:s13+s3] =	stream.linear.scatter [tilespmem:s31], [sflag:$0x3], $0x80, $0x38;
	[tilespmem:$0x16C00] =	vst v63  }
0x1d9: {  	s10 =	sadd.s32 $0x50, s0;
	s11 =	simm.s32 $0xEF28  }
0x1da: {  	[hbm4b:s10+s3] =	stream.linear.scatter [tilespmem:s11], [sflag:$0x3], $0x80, $0x38;
	[tilespmem:$0x16C00] =	vst v63  }
0x1db: {  	s13 =	sadd.s32 $0x60, s0;
	s31 =	simm.s32 $0xEFB0  }
0x1dc: {  	[hbm4b:s13+s3] =	stream.linear.scatter [tilespmem:s31], [sflag:$0x3], $0x80, $0x38;
	[tilespmem:$0x16C00] =	vst v63  }
0x1dd: {  	s0 =	sadd.s32 $0x70, s0;
	s10 =	simm.s32 $0xF038  }
0x1de: {  	[hbm4b:s0+s3] =	stream.linear.scatter [tilespmem:s10], [sflag:$0x3], $0x80, $0x38;
	[tilespmem:$0x16C00] =	vst v63  }
0x1df: {  	s11 =	simm.s32 $0xF0C0;
	s0 =	sadd.s32 s30, s9  }
0x1e0: {  	[hbm4b:s0+s3] =	stream.linear.scatter [tilespmem:s11], [sflag:$0x3], $0x80, $0x38;
	[tilespmem:$0x16C00] =	vst v63  }
0x1e1: {  	s31 =	simm.s32 $0xF148;
	s13 =	sadd.s32 $0x10, s0  }
0x1e2: {  	[hbm4b:s13+s3] =	stream.linear.scatter [tilespmem:s31], [sflag:$0x3], $0x80, $0x38;
	[tilespmem:$0x16C00] =	vst v63  }
0x1e3: {  	s10 =	sadd.s32 $0x20, s0;
	s11 =	simm.s32 $0xF1D0  }
0x1e4: {  	[hbm4b:s10+s3] =	stream.linear.scatter [tilespmem:s11], [sflag:$0x3], $0x80, $0x38;
	[tilespmem:$0x16C00] =	vst v63  }
0x1e5: {  	s13 =	sadd.s32 $0x30, s0;
	s31 =	simm.s32 $0xF258  }
0x1e6: {  	[hbm4b:s13+s3] =	stream.linear.scatter [tilespmem:s31], [sflag:$0x3], $0x80, $0x38;
	[tilespmem:$0x16C00] =	vst v63  }
0x1e7: {  	s10 =	sadd.s32 $0x40, s0;
	s11 =	simm.s32 $0xF2E0  }
0x1e8: {  	[hbm4b:s10+s3] =	stream.linear.scatter [tilespmem:s11], [sflag:$0x3], $0x80, $0x38;
	[tilespmem:$0x16C00] =	vst v63  }
0x1e9: {  	s13 =	sadd.s32 $0x50, s0;
	s31 =	simm.s32 $0xF368  }
0x1ea: {  	[hbm4b:s13+s3] =	stream.linear.scatter [tilespmem:s31], [sflag:$0x3], $0x80, $0x38;
	[tilespmem:$0x16C00] =	vst v63  }
0x1eb: {  	s6 =	sadd.s32 $0x60, s0;
	s10 =	simm.s32 $0xF3F0  }
0x1ec: {  	[hbm4b:s6+s3] =	stream.linear.scatter [tilespmem:s10], [sflag:$0x3], $0x80, $0x38;
	[tilespmem:$0x16C00] =	vst v63  }
0x1ed: {  	s0 =	sadd.s32 $0x70, s0;
	s11 =	simm.s32 $0xF478  }
0x1ee: {  	[hbm4b:s0+s3] =	stream.linear.scatter [tilespmem:s11], [sflag:$0x3], $0x80, $0x38;
	[tilespmem:$0x16C00] =	vst v63  }
0x1ef: {  	s0 =	sor.u32 $0x80, s30  }
0x1f0: {  	s13 =	simm.s32 $0xF500;
	s1 =	sadd.s32 s2, s0  }
0x1f1: {  	[hbm4b:s1+s3] =	stream.linear.scatter [tilespmem:s13], [sflag:$0x3], $0x80, $0x38;
	[tilespmem:$0x16C00] =	vst v63  }
0x1f2: {  	s10 =	simm.s32 $0xF588;
	s31 =	sadd.s32 $0x10, s1  }
0x1f3: {  	[hbm4b:s31+s3] =	stream.linear.scatter [tilespmem:s10], [sflag:$0x3], $0x80, $0x38;
	[tilespmem:$0x16C00] =	vst v63  }
0x1f4: {  	s11 =	simm.s32 $0xF610;
	s10 =	sadd.s32 $0x20, s1  }
0x1f5: {  	[hbm4b:s10+s3] =	stream.linear.scatter [tilespmem:s11], [sflag:$0x3], $0x80, $0x38;
	[tilespmem:$0x16C00] =	vst v63  }
0x1f6: {  	s13 =	sadd.s32 $0x30, s1;
	s31 =	simm.s32 $0xF698  }
0x1f7: {  	[hbm4b:s13+s3] =	stream.linear.scatter [tilespmem:s31], [sflag:$0x3], $0x80, $0x38;
	[tilespmem:$0x16C00] =	vst v63  }
0x1f8: {  	s10 =	sadd.s32 $0x40, s1;
	s11 =	simm.s32 $0xF720  }
0x1f9: {  	[hbm4b:s10+s3] =	stream.linear.scatter [tilespmem:s11], [sflag:$0x3], $0x80, $0x38;
	[tilespmem:$0x16C00] =	vst v63  }
0x1fa: {  	s13 =	sadd.s32 $0x50, s1;
	s31 =	simm.s32 $0xF7A8  }
0x1fb: {  	[hbm4b:s13+s3] =	stream.linear.scatter [tilespmem:s31], [sflag:$0x3], $0x80, $0x38;
	[tilespmem:$0x16C00] =	vst v63  }
0x1fc: {  	s10 =	sadd.s32 $0x60, s1;
	s11 =	simm.s32 $0xF830  }
0x1fd: {  	[hbm4b:s10+s3] =	stream.linear.scatter [tilespmem:s11], [sflag:$0x3], $0x80, $0x38;
	[tilespmem:$0x16C00] =	vst v63  }
0x1fe: {  	s1 =	sadd.s32 $0x70, s1;
	s13 =	simm.s32 $0xF8B8  }
0x1ff: {  	[hbm4b:s1+s3] =	stream.linear.scatter [tilespmem:s13], [sflag:$0x3], $0x80, $0x38;
	[tilespmem:$0x16C00] =	vst v63  }
0x200: {  	s31 =	simm.s32 $0xF940;
	s1 =	sadd.s32 s0, s7  }
0x201: {  	[hbm4b:s1+s3] =	stream.linear.scatter [tilespmem:s31], [sflag:$0x3], $0x80, $0x38;
	[tilespmem:$0x16C00] =	vst v63  }
0x202: {  	s11 =	simm.s32 $0xF9C8;
	s10 =	sadd.s32 $0x10, s1  }
0x203: {  	[hbm4b:s10+s3] =	stream.linear.scatter [tilespmem:s11], [sflag:$0x3], $0x80, $0x38;
	[tilespmem:$0x16C00] =	vst v63  }
0x204: {  	s13 =	sadd.s32 $0x20, s1;
	s31 =	simm.s32 $0xFA50  }
0x205: {  	[hbm4b:s13+s3] =	stream.linear.scatter [tilespmem:s31], [sflag:$0x3], $0x80, $0x38;
	[tilespmem:$0x16C00] =	vst v63  }
0x206: {  	s10 =	sadd.s32 $0x30, s1;
	s11 =	simm.s32 $0xFAD8  }
0x207: {  	[hbm4b:s10+s3] =	stream.linear.scatter [tilespmem:s11], [sflag:$0x3], $0x80, $0x38;
	[tilespmem:$0x16C00] =	vst v63  }
0x208: {  	s13 =	sadd.s32 $0x40, s1;
	s31 =	simm.s32 $0xFB60  }
0x209: {  	[hbm4b:s13+s3] =	stream.linear.scatter [tilespmem:s31], [sflag:$0x3], $0x80, $0x38;
	[tilespmem:$0x16C00] =	vst v63  }
0x20a: {  	s10 =	sadd.s32 $0x50, s1;
	s11 =	simm.s32 $0xFBE8  }
0x20b: {  	[hbm4b:s10+s3] =	stream.linear.scatter [tilespmem:s11], [sflag:$0x3], $0x80, $0x38;
	[tilespmem:$0x16C00] =	vst v63  }
0x20c: {  	s13 =	sadd.s32 $0x60, s1;
	s31 =	simm.s32 $0xFC70  }
0x20d: {  	[hbm4b:s13+s3] =	stream.linear.scatter [tilespmem:s31], [sflag:$0x3], $0x80, $0x38;
	[tilespmem:$0x16C00] =	vst v63  }
0x20e: {  	s1 =	sadd.s32 $0x70, s1;
	s10 =	simm.s32 $0xFCF8  }
0x20f: {  	[hbm4b:s1+s3] =	stream.linear.scatter [tilespmem:s10], [sflag:$0x3], $0x80, $0x38;
	[tilespmem:$0x16C00] =	vst v63  }
0x210: {  	s11 =	simm.s32 $0xFD80;
	s1 =	sadd.s32 s0, s8  }
0x211: {  	[hbm4b:s1+s3] =	stream.linear.scatter [tilespmem:s11], [sflag:$0x3], $0x80, $0x38;
	[tilespmem:$0x16C00] =	vst v63  }
0x212: {  	s31 =	simm.s32 $0xFE08;
	s13 =	sadd.s32 $0x10, s1  }
0x213: {  	[hbm4b:s13+s3] =	stream.linear.scatter [tilespmem:s31], [sflag:$0x3], $0x80, $0x38;
	[tilespmem:$0x16C00] =	vst v63  }
0x214: {  	s10 =	sadd.s32 $0x20, s1;
	s11 =	simm.s32 $0xFE90  }
0x215: {  	[hbm4b:s10+s3] =	stream.linear.scatter [tilespmem:s11], [sflag:$0x3], $0x80, $0x38;
	[tilespmem:$0x16C00] =	vst v63  }
0x216: {  	s13 =	sadd.s32 $0x30, s1;
	s31 =	simm.s32 $0xFF18  }
0x217: {  	[hbm4b:s13+s3] =	stream.linear.scatter [tilespmem:s31], [sflag:$0x3], $0x80, $0x38;
	[tilespmem:$0x16C00] =	vst v63  }
0x218: {  	s10 =	sadd.s32 $0x40, s1;
	s11 =	simm.s32 $0xFFA0  }
0x219: {  	[hbm4b:s10+s3] =	stream.linear.scatter [tilespmem:s11], [sflag:$0x3], $0x80, $0x38;
	[tilespmem:$0x16C00] =	vst v63  }
0x21a: {  	s13 =	sadd.s32 $0x50, s1;
	s31 =	simm.s32 $0x10028  }
0x21b: {  	[hbm4b:s13+s3] =	stream.linear.scatter [tilespmem:s31], [sflag:$0x3], $0x80, $0x38;
	[tilespmem:$0x16C00] =	vst v63  }
0x21c: {  	s11 =	sadd.s32 $0x60, s1;
	s13 =	simm.s32 $0x100B0  }
0x21d: {  	[hbm4b:s11+s3] =	stream.linear.scatter [tilespmem:s13], [sflag:$0x3], $0x80, $0x38;
	[tilespmem:$0x16C00] =	vst v63  }
0x21e: {  	s1 =	sadd.s32 $0x70, s1;
	s31 =	simm.s32 $0x10138  }
0x21f: {  	[hbm4b:s1+s3] =	stream.linear.scatter [tilespmem:s31], [sflag:$0x3], $0x80, $0x38;
	[tilespmem:$0x16C00] =	vst v63  }
0x220: {  	s6 =	simm.s32 $0x101C0;
	s0 =	sadd.s32 s0, s9  }
0x221: {  	[hbm4b:s0+s3] =	stream.linear.scatter [tilespmem:s6], [sflag:$0x3], $0x80, $0x38;
	[tilespmem:$0x16C00] =	vst v63  }
0x222: {  	s10 =	sadd.s32 $0x10, s0;
	s11 =	simm.s32 $0x10248  }
0x223: {  	[hbm4b:s10+s3] =	stream.linear.scatter [tilespmem:s11], [sflag:$0x3], $0x80, $0x38;
	[tilespmem:$0x16C00] =	vst v63  }
0x224: {  	s13 =	sadd.s32 $0x20, s0;
	s31 =	simm.s32 $0x102D0  }
0x225: {  	[hbm4b:s13+s3] =	stream.linear.scatter [tilespmem:s31], [sflag:$0x3], $0x80, $0x38;
	[tilespmem:$0x16C00] =	vst v63  }
0x226: {  	s10 =	sadd.s32 $0x30, s0;
	s11 =	simm.s32 $0x10358  }
0x227: {  	[hbm4b:s10+s3] =	stream.linear.scatter [tilespmem:s11], [sflag:$0x3], $0x80, $0x38;
	[tilespmem:$0x16C00] =	vst v63  }
0x228: {  	s13 =	sadd.s32 $0x40, s0;
	s31 =	simm.s32 $0x103E0  }
0x229: {  	[hbm4b:s13+s3] =	stream.linear.scatter [tilespmem:s31], [sflag:$0x3], $0x80, $0x38;
	[tilespmem:$0x16C00] =	vst v63  }
0x22a: {  	s10 =	sadd.s32 $0x50, s0;
	s11 =	simm.s32 $0x10468  }
0x22b: {  	[hbm4b:s10+s3] =	stream.linear.scatter [tilespmem:s11], [sflag:$0x3], $0x80, $0x38;
	[tilespmem:$0x16C00] =	vst v63  }
0x22c: {  	s13 =	sadd.s32 $0x60, s0;
	s31 =	simm.s32 $0x104F0  }
0x22d: {  	[hbm4b:s13+s3] =	stream.linear.scatter [tilespmem:s31], [sflag:$0x3], $0x80, $0x38;
	[tilespmem:$0x16C00] =	vst v63  }
0x22e: {  	s0 =	sadd.s32 $0x70, s0;
	s10 =	simm.s32 $0x10578  }
0x22f: {  	[hbm4b:s0+s3] =	stream.linear.scatter [tilespmem:s10], [sflag:$0x3], $0x80, $0x38;
	[tilespmem:$0x16C00] =	vst v63  }
0x230: {  	s0 =	sor.u32 $0x100, s30  }
0x231: {  	s11 =	simm.s32 $0x10600;
	s1 =	sadd.s32 s2, s0  }
0x232: {  	[hbm4b:s1+s3] =	stream.linear.scatter [tilespmem:s11], [sflag:$0x3], $0x80, $0x38;
	[tilespmem:$0x16C00] =	vst v63  }
0x233: {  	s31 =	simm.s32 $0x10688;
	s13 =	sadd.s32 $0x10, s1  }
0x234: {  	[hbm4b:s13+s3] =	stream.linear.scatter [tilespmem:s31], [sflag:$0x3], $0x80, $0x38;
	[tilespmem:$0x16C00] =	vst v63  }
0x235: {  	s10 =	sadd.s32 $0x20, s1;
	s11 =	simm.s32 $0x10710  }
0x236: {  	[hbm4b:s10+s3] =	stream.linear.scatter [tilespmem:s11], [sflag:$0x3], $0x80, $0x38;
	[tilespmem:$0x16C00] =	vst v63  }
0x237: {  	s13 =	sadd.s32 $0x30, s1;
	s31 =	simm.s32 $0x10798  }
0x238: {  	[hbm4b:s13+s3] =	stream.linear.scatter [tilespmem:s31], [sflag:$0x3], $0x80, $0x38;
	[tilespmem:$0x16C00] =	vst v63  }
0x239: {  	s10 =	sadd.s32 $0x40, s1;
	s11 =	simm.s32 $0x10820  }
0x23a: {  	[hbm4b:s10+s3] =	stream.linear.scatter [tilespmem:s11], [sflag:$0x3], $0x80, $0x38;
	[tilespmem:$0x16C00] =	vst v63  }
0x23b: {  	s13 =	sadd.s32 $0x50, s1;
	s31 =	simm.s32 $0x108A8  }
0x23c: {  	[hbm4b:s13+s3] =	stream.linear.scatter [tilespmem:s31], [sflag:$0x3], $0x80, $0x38;
	[tilespmem:$0x16C00] =	vst v63  }
0x23d: {  	s10 =	sadd.s32 $0x60, s1;
	s11 =	simm.s32 $0x10930  }
0x23e: {  	[hbm4b:s10+s3] =	stream.linear.scatter [tilespmem:s11], [sflag:$0x3], $0x80, $0x38;
	[tilespmem:$0x16C00] =	vst v63  }
0x23f: {  	s1 =	sadd.s32 $0x70, s1;
	s13 =	simm.s32 $0x109B8  }
0x240: {  	[hbm4b:s1+s3] =	stream.linear.scatter [tilespmem:s13], [sflag:$0x3], $0x80, $0x38;
	[tilespmem:$0x16C00] =	vst v63  }
0x241: {  	s31 =	simm.s32 $0x10A40;
	s1 =	sadd.s32 s0, s7  }
0x242: {  	[hbm4b:s1+s3] =	stream.linear.scatter [tilespmem:s31], [sflag:$0x3], $0x80, $0x38;
	[tilespmem:$0x16C00] =	vst v63  }
0x243: {  	s11 =	simm.s32 $0x10AC8;
	s10 =	sadd.s32 $0x10, s1  }
0x244: {  	[hbm4b:s10+s3] =	stream.linear.scatter [tilespmem:s11], [sflag:$0x3], $0x80, $0x38;
	[tilespmem:$0x16C00] =	vst v63  }
0x245: {  	s13 =	sadd.s32 $0x20, s1;
	s31 =	simm.s32 $0x10B50  }
0x246: {  	[hbm4b:s13+s3] =	stream.linear.scatter [tilespmem:s31], [sflag:$0x3], $0x80, $0x38;
	[tilespmem:$0x16C00] =	vst v63  }
0x247: {  	s10 =	sadd.s32 $0x30, s1;
	s11 =	simm.s32 $0x10BD8  }
0x248: {  	[hbm4b:s10+s3] =	stream.linear.scatter [tilespmem:s11], [sflag:$0x3], $0x80, $0x38;
	[tilespmem:$0x16C00] =	vst v63  }
0x249: {  	s13 =	sadd.s32 $0x40, s1;
	s31 =	simm.s32 $0x10C60  }
0x24a: {  	[hbm4b:s13+s3] =	stream.linear.scatter [tilespmem:s31], [sflag:$0x3], $0x80, $0x38;
	[tilespmem:$0x16C00] =	vst v63  }
0x24b: {  	s10 =	sadd.s32 $0x50, s1;
	s11 =	simm.s32 $0x10CE8  }
0x24c: {  	[hbm4b:s10+s3] =	stream.linear.scatter [tilespmem:s11], [sflag:$0x3], $0x80, $0x38;
	[tilespmem:$0x16C00] =	vst v63  }
0x24d: {  	s13 =	sadd.s32 $0x60, s1;
	s31 =	simm.s32 $0x10D70  }
0x24e: {  	[hbm4b:s13+s3] =	stream.linear.scatter [tilespmem:s31], [sflag:$0x3], $0x80, $0x38;
	[tilespmem:$0x16C00] =	vst v63  }
0x24f: {  	s1 =	sadd.s32 $0x70, s1;
	s10 =	simm.s32 $0x10DF8  }
0x250: {  	[hbm4b:s1+s3] =	stream.linear.scatter [tilespmem:s10], [sflag:$0x3], $0x80, $0x38;
	[tilespmem:$0x16C00] =	vst v63  }
0x251: {  	s11 =	simm.s32 $0x10E80;
	s1 =	sadd.s32 s0, s8  }
0x252: {  	[hbm4b:s1+s3] =	stream.linear.scatter [tilespmem:s11], [sflag:$0x3], $0x80, $0x38;
	[tilespmem:$0x16C00] =	vst v63  }
0x253: {  	s31 =	simm.s32 $0x10F08;
	s13 =	sadd.s32 $0x10, s1  }
0x254: {  	[hbm4b:s13+s3] =	stream.linear.scatter [tilespmem:s31], [sflag:$0x3], $0x80, $0x38;
	[tilespmem:$0x16C00] =	vst v63  }
0x255: {  	s10 =	sadd.s32 $0x20, s1;
	s11 =	simm.s32 $0x10F90  }
0x256: {  	[hbm4b:s10+s3] =	stream.linear.scatter [tilespmem:s11], [sflag:$0x3], $0x80, $0x38;
	[tilespmem:$0x16C00] =	vst v63  }
0x257: {  	s13 =	sadd.s32 $0x30, s1;
	s31 =	simm.s32 $0x11018  }
0x258: {  	[hbm4b:s13+s3] =	stream.linear.scatter [tilespmem:s31], [sflag:$0x3], $0x80, $0x38;
	[tilespmem:$0x16C00] =	vst v63  }
0x259: {  	s10 =	sadd.s32 $0x40, s1;
	s11 =	simm.s32 $0x110A0  }
0x25a: {  	[hbm4b:s10+s3] =	stream.linear.scatter [tilespmem:s11], [sflag:$0x3], $0x80, $0x38;
	[tilespmem:$0x16C00] =	vst v63  }
0x25b: {  	s13 =	sadd.s32 $0x50, s1;
	s31 =	simm.s32 $0x11128  }
0x25c: {  	[hbm4b:s13+s3] =	stream.linear.scatter [tilespmem:s31], [sflag:$0x3], $0x80, $0x38;
	[tilespmem:$0x16C00] =	vst v63  }
0x25d: {  	s11 =	sadd.s32 $0x60, s1;
	s13 =	simm.s32 $0x111B0  }
0x25e: {  	[hbm4b:s11+s3] =	stream.linear.scatter [tilespmem:s13], [sflag:$0x3], $0x80, $0x38;
	[tilespmem:$0x16C00] =	vst v63  }
0x25f: {  	s1 =	sadd.s32 $0x70, s1;
	s31 =	simm.s32 $0x11238  }
0x260: {  	[hbm4b:s1+s3] =	stream.linear.scatter [tilespmem:s31], [sflag:$0x3], $0x80, $0x38;
	[tilespmem:$0x16C00] =	vst v63  }
0x261: {  	s6 =	simm.s32 $0x112C0;
	s0 =	sadd.s32 s0, s9  }
0x262: {  	[hbm4b:s0+s3] =	stream.linear.scatter [tilespmem:s6], [sflag:$0x3], $0x80, $0x38;
	[tilespmem:$0x16C00] =	vst v63  }
0x263: {  	s10 =	sadd.s32 $0x10, s0;
	s11 =	simm.s32 $0x11348  }
0x264: {  	[hbm4b:s10+s3] =	stream.linear.scatter [tilespmem:s11], [sflag:$0x3], $0x80, $0x38;
	[tilespmem:$0x16C00] =	vst v63  }
0x265: {  	s13 =	sadd.s32 $0x20, s0;
	s31 =	simm.s32 $0x113D0  }
0x266: {  	[hbm4b:s13+s3] =	stream.linear.scatter [tilespmem:s31], [sflag:$0x3], $0x80, $0x38;
	[tilespmem:$0x16C00] =	vst v63  }
0x267: {  	s10 =	sadd.s32 $0x30, s0;
	s11 =	simm.s32 $0x11458  }
0x268: {  	[hbm4b:s10+s3] =	stream.linear.scatter [tilespmem:s11], [sflag:$0x3], $0x80, $0x38;
	[tilespmem:$0x16C00] =	vst v63  }
0x269: {  	s13 =	sadd.s32 $0x40, s0;
	s31 =	simm.s32 $0x114E0  }
0x26a: {  	[hbm4b:s13+s3] =	stream.linear.scatter [tilespmem:s31], [sflag:$0x3], $0x80, $0x38;
	[tilespmem:$0x16C00] =	vst v63  }
0x26b: {  	s10 =	sadd.s32 $0x50, s0;
	s11 =	simm.s32 $0x11568  }
0x26c: {  	[hbm4b:s10+s3] =	stream.linear.scatter [tilespmem:s11], [sflag:$0x3], $0x80, $0x38;
	[tilespmem:$0x16C00] =	vst v63  }
0x26d: {  	s13 =	sadd.s32 $0x60, s0;
	s31 =	simm.s32 $0x115F0  }
0x26e: {  	[hbm4b:s13+s3] =	stream.linear.scatter [tilespmem:s31], [sflag:$0x3], $0x80, $0x38;
	[tilespmem:$0x16C00] =	vst v63  }
0x26f: {  	s6 =	simm.s32 $0x11678;
	s0 =	sadd.s32 $0x70, s0  }
0x270: {  	[hbm4b:s0+s3] =	stream.linear.scatter [tilespmem:s6], [sflag:$0x3], $0x80, $0x38;
	[tilespmem:$0x16C00] =	vst v63  }
0x271: {  	s0 =	sor.u32 $0x180, s30  }
0x272: {  	s10 =	simm.s32 $0x11700;
	s1 =	sadd.s32 s2, s0  }
0x273: {  	[hbm4b:s1+s3] =	stream.linear.scatter [tilespmem:s10], [sflag:$0x3], $0x80, $0x38;
	[tilespmem:$0x16C00] =	vst v63  }
0x274: {  	s13 =	simm.s32 $0x11788;
	s11 =	sadd.s32 $0x10, s1  }
0x275: {  	[hbm4b:s11+s3] =	stream.linear.scatter [tilespmem:s13], [sflag:$0x3], $0x80, $0x38;
	[tilespmem:$0x16C00] =	vst v63  }
0x276: {  	s31 =	simm.s32 $0x11810;
	s30 =	sadd.s32 $0x20, s1  }
0x277: {  	[hbm4b:s30+s3] =	stream.linear.scatter [tilespmem:s31], [sflag:$0x3], $0x80, $0x38;
	[tilespmem:$0x16C00] =	vst v63  }
0x278: {  	s11 =	sadd.s32 $0x30, s1;
	s13 =	simm.s32 $0x11898  }
0x279: {  	[hbm4b:s11+s3] =	stream.linear.scatter [tilespmem:s13], [sflag:$0x3], $0x80, $0x38;
	[tilespmem:$0x16C00] =	vst v63  }
0x27a: {  	s30 =	sadd.s32 $0x40, s1;
	s31 =	simm.s32 $0x11920  }
0x27b: {  	[hbm4b:s30+s3] =	stream.linear.scatter [tilespmem:s31], [sflag:$0x3], $0x80, $0x38;
	[tilespmem:$0x16C00] =	vst v63  }
0x27c: {  	s10 =	sadd.s32 $0x50, s1;
	s11 =	simm.s32 $0x119A8  }
0x27d: {  	[hbm4b:s10+s3] =	stream.linear.scatter [tilespmem:s11], [sflag:$0x3], $0x80, $0x38;
	[tilespmem:$0x16C00] =	vst v63  }
0x27e: {  	s13 =	sadd.s32 $0x60, s1;
	s30 =	simm.s32 $0x11A30  }
0x27f: {  	[hbm4b:s13+s3] =	stream.linear.scatter [tilespmem:s30], [sflag:$0x3], $0x80, $0x38;
	[tilespmem:$0x16C00] =	vst v63  }
0x280: {  	s1 =	sadd.s32 $0x70, s1;
	s31 =	simm.s32 $0x11AB8  }
0x281: {  	[hbm4b:s1+s3] =	stream.linear.scatter [tilespmem:s31], [sflag:$0x3], $0x80, $0x38;
	[tilespmem:$0x16C00] =	vst v63  }
0x282: {  	s10 =	simm.s32 $0x11B40;
	s1 =	sadd.s32 s0, s7  }
0x283: {  	[hbm4b:s1+s3] =	stream.linear.scatter [tilespmem:s10], [sflag:$0x3], $0x80, $0x38;
	[tilespmem:$0x16C00] =	vst v63  }
0x284: {  	s13 =	simm.s32 $0x11BC8;
	s11 =	sadd.s32 $0x10, s1  }
0x285: {  	[hbm4b:s11+s3] =	stream.linear.scatter [tilespmem:s13], [sflag:$0x3], $0x80, $0x38;
	[tilespmem:$0x16C00] =	vst v63  }
0x286: {  	s31 =	simm.s32 $0x11C50;
	s30 =	sadd.s32 $0x20, s1  }
0x287: {  	[hbm4b:s30+s3] =	stream.linear.scatter [tilespmem:s31], [sflag:$0x3], $0x80, $0x38;
	[tilespmem:$0x16C00] =	vst v63  }
0x288: {  	s11 =	sadd.s32 $0x30, s1;
	s13 =	simm.s32 $0x11CD8  }
0x289: {  	[hbm4b:s11+s3] =	stream.linear.scatter [tilespmem:s13], [sflag:$0x3], $0x80, $0x38;
	[tilespmem:$0x16C00] =	vst v63  }
0x28a: {  	s30 =	sadd.s32 $0x40, s1;
	s31 =	simm.s32 $0x11D60  }
0x28b: {  	[hbm4b:s30+s3] =	stream.linear.scatter [tilespmem:s31], [sflag:$0x3], $0x80, $0x38;
	[tilespmem:$0x16C00] =	vst v63  }
0x28c: {  	s11 =	sadd.s32 $0x50, s1;
	s13 =	simm.s32 $0x11DE8  }
0x28d: {  	[hbm4b:s11+s3] =	stream.linear.scatter [tilespmem:s13], [sflag:$0x3], $0x80, $0x38;
	[tilespmem:$0x16C00] =	vst v63  }
0x28e: {  	s30 =	sadd.s32 $0x60, s1;
	s31 =	simm.s32 $0x11E70  }
0x28f: {  	[hbm4b:s30+s3] =	stream.linear.scatter [tilespmem:s31], [sflag:$0x3], $0x80, $0x38;
	[tilespmem:$0x16C00] =	vst v63  }
0x290: {  	s1 =	sadd.s32 $0x70, s1;
	s11 =	simm.s32 $0x11EF8  }
0x291: {  	[hbm4b:s1+s3] =	stream.linear.scatter [tilespmem:s11], [sflag:$0x3], $0x80, $0x38;
	[tilespmem:$0x16C00] =	vst v63  }
0x292: {  	s13 =	simm.s32 $0x11F80;
	s1 =	sadd.s32 s0, s8  }
0x293: {  	[hbm4b:s1+s3] =	stream.linear.scatter [tilespmem:s13], [sflag:$0x3], $0x80, $0x38;
	[tilespmem:$0x16C00] =	vst v63  }
0x294: {  	s31 =	simm.s32 $0x12008;
	s30 =	sadd.s32 $0x10, s1  }
0x295: {  	[hbm4b:s30+s3] =	stream.linear.scatter [tilespmem:s31], [sflag:$0x3], $0x80, $0x38;
	[tilespmem:$0x16C00] =	vst v63  }
0x296: {  	s11 =	sadd.s32 $0x20, s1;
	s13 =	simm.s32 $0x12090  }
0x297: {  	[hbm4b:s11+s3] =	stream.linear.scatter [tilespmem:s13], [sflag:$0x3], $0x80, $0x38;
	[tilespmem:$0x16C00] =	vst v63  }
0x298: {  	s30 =	sadd.s32 $0x30, s1;
	s31 =	simm.s32 $0x12118  }
0x299: {  	[hbm4b:s30+s3] =	stream.linear.scatter [tilespmem:s31], [sflag:$0x3], $0x80, $0x38;
	[tilespmem:$0x16C00] =	vst v63  }
0x29a: {  	s11 =	sadd.s32 $0x40, s1;
	s13 =	simm.s32 $0x121A0  }
0x29b: {  	[hbm4b:s11+s3] =	stream.linear.scatter [tilespmem:s13], [sflag:$0x3], $0x80, $0x38;
	[tilespmem:$0x16C00] =	vst v63  }
0x29c: {  	s30 =	sadd.s32 $0x50, s1;
	s31 =	simm.s32 $0x12228  }
0x29d: {  	[hbm4b:s30+s3] =	stream.linear.scatter [tilespmem:s31], [sflag:$0x3], $0x80, $0x38;
	[tilespmem:$0x16C00] =	vst v63  }
0x29e: {  	s11 =	sadd.s32 $0x60, s1;
	s13 =	simm.s32 $0x122B0  }
0x29f: {  	[hbm4b:s11+s3] =	stream.linear.scatter [tilespmem:s13], [sflag:$0x3], $0x80, $0x38;
	[tilespmem:$0x16C00] =	vst v63  }
0x2a0: {  	s1 =	sadd.s32 $0x70, s1;
	s30 =	simm.s32 $0x12338  }
0x2a1: {  	[hbm4b:s1+s3] =	stream.linear.scatter [tilespmem:s30], [sflag:$0x3], $0x80, $0x38;
	[tilespmem:$0x16C00] =	vst v63  }
0x2a2: {  	s0 =	sadd.s32 s0, s9;
	s31 =	simm.s32 $0x123C0  }
0x2a3: {  	[hbm4b:s0+s3] =	stream.linear.scatter [tilespmem:s31], [sflag:$0x3], $0x80, $0x38;
	[tilespmem:$0x16C00] =	vst v63  }
0x2a4: {  	s10 =	simm.s32 $0x12448;
	s6 =	sadd.s32 $0x10, s0  }
0x2a5: {  	[hbm4b:s6+s3] =	stream.linear.scatter [tilespmem:s10], [sflag:$0x3], $0x80, $0x38;
	[tilespmem:$0x16C00] =	vst v63  }
0x2a6: {  	s11 =	sadd.s32 $0x20, s0;
	s13 =	simm.s32 $0x124D0  }
0x2a7: {  	[hbm4b:s11+s3] =	stream.linear.scatter [tilespmem:s13], [sflag:$0x3], $0x80, $0x38;
	[tilespmem:$0x16C00] =	vst v63  }
0x2a8: {  	s30 =	sadd.s32 $0x30, s0;
	s31 =	simm.s32 $0x12558  }
0x2a9: {  	[hbm4b:s30+s3] =	stream.linear.scatter [tilespmem:s31], [sflag:$0x3], $0x80, $0x38;
	[tilespmem:$0x16C00] =	vst v63  }
0x2aa: {  	s6 =	sadd.s32 $0x40, s0;
	s10 =	simm.s32 $0x125E0  }
0x2ab: {  	[hbm4b:s6+s3] =	stream.linear.scatter [tilespmem:s10], [sflag:$0x3], $0x80, $0x38;
	[tilespmem:$0x16C00] =	vst v63  }
0x2ac: {  	s11 =	sadd.s32 $0x50, s0;
	s13 =	simm.s32 $0x12668  }
0x2ad: {  	[hbm4b:s11+s3] =	stream.linear.scatter [tilespmem:s13], [sflag:$0x3], $0x80, $0x38;
	[tilespmem:$0x16C00] =	vst v63  }
0x2ae: {  	s29 =	sor.u32 $0x1, s29;
	s30 =	sadd.s32 $0x60, s0;
	s31 =	simm.s32 $0x126F0  }
0x2af: {  	[hbm4b:s30+s3] =	stream.linear.scatter [tilespmem:s31], [sflag:$0x3], $0x80, $0x38;
	[tilespmem:$0x16C00] =	vst v63  }
0x2b0: {  	p1 =	sgt.u32 s29, $0x30;
	s0 =	sadd.s32 $0x70, s0;
	s10 =	simm.s32 $0x12778  }
0x2b1: {  	[hbm4b:s0+s3] =	stream.linear.scatter [tilespmem:s10], [sflag:$0x3], $0x80, $0x38;
	[tilespmem:$0x16C00] =	vst v63  }
0x2b2: {  	s1 =	simm.s32 @!p1 $0x200;
	s6 =	simm.s32 @!p1 $0x6400;
	s0 =	sadd.s32 @!p1 $0x400, s28  }
0x2b3: {  	[tilespmem:s6], [sflag:$0x1] =	stream.indirect.gather @!p1 [hbm4b:s4+s1], $0x20, s0, s1, $0xb8;
	[tilespmem:$0x16C00] =	vst v63  }
0x2b4: {  	_ =	swait.ge [sflag:s14], $0x4000  }
0x2b5: {  	[sflag:s14] =	ssyncset.done $0x0  }
0x2b6: {  	s0 =	simm.s32 @!p0 $0x4;
	[sflag:s14] =	ssyncadd.s32 $0xFFFFC000  }
0x2b7: {  	_ =	swait.ge @!p0 [sflag:s0], $0x400  }
0x2b8: {  	[sflag:s0] =	ssyncset.done @!p0 $0x0  }
0x2b9: {  	[sflag:s0] =	ssyncadd.s32 @!p0 $0xFFFFFC00  }
0x2ba: {  	_ =	swait.ge @!p0 [sflag:s0], $0x400  }
0x2bb: {  	[sflag:s0] =	ssyncset.done @!p0 $0x0  }
0x2bc: {  	[sflag:s0] =	ssyncadd.s32 @!p0 $0xFFFFFC00  }
0x2bd: {  	_ =	swait.ge @!p0 [sflag:s0], $0x400  }
0x2be: {  	[sflag:s0] =	ssyncset.done @!p0 $0x0  }
0x2bf: {  	[sflag:s0] =	ssyncadd.s32 @!p0 $0xFFFFFC00  }
0x2c0: {  	_ =	swait.ge @!p0 [sflag:s0], $0x400  }
0x2c1: {  	[sflag:s0] =	ssyncset.done @!p0 $0x0  }
0x2c2: {  	[sflag:s0] =	ssyncadd.s32 @!p0 $0xFFFFFC00  }
0x2c3: {  	_ =	swait.ge @!p0 [sflag:s0], $0x400  }
0x2c4: {  	[sflag:s0] =	ssyncset.done @!p0 $0x0  }
0x2c5: {  	[sflag:s0] =	ssyncadd.s32 @!p0 $0xFFFFFC00  }
0x2c6: {  	_ =	swait.ge @!p0 [sflag:s0], $0x400  }
0x2c7: {  	[sflag:s0] =	ssyncset.done @!p0 $0x0  }
0x2c8: {  	[sflag:s0] =	ssyncadd.s32 @!p0 $0xFFFFFC00  }
0x2c9: {  	_ =	swait.ge @!p0 [sflag:s0], $0x400  }
0x2ca: {  	[sflag:s0] =	ssyncset.done @!p0 $0x0  }
0x2cb: {  	[sflag:s0] =	ssyncadd.s32 @!p0 $0xFFFFFC00  }
0x2cc: {  	_ =	swait.ge @!p0 [sflag:s0], $0x400  }
0x2cd: {  	[sflag:s0] =	ssyncset.done @!p0 $0x0  }
0x2ce: {  	[sflag:s0] =	ssyncadd.s32 @!p0 $0xFFFFFC00  }
0x2cf: {  	_ =	swait.ge @!p0 [sflag:s0], $0x400  }
0x2d0: {  	[sflag:s0] =	ssyncset.done @!p0 $0x0  }
0x2d1: {  	[sflag:s0] =	ssyncadd.s32 @!p0 $0xFFFFFC00  }
0x2d2: {  	_ =	swait.ge @!p0 [sflag:s0], $0x400  }
0x2d3: {  	[sflag:s0] =	ssyncset.done @!p0 $0x0  }
0x2d4: {  	[sflag:s0] =	ssyncadd.s32 @!p0 $0xFFFFFC00  }
0x2d5: {  	_ =	swait.ge @!p0 [sflag:s0], $0x400  }
0x2d6: {  	[sflag:s0] =	ssyncset.done @!p0 $0x0  }
0x2d7: {  	[sflag:s0] =	ssyncadd.s32 @!p0 $0xFFFFFC00  }
0x2d8: {  	_ =	swait.ge @!p0 [sflag:s0], $0x400  }
0x2d9: {  	[sflag:s0] =	ssyncset.done @!p0 $0x0  }
0x2da: {  	[sflag:s0] =	ssyncadd.s32 @!p0 $0xFFFFFC00  }
0x2db: {  	_ =	swait.ge @!p0 [sflag:s0], $0x400  }
0x2dc: {  	[sflag:s0] =	ssyncset.done @!p0 $0x0  }
0x2dd: {  	[sflag:s0] =	ssyncadd.s32 @!p0 $0xFFFFFC00  }
0x2de: {  	_ =	swait.ge @!p0 [sflag:s0], $0x400  }
0x2df: {  	[sflag:s0] =	ssyncset.done @!p0 $0x0  }
0x2e0: {  	[sflag:s0] =	ssyncadd.s32 @!p0 $0xFFFFFC00  }
0x2e1: {  	_ =	swait.ge @!p0 [sflag:s0], $0x400  }
0x2e2: {  	[sflag:s0] =	ssyncset.done @!p0 $0x0  }
0x2e3: {  	[sflag:s0] =	ssyncadd.s32 @!p0 $0xFFFFFC00  }
0x2e4: {  	s11 =	simm.s32 $0x0;
	_ =	swait.ge @!p0 [sflag:s0], $0x400  }
0x2e5: {  	v8 =	vmov s11;
	[sflag:s0] =	ssyncset.done @!p0 $0x0  }
0x2e6: {  	v8 =	vand.u32 $0x7C, v8;
	s1 =	simm.s32 $0xA440;
	[sflag:s0] =	ssyncadd.s32 @!p0 $0xFFFFFC00  }
0x2e7: {  	v10 =	vadd.s32 v0, v8;
	v9 =	vld [tilespmem:s1+$0xFFFFFFC0]  }
0x2e8: {  	v12 =	vadd.s32 v1, v8;
	v11 =	vld [tilespmem:s1+$0xFFFFFFD0];
	_ =	sdelay $0x2  }
0x2e9: {  	s13 =	simm.s32 $0x1  }
0x2ea: {  	[tilespmem:v10+s17+$0x0] =	vst.idx.msk $0xffff, v9;
	v9 =	vmov s13  }
0x2eb: {  	[tilespmem:v12+s17+$0x0] =	vst.idx.msk $0xffff, v11;
	v9 =	vand.u32 $0x7D, v9  }
0x2ec: {  	v10 =	vld [tilespmem:s1+$0xFFFFFFE0];
	v11 =	vadd.s32 v0, v9  }
0x2ed: {  	v12 =	vld [tilespmem:s1+$0xFFFFFFF0];
	v13 =	vadd.s32 v1, v9;
	_ =	sdelay $0x2  }
0x2ee: {  	s30 =	simm.s32 $0x2  }
0x2ef: {  	[tilespmem:v11+s17+$0x0] =	vst.idx.msk $0xffff, v10;
	v10 =	vmov s30  }
0x2f0: {  	[tilespmem:v13+s17+$0x0] =	vst.idx.msk $0xffff, v12;
	v10 =	vand.u32 $0x7E, v10  }
0x2f1: {  	v11 =	vld [tilespmem:s1+$0x0];
	v12 =	vadd.s32 v0, v10  }
0x2f2: {  	v13 =	vld [tilespmem:s1+$0x10];
	v14 =	vadd.s32 v1, v10;
	_ =	sdelay $0x2  }
0x2f3: {  	s31 =	simm.s32 $0x3  }
0x2f4: {  	[tilespmem:v12+s17+$0x0] =	vst.idx.msk $0xffff, v11;
	v11 =	vmov s31  }
0x2f5: {  	[tilespmem:v14+s17+$0x0] =	vst.idx.msk $0xffff, v13;
	v11 =	vand.u32 $0x7F, v11  }
0x2f6: {  	v15 =	vld [tilespmem:s1+$0x20];
	v16 =	vadd.s32 v0, v11;
	_ =	sdelay $0x1  }
0x2f7: {  	v12 =	vld [tilespmem:s1+$0x30];
	v13 =	vadd.s32 v1, v11;
	_ =	sdelay $0x1  }
0x2f8: {  	s28 =	simm.s32 $0x4  }
0x2f9: {  	s6 =	simm.s32 $0x8;
	s0 =	simm.s32 $0x4;
	v14 =	vmov s28;
	[tilespmem:v16+s17+$0x0] =	vst.idx.msk $0xffff, v15  }
.LBB2_17:
0x2fa: {  	p0 =	slt.u32 s6, $0x7C  }
0x2fb: {  	v14 =	vand.u32 $0x7C, v14;
	[tilespmem:v13+s17+$0x0] =	vst.idx.msk $0xffff, v12;
	s1 =	sadd.s32 $0x80, s1;
	s10 =	smov.u32 s6;
	s6 =	sadd.s32 $0x4, s6  }
0x2fc: {  	v12 =	vld [tilespmem:s1+$0xFFFFFFC0];
	v13 =	vadd.s32 v0, v14  }
0x2fd: {  	v14 =	vadd.s32 v1, v14;
	v15 =	vld [tilespmem:s1+$0xFFFFFFD0];
	_ =	sdelay $0x2  }
0x2fe: {  	s11 =	sadd.s32 $0x1, s0  }
0x2ff: {  	[tilespmem:v13+s17+$0x0] =	vst.idx.msk $0xffff, v12;
	v12 =	vmov s11  }
0x300: {  	[tilespmem:v14+s17+$0x0] =	vst.idx.msk $0xffff, v15;
	v12 =	vand.u32 $0x7D, v12  }
0x301: {  	v13 =	vld [tilespmem:s1+$0xFFFFFFE0];
	v14 =	vadd.s32 v0, v12  }
0x302: {  	v12 =	vadd.s32 v1, v12;
	v15 =	vld [tilespmem:s1+$0xFFFFFFF0];
	_ =	sdelay $0x2  }
0x303: {  	s11 =	sadd.s32 $0x2, s0  }
0x304: {  	[tilespmem:v14+s17+$0x0] =	vst.idx.msk $0xffff, v13;
	v13 =	vmov s11  }
0x305: {  	[tilespmem:v12+s17+$0x0] =	vst.idx.msk $0xffff, v15;
	v12 =	vand.u32 $0x7E, v13  }
0x306: {  	v13 =	vld [tilespmem:s1+$0x0];
	v14 =	vadd.s32 v0, v12  }
0x307: {  	v12 =	vadd.s32 v1, v12;
	v15 =	vld [tilespmem:s1+$0x10];
	_ =	sdelay $0x2  }
0x308: {  	s11 =	sadd.s32 $0x3, s0;
	s0 =	smov.u32 s10  }
0x309: {  	[tilespmem:v14+s17+$0x0] =	vst.idx.msk $0xffff, v13;
	v13 =	vmov s11  }
0x30a: {  	[tilespmem:v12+s17+$0x0] =	vst.idx.msk $0xffff, v15;
	v13 =	vand.u32 $0x7F, v13  }
0x30b: {  	v15 =	vld [tilespmem:s1+$0x20];
	v16 =	vadd.s32 v0, v13  }
.Ltmp10:
0x30c: {  	v13 =	vadd.s32 v1, v13;
	v12 =	vld [tilespmem:s1+$0x30];
	(pc) =	sbr.rel @p0 .LBB2_17-.Ltmp10, $2  }
0x30d: {  	_ =	sdelay $0x2  }
0x30e: {  	v14 =	vmov s0;
	[tilespmem:v16+s17+$0x0] =	vst.idx.msk $0xffff, v15  }
0x30f: {  	_ =	sdelay $0x3  }
0x310: {  	v14 =	vand.u32 $0x7C, v14;
	[tilespmem:v13+s17+$0x0] =	vst.idx.msk $0xffff, v12;
	s1 =	sadd.s32 $0x80, s1  }
0x311: {  	v12 =	vld [tilespmem:s1+$0xFFFFFFC0];
	v50 =	vadd.s32 v0, v14  }
0x312: {  	v15 =	vld [tilespmem:s1+$0xFFFFFFD0];
	v14 =	vadd.s32 v1, v14;
	_ =	sdelay $0x2  }
0x313: {  	s6 =	sadd.s32 $0x1, s0  }
0x314: {  	v51 =	vmov s6;
	[tilespmem:v50+s17+$0x0] =	vst.idx.msk $0xffff, v12  }
0x315: {  	v12 =	vand.u32 $0x7D, v51;
	[tilespmem:v14+s17+$0x0] =	vst.idx.msk $0xffff, v15  }
0x316: {  	v52 =	vadd.s32 v0, v12;
	v13 =	vld [tilespmem:s1+$0xFFFFFFE0]  }
0x317: {  	v12 =	vadd.s32 v1, v12;
	v15 =	vld [tilespmem:s1+$0xFFFFFFF0];
	_ =	sdelay $0x2  }
0x318: {  	s30 =	sadd.s32 $0x2, s0  }
0x319: {  	v53 =	vmov s30;
	[tilespmem:v52+s17+$0x0] =	vst.idx.msk $0xffff, v13  }
0x31a: {  	v54 =	vand.u32 $0x7E, v53;
	[tilespmem:v12+s17+$0x0] =	vst.idx.msk $0xffff, v15  }
0x31b: {  	v56 =	vadd.s32 v0, v54;
	v55 =	vld [tilespmem:s1+$0x0]  }
0x31c: {  	v12 =	vadd.s32 v1, v54;
	v15 =	vld [tilespmem:s1+$0x10];
	_ =	sdelay $0x2  }
0x31d: {  	s31 =	sadd.s32 $0x3, s0  }
0x31e: {  	v57 =	vmov s31;
	[tilespmem:v56+s17+$0x0] =	vst.idx.msk $0xffff, v55  }
0x31f: {  	v58 =	vand.u32 $0x7F, v57;
	[tilespmem:v12+s17+$0x0] =	vst.idx.msk $0xffff, v15  }
0x320: {  	v60 =	vadd.s32 v0, v58;
	v59 =	vld [tilespmem:s1+$0x20]  }
0x321: {  	v12 =	vadd.s32 v1, v58;
	v15 =	vld [tilespmem:s1+$0x30];
	_ =	sdelay $0x3  }
0x322: {  	[tilespmem:v60+s17+$0x0] =	vst.idx.msk $0xffff, v59  }
0x323: {  	s0 =	simm.s32 $0xB470;
	[tilespmem:v12+s17+$0x0] =	vst.idx.msk $0xffff, v15  }
0x324: {  	v61 =	vadd.s32 v2, v8;
	v12 =	vld [tilespmem:s0+$0xFFFFFF90]  }
0x325: {  	v8 =	vadd.s32 v3, v8;
	v14 =	vld [tilespmem:s0+$0xFFFFFFA0];
	_ =	sdelay $0x3  }
0x326: {  	[tilespmem:v61+s17+$0x0] =	vst.idx.msk $0xffff, v12  }
0x327: {  	[tilespmem:v8+s17+$0x0] =	vst.idx.msk $0xffff, v14  }
0x328: {  	v62 =	vadd.s32 v2, v9;
	v8 =	vld [tilespmem:s0+$0xFFFFFFB0]  }
0x329: {  	v9 =	vadd.s32 v3, v9;
	v13 =	vld [tilespmem:s0+$0xFFFFFFC0];
	_ =	sdelay $0x3  }
0x32a: {  	[tilespmem:v62+s17+$0x0] =	vst.idx.msk $0xffff, v8  }
0x32b: {  	[tilespmem:v9+s17+$0x0] =	vst.idx.msk $0xffff, v13  }
0x32c: {  	v9 =	vadd.s32 v2, v10;
	v8 =	vld [tilespmem:s0+$0xFFFFFFD0]  }
0x32d: {  	v10 =	vadd.s32 v3, v10;
	v12 =	vld [tilespmem:s0+$0xFFFFFFE0];
	_ =	sdelay $0x3  }
0x32e: {  	[tilespmem:v9+s17+$0x0] =	vst.idx.msk $0xffff, v8  }
0x32f: {  	[tilespmem:v10+s17+$0x0] =	vst.idx.msk $0xffff, v12  }
0x330: {  	v63 =	vadd.s32 v2, v11;
	v12 =	vld [tilespmem:s0+$0xFFFFFFF0];
	_ =	sdelay $0x1  }
0x331: {  	v9 =	vadd.s32 v3, v11;
	v8 =	vld [tilespmem:s0+$0x0];
	_ =	sdelay $0x2  }
0x332: {  	s1 =	simm.s32 $0x8;
	v10 =	vmov s28;
	[tilespmem:v63+s17+$0x0] =	vst.idx.msk $0xffff, v12  }
.LBB2_19:
0x333: {  	p0 =	slt.u32 s1, $0x7C  }
0x334: {  	v10 =	vand.u32 $0x7C, v10;
	[tilespmem:v9+s17+$0x0] =	vst.idx.msk $0xffff, v8;
	s0 =	sadd.s32 $0x80, s0;
	s6 =	smov.u32 s1;
	s1 =	sadd.s32 $0x4, s1  }
0x335: {  	v8 =	vld [tilespmem:s0+$0xFFFFFF90];
	v9 =	vadd.s32 v2, v10  }
0x336: {  	v10 =	vadd.s32 v3, v10;
	v11 =	vld [tilespmem:s0+$0xFFFFFFA0];
	_ =	sdelay $0x2  }
0x337: {  	s10 =	sadd.s32 $0x1, s28  }
0x338: {  	[tilespmem:v9+s17+$0x0] =	vst.idx.msk $0xffff, v8;
	v8 =	vmov s10  }
0x339: {  	[tilespmem:v10+s17+$0x0] =	vst.idx.msk $0xffff, v11;
	v8 =	vand.u32 $0x7D, v8  }
0x33a: {  	v9 =	vld [tilespmem:s0+$0xFFFFFFB0];
	v10 =	vadd.s32 v2, v8  }
0x33b: {  	v8 =	vadd.s32 v3, v8;
	v11 =	vld [tilespmem:s0+$0xFFFFFFC0];
	_ =	sdelay $0x2  }
0x33c: {  	s10 =	sadd.s32 $0x2, s28  }
0x33d: {  	[tilespmem:v10+s17+$0x0] =	vst.idx.msk $0xffff, v9;
	v9 =	vmov s10  }
0x33e: {  	[tilespmem:v8+s17+$0x0] =	vst.idx.msk $0xffff, v11;
	v8 =	vand.u32 $0x7E, v9  }
0x33f: {  	v9 =	vld [tilespmem:s0+$0xFFFFFFD0];
	v10 =	vadd.s32 v2, v8  }
0x340: {  	v8 =	vadd.s32 v3, v8;
	v11 =	vld [tilespmem:s0+$0xFFFFFFE0];
	_ =	sdelay $0x2  }
0x341: {  	s10 =	sadd.s32 $0x3, s28;
	s28 =	smov.u32 s6  }
0x342: {  	[tilespmem:v10+s17+$0x0] =	vst.idx.msk $0xffff, v9;
	v9 =	vmov s10  }
0x343: {  	[tilespmem:v8+s17+$0x0] =	vst.idx.msk $0xffff, v11;
	v9 =	vand.u32 $0x7F, v9  }
0x344: {  	v11 =	vld [tilespmem:s0+$0xFFFFFFF0];
	v12 =	vadd.s32 v2, v9  }
.Ltmp11:
0x345: {  	v9 =	vadd.s32 v3, v9;
	v8 =	vld [tilespmem:s0+$0x0];
	(pc) =	sbr.rel @p0 .LBB2_19-.Ltmp11, $2  }
0x346: {  	_ =	sdelay $0x2  }
0x347: {  	v10 =	vmov s28;
	[tilespmem:v12+s17+$0x0] =	vst.idx.msk $0xffff, v11  }
0x348: {  	_ =	sdelay $0x3  }
0x349: {  	v10 =	vand.u32 $0x7C, v10;
	[tilespmem:v9+s17+$0x0] =	vst.idx.msk $0xffff, v8;
	s0 =	sadd.s32 $0x80, s0  }
0x34a: {  	v8 =	vld [tilespmem:s0+$0xFFFFFF90];
	v9 =	vadd.s32 v2, v10  }
0x34b: {  	v11 =	vld [tilespmem:s0+$0xFFFFFFA0];
	v10 =	vadd.s32 v3, v10;
	_ =	sdelay $0x2  }
0x34c: {  	s1 =	sadd.s32 $0x1, s28  }
0x34d: {  	[tilespmem:v9+s17+$0x0] =	vst.idx.msk $0xffff, v8;
	v8 =	vmov s1  }
0x34e: {  	[tilespmem:v10+s17+$0x0] =	vst.idx.msk $0xffff, v11;
	v8 =	vand.u32 $0x7D, v8  }
0x34f: {  	v9 =	vld [tilespmem:s0+$0xFFFFFFB0];
	v10 =	vadd.s32 v2, v8  }
0x350: {  	v11 =	vld [tilespmem:s0+$0xFFFFFFC0];
	v8 =	vadd.s32 v3, v8;
	_ =	sdelay $0x2  }
0x351: {  	s13 =	sadd.s32 $0x2, s28  }
0x352: {  	[tilespmem:v10+s17+$0x0] =	vst.idx.msk $0xffff, v9;
	v9 =	vmov s13  }
0x353: {  	[tilespmem:v8+s17+$0x0] =	vst.idx.msk $0xffff, v11;
	v8 =	vand.u32 $0x7E, v9  }
0x354: {  	v9 =	vld [tilespmem:s0+$0xFFFFFFD0];
	v10 =	vadd.s32 v2, v8  }
0x355: {  	v11 =	vld [tilespmem:s0+$0xFFFFFFE0];
	v8 =	vadd.s32 v3, v8;
	_ =	sdelay $0x2  }
0x356: {  	s31 =	sadd.s32 $0x3, s28  }
0x357: {  	[tilespmem:v10+s17+$0x0] =	vst.idx.msk $0xffff, v9;
	v9 =	vmov s31  }
0x358: {  	[tilespmem:v8+s17+$0x0] =	vst.idx.msk $0xffff, v11;
	v8 =	vand.u32 $0x7F, v9  }
0x359: {  	v9 =	vld [tilespmem:s0+$0xFFFFFFF0];
	v10 =	vadd.s32 v2, v8  }
0x35a: {  	p1 =	por $0x1, $0x1;
	v11 =	vld [tilespmem:s0+$0x0];
	v12 =	vadd.s32 v3, v8  }
.Ltmp12:
0x35b: {  	_ = 	snop;
	(pc) =	sbr.rel @!p1 .LBB2_24-.Ltmp12, $4  }
0x35c: {  	_ = 	snop  }
0x35d: {  	s30 =	simm.s32 $0x0  }
0x35e: {  	s28 =	simm.s32 $0x4;
	p0 =	por $0x0, $0x0;
	p2 =	por $0x0, $0x0;
	v8 =	vmov s30;
	[tilespmem:v10+s17+$0x0] =	vst.idx.msk $0xffff, v9  }
0x35f: {  	s1 =	simm.s32 $0xC470;
	s13 =	simm.s32 $0xC470;
	s0 =	simm.s32 $0x0;
	[tilespmem:v12+s17+$0x0] =	vst.idx.msk $0xffff, v11;
	v11 =	vmov v8  }
0x360: {  	v9 =	vand.u32 $0x7C, v8  }
0x361: {  	v10 =	vld [tilespmem:s1+$0xFFFFFF90];
	v11 =	vadd.s32 v4, v9  }
0x362: {  	v12 =	vld [tilespmem:s1+$0xFFFFFFA0];
	v9 =	vadd.s32 v5, v9;
	_ =	sdelay $0x2  }
0x363: {  	s0 =	simm.s32 $0x1  }
0x364: {  	[tilespmem:v11+s17+$0x0] =	vst.idx.msk $0xffff, v10;
	v10 =	vmov s0  }
0x365: {  	[tilespmem:v9+s17+$0x0] =	vst.idx.msk $0xffff, v12;
	v9 =	vand.u32 $0x7D, v10  }
0x366: {  	v10 =	vld [tilespmem:s1+$0xFFFFFFB0];
	v11 =	vadd.s32 v4, v9  }
0x367: {  	v12 =	vld [tilespmem:s1+$0xFFFFFFC0];
	v9 =	vadd.s32 v5, v9;
	_ =	sdelay $0x2  }
0x368: {  	s13 =	simm.s32 $0x2  }
0x369: {  	[tilespmem:v11+s17+$0x0] =	vst.idx.msk $0xffff, v10;
	v10 =	vmov s13  }
0x36a: {  	[tilespmem:v9+s17+$0x0] =	vst.idx.msk $0xffff, v12;
	v9 =	vand.u32 $0x7E, v10  }
0x36b: {  	v10 =	vld [tilespmem:s1+$0xFFFFFFD0];
	v11 =	vadd.s32 v4, v9  }
0x36c: {  	v12 =	vld [tilespmem:s1+$0xFFFFFFE0];
	v9 =	vadd.s32 v5, v9;
	_ =	sdelay $0x2  }
0x36d: {  	s31 =	simm.s32 $0x3  }
0x36e: {  	[tilespmem:v11+s17+$0x0] =	vst.idx.msk $0xffff, v10;
	v10 =	vmov s31  }
0x36f: {  	[tilespmem:v9+s17+$0x0] =	vst.idx.msk $0xffff, v12;
	v10 =	vand.u32 $0x7F, v10  }
0x370: {  	p3 =	por $0x1, $0x1;
	v12 =	vld [tilespmem:s1+$0xFFFFFFF0];
	v13 =	vadd.s32 v4, v10  }
.Ltmp13:
0x371: {  	_ = 	snop;
	(pc) =	sbr.rel @!p3 .LBB2_22-.Ltmp13, $3  }
0x372: {  	v9 =	vld [tilespmem:s1+$0x0];
	v10 =	vadd.s32 v5, v10;
	_ =	sdelay $0x1  }
0x373: {  	s6 =	simm.s32 $0x8  }
0x374: {  	p2 =	por $0x1, $0x1;
	s0 =	simm.s32 $0x4;
	s13 =	simm.s32 $0xC470;
	v11 =	vmov s28;
	[tilespmem:v13+s17+$0x0] =	vst.idx.msk $0xffff, v12  }
.LBB2_23:
0x375: {  	p3 =	slt.u32 s6, $0x7C  }
0x376: {  	v11 =	vand.u32 $0x7C, v11;
	[tilespmem:v10+s17+$0x0] =	vst.idx.msk $0xffff, v9;
	s13 =	sadd.s32 $0x80, s13;
	s10 =	smov.u32 s6;
	s6 =	sadd.s32 $0x4, s6  }
0x377: {  	v9 =	vld [tilespmem:s13+$0xFFFFFF90];
	v10 =	vadd.s32 v4, v11  }
0x378: {  	v11 =	vadd.s32 v5, v11;
	v12 =	vld [tilespmem:s13+$0xFFFFFFA0];
	_ =	sdelay $0x2  }
0x379: {  	s11 =	sadd.s32 $0x1, s0  }
0x37a: {  	[tilespmem:v10+s17+$0x0] =	vst.idx.msk $0xffff, v9;
	v9 =	vmov s11  }
0x37b: {  	[tilespmem:v11+s17+$0x0] =	vst.idx.msk $0xffff, v12;
	v9 =	vand.u32 $0x7D, v9  }
0x37c: {  	v10 =	vld [tilespmem:s13+$0xFFFFFFB0];
	v11 =	vadd.s32 v4, v9  }
0x37d: {  	v9 =	vadd.s32 v5, v9;
	v12 =	vld [tilespmem:s13+$0xFFFFFFC0];
	_ =	sdelay $0x2  }
0x37e: {  	s11 =	sadd.s32 $0x2, s0  }
0x37f: {  	[tilespmem:v11+s17+$0x0] =	vst.idx.msk $0xffff, v10;
	v10 =	vmov s11  }
0x380: {  	[tilespmem:v9+s17+$0x0] =	vst.idx.msk $0xffff, v12;
	v9 =	vand.u32 $0x7E, v10  }
0x381: {  	v10 =	vld [tilespmem:s13+$0xFFFFFFD0];
	v11 =	vadd.s32 v4, v9  }
0x382: {  	v9 =	vadd.s32 v5, v9;
	v12 =	vld [tilespmem:s13+$0xFFFFFFE0];
	_ =	sdelay $0x2  }
0x383: {  	s11 =	sadd.s32 $0x3, s0;
	s0 =	smov.u32 s10  }
0x384: {  	[tilespmem:v11+s17+$0x0] =	vst.idx.msk $0xffff, v10;
	v10 =	vmov s11  }
0x385: {  	[tilespmem:v9+s17+$0x0] =	vst.idx.msk $0xffff, v12;
	v10 =	vand.u32 $0x7F, v10  }
0x386: {  	v12 =	vld [tilespmem:s13+$0xFFFFFFF0];
	v13 =	vadd.s32 v4, v10  }
.Ltmp14:
0x387: {  	v10 =	vadd.s32 v5, v10;
	v9 =	vld [tilespmem:s13+$0x0];
	(pc) =	sbr.rel @p3 .LBB2_23-.Ltmp14, $2  }
0x388: {  	_ =	sdelay $0x2  }
0x389: {  	v11 =	vmov s0;
	[tilespmem:v13+s17+$0x0] =	vst.idx.msk $0xffff, v12  }
.LBB2_24:
0x38a: {  	_ =	sdelay $0x2  }
0x38b: {  	s6 =	sadd.s32 @p2 $0x80, s13  }
0x38c: {  	v11 =	vand.u32 $0x7C, v11;
	[tilespmem:v10+s17+$0x0] =	vst.idx.msk @p2 $0xffff, v9;
	s1 =	smov.u32 @p2 s6  }
0x38d: {  	v10 =	vadd.s32 v4, v11;
	v9 =	vld [tilespmem:s1+$0xFFFFFF90]  }
0x38e: {  	v11 =	vadd.s32 v5, v11;
	v12 =	vld [tilespmem:s1+$0xFFFFFFA0];
	_ =	sdelay $0x2  }
0x38f: {  	s11 =	sadd.s32 $0x1, s0  }
0x390: {  	[tilespmem:v10+s17+$0x0] =	vst.idx.msk $0xffff, v9;
	v9 =	vmov s11  }
0x391: {  	[tilespmem:v11+s17+$0x0] =	vst.idx.msk $0xffff, v12;
	v9 =	vand.u32 $0x7D, v9  }
0x392: {  	v10 =	vld [tilespmem:s1+$0xFFFFFFB0];
	v11 =	vadd.s32 v4, v9  }
0x393: {  	v12 =	vld [tilespmem:s1+$0xFFFFFFC0];
	v9 =	vadd.s32 v5, v9;
	_ =	sdelay $0x2  }
0x394: {  	s13 =	sadd.s32 $0x2, s0  }
0x395: {  	[tilespmem:v11+s17+$0x0] =	vst.idx.msk $0xffff, v10;
	v10 =	vmov s13  }
0x396: {  	[tilespmem:v9+s17+$0x0] =	vst.idx.msk $0xffff, v12;
	v9 =	vand.u32 $0x7E, v10  }
0x397: {  	v10 =	vld [tilespmem:s1+$0xFFFFFFD0];
	v11 =	vadd.s32 v4, v9  }
0x398: {  	v12 =	vld [tilespmem:s1+$0xFFFFFFE0];
	v9 =	vadd.s32 v5, v9;
	_ =	sdelay $0x2  }
0x399: {  	s31 =	sadd.s32 $0x3, s0  }
0x39a: {  	[tilespmem:v11+s17+$0x0] =	vst.idx.msk $0xffff, v10;
	v10 =	vmov s31  }
0x39b: {  	[tilespmem:v9+s17+$0x0] =	vst.idx.msk $0xffff, v12;
	v9 =	vand.u32 $0x7F, v10  }
0x39c: {  	v10 =	vld [tilespmem:s1+$0xFFFFFFF0];
	v11 =	vadd.s32 v4, v9  }
0x39d: {  	v12 =	vld [tilespmem:s1+$0x0];
	v9 =	vadd.s32 v5, v9  }
.Ltmp15:
0x39e: {  	_ = 	snop;
	(pc) =	sbr.rel @!p1 .LBB2_25-.Ltmp15, $3  }
0x39f: {  	_ =	sdelay $0x1  }
0x3a0: {  	[tilespmem:v11+s17+$0x0] =	vst.idx.msk $0xffff, v10  }
0x3a1: {  	s1 =	simm.s32 $0xD470;
	[tilespmem:v9+s17+$0x0] =	vst.idx.msk $0xffff, v12  }
0x3a2: {  	v8 =	vand.u32 $0x7C, v8  }
0x3a3: {  	v9 =	vld [tilespmem:s1+$0xFFFFFF90];
	v10 =	vadd.s32 v6, v8  }
0x3a4: {  	v11 =	vld [tilespmem:s1+$0xFFFFFFA0];
	v8 =	vadd.s32 v7, v8;
	_ =	sdelay $0x2  }
0x3a5: {  	s0 =	simm.s32 $0x1  }
0x3a6: {  	[tilespmem:v10+s17+$0x0] =	vst.idx.msk $0xffff, v9;
	v9 =	vmov s0  }
0x3a7: {  	[tilespmem:v8+s17+$0x0] =	vst.idx.msk $0xffff, v11;
	v8 =	vand.u32 $0x7D, v9  }
0x3a8: {  	v9 =	vld [tilespmem:s1+$0xFFFFFFB0];
	v10 =	vadd.s32 v6, v8  }
0x3a9: {  	v11 =	vld [tilespmem:s1+$0xFFFFFFC0];
	v8 =	vadd.s32 v7, v8;
	_ =	sdelay $0x2  }
0x3aa: {  	s30 =	simm.s32 $0x2  }
0x3ab: {  	[tilespmem:v10+s17+$0x0] =	vst.idx.msk $0xffff, v9;
	v9 =	vmov s30  }
0x3ac: {  	[tilespmem:v8+s17+$0x0] =	vst.idx.msk $0xffff, v11;
	v8 =	vand.u32 $0x7E, v9  }
0x3ad: {  	v9 =	vld [tilespmem:s1+$0xFFFFFFD0];
	v10 =	vadd.s32 v6, v8  }
0x3ae: {  	v11 =	vld [tilespmem:s1+$0xFFFFFFE0];
	v8 =	vadd.s32 v7, v8;
	_ =	sdelay $0x2  }
0x3af: {  	s31 =	simm.s32 $0x3  }
0x3b0: {  	[tilespmem:v10+s17+$0x0] =	vst.idx.msk $0xffff, v9;
	v9 =	vmov s31  }
0x3b1: {  	[tilespmem:v8+s17+$0x0] =	vst.idx.msk $0xffff, v11;
	v8 =	vand.u32 $0x7F, v9  }
0x3b2: {  	p1 =	por $0x1, $0x1;
	v11 =	vld [tilespmem:s1+$0xFFFFFFF0];
	v12 =	vadd.s32 v6, v8  }
.Ltmp16:
0x3b3: {  	_ = 	snop;
	(pc) =	sbr.rel @!p1 .LBB2_27-.Ltmp16, $2  }
0x3b4: {  	v9 =	vld [tilespmem:s1+$0x0];
	v10 =	vadd.s32 v7, v8;
	_ =	sdelay $0x2  }
0x3b5: {  	s6 =	simm.s32 $0x8;
	p0 =	por $0x1, $0x1;
	s0 =	simm.s32 $0xD470;
	v8 =	vmov s28;
	[tilespmem:v12+s17+$0x0] =	vst.idx.msk $0xffff, v11  }
.LBB2_28:
0x3b6: {  	p1 =	slt.u32 s6, $0x7C  }
0x3b7: {  	v8 =	vand.u32 $0x7C, v8;
	[tilespmem:v10+s17+$0x0] =	vst.idx.msk $0xffff, v9;
	s0 =	sadd.s32 $0x80, s0;
	s10 =	smov.u32 s6;
	s6 =	sadd.s32 $0x4, s6  }
0x3b8: {  	v9 =	vld [tilespmem:s0+$0xFFFFFF90];
	v10 =	vadd.s32 v6, v8  }
0x3b9: {  	v8 =	vadd.s32 v7, v8;
	v11 =	vld [tilespmem:s0+$0xFFFFFFA0];
	_ =	sdelay $0x2  }
0x3ba: {  	s11 =	sadd.s32 $0x1, s28  }
0x3bb: {  	[tilespmem:v10+s17+$0x0] =	vst.idx.msk $0xffff, v9;
	v9 =	vmov s11  }
0x3bc: {  	[tilespmem:v8+s17+$0x0] =	vst.idx.msk $0xffff, v11;
	v8 =	vand.u32 $0x7D, v9  }
0x3bd: {  	v9 =	vld [tilespmem:s0+$0xFFFFFFB0];
	v10 =	vadd.s32 v6, v8  }
0x3be: {  	v8 =	vadd.s32 v7, v8;
	v11 =	vld [tilespmem:s0+$0xFFFFFFC0];
	_ =	sdelay $0x2  }
0x3bf: {  	s11 =	sadd.s32 $0x2, s28  }
0x3c0: {  	[tilespmem:v10+s17+$0x0] =	vst.idx.msk $0xffff, v9;
	v9 =	vmov s11  }
0x3c1: {  	[tilespmem:v8+s17+$0x0] =	vst.idx.msk $0xffff, v11;
	v8 =	vand.u32 $0x7E, v9  }
0x3c2: {  	v9 =	vld [tilespmem:s0+$0xFFFFFFD0];
	v10 =	vadd.s32 v6, v8  }
0x3c3: {  	v8 =	vadd.s32 v7, v8;
	v11 =	vld [tilespmem:s0+$0xFFFFFFE0];
	_ =	sdelay $0x2  }
0x3c4: {  	s11 =	sadd.s32 $0x3, s28;
	s28 =	smov.u32 s10  }
0x3c5: {  	[tilespmem:v10+s17+$0x0] =	vst.idx.msk $0xffff, v9;
	v9 =	vmov s11  }
0x3c6: {  	[tilespmem:v8+s17+$0x0] =	vst.idx.msk $0xffff, v11;
	v8 =	vand.u32 $0x7F, v9  }
0x3c7: {  	v11 =	vld [tilespmem:s0+$0xFFFFFFF0];
	v12 =	vadd.s32 v6, v8  }
.Ltmp17:
0x3c8: {  	v10 =	vadd.s32 v7, v8;
	v9 =	vld [tilespmem:s0+$0x0];
	(pc) =	sbr.rel @p1 .LBB2_28-.Ltmp17, $2  }
0x3c9: {  	_ =	sdelay $0x2  }
0x3ca: {  	v8 =	vmov s28;
	[tilespmem:v12+s17+$0x0] =	vst.idx.msk $0xffff, v11  }
0x3cb: {  	s30 =	smov.u32 s28  }
.LBB2_30:
0x3cc: {  	_ =	sdelay $0x2  }
0x3cd: {  	s0 =	sadd.s32 @p0 $0x80, s0  }
0x3ce: {  	v8 =	vand.u32 $0x7C, v8;
	[tilespmem:v10+s17+$0x0] =	vst.idx.msk @p0 $0xffff, v9;
	s1 =	smov.u32 @p0 s0  }
0x3cf: {  	v54 =	vadd.s32 v6, v8;
	v9 =	vld [tilespmem:s1+$0xFFFFFF90]  }
0x3d0: {  	v8 =	vadd.s32 v7, v8;
	v11 =	vld [tilespmem:s1+$0xFFFFFFA0];
	_ =	sdelay $0x2  }
0x3d1: {  	s13 =	sadd.s32 $0x1, s30  }
0x3d2: {  	v55 =	vmov s13;
	[tilespmem:v54+s17+$0x0] =	vst.idx.msk $0xffff, v9  }
0x3d3: {  	[tilespmem:v8+s17+$0x0] =	vst.idx.msk $0xffff, v11;
	v8 =	vand.u32 $0x7D, v55  }
0x3d4: {  	v56 =	vld [tilespmem:s1+$0xFFFFFFB0];
	v57 =	vadd.s32 v6, v8  }
0x3d5: {  	v11 =	vld [tilespmem:s1+$0xFFFFFFC0];
	v8 =	vadd.s32 v7, v8;
	_ =	sdelay $0x2  }
0x3d6: {  	s28 =	sadd.s32 $0x2, s30  }
0x3d7: {  	v58 =	vmov s28;
	[tilespmem:v57+s17+$0x0] =	vst.idx.msk $0xffff, v56  }
0x3d8: {  	[tilespmem:v8+s17+$0x0] =	vst.idx.msk $0xffff, v11;
	v8 =	vand.u32 $0x7E, v58  }
0x3d9: {  	v59 =	vld [tilespmem:s1+$0xFFFFFFD0];
	v60 =	vadd.s32 v6, v8  }
0x3da: {  	v11 =	vld [tilespmem:s1+$0xFFFFFFE0];
	v8 =	vadd.s32 v7, v8;
	_ =	sdelay $0x2  }
0x3db: {  	s31 =	sadd.s32 $0x3, s30  }
0x3dc: {  	v61 =	vmov s31;
	[tilespmem:v60+s17+$0x0] =	vst.idx.msk $0xffff, v59  }
0x3dd: {  	[tilespmem:v8+s17+$0x0] =	vst.idx.msk $0xffff, v11;
	v8 =	vand.u32 $0x7F, v61  }
0x3de: {  	s6 =	sshll.u32 s29, $0x2;
	v62 =	vld [tilespmem:s1+$0xFFFFFFF0];
	v63 =	vadd.s32 v6, v8  }
0x3df: {  	s0 =	sadd.s32 s5, s6;
	v11 =	vld [tilespmem:s1+$0x0];
	v8 =	vadd.s32 v7, v8  }
0x3e0: {  	s10 =	sshll.u32 s0, $0xC;
	s0 =	sshll.u32 s0, $0xA  }
0x3e1: {  	s0 =	sand.u32 $0x7000, s0;
	s1 =	sand.u32 $0x7FFE0000, s10  }
0x3e2: {  	s0 =	sor.u32 s0, s1  }
0x3e3: {  	s28 =	sshrl.u32 s0, $0x3;
	[tilespmem:v63+s17+$0x0] =	vst.idx.msk $0xffff, v62  }
0x3e4: {  	s0 =	sadd.s32 s2, s28;
	[tilespmem:v8+s17+$0x0] =	vst.idx.msk $0xffff, v11  }
0x3e5: {  	[hbm4b:s0+s3] =	stream.linear.scatter [tilespmem:s17], [sflag:$0x4], $0x80, $0x38;
	[tilespmem:$0x16C00] =	vst v63  }
0x3e6: {  	s6 =	simm.s32 $0x12888;
	s11 =	sadd.s32 $0x10, s0  }
0x3e7: {  	[hbm4b:s11+s3] =	stream.linear.scatter [tilespmem:s6], [sflag:$0x4], $0x80, $0x38;
	[tilespmem:$0x16C00] =	vst v63  }
0x3e8: {  	s29 =	simm.s32 $0x12910;
	s13 =	sadd.s32 $0x20, s0  }
0x3e9: {  	[hbm4b:s13+s3] =	stream.linear.scatter [tilespmem:s29], [sflag:$0x4], $0x80, $0x38;
	[tilespmem:$0x16C00] =	vst v63  }
0x3ea: {  	s31 =	simm.s32 $0x12998;
	s30 =	sadd.s32 $0x30, s0  }
0x3eb: {  	[hbm4b:s30+s3] =	stream.linear.scatter [tilespmem:s31], [sflag:$0x4], $0x80, $0x38;
	[tilespmem:$0x16C00] =	vst v63  }
0x3ec: {  	s10 =	simm.s32 $0x12A20;
	s6 =	sadd.s32 $0x40, s0  }
0x3ed: {  	[hbm4b:s6+s3] =	stream.linear.scatter [tilespmem:s10], [sflag:$0x4], $0x80, $0x38;
	[tilespmem:$0x16C00] =	vst v63  }
0x3ee: {  	s11 =	sadd.s32 $0x50, s0;
	s13 =	simm.s32 $0x12AA8  }
0x3ef: {  	[hbm4b:s11+s3] =	stream.linear.scatter [tilespmem:s13], [sflag:$0x4], $0x80, $0x38;
	[tilespmem:$0x16C00] =	vst v63  }
0x3f0: {  	s29 =	sadd.s32 $0x60, s0;
	s30 =	simm.s32 $0x12B30  }
0x3f1: {  	[hbm4b:s29+s3] =	stream.linear.scatter [tilespmem:s30], [sflag:$0x4], $0x80, $0x38;
	[tilespmem:$0x16C00] =	vst v63  }
0x3f2: {  	s0 =	sadd.s32 $0x70, s0;
	s31 =	simm.s32 $0x12BB8  }
0x3f3: {  	[hbm4b:s0+s3] =	stream.linear.scatter [tilespmem:s31], [sflag:$0x4], $0x80, $0x38;
	[tilespmem:$0x16C00] =	vst v63  }
0x3f4: {  	s6 =	simm.s32 $0x12C40;
	s0 =	sadd.s32 s28, s7  }
0x3f5: {  	[hbm4b:s0+s3] =	stream.linear.scatter [tilespmem:s6], [sflag:$0x4], $0x80, $0x38;
	[tilespmem:$0x16C00] =	vst v63  }
0x3f6: {  	s11 =	simm.s32 $0x12CC8;
	s10 =	sadd.s32 $0x10, s0  }
0x3f7: {  	[hbm4b:s10+s3] =	stream.linear.scatter [tilespmem:s11], [sflag:$0x4], $0x80, $0x38;
	[tilespmem:$0x16C00] =	vst v63  }
0x3f8: {  	s29 =	simm.s32 $0x12D50;
	s13 =	sadd.s32 $0x20, s0  }
0x3f9: {  	[hbm4b:s13+s3] =	stream.linear.scatter [tilespmem:s29], [sflag:$0x4], $0x80, $0x38;
	[tilespmem:$0x16C00] =	vst v63  }
0x3fa: {  	s31 =	simm.s32 $0x12DD8;
	s30 =	sadd.s32 $0x30, s0  }
0x3fb: {  	[hbm4b:s30+s3] =	stream.linear.scatter [tilespmem:s31], [sflag:$0x4], $0x80, $0x38;
	[tilespmem:$0x16C00] =	vst v63  }
0x3fc: {  	s10 =	sadd.s32 $0x40, s0;
	s11 =	simm.s32 $0x12E60  }
0x3fd: {  	[hbm4b:s10+s3] =	stream.linear.scatter [tilespmem:s11], [sflag:$0x4], $0x80, $0x38;
	[tilespmem:$0x16C00] =	vst v63  }
0x3fe: {  	s13 =	sadd.s32 $0x50, s0;
	s29 =	simm.s32 $0x12EE8  }
0x3ff: {  	[hbm4b:s13+s3] =	stream.linear.scatter [tilespmem:s29], [sflag:$0x4], $0x80, $0x38;
	[tilespmem:$0x16C00] =	vst v63  }
0x400: {  	s30 =	sadd.s32 $0x60, s0;
	s31 =	simm.s32 $0x12F70  }
0x401: {  	[hbm4b:s30+s3] =	stream.linear.scatter [tilespmem:s31], [sflag:$0x4], $0x80, $0x38;
	[tilespmem:$0x16C00] =	vst v63  }
0x402: {  	s0 =	sadd.s32 $0x70, s0;
	s10 =	simm.s32 $0x12FF8  }
0x403: {  	[hbm4b:s0+s3] =	stream.linear.scatter [tilespmem:s10], [sflag:$0x4], $0x80, $0x38;
	[tilespmem:$0x16C00] =	vst v63  }
0x404: {  	s11 =	simm.s32 $0x13080;
	s0 =	sadd.s32 s28, s8  }
0x405: {  	[hbm4b:s0+s3] =	stream.linear.scatter [tilespmem:s11], [sflag:$0x4], $0x80, $0x38;
	[tilespmem:$0x16C00] =	vst v63  }
0x406: {  	s29 =	simm.s32 $0x13108;
	s13 =	sadd.s32 $0x10, s0  }
0x407: {  	[hbm4b:s13+s3] =	stream.linear.scatter [tilespmem:s29], [sflag:$0x4], $0x80, $0x38;
	[tilespmem:$0x16C00] =	vst v63  }
0x408: {  	s31 =	simm.s32 $0x13190;
	s30 =	sadd.s32 $0x20, s0  }
0x409: {  	[hbm4b:s30+s3] =	stream.linear.scatter [tilespmem:s31], [sflag:$0x4], $0x80, $0x38;
	[tilespmem:$0x16C00] =	vst v63  }
0x40a: {  	s10 =	sadd.s32 $0x30, s0;
	s11 =	simm.s32 $0x13218  }
0x40b: {  	[hbm4b:s10+s3] =	stream.linear.scatter [tilespmem:s11], [sflag:$0x4], $0x80, $0x38;
	[tilespmem:$0x16C00] =	vst v63  }
0x40c: {  	s13 =	sadd.s32 $0x40, s0;
	s29 =	simm.s32 $0x132A0  }
0x40d: {  	[hbm4b:s13+s3] =	stream.linear.scatter [tilespmem:s29], [sflag:$0x4], $0x80, $0x38;
	[tilespmem:$0x16C00] =	vst v63  }
0x40e: {  	s30 =	sadd.s32 $0x50, s0;
	s31 =	simm.s32 $0x13328  }
0x40f: {  	[hbm4b:s30+s3] =	stream.linear.scatter [tilespmem:s31], [sflag:$0x4], $0x80, $0x38;
	[tilespmem:$0x16C00] =	vst v63  }
0x410: {  	s10 =	sadd.s32 $0x60, s0;
	s11 =	simm.s32 $0x133B0  }
0x411: {  	[hbm4b:s10+s3] =	stream.linear.scatter [tilespmem:s11], [sflag:$0x4], $0x80, $0x38;
	[tilespmem:$0x16C00] =	vst v63  }
0x412: {  	s0 =	sadd.s32 $0x70, s0;
	s13 =	simm.s32 $0x13438  }
0x413: {  	[hbm4b:s0+s3] =	stream.linear.scatter [tilespmem:s13], [sflag:$0x4], $0x80, $0x38;
	[tilespmem:$0x16C00] =	vst v63  }
0x414: {  	s29 =	simm.s32 $0x134C0;
	s0 =	sadd.s32 s28, s9  }
0x415: {  	[hbm4b:s0+s3] =	stream.linear.scatter [tilespmem:s29], [sflag:$0x4], $0x80, $0x38;
	[tilespmem:$0x16C00] =	vst v63  }
0x416: {  	s31 =	simm.s32 $0x13548;
	s30 =	sadd.s32 $0x10, s0  }
0x417: {  	[hbm4b:s30+s3] =	stream.linear.scatter [tilespmem:s31], [sflag:$0x4], $0x80, $0x38;
	[tilespmem:$0x16C00] =	vst v63  }
0x418: {  	s11 =	simm.s32 $0x135D0;
	s10 =	sadd.s32 $0x20, s0  }
0x419: {  	[hbm4b:s10+s3] =	stream.linear.scatter [tilespmem:s11], [sflag:$0x4], $0x80, $0x38;
	[tilespmem:$0x16C00] =	vst v63  }
0x41a: {  	s13 =	sadd.s32 $0x30, s0;
	s29 =	simm.s32 $0x13658  }
0x41b: {  	[hbm4b:s13+s3] =	stream.linear.scatter [tilespmem:s29], [sflag:$0x4], $0x80, $0x38;
	[tilespmem:$0x16C00] =	vst v63  }
0x41c: {  	s30 =	sadd.s32 $0x40, s0;
	s31 =	simm.s32 $0x136E0  }
0x41d: {  	[hbm4b:s30+s3] =	stream.linear.scatter [tilespmem:s31], [sflag:$0x4], $0x80, $0x38;
	[tilespmem:$0x16C00] =	vst v63  }
0x41e: {  	s6 =	sadd.s32 $0x50, s0;
	s10 =	simm.s32 $0x13768  }
0x41f: {  	[hbm4b:s6+s3] =	stream.linear.scatter [tilespmem:s10], [sflag:$0x4], $0x80, $0x38;
	[tilespmem:$0x16C00] =	vst v63  }
0x420: {  	s11 =	sadd.s32 $0x60, s0;
	s13 =	simm.s32 $0x137F0  }
0x421: {  	[hbm4b:s11+s3] =	stream.linear.scatter [tilespmem:s13], [sflag:$0x4], $0x80, $0x38;
	[tilespmem:$0x16C00] =	vst v63  }
0x422: {  	s0 =	sadd.s32 $0x70, s0;
	s29 =	simm.s32 $0x13878  }
0x423: {  	[hbm4b:s0+s3] =	stream.linear.scatter [tilespmem:s29], [sflag:$0x4], $0x80, $0x38;
	[tilespmem:$0x16C00] =	vst v63  }
0x424: {  	s0 =	sor.u32 $0x80, s28  }
0x425: {  	s30 =	simm.s32 $0x13900;
	s1 =	sadd.s32 s2, s0  }
0x426: {  	[hbm4b:s1+s3] =	stream.linear.scatter [tilespmem:s30], [sflag:$0x4], $0x80, $0x38;
	[tilespmem:$0x16C00] =	vst v63  }
0x427: {  	s10 =	simm.s32 $0x13988;
	s31 =	sadd.s32 $0x10, s1  }
0x428: {  	[hbm4b:s31+s3] =	stream.linear.scatter [tilespmem:s10], [sflag:$0x4], $0x80, $0x38;
	[tilespmem:$0x16C00] =	vst v63  }
0x429: {  	s11 =	simm.s32 $0x13A10;
	s10 =	sadd.s32 $0x20, s1  }
0x42a: {  	[hbm4b:s10+s3] =	stream.linear.scatter [tilespmem:s11], [sflag:$0x4], $0x80, $0x38;
	[tilespmem:$0x16C00] =	vst v63  }
0x42b: {  	s29 =	simm.s32 $0x13A98;
	s13 =	sadd.s32 $0x30, s1  }
0x42c: {  	[hbm4b:s13+s3] =	stream.linear.scatter [tilespmem:s29], [sflag:$0x4], $0x80, $0x38;
	[tilespmem:$0x16C00] =	vst v63  }
0x42d: {  	s30 =	sadd.s32 $0x40, s1;
	s31 =	simm.s32 $0x13B20  }
0x42e: {  	[hbm4b:s30+s3] =	stream.linear.scatter [tilespmem:s31], [sflag:$0x4], $0x80, $0x38;
	[tilespmem:$0x16C00] =	vst v63  }
0x42f: {  	s10 =	sadd.s32 $0x50, s1;
	s11 =	simm.s32 $0x13BA8  }
0x430: {  	[hbm4b:s10+s3] =	stream.linear.scatter [tilespmem:s11], [sflag:$0x4], $0x80, $0x38;
	[tilespmem:$0x16C00] =	vst v63  }
0x431: {  	s13 =	sadd.s32 $0x60, s1;
	s29 =	simm.s32 $0x13C30  }
0x432: {  	[hbm4b:s13+s3] =	stream.linear.scatter [tilespmem:s29], [sflag:$0x4], $0x80, $0x38;
	[tilespmem:$0x16C00] =	vst v63  }
0x433: {  	s1 =	sadd.s32 $0x70, s1;
	s30 =	simm.s32 $0x13CB8  }
0x434: {  	[hbm4b:s1+s3] =	stream.linear.scatter [tilespmem:s30], [sflag:$0x4], $0x80, $0x38;
	[tilespmem:$0x16C00] =	vst v63  }
0x435: {  	s31 =	simm.s32 $0x13D40;
	s1 =	sadd.s32 s0, s7  }
0x436: {  	[hbm4b:s1+s3] =	stream.linear.scatter [tilespmem:s31], [sflag:$0x4], $0x80, $0x38;
	[tilespmem:$0x16C00] =	vst v63  }
0x437: {  	s11 =	simm.s32 $0x13DC8;
	s10 =	sadd.s32 $0x10, s1  }
0x438: {  	[hbm4b:s10+s3] =	stream.linear.scatter [tilespmem:s11], [sflag:$0x4], $0x80, $0x38;
	[tilespmem:$0x16C00] =	vst v63  }
0x439: {  	s29 =	simm.s32 $0x13E50;
	s13 =	sadd.s32 $0x20, s1  }
0x43a: {  	[hbm4b:s13+s3] =	stream.linear.scatter [tilespmem:s29], [sflag:$0x4], $0x80, $0x38;
	[tilespmem:$0x16C00] =	vst v63  }
0x43b: {  	s30 =	sadd.s32 $0x30, s1;
	s31 =	simm.s32 $0x13ED8  }
0x43c: {  	[hbm4b:s30+s3] =	stream.linear.scatter [tilespmem:s31], [sflag:$0x4], $0x80, $0x38;
	[tilespmem:$0x16C00] =	vst v63  }
0x43d: {  	s10 =	sadd.s32 $0x40, s1;
	s11 =	simm.s32 $0x13F60  }
0x43e: {  	[hbm4b:s10+s3] =	stream.linear.scatter [tilespmem:s11], [sflag:$0x4], $0x80, $0x38;
	[tilespmem:$0x16C00] =	vst v63  }
0x43f: {  	s13 =	sadd.s32 $0x50, s1;
	s29 =	simm.s32 $0x13FE8  }
0x440: {  	[hbm4b:s13+s3] =	stream.linear.scatter [tilespmem:s29], [sflag:$0x4], $0x80, $0x38;
	[tilespmem:$0x16C00] =	vst v63  }
0x441: {  	s30 =	sadd.s32 $0x60, s1;
	s31 =	simm.s32 $0x14070  }
0x442: {  	[hbm4b:s30+s3] =	stream.linear.scatter [tilespmem:s31], [sflag:$0x4], $0x80, $0x38;
	[tilespmem:$0x16C00] =	vst v63  }
0x443: {  	s1 =	sadd.s32 $0x70, s1;
	s10 =	simm.s32 $0x140F8  }
0x444: {  	[hbm4b:s1+s3] =	stream.linear.scatter [tilespmem:s10], [sflag:$0x4], $0x80, $0x38;
	[tilespmem:$0x16C00] =	vst v63  }
0x445: {  	s11 =	simm.s32 $0x14180;
	s1 =	sadd.s32 s0, s8  }
0x446: {  	[hbm4b:s1+s3] =	stream.linear.scatter [tilespmem:s11], [sflag:$0x4], $0x80, $0x38;
	[tilespmem:$0x16C00] =	vst v63  }
0x447: {  	s29 =	simm.s32 $0x14208;
	s13 =	sadd.s32 $0x10, s1  }
0x448: {  	[hbm4b:s13+s3] =	stream.linear.scatter [tilespmem:s29], [sflag:$0x4], $0x80, $0x38;
	[tilespmem:$0x16C00] =	vst v63  }
0x449: {  	s31 =	simm.s32 $0x14290;
	s30 =	sadd.s32 $0x20, s1  }
0x44a: {  	[hbm4b:s30+s3] =	stream.linear.scatter [tilespmem:s31], [sflag:$0x4], $0x80, $0x38;
	[tilespmem:$0x16C00] =	vst v63  }
0x44b: {  	s10 =	sadd.s32 $0x30, s1;
	s11 =	simm.s32 $0x14318  }
0x44c: {  	[hbm4b:s10+s3] =	stream.linear.scatter [tilespmem:s11], [sflag:$0x4], $0x80, $0x38;
	[tilespmem:$0x16C00] =	vst v63  }
0x44d: {  	s13 =	sadd.s32 $0x40, s1;
	s29 =	simm.s32 $0x143A0  }
0x44e: {  	[hbm4b:s13+s3] =	stream.linear.scatter [tilespmem:s29], [sflag:$0x4], $0x80, $0x38;
	[tilespmem:$0x16C00] =	vst v63  }
0x44f: {  	s30 =	sadd.s32 $0x50, s1;
	s31 =	simm.s32 $0x14428  }
0x450: {  	[hbm4b:s30+s3] =	stream.linear.scatter [tilespmem:s31], [sflag:$0x4], $0x80, $0x38;
	[tilespmem:$0x16C00] =	vst v63  }
0x451: {  	s10 =	sadd.s32 $0x60, s1;
	s11 =	simm.s32 $0x144B0  }
0x452: {  	[hbm4b:s10+s3] =	stream.linear.scatter [tilespmem:s11], [sflag:$0x4], $0x80, $0x38;
	[tilespmem:$0x16C00] =	vst v63  }
0x453: {  	s1 =	sadd.s32 $0x70, s1;
	s13 =	simm.s32 $0x14538  }
0x454: {  	[hbm4b:s1+s3] =	stream.linear.scatter [tilespmem:s13], [sflag:$0x4], $0x80, $0x38;
	[tilespmem:$0x16C00] =	vst v63  }
0x455: {  	s0 =	sadd.s32 s0, s9;
	s29 =	simm.s32 $0x145C0  }
0x456: {  	[hbm4b:s0+s3] =	stream.linear.scatter [tilespmem:s29], [sflag:$0x4], $0x80, $0x38;
	[tilespmem:$0x16C00] =	vst v63  }
0x457: {  	s30 =	sadd.s32 $0x10, s0;
	s31 =	simm.s32 $0x14648  }
0x458: {  	[hbm4b:s30+s3] =	stream.linear.scatter [tilespmem:s31], [sflag:$0x4], $0x80, $0x38;
	[tilespmem:$0x16C00] =	vst v63  }
0x459: {  	s10 =	sadd.s32 $0x20, s0;
	s11 =	simm.s32 $0x146D0  }
0x45a: {  	[hbm4b:s10+s3] =	stream.linear.scatter [tilespmem:s11], [sflag:$0x4], $0x80, $0x38;
	[tilespmem:$0x16C00] =	vst v63  }
0x45b: {  	s13 =	sadd.s32 $0x30, s0;
	s29 =	simm.s32 $0x14758  }
0x45c: {  	[hbm4b:s13+s3] =	stream.linear.scatter [tilespmem:s29], [sflag:$0x4], $0x80, $0x38;
	[tilespmem:$0x16C00] =	vst v63  }
0x45d: {  	s30 =	sadd.s32 $0x40, s0;
	s31 =	simm.s32 $0x147E0  }
0x45e: {  	[hbm4b:s30+s3] =	stream.linear.scatter [tilespmem:s31], [sflag:$0x4], $0x80, $0x38;
	[tilespmem:$0x16C00] =	vst v63  }
0x45f: {  	s10 =	sadd.s32 $0x50, s0;
	s11 =	simm.s32 $0x14868  }
0x460: {  	[hbm4b:s10+s3] =	stream.linear.scatter [tilespmem:s11], [sflag:$0x4], $0x80, $0x38;
	[tilespmem:$0x16C00] =	vst v63  }
0x461: {  	s13 =	sadd.s32 $0x60, s0;
	s29 =	simm.s32 $0x148F0  }
0x462: {  	[hbm4b:s13+s3] =	stream.linear.scatter [tilespmem:s29], [sflag:$0x4], $0x80, $0x38;
	[tilespmem:$0x16C00] =	vst v63  }
0x463: {  	s0 =	sadd.s32 $0x70, s0;
	s30 =	simm.s32 $0x14978  }
0x464: {  	[hbm4b:s0+s3] =	stream.linear.scatter [tilespmem:s30], [sflag:$0x4], $0x80, $0x38;
	[tilespmem:$0x16C00] =	vst v63  }
0x465: {  	s0 =	sor.u32 $0x100, s28  }
0x466: {  	s31 =	simm.s32 $0x14A00;
	s1 =	sadd.s32 s2, s0  }
0x467: {  	[hbm4b:s1+s3] =	stream.linear.scatter [tilespmem:s31], [sflag:$0x4], $0x80, $0x38;
	[tilespmem:$0x16C00] =	vst v63  }
0x468: {  	s11 =	simm.s32 $0x14A88;
	s10 =	sadd.s32 $0x10, s1  }
0x469: {  	[hbm4b:s10+s3] =	stream.linear.scatter [tilespmem:s11], [sflag:$0x4], $0x80, $0x38;
	[tilespmem:$0x16C00] =	vst v63  }
0x46a: {  	s29 =	simm.s32 $0x14B10;
	s13 =	sadd.s32 $0x20, s1  }
0x46b: {  	[hbm4b:s13+s3] =	stream.linear.scatter [tilespmem:s29], [sflag:$0x4], $0x80, $0x38;
	[tilespmem:$0x16C00] =	vst v63  }
0x46c: {  	s30 =	sadd.s32 $0x30, s1;
	s31 =	simm.s32 $0x14B98  }
0x46d: {  	[hbm4b:s30+s3] =	stream.linear.scatter [tilespmem:s31], [sflag:$0x4], $0x80, $0x38;
	[tilespmem:$0x16C00] =	vst v63  }
0x46e: {  	s10 =	sadd.s32 $0x40, s1;
	s11 =	simm.s32 $0x14C20  }
0x46f: {  	[hbm4b:s10+s3] =	stream.linear.scatter [tilespmem:s11], [sflag:$0x4], $0x80, $0x38;
	[tilespmem:$0x16C00] =	vst v63  }
0x470: {  	s13 =	sadd.s32 $0x50, s1;
	s29 =	simm.s32 $0x14CA8  }
0x471: {  	[hbm4b:s13+s3] =	stream.linear.scatter [tilespmem:s29], [sflag:$0x4], $0x80, $0x38;
	[tilespmem:$0x16C00] =	vst v63  }
0x472: {  	s30 =	sadd.s32 $0x60, s1;
	s31 =	simm.s32 $0x14D30  }
0x473: {  	[hbm4b:s30+s3] =	stream.linear.scatter [tilespmem:s31], [sflag:$0x4], $0x80, $0x38;
	[tilespmem:$0x16C00] =	vst v63  }
0x474: {  	s1 =	sadd.s32 $0x70, s1;
	s10 =	simm.s32 $0x14DB8  }
0x475: {  	[hbm4b:s1+s3] =	stream.linear.scatter [tilespmem:s10], [sflag:$0x4], $0x80, $0x38;
	[tilespmem:$0x16C00] =	vst v63  }
0x476: {  	s11 =	simm.s32 $0x14E40;
	s1 =	sadd.s32 s0, s7  }
0x477: {  	[hbm4b:s1+s3] =	stream.linear.scatter [tilespmem:s11], [sflag:$0x4], $0x80, $0x38;
	[tilespmem:$0x16C00] =	vst v63  }
0x478: {  	s29 =	simm.s32 $0x14EC8;
	s13 =	sadd.s32 $0x10, s1  }
0x479: {  	[hbm4b:s13+s3] =	stream.linear.scatter [tilespmem:s29], [sflag:$0x4], $0x80, $0x38;
	[tilespmem:$0x16C00] =	vst v63  }
0x47a: {  	s31 =	simm.s32 $0x14F50;
	s30 =	sadd.s32 $0x20, s1  }
0x47b: {  	[hbm4b:s30+s3] =	stream.linear.scatter [tilespmem:s31], [sflag:$0x4], $0x80, $0x38;
	[tilespmem:$0x16C00] =	vst v63  }
0x47c: {  	s10 =	sadd.s32 $0x30, s1;
	s11 =	simm.s32 $0x14FD8  }
0x47d: {  	[hbm4b:s10+s3] =	stream.linear.scatter [tilespmem:s11], [sflag:$0x4], $0x80, $0x38;
	[tilespmem:$0x16C00] =	vst v63  }
0x47e: {  	s13 =	sadd.s32 $0x40, s1;
	s29 =	simm.s32 $0x15060  }
0x47f: {  	[hbm4b:s13+s3] =	stream.linear.scatter [tilespmem:s29], [sflag:$0x4], $0x80, $0x38;
	[tilespmem:$0x16C00] =	vst v63  }
0x480: {  	s30 =	sadd.s32 $0x50, s1;
	s31 =	simm.s32 $0x150E8  }
0x481: {  	[hbm4b:s30+s3] =	stream.linear.scatter [tilespmem:s31], [sflag:$0x4], $0x80, $0x38;
	[tilespmem:$0x16C00] =	vst v63  }
0x482: {  	s10 =	sadd.s32 $0x60, s1;
	s11 =	simm.s32 $0x15170  }
0x483: {  	[hbm4b:s10+s3] =	stream.linear.scatter [tilespmem:s11], [sflag:$0x4], $0x80, $0x38;
	[tilespmem:$0x16C00] =	vst v63  }
0x484: {  	s1 =	sadd.s32 $0x70, s1;
	s13 =	simm.s32 $0x151F8  }
0x485: {  	[hbm4b:s1+s3] =	stream.linear.scatter [tilespmem:s13], [sflag:$0x4], $0x80, $0x38;
	[tilespmem:$0x16C00] =	vst v63  }
0x486: {  	s29 =	simm.s32 $0x15280;
	s1 =	sadd.s32 s0, s8  }
0x487: {  	[hbm4b:s1+s3] =	stream.linear.scatter [tilespmem:s29], [sflag:$0x4], $0x80, $0x38;
	[tilespmem:$0x16C00] =	vst v63  }
0x488: {  	s31 =	simm.s32 $0x15308;
	s30 =	sadd.s32 $0x10, s1  }
0x489: {  	[hbm4b:s30+s3] =	stream.linear.scatter [tilespmem:s31], [sflag:$0x4], $0x80, $0x38;
	[tilespmem:$0x16C00] =	vst v63  }
0x48a: {  	s11 =	simm.s32 $0x15390;
	s10 =	sadd.s32 $0x20, s1  }
0x48b: {  	[hbm4b:s10+s3] =	stream.linear.scatter [tilespmem:s11], [sflag:$0x4], $0x80, $0x38;
	[tilespmem:$0x16C00] =	vst v63  }
0x48c: {  	s13 =	sadd.s32 $0x30, s1;
	s29 =	simm.s32 $0x15418  }
0x48d: {  	[hbm4b:s13+s3] =	stream.linear.scatter [tilespmem:s29], [sflag:$0x4], $0x80, $0x38;
	[tilespmem:$0x16C00] =	vst v63  }
0x48e: {  	s30 =	sadd.s32 $0x40, s1;
	s31 =	simm.s32 $0x154A0  }
0x48f: {  	[hbm4b:s30+s3] =	stream.linear.scatter [tilespmem:s31], [sflag:$0x4], $0x80, $0x38;
	[tilespmem:$0x16C00] =	vst v63  }
0x490: {  	s11 =	sadd.s32 $0x50, s1;
	s13 =	simm.s32 $0x15528  }
0x491: {  	[hbm4b:s11+s3] =	stream.linear.scatter [tilespmem:s13], [sflag:$0x4], $0x80, $0x38;
	[tilespmem:$0x16C00] =	vst v63  }
0x492: {  	s29 =	sadd.s32 $0x60, s1;
	s30 =	simm.s32 $0x155B0  }
0x493: {  	[hbm4b:s29+s3] =	stream.linear.scatter [tilespmem:s30], [sflag:$0x4], $0x80, $0x38;
	[tilespmem:$0x16C00] =	vst v63  }
0x494: {  	s1 =	sadd.s32 $0x70, s1;
	s31 =	simm.s32 $0x15638  }
0x495: {  	[hbm4b:s1+s3] =	stream.linear.scatter [tilespmem:s31], [sflag:$0x4], $0x80, $0x38;
	[tilespmem:$0x16C00] =	vst v63  }
0x496: {  	s6 =	simm.s32 $0x156C0;
	s0 =	sadd.s32 s0, s9  }
0x497: {  	[hbm4b:s0+s3] =	stream.linear.scatter [tilespmem:s6], [sflag:$0x4], $0x80, $0x38;
	[tilespmem:$0x16C00] =	vst v63  }
0x498: {  	s10 =	sadd.s32 $0x10, s0;
	s11 =	simm.s32 $0x15748  }
0x499: {  	[hbm4b:s10+s3] =	stream.linear.scatter [tilespmem:s11], [sflag:$0x4], $0x80, $0x38;
	[tilespmem:$0x16C00] =	vst v63  }
0x49a: {  	s13 =	sadd.s32 $0x20, s0;
	s29 =	simm.s32 $0x157D0  }
0x49b: {  	[hbm4b:s13+s3] =	stream.linear.scatter [tilespmem:s29], [sflag:$0x4], $0x80, $0x38;
	[tilespmem:$0x16C00] =	vst v63  }
0x49c: {  	s30 =	sadd.s32 $0x30, s0;
	s31 =	simm.s32 $0x15858  }
0x49d: {  	[hbm4b:s30+s3] =	stream.linear.scatter [tilespmem:s31], [sflag:$0x4], $0x80, $0x38;
	[tilespmem:$0x16C00] =	vst v63  }
0x49e: {  	s10 =	sadd.s32 $0x40, s0;
	s11 =	simm.s32 $0x158E0  }
0x49f: {  	[hbm4b:s10+s3] =	stream.linear.scatter [tilespmem:s11], [sflag:$0x4], $0x80, $0x38;
	[tilespmem:$0x16C00] =	vst v63  }
0x4a0: {  	s13 =	sadd.s32 $0x50, s0;
	s29 =	simm.s32 $0x15968  }
0x4a1: {  	[hbm4b:s13+s3] =	stream.linear.scatter [tilespmem:s29], [sflag:$0x4], $0x80, $0x38;
	[tilespmem:$0x16C00] =	vst v63  }
0x4a2: {  	s30 =	sadd.s32 $0x60, s0;
	s31 =	simm.s32 $0x159F0  }
0x4a3: {  	[hbm4b:s30+s3] =	stream.linear.scatter [tilespmem:s31], [sflag:$0x4], $0x80, $0x38;
	[tilespmem:$0x16C00] =	vst v63  }
0x4a4: {  	s6 =	simm.s32 $0x15A78;
	s0 =	sadd.s32 $0x70, s0  }
0x4a5: {  	[hbm4b:s0+s3] =	stream.linear.scatter [tilespmem:s6], [sflag:$0x4], $0x80, $0x38;
	[tilespmem:$0x16C00] =	vst v63  }
0x4a6: {  	s0 =	sor.u32 $0x180, s28  }
0x4a7: {  	s10 =	simm.s32 $0x15B00;
	s1 =	sadd.s32 s2, s0  }
0x4a8: {  	[hbm4b:s1+s3] =	stream.linear.scatter [tilespmem:s10], [sflag:$0x4], $0x80, $0x38;
	[tilespmem:$0x16C00] =	vst v63  }
0x4a9: {  	s13 =	simm.s32 $0x15B88;
	s11 =	sadd.s32 $0x10, s1  }
0x4aa: {  	[hbm4b:s11+s3] =	stream.linear.scatter [tilespmem:s13], [sflag:$0x4], $0x80, $0x38;
	[tilespmem:$0x16C00] =	vst v63  }
0x4ab: {  	s29 =	simm.s32 $0x15C10;
	s28 =	sadd.s32 $0x20, s1  }
0x4ac: {  	[hbm4b:s28+s3] =	stream.linear.scatter [tilespmem:s29], [sflag:$0x4], $0x80, $0x38;
	[tilespmem:$0x16C00] =	vst v63  }
0x4ad: {  	s31 =	simm.s32 $0x15C98;
	s30 =	sadd.s32 $0x30, s1  }
0x4ae: {  	[hbm4b:s30+s3] =	stream.linear.scatter [tilespmem:s31], [sflag:$0x4], $0x80, $0x38;
	[tilespmem:$0x16C00] =	vst v63  }
0x4af: {  	s10 =	sadd.s32 $0x40, s1;
	s11 =	simm.s32 $0x15D20  }
0x4b0: {  	[hbm4b:s10+s3] =	stream.linear.scatter [tilespmem:s11], [sflag:$0x4], $0x80, $0x38;
	[tilespmem:$0x16C00] =	vst v63  }
0x4b1: {  	s13 =	sadd.s32 $0x50, s1;
	s28 =	simm.s32 $0x15DA8  }
0x4b2: {  	[hbm4b:s13+s3] =	stream.linear.scatter [tilespmem:s28], [sflag:$0x4], $0x80, $0x38;
	[tilespmem:$0x16C00] =	vst v63  }
0x4b3: {  	s29 =	sadd.s32 $0x60, s1;
	s30 =	simm.s32 $0x15E30  }
0x4b4: {  	[hbm4b:s29+s3] =	stream.linear.scatter [tilespmem:s30], [sflag:$0x4], $0x80, $0x38;
	[tilespmem:$0x16C00] =	vst v63  }
0x4b5: {  	s1 =	sadd.s32 $0x70, s1;
	s31 =	simm.s32 $0x15EB8  }
0x4b6: {  	[hbm4b:s1+s3] =	stream.linear.scatter [tilespmem:s31], [sflag:$0x4], $0x80, $0x38;
	[tilespmem:$0x16C00] =	vst v63  }
0x4b7: {  	s10 =	simm.s32 $0x15F40;
	s1 =	sadd.s32 s0, s7  }
0x4b8: {  	[hbm4b:s1+s3] =	stream.linear.scatter [tilespmem:s10], [sflag:$0x4], $0x80, $0x38;
	[tilespmem:$0x16C00] =	vst v63  }
0x4b9: {  	s13 =	simm.s32 $0x15FC8;
	s11 =	sadd.s32 $0x10, s1  }
0x4ba: {  	[hbm4b:s11+s3] =	stream.linear.scatter [tilespmem:s13], [sflag:$0x4], $0x80, $0x38;
	[tilespmem:$0x16C00] =	vst v63  }
0x4bb: {  	s29 =	simm.s32 $0x16050;
	s28 =	sadd.s32 $0x20, s1  }
0x4bc: {  	[hbm4b:s28+s3] =	stream.linear.scatter [tilespmem:s29], [sflag:$0x4], $0x80, $0x38;
	[tilespmem:$0x16C00] =	vst v63  }
0x4bd: {  	s31 =	simm.s32 $0x160D8;
	s30 =	sadd.s32 $0x30, s1  }
0x4be: {  	[hbm4b:s30+s3] =	stream.linear.scatter [tilespmem:s31], [sflag:$0x4], $0x80, $0x38;
	[tilespmem:$0x16C00] =	vst v63  }
0x4bf: {  	s10 =	sadd.s32 $0x40, s1;
	s11 =	simm.s32 $0x16160  }
0x4c0: {  	[hbm4b:s10+s3] =	stream.linear.scatter [tilespmem:s11], [sflag:$0x4], $0x80, $0x38;
	[tilespmem:$0x16C00] =	vst v63  }
0x4c1: {  	s13 =	sadd.s32 $0x50, s1;
	s28 =	simm.s32 $0x161E8  }
0x4c2: {  	[hbm4b:s13+s3] =	stream.linear.scatter [tilespmem:s28], [sflag:$0x4], $0x80, $0x38;
	[tilespmem:$0x16C00] =	vst v63  }
0x4c3: {  	s29 =	sadd.s32 $0x60, s1;
	s30 =	simm.s32 $0x16270  }
0x4c4: {  	[hbm4b:s29+s3] =	stream.linear.scatter [tilespmem:s30], [sflag:$0x4], $0x80, $0x38;
	[tilespmem:$0x16C00] =	vst v63  }
0x4c5: {  	s1 =	sadd.s32 $0x70, s1;
	s31 =	simm.s32 $0x162F8  }
0x4c6: {  	[hbm4b:s1+s3] =	stream.linear.scatter [tilespmem:s31], [sflag:$0x4], $0x80, $0x38;
	[tilespmem:$0x16C00] =	vst v63  }
0x4c7: {  	s10 =	simm.s32 $0x16380;
	s1 =	sadd.s32 s0, s8  }
0x4c8: {  	[hbm4b:s1+s3] =	stream.linear.scatter [tilespmem:s10], [sflag:$0x4], $0x80, $0x38;
	[tilespmem:$0x16C00] =	vst v63  }
0x4c9: {  	s13 =	simm.s32 $0x16408;
	s11 =	sadd.s32 $0x10, s1  }
0x4ca: {  	[hbm4b:s11+s3] =	stream.linear.scatter [tilespmem:s13], [sflag:$0x4], $0x80, $0x38;
	[tilespmem:$0x16C00] =	vst v63  }
0x4cb: {  	s29 =	simm.s32 $0x16490;
	s28 =	sadd.s32 $0x20, s1  }
0x4cc: {  	[hbm4b:s28+s3] =	stream.linear.scatter [tilespmem:s29], [sflag:$0x4], $0x80, $0x38;
	[tilespmem:$0x16C00] =	vst v63  }
0x4cd: {  	s31 =	simm.s32 $0x16518;
	s30 =	sadd.s32 $0x30, s1  }
0x4ce: {  	[hbm4b:s30+s3] =	stream.linear.scatter [tilespmem:s31], [sflag:$0x4], $0x80, $0x38;
	[tilespmem:$0x16C00] =	vst v63  }
0x4cf: {  	s10 =	sadd.s32 $0x40, s1  }
0x4d0: {  	[hbm4b:s10+s3] =	stream.linear.scatter [tilespmem:s18], [sflag:$0x4], $0x80, $0x38;
	[tilespmem:$0x16C00] =	vst v63  }
0x4d1: {  	s11 =	sadd.s32 $0x50, s1  }
0x4d2: {  	[hbm4b:s11+s3] =	stream.linear.scatter [tilespmem:s12], [sflag:$0x4], $0x80, $0x38;
	[tilespmem:$0x16C00] =	vst v63  }
0x4d3: {  	s13 =	sadd.s32 $0x60, s1  }
0x4d4: {  	[hbm4b:s13+s3] =	stream.linear.scatter [tilespmem:s19], [sflag:$0x4], $0x80, $0x38;
	[tilespmem:$0x16C00] =	vst v63  }
0x4d5: {  	s1 =	sadd.s32 $0x70, s1  }
0x4d6: {  	[hbm4b:s1+s3] =	stream.linear.scatter [tilespmem:s20], [sflag:$0x4], $0x80, $0x38;
	[tilespmem:$0x16C00] =	vst v63  }
0x4d7: {  	s0 =	sadd.s32 s0, s9  }
0x4d8: {  	[hbm4b:s0+s3] =	stream.linear.scatter [tilespmem:s21], [sflag:$0x4], $0x80, $0x38;
	[tilespmem:$0x16C00] =	vst v63  }
0x4d9: {  	s28 =	sadd.s32 $0x10, s0  }
0x4da: {  	[hbm4b:s28+s3] =	stream.linear.scatter [tilespmem:s22], [sflag:$0x4], $0x80, $0x38;
	[tilespmem:$0x16C00] =	vst v63  }
0x4db: {  	s29 =	sadd.s32 $0x20, s0  }
0x4dc: {  	[hbm4b:s29+s3] =	stream.linear.scatter [tilespmem:s23], [sflag:$0x4], $0x80, $0x38;
	[tilespmem:$0x16C00] =	vst v63  }
0x4dd: {  	s30 =	sadd.s32 $0x30, s0;
	s31 =	simm.s32 $0x16958  }
0x4de: {  	[hbm4b:s30+s3] =	stream.linear.scatter [tilespmem:s31], [sflag:$0x4], $0x80, $0x38;
	[tilespmem:$0x16C00] =	vst v63  }
0x4df: {  	s26 =	sadd.s32 $0x1, s26;
	s10 =	sadd.s32 $0x40, s0;
	s11 =	simm.s32 $0x169E0  }
0x4e0: {  	[hbm4b:s10+s3] =	stream.linear.scatter [tilespmem:s11], [sflag:$0x4], $0x80, $0x38;
	[tilespmem:$0x16C00] =	vst v63  }
0x4e1: {  	p0 =	sne.s32 s26, $0x19;
	s13 =	sadd.s32 $0x50, s0;
	s28 =	simm.s32 $0x16A68  }
0x4e2: {  	[hbm4b:s13+s3] =	stream.linear.scatter [tilespmem:s28], [sflag:$0x4], $0x80, $0x38;
	[tilespmem:$0x16C00] =	vst v63  }
.Ltmp18:
0x4e3: {  	_ = 	snop;
	(pc) =	sbr.rel @p0 .LBB2_2-.Ltmp18, $4  }
.Ltmp19:
0x4e4: {  	s29 =	sadd.s32 $0x60, s0;
	s30 =	simm.s32 $0x16AF0;
	(pc) =	sbr.rel @!p0 .LBB2_31-.Ltmp19, $4  }
0x4e5: {  	[hbm4b:s29+s3] =	stream.linear.scatter [tilespmem:s30], [sflag:$0x4], $0x80, $0x38;
	[tilespmem:$0x16C00] =	vst v63  }
0x4e6: {  	s0 =	sadd.s32 $0x70, s0;
	s31 =	simm.s32 $0x16B78  }
0x4e7: {  	[hbm4b:s0+s3] =	stream.linear.scatter [tilespmem:s31], [sflag:$0x4], $0x80, $0x38;
	[tilespmem:$0x16C00] =	vst v63  }
0x4e8: {  	_ = 	snop  }
.LBB2_11:
.Ltmp20:
0x4e9: {  	(pc) =	sbr.rel .LBB2_16-.Ltmp20, $2  }
0x4ea: {  	_ =	sdelay $0x2  }
0x4eb: {  	s0 =	simm.s32 $0x9470  }
.LBB2_25:
.Ltmp21:
0x4ec: {  	(pc) =	sbr.rel .LBB2_30-.Ltmp21, $2  }
0x4ed: {  	_ =	sdelay $0x2  }
0x4ee: {  	s0 =	simm.s32 $0xD470  }
.LBB2_8:
.Ltmp22:
0x4ef: {  	(pc) =	sbr.rel .LBB2_10-.Ltmp22, $2  }
0x4f0: {  	_ =	sdelay $0x2  }
0x4f1: {  	s13 =	simm.s32 $0x8470;
	s0 =	simm.s32 $0x4  }
.LBB2_13:
.Ltmp23:
0x4f2: {  	(pc) =	sbr.rel .LBB2_16-.Ltmp23, $2  }
0x4f3: {  	_ =	sdelay $0x2  }
0x4f4: {  	s0 =	simm.s32 $0x9470;
	s31 =	simm.s32 $0x4  }
.LBB2_22:
.Ltmp24:
0x4f5: {  	(pc) =	sbr.rel .LBB2_24-.Ltmp24, $2  }
0x4f6: {  	_ =	sdelay $0x2  }
0x4f7: {  	s13 =	simm.s32 $0xC470;
	s0 =	simm.s32 $0x4  }
.LBB2_27:
.Ltmp25:
0x4f8: {  	(pc) =	sbr.rel .LBB2_30-.Ltmp25, $2  }
0x4f9: {  	_ =	sdelay $0x2  }
0x4fa: {  	s0 =	simm.s32 $0xD470;
	s30 =	simm.s32 $0x4  }
.LBB2_32:
0x4fb: {  	_ =	sfence.sel $0x180000  }
0x4fc: {  	[bflag:$0x0] =	sbarrier.arrive $0xFFFF  }
0x4fd: {  	_ =	strace $0x90000047  }
0x4fe: {  	s0 =	stileid.u32;
	[bflag:$0x2] =	sbarrier.arrive $0xFFFF  }
0x4ff: {  	p0 =	sne.s32 s0, $0x0;
	s0 =	rddreg [dreg:$0x2]  }
0x500: {  	s0 =	sadd.s32 @!p0 $0x100000, s0  }
0x501: {  	[sflag:s0] =	ssyncadd.tile.s32 @!p0 $0x1;
	_ =	shalt  }
.Lfunc_end2:
_tile_overlayer_lowered:
.L_overlay_start_2:
0x502: {  	(tag) =	ssettag $0x2  }
0x503: {  	s0 =	rddreg [dreg:$0x0];
	s2 =	stileid.u32  }
0x504: {  	s1 =	rddreg [dreg:$0x1];
	p0 =	sne.s32 s2, $0x0  }
0x505: {  	s3 =	rddreg [dreg:$0x2];
	[bflag:$0x3] =	sbarrier.arrive $0xFFFF;
	s2 =	simm.s32 @!p0 $0x1C05  }
0x506: {  	[timem:s3], [sflag:s2] =	dma.local @!p0 [hbm:s0], s1  }
0x507: {  	s0 =	simm.s32 @!p0 $0x5  }
0x508: {  	_ =	swait.ge @!p0 [sflag:s0], s1  }
0x509: {  	s1 =	ssub.s32 @!p0 $0x0, s1;
	[sflag:s0] =	ssyncset.done @!p0 $0x0  }
0x50a: {  	[sflag:s0] =	ssyncadd.s32 @!p0 s1  }
0x50b: {  	[bflag:$0x3] =	sbarrier.arrive $0xFFFF  }
0x50c: {  	_ =	shalt  }

</sc_bundles>
